<compile_context>
chip_gen: v7x
topology: tpu7x:2x2x1
jax: 0.10.2.dev20260603
libtpu: 0.0.44.dev20260713+nightly
codegen_flags: <defaults>
</compile_context>

<pallas_src>
import functools

import jax
import jax.numpy as jnp
from jax import lax
from jax.experimental import pallas as pl
from jax.experimental.pallas import tpu as pltpu
from jax.experimental.pallas import tpu_sc as plsc

N = 10000
E = 320000
D = 128
B = 256

NPAD = 10240
STRIPE = NPAD // 16
CHUNK = 128
CH_PER_TILE = 160
GRP = 16
NGRP = CH_PER_TILE // GRP
EPT = CH_PER_TILE * CHUNK
EPAD = EPT * 16


def _sc_aggregate(src2d, dst2d, x_g, u_g, zinit):
    mesh = plsc.VectorSubcoreMesh(core_axis_name="c", subcore_axis_name="s")

    @functools.partial(
        pl.kernel,
        mesh=mesh,
        out_type=[jax.ShapeDtypeStruct((NPAD, D), jnp.float32),
                  jax.ShapeDtypeStruct((NPAD, D), jnp.float32)],
        scratch_types=[
            pltpu.VMEM((GRP, CHUNK), jnp.int32),
            pltpu.VMEM((GRP, CHUNK), jnp.int32),
            pltpu.VMEM((GRP, CHUNK), jnp.int32),
            pltpu.VMEM((GRP, CHUNK), jnp.int32),
            pltpu.VMEM((CHUNK, D), jnp.float32),
            pltpu.VMEM((CHUNK, D), jnp.float32),
            pltpu.VMEM_SHARED((NPAD, D), jnp.float32),
            pltpu.SemaphoreType.DMA,
            pltpu.SemaphoreType.DMA,
            pltpu.SemaphoreType.DMA,
            pltpu.SemaphoreType.DMA,
            pltpu.SemaphoreType.DMA,
            pltpu.SemaphoreType.DMA,
        ],
    )
    def sc_kernel(src_hbm, dst_hbm, x_hbm, u_hbm, z_hbm, outx_hbm, outu_hbm,
                  src_v0, src_v1, dst_v0, dst_v1, rows0, rows1, agg_sh,
                  sem_g0, sem_g1, sem_s0, sem_s1, sem_i0, sem_i1):
        cid = lax.axis_index("c")
        sid = lax.axis_index("s")

        def work(table_hbm, out_hbm):
            rows = (rows0, rows1)
            sem_g = (sem_g0, sem_g1)
            sem_s = (sem_s0, sem_s1)
            src_v = (src_v0, src_v1)
            dst_v = (dst_v0, dst_v1)
            sem_i = (sem_i0, sem_i1)

            def idx_load(g, s):
                row_base = sid * CH_PER_TILE + g * GRP
                a = pltpu.async_copy(src_hbm.at[pl.ds(row_base, GRP)],
                                     src_v[s], sem_i[s])
                b = pltpu.async_copy(dst_hbm.at[pl.ds(row_base, GRP)],
                                     dst_v[s], sem_i[s])
                return (a, b)

            def idx_wait_desc(g, s):
                row_base = sid * CH_PER_TILE + g * GRP
                a = pltpu.make_async_copy(src_hbm.at[pl.ds(row_base, GRP)],
                                          src_v[s], sem_i[s])
                b = pltpu.make_async_copy(dst_hbm.at[pl.ds(row_base, GRP)],
                                          dst_v[s], sem_i[s])
                return (a, b)

            idx_load(0, 0)
            pltpu.sync_copy(z_hbm, agg_sh.at[pl.ds(sid * STRIPE, STRIPE)])
            plsc.subcore_barrier()

            def super_group(sg, carry):
                g0 = 2 * sg
                for dsc in idx_wait_desc(g0, 0):
                    dsc.wait()
                idx1 = idx_load(g0 + 1, 1)
                scat = [None, None]
                gath = [None, None]
                tot = 2 * GRP
                gath[0] = pltpu.async_copy(table_hbm.at[src_v[0].at[0]],
                                           rows[0], sem_g[0])
                for c in range(tot):
                    cur, nxt = c % 2, (c + 1) % 2
                    if c + 1 < tot:
                        if c + 1 == GRP:
                            for dsc in idx1:
                                dsc.wait()
                        if scat[nxt] is not None:
                            scat[nxt].wait()
                        s_n, r_n = divmod(c + 1, GRP)
                        gath[nxt] = pltpu.async_copy(
                            table_hbm.at[src_v[s_n].at[r_n]], rows[nxt],
                            sem_g[nxt])
                    gath[cur].wait()
                    s_c, r_c = divmod(c, GRP)
                    scat[cur] = pltpu.async_copy(
                        rows[cur], agg_sh.at[dst_v[s_c].at[r_c]], sem_s[cur],
                        add=True)
                    if c == GRP + 1:
                        idx_load(g0 + 2, 0)
                scat[0].wait()
                scat[1].wait()
                return carry

            lax.fori_loop(0, NGRP // 2, super_group, 0)
            for dsc in idx_wait_desc(NGRP, 0):
                dsc.wait()
            plsc.subcore_barrier()
            pltpu.sync_copy(agg_sh.at[pl.ds(sid * STRIPE, STRIPE)],
                            out_hbm.at[pl.ds(sid * STRIPE, STRIPE)])

        @pl.when(cid == 0)
        def _():
            work(x_hbm, outx_hbm)

        @pl.when(cid == 1)
        def _():
            work(u_hbm, outu_hbm)

    return sc_kernel(src2d, dst2d, x_g, u_g, zinit)


def _softplus(x):
    return jnp.logaddexp(x, 0.0)


_DN = (((1,), (1,)), ((), ()))
_HI = lax.Precision.HIGHEST


def _mm16(a, b, dn):
    return lax.dot_general(a.astype(jnp.bfloat16), b.astype(jnp.bfloat16),
                           dn, preferred_element_type=jnp.float32)

NBLK = 10
BLK = N // NBLK


def _tc_body(x_ref, u_ref, ax_ref, au_ref, b3_ref, sg_ref,
             w1x_ref, b1x_ref, w2x_ref, b2x_ref, epsx_ref, gx_ref, btx_ref, ngx_ref, nbx_ref,
             w1u_ref, b1u_ref, w2u_ref, b2u_ref, epsu_ref, gu_ref, btu_ref, ngu_ref, nbu_ref,
             wz_ref, bz_ref, wa1x_ref, wa1u_ref, wa1z_ref, ba1_ref, wa2_ref, ba2_ref,
             out_ref, accx, accu, cnt):
    i = pl.program_id(0)

    def encoder(xb, ab, w1, b1, w2, b2, eps, gam, bet, ng, nb):
        h0 = (1.0 + eps) * xb + ab
        z = _mm16(h0, w1, _DN) + b1
        z = jnp.maximum(z, 0.0)
        z = _mm16(z, w2, _DN) + b2
        gs = 1.0 + _softplus(gam) * ng
        bs = _softplus(bet) * nb
        z = gs * z + bs
        return z * jax.nn.sigmoid(z)

    hx = encoder(x_ref[...], ax_ref[...], w1x_ref[...], b1x_ref[...],
                 w2x_ref[...], b2x_ref[...], epsx_ref[0, 0], gx_ref[...],
                 btx_ref[...], ngx_ref[...], nbx_ref[...])
    hu = encoder(u_ref[...], au_ref[...], w1u_ref[...], b1u_ref[...],
                 w2u_ref[...], b2u_ref[...], epsu_ref[0, 0], gu_ref[...],
                 btu_ref[...], ngu_ref[...], nbu_ref[...])

    row = jnp.reshape(b3_ref[...], (1, BLK))
    iot = lax.broadcasted_iota(jnp.int32, (B, BLK), 0)
    oh = (iot == row).astype(jnp.bfloat16)
    dn_p = (((1,), (0,)), ((), ()))
    px = _mm16(oh, hx, dn_p)
    pu = _mm16(oh, hu, dn_p)
    pc = _mm16(oh, jnp.ones((BLK, D), jnp.bfloat16), dn_p)

    @pl.when(i == 0)
    def _():
        accx[...] = px
        accu[...] = pu
        cnt[...] = pc

    @pl.when(i > 0)
    def _():
        accx[...] += px
        accu[...] += pu
        cnt[...] += pc

    @pl.when(i == NBLK - 1)
    def _():
        c = jnp.maximum(cnt[...], 1.0)
        hxm = accx[...] / c
        hum = accu[...] / c
        hz = lax.dot_general(sg_ref[...], wz_ref[...], _DN, precision=_HI,
                             preferred_element_type=jnp.float32) + bz_ref[...]
        s = (lax.dot_general(hxm, wa1x_ref[...], _DN, precision=_HI,
                             preferred_element_type=jnp.float32)
             + lax.dot_general(hum, wa1u_ref[...], _DN, precision=_HI,
                               preferred_element_type=jnp.float32)
             + lax.dot_general(hz, wa1z_ref[...], _DN, precision=_HI,
                               preferred_element_type=jnp.float32)
             + ba1_ref[...])
        s = jnp.maximum(s, 0.0)
        a0 = jnp.sum(s * wa2_ref[0:1, :], axis=1, keepdims=True) + ba2_ref[0, 0]
        a1 = jnp.sum(s * wa2_ref[1:2, :], axis=1, keepdims=True) + ba2_ref[0, 1]
        a2 = jnp.sum(s * wa2_ref[2:3, :], axis=1, keepdims=True) + ba2_ref[0, 2]
        m = jnp.maximum(jnp.maximum(a0, a1), a2)
        e0 = jnp.exp(a0 - m)
        e1 = jnp.exp(a1 - m)
        e2 = jnp.exp(a2 - m)
        out_ref[...] = (e0 * hxm + e1 * hum + e2 * hz) / (e0 + e1 + e2)


def _tc_dense(x_g, u_g, aggx, aggu, batch3, s_g, *weights):
    full = lambda shape: pl.BlockSpec(shape, lambda i: (0,) * len(shape))
    blk = pl.BlockSpec((BLK, D), lambda i: (i, 0))
    in_specs = [
        blk, blk, blk, blk,
        pl.BlockSpec((1, 1, BLK), lambda i: (i, 0, 0)),
        full((B, D)),
        full((D, D)), full((1, D)), full((D, D)), full((1, D)),
        full((1, 1)), full((1, D)), full((1, D)), full((1, D)), full((1, D)),
        full((D, D)), full((1, D)), full((D, D)), full((1, D)),
        full((1, 1)), full((1, D)), full((1, D)), full((1, D)), full((1, D)),
        full((D, D)), full((1, D)),
        full((D, D)), full((D, D)), full((D, D)), full((1, D)),
        full((8, D)), full((1, D)),
    ]
    return pl.pallas_call(
        _tc_body,
        grid=(NBLK,),
        in_specs=in_specs,
        out_specs=pl.BlockSpec((B, D), lambda i: (0, 0)),
        out_shape=jax.ShapeDtypeStruct((B, D), jnp.float32),
        scratch_shapes=[
            pltpu.VMEM((B, D), jnp.float32),
            pltpu.VMEM((B, D), jnp.float32),
            pltpu.VMEM((B, D), jnp.float32),
        ],
        compiler_params=pltpu.CompilerParams(
            dimension_semantics=("arbitrary",)),
    )(x_g, u_g, aggx, aggu, batch3, s_g, *weights)


def kernel(A_g, X_g, U_g, S_g, batch,
           W1x, b1x, W2x, b2x, eps_x, gamma_x, beta_x,
           W1u, b1u, W2u, b2u, eps_u, gamma_u, beta_u,
           Wz, bz, Wa1, ba1, Wa2, ba2,
           noise_gx, noise_bx, noise_gu, noise_bu):
    npad_e = EPAD - E
    pad_src = (jnp.arange(npad_e, dtype=jnp.int32) % 128)
    pad_dst = N + (jnp.arange(npad_e, dtype=jnp.int32) % (NPAD - N))
    tail = jnp.zeros((GRP * CHUNK,), jnp.int32)
    src2d = jnp.concatenate([A_g[0].astype(jnp.int32), pad_src, tail]).reshape(-1, CHUNK)
    dst2d = jnp.concatenate([A_g[1].astype(jnp.int32), pad_dst, tail]).reshape(-1, CHUNK)
    zinit = jnp.zeros((STRIPE, D), jnp.float32)

    aggx, aggu = _sc_aggregate(src2d, dst2d, X_g, U_g, zinit)

    batch3 = batch.astype(jnp.int32).reshape(NBLK, 1, BLK)
    r = lambda a: a.reshape(1, D)
    weights = (
        W1x, r(b1x), W2x, r(b2x), eps_x.reshape(1, 1), r(gamma_x), r(beta_x),
        noise_gx, noise_bx,
        W1u, r(b1u), W2u, r(b2u), eps_u.reshape(1, 1), r(gamma_u), r(beta_u),
        noise_gu, noise_bu,
        Wz, r(bz),
        Wa1[:, 0:D], Wa1[:, D:2 * D], Wa1[:, 2 * D:3 * D], r(ba1),
        jnp.zeros((8, D), jnp.float32).at[0:3].set(Wa2),
        jnp.zeros((1, D), jnp.float32).at[0, 0:3].set(ba2),
    )
    return _tc_dense(X_g, U_g, aggx, aggu, batch3, S_g, *weights)

# --- scband reference (transcript-rebuilt; emitter-appended) ---
"""Pipeline reference for scband-prototypical-network-18382460027185 (READ-ONLY COPY).

The authoritative reference and input builder live on the scoring server;
editing this copy changes nothing except your own understanding.
"""

import jax, jax.numpy as jnp
import numpy as np

N = 10000
E = 320000
DX = 128
DU = 128
DZ = 128
DH = 128
B = 256


def setup_inputs(seed: int = 0) -> dict:
    key = jax.random.key(seed)
    k = jax.random.split(key, 32)
    s = 0.05
    inp = {}
    inp["X_g"] = jax.random.normal(k[0], (N, DX), dtype=jnp.float32)
    inp["U_g"] = jax.random.normal(k[1], (N, DU), dtype=jnp.float32)
    inp["S_g"] = jax.random.normal(k[2], (B, DZ), dtype=jnp.float32)
    inp["A_g"] = jax.random.randint(k[3], (2, E), 0, N)
    inp["batch"] = jnp.sort(jax.random.randint(k[4], (N,), 0, B))
    # contextual GIN encoder params
    inp["W1x"] = jax.random.normal(k[5], (DH, DX), dtype=jnp.float32) * s
    inp["b1x"] = jnp.zeros((DH,), dtype=jnp.float32)
    inp["W2x"] = jax.random.normal(k[6], (DH, DH), dtype=jnp.float32) * s
    inp["b2x"] = jnp.zeros((DH,), dtype=jnp.float32)
    inp["eps_x"] = jnp.zeros((), dtype=jnp.float32)
    inp["gamma_x"] = jnp.zeros((DH,), dtype=jnp.float32)
    inp["beta_x"] = jnp.zeros((DH,), dtype=jnp.float32)
    # topological GIN encoder params
    inp["W1u"] = jax.random.normal(k[7], (DH, DU), dtype=jnp.float32) * s
    inp["b1u"] = jnp.zeros((DH,), dtype=jnp.float32)
    inp["W2u"] = jax.random.normal(k[8], (DH, DH), dtype=jnp.float32) * s
    inp["b2u"] = jnp.zeros((DH,), dtype=jnp.float32)
    inp["eps_u"] = jnp.zeros((), dtype=jnp.float32)
    inp["gamma_u"] = jnp.zeros((DH,), dtype=jnp.float32)
    inp["beta_u"] = jnp.zeros((DH,), dtype=jnp.float32)
    # diffusion projection head
    inp["Wz"] = jax.random.normal(k[9], (DH, DZ), dtype=jnp.float32) * s
    inp["bz"] = jnp.zeros((DH,), dtype=jnp.float32)
    # attention module
    inp["Wa1"] = jax.random.normal(k[10], (DH, 3 * DH), dtype=jnp.float32) * s
    inp["ba1"] = jnp.zeros((DH,), dtype=jnp.float32)
    inp["Wa2"] = jax.random.normal(k[11], (3, DH), dtype=jnp.float32) * s
    inp["ba2"] = jnp.zeros((3,), dtype=jnp.float32)
    # reparameterization noise for FeatureWiseTransformationLayer (rsample, shape (1, d_h))
    inp["noise_gx"] = jax.random.normal(k[12], (1, DH), dtype=jnp.float32)
    inp["noise_bx"] = jax.random.normal(k[13], (1, DH), dtype=jnp.float32)
    inp["noise_gu"] = jax.random.normal(k[14], (1, DH), dtype=jnp.float32)
    inp["noise_bu"] = jax.random.normal(k[15], (1, DH), dtype=jnp.float32)
    return inp


def _gin_encoder(x, src, dst, W1, b1, W2, b2, eps, gamma, beta, ng, nb, batch):
    # GINConv: out = nn((1+eps)*x + sum_{j in N(i)} x_j), aggregation at dst nodes
    agg = jnp.zeros((x.shape[0], x.shape[1]), dtype=x.dtype).at[dst].add(x[src])
    h = (1.0 + eps) * x + agg
    h = jax.nn.relu(h @ W1.T + b1) @ W2.T + b2
    # FeatureWiseTransformationLayer: gamma ~ N(1, softplus(g)), beta ~ N(0, softplus(b))
    gs = 1.0 + jax.nn.softplus(gamma) * ng  # (1, DH), broadcast over nodes
    bs = jax.nn.softplus(beta) * nb
    h = gs * h + bs
    # SiLU
    h = h * jax.nn.sigmoid(h)
    # global mean pool
    sums = jax.ops.segment_sum(h, batch, num_segments=B)
    cnts = jax.ops.segment_sum(jnp.ones((h.shape[0], 1), dtype=h.dtype), batch, num_segments=B)
    return sums / jnp.maximum(cnts, 1.0)


def reference(A_g, X_g, U_g, S_g, batch,
              W1x, b1x, W2x, b2x, eps_x, gamma_x, beta_x,
              W1u, b1u, W2u, b2u, eps_u, gamma_u, beta_u,
              Wz, bz, Wa1, ba1, Wa2, ba2,
              noise_gx, noise_bx, noise_gu, noise_bu):
    src = A_g[0]
    dst = A_g[1]
    h_x = _gin_encoder(X_g, src, dst, W1x, b1x, W2x, b2x, eps_x, gamma_x, beta_x, noise_gx, noise_bx, batch)
    h_u = _gin_encoder(U_g, src, dst, W1u, b1u, W2u, b2u, eps_u, gamma_u, beta_u, noise_gu, noise_bu, batch)
    h_z = S_g @ Wz.T + bz
    cat = jnp.concatenate([h_x, h_u, h_z], axis=1)
    scores = jax.nn.relu(cat @ Wa1.T + ba1)
    alpha = jax.nn.softmax(scores @ Wa2.T + ba2, axis=1)
    h = alpha[:, 0:1] * h_x + alpha[:, 1:2] * h_u + alpha[:, 2:3] * h_z
    return h

if __name__ == "__main__":
    import jax
    _d = setup_inputs()
    print(jax.jit(kernel)(*tuple(_d.values())))

</pallas_src>

<mosaic_0001>
#map = affine_map<(d0, d1) -> (0, 0)>
module attributes {stable_mosaic.version = 14 : i64} {
  func.func @sc_kernel(%arg0: i32, %arg1: i32, %arg2: memref<77x128xi32, #tpu.memory_space<hbm>>, %arg3: memref<77x128xi32, #tpu.memory_space<hbm>>, %arg4: memref<10000x128xf32, #tpu.memory_space<hbm>>, %arg5: memref<256x128xf32, #tpu.memory_space<hbm>>, %arg6: memref<640x128xf32, #tpu.memory_space<hbm>>, %arg7: memref<10240x128xf32, #tpu.memory_space<hbm>>, %arg8: memref<10240x128xf32, #tpu.memory_space<hbm>>, %arg9: memref<16x128xi32, #tpu.memory_space<vmem>>, %arg10: memref<16x128xi32, #tpu.memory_space<vmem>>, %arg11: memref<16x128xi32, #tpu.memory_space<vmem>>, %arg12: memref<16x128xi32, #tpu.memory_space<vmem>>, %arg13: memref<128x128xf32, #tpu.memory_space<vmem>>, %arg14: memref<128x128xf32, #tpu.memory_space<vmem>>, %arg15: memref<10240x128xf32, #tpu.memory_space<vmem_shared>>, %arg16: memref<!tpu.dma_semaphore, #tpu.memory_space<semaphore_mem>>, %arg17: memref<!tpu.dma_semaphore, #tpu.memory_space<semaphore_mem>>, %arg18: memref<!tpu.dma_semaphore, #tpu.memory_space<semaphore_mem>>, %arg19: memref<!tpu.dma_semaphore, #tpu.memory_space<semaphore_mem>>, %arg20: memref<!tpu.dma_semaphore, #tpu.memory_space<semaphore_mem>>, %arg21: memref<!tpu.dma_semaphore, #tpu.memory_space<semaphore_mem>>) attributes {dimension_semantics = [#tpu.dimension_semantics<core_parallel>, #tpu.dimension_semantics<subcore_parallel>], iteration_bounds = array<i64: 2, 16>, scalar_prefetch = 0 : i64, scratch_operands = 13 : i64, tpu.core_type = #tpu.core_type<sc_vector_subcore>, window_params = [{transform_indices = #map}, {transform_indices = #map}, {transform_indices = #map}, {transform_indices = #map}, {transform_indices = #map}, {transform_indices = #map}, {transform_indices = #map}]} {
    %eq3A = arith.constant 0 : i32
    %eq3A_0 = arith.cmpi eq, %arg0, %eq3A : i32
    %convert_element_type3A = arith.extui %eq3A_0 : i1 to i32
    %cond3A = arith.constant 0 : i32
    %cond3A_1 = arith.cmpi ne, %convert_element_type3A, %cond3A : i32
    scf.if %cond3A_1 {
      %mul3A = arith.constant 160 : i32
      %mul3A_7 = arith.muli %arg1, %mul3A : i32
      %add3A = arith.constant 0 : i32
      %add3A_8 = arith.addi %mul3A_7, %add3A : i32
      %dma_start3A = arith.constant 0 : i32
      %dma_start3A_9 = tpu.memref_slice %arg2[%add3A_8, %dma_start3A] : memref<77x128xi32, #tpu.memory_space<hbm>> -> memref<16x128xi32, #tpu.memory_space<hbm>>
      %dma_start3A_10 = arith.constant 0 : i32
      %dma_start3A_11 = tpu.memref_slice %arg2[%add3A_8, %dma_start3A_10] : memref<77x128xi32, #tpu.memory_space<hbm>> -> memref<16x128xi32, #tpu.memory_space<hbm>>
      tpu.enqueue_dma source(%dma_start3A_11 : memref<16x128xi32, #tpu.memory_space<hbm>>) target(%arg9 : memref<16x128xi32, #tpu.memory_space<vmem>>) target_semaphore(%arg20 : memref<!tpu.dma_semaphore, #tpu.memory_space<semaphore_mem>>)
      %dma_start3A_12 = arith.constant 0 : i32
      %dma_start3A_13 = tpu.memref_slice %arg3[%add3A_8, %dma_start3A_12] : memref<77x128xi32, #tpu.memory_space<hbm>> -> memref<16x128xi32, #tpu.memory_space<hbm>>
      %dma_start3A_14 = arith.constant 0 : i32
      %dma_start3A_15 = tpu.memref_slice %arg3[%add3A_8, %dma_start3A_14] : memref<77x128xi32, #tpu.memory_space<hbm>> -> memref<16x128xi32, #tpu.memory_space<hbm>>
      tpu.enqueue_dma source(%dma_start3A_15 : memref<16x128xi32, #tpu.memory_space<hbm>>) target(%arg11 : memref<16x128xi32, #tpu.memory_space<vmem>>) target_semaphore(%arg20 : memref<!tpu.dma_semaphore, #tpu.memory_space<semaphore_mem>>)
      %mul3A_16 = arith.constant 640 : i32
      %mul3A_17 = arith.muli %arg1, %mul3A_16 : i32
      "tpu.region"() ({
        %run_scoped3A = tpu.sem_alloc : memref<!tpu.dma_semaphore, #tpu.memory_space<semaphore_mem>>
        %dma_start3A_39 = arith.constant 0 : i32
        %dma_start3A_40 = tpu.memref_slice %arg15[%mul3A_17, %dma_start3A_39] : memref<10240x128xf32, #tpu.memory_space<vmem_shared>> -> memref<640x128xf32, #tpu.memory_space<vmem_shared>>
        tpu.enqueue_dma source(%arg6 : memref<640x128xf32, #tpu.memory_space<hbm>>) target(%dma_start3A_40 : memref<640x128xf32, #tpu.memory_space<vmem_shared>>) target_semaphore(%run_scoped3A : memref<!tpu.dma_semaphore, #tpu.memory_space<semaphore_mem>>)
        %dma_wait3A_41 = arith.constant 0 : i32
        %dma_wait3A_42 = tpu.memref_slice %arg15[%mul3A_17, %dma_wait3A_41] : memref<10240x128xf32, #tpu.memory_space<vmem_shared>> -> memref<640x128xf32, #tpu.memory_space<vmem_shared>>
        tpu.wait_dma2 semaphore(%run_scoped3A : memref<!tpu.dma_semaphore, #tpu.memory_space<semaphore_mem>>) src(%arg6 : memref<640x128xf32, #tpu.memory_space<hbm>>) dst(%dma_wait3A_42 : memref<640x128xf32, #tpu.memory_space<vmem_shared>>)
        tpu.yield
      }) : () -> ()
      %barrier3A = arith.constant 0 : index
      tpu.barrier barrier_id(%barrier3A)
      %scan3A = arith.constant 0 : i32
      %scan3A_18 = arith.constant 0 : i32
      %scan3A_19 = arith.constant 5 : i32
      %scan3A_20 = arith.addi %scan3A_18, %scan3A_19 : i32
      %scan3A_21 = arith.constant 1 : i32
      scf.for %scan3A_39 = %scan3A_18 to %scan3A_20 step %scan3A_21  : i32 {
        %mul3A_40 = arith.constant 2 : i32
        %mul3A_41 = arith.muli %mul3A_40, %scan3A_39 : i32
        %mul3A_42 = arith.constant 160 : i32
        %mul3A_43 = arith.muli %arg1, %mul3A_42 : i32
        %mul3A_44 = arith.constant 16 : i32
        %mul3A_45 = arith.muli %mul3A_41, %mul3A_44 : i32
        %add3A_46 = arith.addi %mul3A_43, %mul3A_45 : i32
        %dma_wait3A_47 = arith.constant 0 : i32
        %dma_wait3A_48 = tpu.memref_slice %arg2[%add3A_46, %dma_wait3A_47] : memref<77x128xi32, #tpu.memory_space<hbm>> -> memref<16x128xi32, #tpu.memory_space<hbm>>
        %dma_wait3A_49 = arith.constant 0 : i32
        %dma_wait3A_50 = tpu.memref_slice %arg2[%add3A_46, %dma_wait3A_49] : memref<77x128xi32, #tpu.memory_space<hbm>> -> memref<16x128xi32, #tpu.memory_space<hbm>>
        tpu.wait_dma2 semaphore(%arg20 : memref<!tpu.dma_semaphore, #tpu.memory_space<semaphore_mem>>) src(%dma_wait3A_50 : memref<16x128xi32, #tpu.memory_space<hbm>>) dst(%arg9 : memref<16x128xi32, #tpu.memory_space<vmem>>)
        %dma_wait3A_51 = arith.constant 0 : i32
        %dma_wait3A_52 = tpu.memref_slice %arg3[%add3A_46, %dma_wait3A_51] : memref<77x128xi32, #tpu.memory_space<hbm>> -> memref<16x128xi32, #tpu.memory_space<hbm>>
        %dma_wait3A_53 = arith.constant 0 : i32
        %dma_wait3A_54 = tpu.memref_slice %arg3[%add3A_46, %dma_wait3A_53] : memref<77x128xi32, #tpu.memory_space<hbm>> -> memref<16x128xi32, #tpu.memory_space<hbm>>
        tpu.wait_dma2 semaphore(%arg20 : memref<!tpu.dma_semaphore, #tpu.memory_space<semaphore_mem>>) src(%dma_wait3A_54 : memref<16x128xi32, #tpu.memory_space<hbm>>) dst(%arg11 : memref<16x128xi32, #tpu.memory_space<vmem>>)
        %add3A_55 = arith.constant 1 : i32
        %add3A_56 = arith.addi %mul3A_41, %add3A_55 : i32
        %mul3A_57 = arith.constant 160 : i32
        %mul3A_58 = arith.muli %arg1, %mul3A_57 : i32
        %mul3A_59 = arith.constant 16 : i32
        %mul3A_60 = arith.muli %add3A_56, %mul3A_59 : i32
        %add3A_61 = arith.addi %mul3A_58, %mul3A_60 : i32
        %dma_start3A_62 = arith.constant 0 : i32
        %dma_start3A_63 = tpu.memref_slice %arg2[%add3A_61, %dma_start3A_62] : memref<77x128xi32, #tpu.memory_space<hbm>> -> memref<16x128xi32, #tpu.memory_space<hbm>>
        %dma_start3A_64 = arith.constant 0 : i32
        %dma_start3A_65 = tpu.memref_slice %arg2[%add3A_61, %dma_start3A_64] : memref<77x128xi32, #tpu.memory_space<hbm>> -> memref<16x128xi32, #tpu.memory_space<hbm>>
        tpu.enqueue_dma source(%dma_start3A_65 : memref<16x128xi32, #tpu.memory_space<hbm>>) target(%arg10 : memref<16x128xi32, #tpu.memory_space<vmem>>) target_semaphore(%arg21 : memref<!tpu.dma_semaphore, #tpu.memory_space<semaphore_mem>>)
        %dma_start3A_66 = arith.constant 0 : i32
        %dma_start3A_67 = tpu.memref_slice %arg3[%add3A_61, %dma_start3A_66] : memref<77x128xi32, #tpu.memory_space<hbm>> -> memref<16x128xi32, #tpu.memory_space<hbm>>
        %dma_start3A_68 = arith.constant 0 : i32
        %dma_start3A_69 = tpu.memref_slice %arg3[%add3A_61, %dma_start3A_68] : memref<77x128xi32, #tpu.memory_space<hbm>> -> memref<16x128xi32, #tpu.memory_space<hbm>>
        tpu.enqueue_dma source(%dma_start3A_69 : memref<16x128xi32, #tpu.memory_space<hbm>>) target(%arg12 : memref<16x128xi32, #tpu.memory_space<vmem>>) target_semaphore(%arg21 : memref<!tpu.dma_semaphore, #tpu.memory_space<semaphore_mem>>)
        %dma_start3A_70 = arith.constant 0 : i32
        %dma_start3A_71 = arith.constant 0 : i32
        %dma_start3A_72 = tpu.memref_slice %arg9[%dma_start3A_70, %dma_start3A_71] : memref<16x128xi32, #tpu.memory_space<vmem>> -> memref<1x128xi32, #tpu.memory_space<vmem>>
        %dma_start3A_73 = tpu.memref_squeeze %dma_start3A_72 : memref<1x128xi32, #tpu.memory_space<vmem>> -> memref<128xi32, #tpu.memory_space<vmem>>
        %dma_start3A_74 = arith.constant 0 : i32
        %dma_start3A_75 = arith.constant 0 : i32
        %dma_start3A_76 = tpu.memref_slice %arg4[%dma_start3A_74, %dma_start3A_75] : memref<10000x128xf32, #tpu.memory_space<hbm>> -> memref<10000x128xf32, #tpu.memory_space<hbm>>
        tpu.enqueue_indirect_dma source(%dma_start3A_76 : memref<10000x128xf32, #tpu.memory_space<hbm>>) target(%arg13 : memref<128x128xf32, #tpu.memory_space<vmem>>) offsets(%dma_start3A_73 : memref<128xi32, #tpu.memory_space<vmem>>) semaphore(%arg16 : memref<!tpu.dma_semaphore, #tpu.memory_space<semaphore_mem>>)
        %dma_start3A_77 = arith.constant 1 : i32
        %dma_start3A_78 = arith.constant 0 : i32
        %dma_start3A_79 = tpu.memref_slice %arg9[%dma_start3A_77, %dma_start3A_78] : memref<16x128xi32, #tpu.memory_space<vmem>> -> memref<1x128xi32, #tpu.memory_space<vmem>>
        %dma_start3A_80 = tpu.memref_squeeze %dma_start3A_79 : memref<1x128xi32, #tpu.memory_space<vmem>> -> memref<128xi32, #tpu.memory_space<vmem>>
        %dma_start3A_81 = arith.constant 0 : i32
        %dma_start3A_82 = arith.constant 0 : i32
        %dma_start3A_83 = tpu.memref_slice %arg4[%dma_start3A_81, %dma_start3A_82] : memref<10000x128xf32, #tpu.memory_space<hbm>> -> memref<10000x128xf32, #tpu.memory_space<hbm>>
        tpu.enqueue_indirect_dma source(%dma_start3A_83 : memref<10000x128xf32, #tpu.memory_space<hbm>>) target(%arg14 : memref<128x128xf32, #tpu.memory_space<vmem>>) offsets(%dma_start3A_80 : memref<128xi32, #tpu.memory_space<vmem>>) semaphore(%arg17 : memref<!tpu.dma_semaphore, #tpu.memory_space<semaphore_mem>>)
        %dma_wait3A_84 = arith.constant 0 : i32
        %dma_wait3A_85 = arith.constant 0 : i32
        %dma_wait3A_86 = tpu.memref_slice %arg9[%dma_wait3A_84, %dma_wait3A_85] : memref<16x128xi32, #tpu.memory_space<vmem>> -> memref<1x128xi32, #tpu.memory_space<vmem>>
        %dma_wait3A_87 = tpu.memref_squeeze %dma_wait3A_86 : memref<1x128xi32, #tpu.memory_space<vmem>> -> memref<128xi32, #tpu.memory_space<vmem>>
        %dma_wait3A_88 = arith.constant 0 : i32
        %dma_wait3A_89 = arith.constant 0 : i32
        %dma_wait3A_90 = tpu.memref_slice %arg4[%dma_wait3A_88, %dma_wait3A_89] : memref<10000x128xf32, #tpu.memory_space<hbm>> -> memref<10000x128xf32, #tpu.memory_space<hbm>>
        tpu.wait_indirect_dma semaphore(%arg16 : memref<!tpu.dma_semaphore, #tpu.memory_space<semaphore_mem>>) src(%dma_wait3A_90 : memref<10000x128xf32, #tpu.memory_space<hbm>>) dst(%arg13 : memref<128x128xf32, #tpu.memory_space<vmem>>)
        %dma_start3A_91 = arith.constant 0 : i32
        %dma_start3A_92 = arith.constant 0 : i32
        %dma_start3A_93 = tpu.memref_slice %arg11[%dma_start3A_91, %dma_start3A_92] : memref<16x128xi32, #tpu.memory_space<vmem>> -> memref<1x128xi32, #tpu.memory_space<vmem>>
        %dma_start3A_94 = tpu.memref_squeeze %dma_start3A_93 : memref<1x128xi32, #tpu.memory_space<vmem>> -> memref<128xi32, #tpu.memory_space<vmem>>
        %dma_start3A_95 = arith.constant 0 : i32
        %dma_start3A_96 = arith.constant 0 : i32
        %dma_start3A_97 = tpu.memref_slice %arg15[%dma_start3A_95, %dma_start3A_96] : memref<10240x128xf32, #tpu.memory_space<vmem_shared>> -> memref<10240x128xf32, #tpu.memory_space<vmem_shared>>
        tpu.enqueue_indirect_dma source(%arg13 : memref<128x128xf32, #tpu.memory_space<vmem>>) target(%dma_start3A_97 : memref<10240x128xf32, #tpu.memory_space<vmem_shared>>) offsets(%dma_start3A_94 : memref<128xi32, #tpu.memory_space<vmem>>) semaphore(%arg18 : memref<!tpu.dma_semaphore, #tpu.memory_space<semaphore_mem>>) {add = true}
        %dma_wait3A_98 = arith.constant 0 : i32
        %dma_wait3A_99 = arith.constant 0 : i32
        %dma_wait3A_100 = tpu.memref_slice %arg11[%dma_wait3A_98, %dma_wait3A_99] : memref<16x128xi32, #tpu.memory_space<vmem>> -> memref<1x128xi32, #tpu.memory_space<vmem>>
        %dma_wait3A_101 = tpu.memref_squeeze %dma_wait3A_100 : memref<1x128xi32, #tpu.memory_space<vmem>> -> memref<128xi32, #tpu.memory_space<vmem>>
        %dma_wait3A_102 = arith.constant 0 : i32
        %dma_wait3A_103 = arith.constant 0 : i32
        %dma_wait3A_104 = tpu.memref_slice %arg15[%dma_wait3A_102, %dma_wait3A_103] : memref<10240x128xf32, #tpu.memory_space<vmem_shared>> -> memref<10240x128xf32, #tpu.memory_space<vmem_shared>>
        tpu.wait_indirect_dma semaphore(%arg18 : memref<!tpu.dma_semaphore, #tpu.memory_space<semaphore_mem>>) src(%arg13 : memref<128x128xf32, #tpu.memory_space<vmem>>) dst(%dma_wait3A_104 : memref<10240x128xf32, #tpu.memory_space<vmem_shared>>)
        %dma_start3A_105 = arith.constant 2 : i32
        %dma_start3A_106 = arith.constant 0 : i32
        %dma_start3A_107 = tpu.memref_slice %arg9[%dma_start3A_105, %dma_start3A_106] : memref<16x128xi32, #tpu.memory_space<vmem>> -> memref<1x128xi32, #tpu.memory_space<vmem>>
        %dma_start3A_108 = tpu.memref_squeeze %dma_start3A_107 : memref<1x128xi32, #tpu.memory_space<vmem>> -> memref<128xi32, #tpu.memory_space<vmem>>
        %dma_start3A_109 = arith.constant 0 : i32
        %dma_start3A_110 = arith.constant 0 : i32
        %dma_start3A_111 = tpu.memref_slice %arg4[%dma_start3A_109, %dma_start3A_110] : memref<10000x128xf32, #tpu.memory_space<hbm>> -> memref<10000x128xf32, #tpu.memory_space<hbm>>
        tpu.enqueue_indirect_dma source(%dma_start3A_111 : memref<10000x128xf32, #tpu.memory_space<hbm>>) target(%arg13 : memref<128x128xf32, #tpu.memory_space<vmem>>) offsets(%dma_start3A_108 : memref<128xi32, #tpu.memory_space<vmem>>) semaphore(%arg16 : memref<!tpu.dma_semaphore, #tpu.memory_space<semaphore_mem>>)
        %dma_wait3A_112 = arith.constant 1 : i32
        %dma_wait3A_113 = arith.constant 0 : i32
        %dma_wait3A_114 = tpu.memref_slice %arg9[%dma_wait3A_112, %dma_wait3A_113] : memref<16x128xi32, #tpu.memory_space<vmem>> -> memref<1x128xi32, #tpu.memory_space<vmem>>
        %dma_wait3A_115 = tpu.memref_squeeze %dma_wait3A_114 : memref<1x128xi32, #tpu.memory_space<vmem>> -> memref<128xi32, #tpu.memory_space<vmem>>
        %dma_wait3A_116 = arith.constant 0 : i32
        %dma_wait3A_117 = arith.constant 0 : i32
        %dma_wait3A_118 = tpu.memref_slice %arg4[%dma_wait3A_116, %dma_wait3A_117] : memref<10000x128xf32, #tpu.memory_space<hbm>> -> memref<10000x128xf32, #tpu.memory_space<hbm>>
        tpu.wait_indirect_dma semaphore(%arg17 : memref<!tpu.dma_semaphore, #tpu.memory_space<semaphore_mem>>) src(%dma_wait3A_118 : memref<10000x128xf32, #tpu.memory_space<hbm>>) dst(%arg14 : memref<128x128xf32, #tpu.memory_space<vmem>>)
        %dma_start3A_119 = arith.constant 1 : i32
        %dma_start3A_120 = arith.constant 0 : i32
        %dma_start3A_121 = tpu.memref_slice %arg11[%dma_start3A_119, %dma_start3A_120] : memref<16x128xi32, #tpu.memory_space<vmem>> -> memref<1x128xi32, #tpu.memory_space<vmem>>
        %dma_start3A_122 = tpu.memref_squeeze %dma_start3A_121 : memref<1x128xi32, #tpu.memory_space<vmem>> -> memref<128xi32, #tpu.memory_space<vmem>>
        %dma_start3A_123 = arith.constant 0 : i32
        %dma_start3A_124 = arith.constant 0 : i32
        %dma_start3A_125 = tpu.memref_slice %arg15[%dma_start3A_123, %dma_start3A_124] : memref<10240x128xf32, #tpu.memory_space<vmem_shared>> -> memref<10240x128xf32, #tpu.memory_space<vmem_shared>>
        tpu.enqueue_indirect_dma source(%arg14 : memref<128x128xf32, #tpu.memory_space<vmem>>) target(%dma_start3A_125 : memref<10240x128xf32, #tpu.memory_space<vmem_shared>>) offsets(%dma_start3A_122 : memref<128xi32, #tpu.memory_space<vmem>>) semaphore(%arg19 : memref<!tpu.dma_semaphore, #tpu.memory_space<semaphore_mem>>) {add = true}
        %dma_wait3A_126 = arith.constant 1 : i32
        %dma_wait3A_127 = arith.constant 0 : i32
        %dma_wait3A_128 = tpu.memref_slice %arg11[%dma_wait3A_126, %dma_wait3A_127] : memref<16x128xi32, #tpu.memory_space<vmem>> -> memref<1x128xi32, #tpu.memory_space<vmem>>
        %dma_wait3A_129 = tpu.memref_squeeze %dma_wait3A_128 : memref<1x128xi32, #tpu.memory_space<vmem>> -> memref<128xi32, #tpu.memory_space<vmem>>
        %dma_wait3A_130 = arith.constant 0 : i32
        %dma_wait3A_131 = arith.constant 0 : i32
        %dma_wait3A_132 = tpu.memref_slice %arg15[%dma_wait3A_130, %dma_wait3A_131] : memref<10240x128xf32, #tpu.memory_space<vmem_shared>> -> memref<10240x128xf32, #tpu.memory_space<vmem_shared>>
        tpu.wait_indirect_dma semaphore(%arg19 : memref<!tpu.dma_semaphore, #tpu.memory_space<semaphore_mem>>) src(%arg14 : memref<128x128xf32, #tpu.memory_space<vmem>>) dst(%dma_wait3A_132 : memref<10240x128xf32, #tpu.memory_space<vmem_shared>>)
        %dma_start3A_133 = arith.constant 3 : i32
        %dma_start3A_134 = arith.constant 0 : i32
        %dma_start3A_135 = tpu.memref_slice %arg9[%dma_start3A_133, %dma_start3A_134] : memref<16x128xi32, #tpu.memory_space<vmem>> -> memref<1x128xi32, #tpu.memory_space<vmem>>
        %dma_start3A_136 = tpu.memref_squeeze %dma_start3A_135 : memref<1x128xi32, #tpu.memory_space<vmem>> -> memref<128xi32, #tpu.memory_space<vmem>>
        %dma_start3A_137 = arith.constant 0 : i32
        %dma_start3A_138 = arith.constant 0 : i32
        %dma_start3A_139 = tpu.memref_slice %arg4[%dma_start3A_137, %dma_start3A_138] : memref<10000x128xf32, #tpu.memory_space<hbm>> -> memref<10000x128xf32, #tpu.memory_space<hbm>>
        tpu.enqueue_indirect_dma source(%dma_start3A_139 : memref<10000x128xf32, #tpu.memory_space<hbm>>) target(%arg14 : memref<128x128xf32, #tpu.memory_space<vmem>>) offsets(%dma_start3A_136 : memref<128xi32, #tpu.memory_space<vmem>>) semaphore(%arg17 : memref<!tpu.dma_semaphore, #tpu.memory_space<semaphore_mem>>)
        %dma_wait3A_140 = arith.constant 2 : i32
        %dma_wait3A_141 = arith.constant 0 : i32
        %dma_wait3A_142 = tpu.memref_slice %arg9[%dma_wait3A_140, %dma_wait3A_141] : memref<16x128xi32, #tpu.memory_space<vmem>> -> memref<1x128xi32, #tpu.memory_space<vmem>>
        %dma_wait3A_143 = tpu.memref_squeeze %dma_wait3A_142 : memref<1x128xi32, #tpu.memory_space<vmem>> -> memref<128xi32, #tpu.memory_space<vmem>>
        %dma_wait3A_144 = arith.constant 0 : i32
        %dma_wait3A_145 = arith.constant 0 : i32
        %dma_wait3A_146 = tpu.memref_slice %arg4[%dma_wait3A_144, %dma_wait3A_145] : memref<10000x128xf32, #tpu.memory_space<hbm>> -> memref<10000x128xf32, #tpu.memory_space<hbm>>
        tpu.wait_indirect_dma semaphore(%arg16 : memref<!tpu.dma_semaphore, #tpu.memory_space<semaphore_mem>>) src(%dma_wait3A_146 : memref<10000x128xf32, #tpu.memory_space<hbm>>) dst(%arg13 : memref<128x128xf32, #tpu.memory_space<vmem>>)
        %dma_start3A_147 = arith.constant 2 : i32
        %dma_start3A_148 = arith.constant 0 : i32
        %dma_start3A_149 = tpu.memref_slice %arg11[%dma_start3A_147, %dma_start3A_148] : memref<16x128xi32, #tpu.memory_space<vmem>> -> memref<1x128xi32, #tpu.memory_space<vmem>>
        %dma_start3A_150 = tpu.memref_squeeze %dma_start3A_149 : memref<1x128xi32, #tpu.memory_space<vmem>> -> memref<128xi32, #tpu.memory_space<vmem>>
        %dma_start3A_151 = arith.constant 0 : i32
        %dma_start3A_152 = arith.constant 0 : i32
        %dma_start3A_153 = tpu.memref_slice %arg15[%dma_start3A_151, %dma_start3A_152] : memref<10240x128xf32, #tpu.memory_space<vmem_shared>> -> memref<10240x128xf32, #tpu.memory_space<vmem_shared>>
        tpu.enqueue_indirect_dma source(%arg13 : memref<128x128xf32, #tpu.memory_space<vmem>>) target(%dma_start3A_153 : memref<10240x128xf32, #tpu.memory_space<vmem_shared>>) offsets(%dma_start3A_150 : memref<128xi32, #tpu.memory_space<vmem>>) semaphore(%arg18 : memref<!tpu.dma_semaphore, #tpu.memory_space<semaphore_mem>>) {add = true}
        %dma_wait3A_154 = arith.constant 2 : i32
        %dma_wait3A_155 = arith.constant 0 : i32
        %dma_wait3A_156 = tpu.memref_slice %arg11[%dma_wait3A_154, %dma_wait3A_155] : memref<16x128xi32, #tpu.memory_space<vmem>> -> memref<1x128xi32, #tpu.memory_space<vmem>>
        %dma_wait3A_157 = tpu.memref_squeeze %dma_wait3A_156 : memref<1x128xi32, #tpu.memory_space<vmem>> -> memref<128xi32, #tpu.memory_space<vmem>>
        %dma_wait3A_158 = arith.constant 0 : i32
        %dma_wait3A_159 = arith.constant 0 : i32
        %dma_wait3A_160 = tpu.memref_slice %arg15[%dma_wait3A_158, %dma_wait3A_159] : memref<10240x128xf32, #tpu.memory_space<vmem_shared>> -> memref<10240x128xf32, #tpu.memory_space<vmem_shared>>
        tpu.wait_indirect_dma semaphore(%arg18 : memref<!tpu.dma_semaphore, #tpu.memory_space<semaphore_mem>>) src(%arg13 : memref<128x128xf32, #tpu.memory_space<vmem>>) dst(%dma_wait3A_160 : memref<10240x128xf32, #tpu.memory_space<vmem_shared>>)
        %dma_start3A_161 = arith.constant 4 : i32
        %dma_start3A_162 = arith.constant 0 : i32
        %dma_start3A_163 = tpu.memref_slice %arg9[%dma_start3A_161, %dma_start3A_162] : memref<16x128xi32, #tpu.memory_space<vmem>> -> memref<1x128xi32, #tpu.memory_space<vmem>>
        %dma_start3A_164 = tpu.memref_squeeze %dma_start3A_163 : memref<1x128xi32, #tpu.memory_space<vmem>> -> memref<128xi32, #tpu.memory_space<vmem>>
        %dma_start3A_165 = arith.constant 0 : i32
        %dma_start3A_166 = arith.constant 0 : i32
        %dma_start3A_167 = tpu.memref_slice %arg4[%dma_start3A_165, %dma_start3A_166] : memref<10000x128xf32, #tpu.memory_space<hbm>> -> memref<10000x128xf32, #tpu.memory_space<hbm>>
        tpu.enqueue_indirect_dma source(%dma_start3A_167 : memref<10000x128xf32, #tpu.memory_space<hbm>>) target(%arg13 : memref<128x128xf32, #tpu.memory_space<vmem>>) offsets(%dma_start3A_164 : memref<128xi32, #tpu.memory_space<vmem>>) semaphore(%arg16 : memref<!tpu.dma_semaphore, #tpu.memory_space<semaphore_mem>>)
        %dma_wait3A_168 = arith.constant 3 : i32
        %dma_wait3A_169 = arith.constant 0 : i32
        %dma_wait3A_170 = tpu.memref_slice %arg9[%dma_wait3A_168, %dma_wait3A_169] : memref<16x128xi32, #tpu.memory_space<vmem>> -> memref<1x128xi32, #tpu.memory_space<vmem>>
        %dma_wait3A_171 = tpu.memref_squeeze %dma_wait3A_170 : memref<1x128xi32, #tpu.memory_space<vmem>> -> memref<128xi32, #tpu.memory_space<vmem>>
        %dma_wait3A_172 = arith.constant 0 : i32
        %dma_wait3A_173 = arith.constant 0 : i32
        %dma_wait3A_174 = tpu.memref_slice %arg4[%dma_wait3A_172, %dma_wait3A_173] : memref<10000x128xf32, #tpu.memory_space<hbm>> -> memref<10000x128xf32, #tpu.memory_space<hbm>>
        tpu.wait_indirect_dma semaphore(%arg17 : memref<!tpu.dma_semaphore, #tpu.memory_space<semaphore_mem>>) src(%dma_wait3A_174 : memref<10000x128xf32, #tpu.memory_space<hbm>>) dst(%arg14 : memref<128x128xf32, #tpu.memory_space<vmem>>)
        %dma_start3A_175 = arith.constant 3 : i32
        %dma_start3A_176 = arith.constant 0 : i32
        %dma_start3A_177 = tpu.memref_slice %arg11[%dma_start3A_175, %dma_start3A_176] : memref<16x128xi32, #tpu.memory_space<vmem>> -> memref<1x128xi32, #tpu.memory_space<vmem>>
        %dma_start3A_178 = tpu.memref_squeeze %dma_start3A_177 : memref<1x128xi32, #tpu.memory_space<vmem>> -> memref<128xi32, #tpu.memory_space<vmem>>
        %dma_start3A_179 = arith.constant 0 : i32
        %dma_start3A_180 = arith.constant 0 : i32
        %dma_start3A_181 = tpu.memref_slice %arg15[%dma_start3A_179, %dma_start3A_180] : memref<10240x128xf32, #tpu.memory_space<vmem_shared>> -> memref<10240x128xf32, #tpu.memory_space<vmem_shared>>
        tpu.enqueue_indirect_dma source(%arg14 : memref<128x128xf32, #tpu.memory_space<vmem>>) target(%dma_start3A_181 : memref<10240x128xf32, #tpu.memory_space<vmem_shared>>) offsets(%dma_start3A_178 : memref<128xi32, #tpu.memory_space<vmem>>) semaphore(%arg19 : memref<!tpu.dma_semaphore, #tpu.memory_space<semaphore_mem>>) {add = true}
        %dma_wait3A_182 = arith.constant 3 : i32
        %dma_wait3A_183 = arith.constant 0 : i32
        %dma_wait3A_184 = tpu.memref_slice %arg11[%dma_wait3A_182, %dma_wait3A_183] : memref<16x128xi32, #tpu.memory_space<vmem>> -> memref<1x128xi32, #tpu.memory_space<vmem>>
        %dma_wait3A_185 = tpu.memref_squeeze %dma_wait3A_184 : memref<1x128xi32, #tpu.memory_space<vmem>> -> memref<128xi32, #tpu.memory_space<vmem>>
        %dma_wait3A_186 = arith.constant 0 : i32
        %dma_wait3A_187 = arith.constant 0 : i32
        %dma_wait3A_188 = tpu.memref_slice %arg15[%dma_wait3A_186, %dma_wait3A_187] : memref<10240x128xf32, #tpu.memory_space<vmem_shared>> -> memref<10240x128xf32, #tpu.memory_space<vmem_shared>>
        tpu.wait_indirect_dma semaphore(%arg19 : memref<!tpu.dma_semaphore, #tpu.memory_space<semaphore_mem>>) src(%arg14 : memref<128x128xf32, #tpu.memory_space<vmem>>) dst(%dma_wait3A_188 : memref<10240x128xf32, #tpu.memory_space<vmem_shared>>)
        %dma_start3A_189 = arith.constant 5 : i32
        %dma_start3A_190 = arith.constant 0 : i32
        %dma_start3A_191 = tpu.memref_slice %arg9[%dma_start3A_189, %dma_start3A_190] : memref<16x128xi32, #tpu.memory_space<vmem>> -> memref<1x128xi32, #tpu.memory_space<vmem>>
        %dma_start3A_192 = tpu.memref_squeeze %dma_start3A_191 : memref<1x128xi32, #tpu.memory_space<vmem>> -> memref<128xi32, #tpu.memory_space<vmem>>
        %dma_start3A_193 = arith.constant 0 : i32
        %dma_start3A_194 = arith.constant 0 : i32
        %dma_start3A_195 = tpu.memref_slice %arg4[%dma_start3A_193, %dma_start3A_194] : memref<10000x128xf32, #tpu.memory_space<hbm>> -> memref<10000x128xf32, #tpu.memory_space<hbm>>
        tpu.enqueue_indirect_dma source(%dma_start3A_195 : memref<10000x128xf32, #tpu.memory_space<hbm>>) target(%arg14 : memref<128x128xf32, #tpu.memory_space<vmem>>) offsets(%dma_start3A_192 : memref<128xi32, #tpu.memory_space<vmem>>) semaphore(%arg17 : memref<!tpu.dma_semaphore, #tpu.memory_space<semaphore_mem>>)
        %dma_wait3A_196 = arith.constant 4 : i32
        %dma_wait3A_197 = arith.constant 0 : i32
        %dma_wait3A_198 = tpu.memref_slice %arg9[%dma_wait3A_196, %dma_wait3A_197] : memref<16x128xi32, #tpu.memory_space<vmem>> -> memref<1x128xi32, #tpu.memory_space<vmem>>
        %dma_wait3A_199 = tpu.memref_squeeze %dma_wait3A_198 : memref<1x128xi32, #tpu.memory_space<vmem>> -> memref<128xi32, #tpu.memory_space<vmem>>
        %dma_wait3A_200 = arith.constant 0 : i32
        %dma_wait3A_201 = arith.constant 0 : i32
        %dma_wait3A_202 = tpu.memref_slice %arg4[%dma_wait3A_200, %dma_wait3A_201] : memref<10000x128xf32, #tpu.memory_space<hbm>> -> memref<10000x128xf32, #tpu.memory_space<hbm>>
        tpu.wait_indirect_dma semaphore(%arg16 : memref<!tpu.dma_semaphore, #tpu.memory_space<semaphore_mem>>) src(%dma_wait3A_202 : memref<10000x128xf32, #tpu.memory_space<hbm>>) dst(%arg13 : memref<128x128xf32, #tpu.memory_space<vmem>>)
        %dma_start3A_203 = arith.constant 4 : i32
        %dma_start3A_204 = arith.constant 0 : i32
        %dma_start3A_205 = tpu.memref_slice %arg11[%dma_start3A_203, %dma_start3A_204] : memref<16x128xi32, #tpu.memory_space<vmem>> -> memref<1x128xi32, #tpu.memory_space<vmem>>
        %dma_start3A_206 = tpu.memref_squeeze %dma_start3A_205 : memref<1x128xi32, #tpu.memory_space<vmem>> -> memref<128xi32, #tpu.memory_space<vmem>>
        %dma_start3A_207 = arith.constant 0 : i32
        %dma_start3A_208 = arith.constant 0 : i32
        %dma_start3A_209 = tpu.memref_slice %arg15[%dma_start3A_207, %dma_start3A_208] : memref<10240x128xf32, #tpu.memory_space<vmem_shared>> -> memref<10240x128xf32, #tpu.memory_space<vmem_shared>>
        tpu.enqueue_indirect_dma source(%arg13 : memref<128x128xf32, #tpu.memory_space<vmem>>) target(%dma_start3A_209 : memref<10240x128xf32, #tpu.memory_space<vmem_shared>>) offsets(%dma_start3A_206 : memref<128xi32, #tpu.memory_space<vmem>>) semaphore(%arg18 : memref<!tpu.dma_semaphore, #tpu.memory_space<semaphore_mem>>) {add = true}
        %dma_wait3A_210 = arith.constant 4 : i32
        %dma_wait3A_211 = arith.constant 0 : i32
        %dma_wait3A_212 = tpu.memref_slice %arg11[%dma_wait3A_210, %dma_wait3A_211] : memref<16x128xi32, #tpu.memory_space<vmem>> -> memref<1x128xi32, #tpu.memory_space<vmem>>
        %dma_wait3A_213 = tpu.memref_squeeze %dma_wait3A_212 : memref<1x128xi32, #tpu.memory_space<vmem>> -> memref<128xi32, #tpu.memory_space<vmem>>
        %dma_wait3A_214 = arith.constant 0 : i32
        %dma_wait3A_215 = arith.constant 0 : i32
        %dma_wait3A_216 = tpu.memref_slice %arg15[%dma_wait3A_214, %dma_wait3A_215] : memref<10240x128xf32, #tpu.memory_space<vmem_shared>> -> memref<10240x128xf32, #tpu.memory_space<vmem_shared>>
        tpu.wait_indirect_dma semaphore(%arg18 : memref<!tpu.dma_semaphore, #tpu.memory_space<semaphore_mem>>) src(%arg13 : memref<128x128xf32, #tpu.memory_space<vmem>>) dst(%dma_wait3A_216 : memref<10240x128xf32, #tpu.memory_space<vmem_shared>>)
        %dma_start3A_217 = arith.constant 6 : i32
        %dma_start3A_218 = arith.constant 0 : i32
        %dma_start3A_219 = tpu.memref_slice %arg9[%dma_start3A_217, %dma_start3A_218] : memref<16x128xi32, #tpu.memory_space<vmem>> -> memref<1x128xi32, #tpu.memory_space<vmem>>
        %dma_start3A_220 = tpu.memref_squeeze %dma_start3A_219 : memref<1x128xi32, #tpu.memory_space<vmem>> -> memref<128xi32, #tpu.memory_space<vmem>>
        %dma_start3A_221 = arith.constant 0 : i32
        %dma_start3A_222 = arith.constant 0 : i32
        %dma_start3A_223 = tpu.memref_slice %arg4[%dma_start3A_221, %dma_start3A_222] : memref<10000x128xf32, #tpu.memory_space<hbm>> -> memref<10000x128xf32, #tpu.memory_space<hbm>>
        tpu.enqueue_indirect_dma source(%dma_start3A_223 : memref<10000x128xf32, #tpu.memory_space<hbm>>) target(%arg13 : memref<128x128xf32, #tpu.memory_space<vmem>>) offsets(%dma_start3A_220 : memref<128xi32, #tpu.memory_space<vmem>>) semaphore(%arg16 : memref<!tpu.dma_semaphore, #tpu.memory_space<semaphore_mem>>)
        %dma_wait3A_224 = arith.constant 5 : i32
        %dma_wait3A_225 = arith.constant 0 : i32
        %dma_wait3A_226 = tpu.memref_slice %arg9[%dma_wait3A_224, %dma_wait3A_225] : memref<16x128xi32, #tpu.memory_space<vmem>> -> memref<1x128xi32, #tpu.memory_space<vmem>>
        %dma_wait3A_227 = tpu.memref_squeeze %dma_wait3A_226 : memref<1x128xi32, #tpu.memory_space<vmem>> -> memref<128xi32, #tpu.memory_space<vmem>>
        %dma_wait3A_228 = arith.constant 0 : i32
        %dma_wait3A_229 = arith.constant 0 : i32
        %dma_wait3A_230 = tpu.memref_slice %arg4[%dma_wait3A_228, %dma_wait3A_229] : memref<10000x128xf32, #tpu.memory_space<hbm>> -> memref<10000x128xf32, #tpu.memory_space<hbm>>
        tpu.wait_indirect_dma semaphore(%arg17 : memref<!tpu.dma_semaphore, #tpu.memory_space<semaphore_mem>>) src(%dma_wait3A_230 : memref<10000x128xf32, #tpu.memory_space<hbm>>) dst(%arg14 : memref<128x128xf32, #tpu.memory_space<vmem>>)
        %dma_start3A_231 = arith.constant 5 : i32
        %dma_start3A_232 = arith.constant 0 : i32
        %dma_start3A_233 = tpu.memref_slice %arg11[%dma_start3A_231, %dma_start3A_232] : memref<16x128xi32, #tpu.memory_space<vmem>> -> memref<1x128xi32, #tpu.memory_space<vmem>>
        %dma_start3A_234 = tpu.memref_squeeze %dma_start3A_233 : memref<1x128xi32, #tpu.memory_space<vmem>> -> memref<128xi32, #tpu.memory_space<vmem>>
        %dma_start3A_235 = arith.constant 0 : i32
        %dma_start3A_236 = arith.constant 0 : i32
        %dma_start3A_237 = tpu.memref_slice %arg15[%dma_start3A_235, %dma_start3A_236] : memref<10240x128xf32, #tpu.memory_space<vmem_shared>> -> memref<10240x128xf32, #tpu.memory_space<vmem_shared>>
        tpu.enqueue_indirect_dma source(%arg14 : memref<128x128xf32, #tpu.memory_space<vmem>>) target(%dma_start3A_237 : memref<10240x128xf32, #tpu.memory_space<vmem_shared>>) offsets(%dma_start3A_234 : memref<128xi32, #tpu.memory_space<vmem>>) semaphore(%arg19 : memref<!tpu.dma_semaphore, #tpu.memory_space<semaphore_mem>>) {add = true}
        %dma_wait3A_238 = arith.constant 5 : i32
        %dma_wait3A_239 = arith.constant 0 : i32
        %dma_wait3A_240 = tpu.memref_slice %arg11[%dma_wait3A_238, %dma_wait3A_239] : memref<16x128xi32, #tpu.memory_space<vmem>> -> memref<1x128xi32, #tpu.memory_space<vmem>>
        %dma_wait3A_241 = tpu.memref_squeeze %dma_wait3A_240 : memref<1x128xi32, #tpu.memory_space<vmem>> -> memref<128xi32, #tpu.memory_space<vmem>>
        %dma_wait3A_242 = arith.constant 0 : i32
        %dma_wait3A_243 = arith.constant 0 : i32
        %dma_wait3A_244 = tpu.memref_slice %arg15[%dma_wait3A_242, %dma_wait3A_243] : memref<10240x128xf32, #tpu.memory_space<vmem_shared>> -> memref<10240x128xf32, #tpu.memory_space<vmem_shared>>
        tpu.wait_indirect_dma semaphore(%arg19 : memref<!tpu.dma_semaphore, #tpu.memory_space<semaphore_mem>>) src(%arg14 : memref<128x128xf32, #tpu.memory_space<vmem>>) dst(%dma_wait3A_244 : memref<10240x128xf32, #tpu.memory_space<vmem_shared>>)
        %dma_start3A_245 = arith.constant 7 : i32
        %dma_start3A_246 = arith.constant 0 : i32
        %dma_start3A_247 = tpu.memref_slice %arg9[%dma_start3A_245, %dma_start3A_246] : memref<16x128xi32, #tpu.memory_space<vmem>> -> memref<1x128xi32, #tpu.memory_space<vmem>>
        %dma_start3A_248 = tpu.memref_squeeze %dma_start3A_247 : memref<1x128xi32, #tpu.memory_space<vmem>> -> memref<128xi32, #tpu.memory_space<vmem>>
        %dma_start3A_249 = arith.constant 0 : i32
        %dma_start3A_250 = arith.constant 0 : i32
        %dma_start3A_251 = tpu.memref_slice %arg4[%dma_start3A_249, %dma_start3A_250] : memref<10000x128xf32, #tpu.memory_space<hbm>> -> memref<10000x128xf32, #tpu.memory_space<hbm>>
        tpu.enqueue_indirect_dma source(%dma_start3A_251 : memref<10000x128xf32, #tpu.memory_space<hbm>>) target(%arg14 : memref<128x128xf32, #tpu.memory_space<vmem>>) offsets(%dma_start3A_248 : memref<128xi32, #tpu.memory_space<vmem>>) semaphore(%arg17 : memref<!tpu.dma_semaphore, #tpu.memory_space<semaphore_mem>>)
        %dma_wait3A_252 = arith.constant 6 : i32
        %dma_wait3A_253 = arith.constant 0 : i32
        %dma_wait3A_254 = tpu.memref_slice %arg9[%dma_wait3A_252, %dma_wait3A_253] : memref<16x128xi32, #tpu.memory_space<vmem>> -> memref<1x128xi32, #tpu.memory_space<vmem>>
        %dma_wait3A_255 = tpu.memref_squeeze %dma_wait3A_254 : memref<1x128xi32, #tpu.memory_space<vmem>> -> memref<128xi32, #tpu.memory_space<vmem>>
        %dma_wait3A_256 = arith.constant 0 : i32
        %dma_wait3A_257 = arith.constant 0 : i32
        %dma_wait3A_258 = tpu.memref_slice %arg4[%dma_wait3A_256, %dma_wait3A_257] : memref<10000x128xf32, #tpu.memory_space<hbm>> -> memref<10000x128xf32, #tpu.memory_space<hbm>>
        tpu.wait_indirect_dma semaphore(%arg16 : memref<!tpu.dma_semaphore, #tpu.memory_space<semaphore_mem>>) src(%dma_wait3A_258 : memref<10000x128xf32, #tpu.memory_space<hbm>>) dst(%arg13 : memref<128x128xf32, #tpu.memory_space<vmem>>)
        %dma_start3A_259 = arith.constant 6 : i32
        %dma_start3A_260 = arith.constant 0 : i32
        %dma_start3A_261 = tpu.memref_slice %arg11[%dma_start3A_259, %dma_start3A_260] : memref<16x128xi32, #tpu.memory_space<vmem>> -> memref<1x128xi32, #tpu.memory_space<vmem>>
        %dma_start3A_262 = tpu.memref_squeeze %dma_start3A_261 : memref<1x128xi32, #tpu.memory_space<vmem>> -> memref<128xi32, #tpu.memory_space<vmem>>
        %dma_start3A_263 = arith.constant 0 : i32
        %dma_start3A_264 = arith.constant 0 : i32
        %dma_start3A_265 = tpu.memref_slice %arg15[%dma_start3A_263, %dma_start3A_264] : memref<10240x128xf32, #tpu.memory_space<vmem_shared>> -> memref<10240x128xf32, #tpu.memory_space<vmem_shared>>
        tpu.enqueue_indirect_dma source(%arg13 : memref<128x128xf32, #tpu.memory_space<vmem>>) target(%dma_start3A_265 : memref<10240x128xf32, #tpu.memory_space<vmem_shared>>) offsets(%dma_start3A_262 : memref<128xi32, #tpu.memory_space<vmem>>) semaphore(%arg18 : memref<!tpu.dma_semaphore, #tpu.memory_space<semaphore_mem>>) {add = true}
        %dma_wait3A_266 = arith.constant 6 : i32
        %dma_wait3A_267 = arith.constant 0 : i32
        %dma_wait3A_268 = tpu.memref_slice %arg11[%dma_wait3A_266, %dma_wait3A_267] : memref<16x128xi32, #tpu.memory_space<vmem>> -> memref<1x128xi32, #tpu.memory_space<vmem>>
        %dma_wait3A_269 = tpu.memref_squeeze %dma_wait3A_268 : memref<1x128xi32, #tpu.memory_space<vmem>> -> memref<128xi32, #tpu.memory_space<vmem>>
        %dma_wait3A_270 = arith.constant 0 : i32
        %dma_wait3A_271 = arith.constant 0 : i32
        %dma_wait3A_272 = tpu.memref_slice %arg15[%dma_wait3A_270, %dma_wait3A_271] : memref<10240x128xf32, #tpu.memory_space<vmem_shared>> -> memref<10240x128xf32, #tpu.memory_space<vmem_shared>>
        tpu.wait_indirect_dma semaphore(%arg18 : memref<!tpu.dma_semaphore, #tpu.memory_space<semaphore_mem>>) src(%arg13 : memref<128x128xf32, #tpu.memory_space<vmem>>) dst(%dma_wait3A_272 : memref<10240x128xf32, #tpu.memory_space<vmem_shared>>)
        %dma_start3A_273 = arith.constant 8 : i32
        %dma_start3A_274 = arith.constant 0 : i32
        %dma_start3A_275 = tpu.memref_slice %arg9[%dma_start3A_273, %dma_start3A_274] : memref<16x128xi32, #tpu.memory_space<vmem>> -> memref<1x128xi32, #tpu.memory_space<vmem>>
        %dma_start3A_276 = tpu.memref_squeeze %dma_start3A_275 : memref<1x128xi32, #tpu.memory_space<vmem>> -> memref<128xi32, #tpu.memory_space<vmem>>
        %dma_start3A_277 = arith.constant 0 : i32
        %dma_start3A_278 = arith.constant 0 : i32
        %dma_start3A_279 = tpu.memref_slice %arg4[%dma_start3A_277, %dma_start3A_278] : memref<10000x128xf32, #tpu.memory_space<hbm>> -> memref<10000x128xf32, #tpu.memory_space<hbm>>
        tpu.enqueue_indirect_dma source(%dma_start3A_279 : memref<10000x128xf32, #tpu.memory_space<hbm>>) target(%arg13 : memref<128x128xf32, #tpu.memory_space<vmem>>) offsets(%dma_start3A_276 : memref<128xi32, #tpu.memory_space<vmem>>) semaphore(%arg16 : memref<!tpu.dma_semaphore, #tpu.memory_space<semaphore_mem>>)
        %dma_wait3A_280 = arith.constant 7 : i32
        %dma_wait3A_281 = arith.constant 0 : i32
        %dma_wait3A_282 = tpu.memref_slice %arg9[%dma_wait3A_280, %dma_wait3A_281] : memref<16x128xi32, #tpu.memory_space<vmem>> -> memref<1x128xi32, #tpu.memory_space<vmem>>
        %dma_wait3A_283 = tpu.memref_squeeze %dma_wait3A_282 : memref<1x128xi32, #tpu.memory_space<vmem>> -> memref<128xi32, #tpu.memory_space<vmem>>
        %dma_wait3A_284 = arith.constant 0 : i32
        %dma_wait3A_285 = arith.constant 0 : i32
        %dma_wait3A_286 = tpu.memref_slice %arg4[%dma_wait3A_284, %dma_wait3A_285] : memref<10000x128xf32, #tpu.memory_space<hbm>> -> memref<10000x128xf32, #tpu.memory_space<hbm>>
        tpu.wait_indirect_dma semaphore(%arg17 : memref<!tpu.dma_semaphore, #tpu.memory_space<semaphore_mem>>) src(%dma_wait3A_286 : memref<10000x128xf32, #tpu.memory_space<hbm>>) dst(%arg14 : memref<128x128xf32, #tpu.memory_space<vmem>>)
        %dma_start3A_287 = arith.constant 7 : i32
        %dma_start3A_288 = arith.constant 0 : i32
        %dma_start3A_289 = tpu.memref_slice %arg11[%dma_start3A_287, %dma_start3A_288] : memref<16x128xi32, #tpu.memory_space<vmem>> -> memref<1x128xi32, #tpu.memory_space<vmem>>
        %dma_start3A_290 = tpu.memref_squeeze %dma_start3A_289 : memref<1x128xi32, #tpu.memory_space<vmem>> -> memref<128xi32, #tpu.memory_space<vmem>>
        %dma_start3A_291 = arith.constant 0 : i32
        %dma_start3A_292 = arith.constant 0 : i32
        %dma_start3A_293 = tpu.memref_slice %arg15[%dma_start3A_291, %dma_start3A_292] : memref<10240x128xf32, #tpu.memory_space<vmem_shared>> -> memref<10240x128xf32, #tpu.memory_space<vmem_shared>>
        tpu.enqueue_indirect_dma source(%arg14 : memref<128x128xf32, #tpu.memory_space<vmem>>) target(%dma_start3A_293 : memref<10240x128xf32, #tpu.memory_space<vmem_shared>>) offsets(%dma_start3A_290 : memref<128xi32, #tpu.memory_space<vmem>>) semaphore(%arg19 : memref<!tpu.dma_semaphore, #tpu.memory_space<semaphore_mem>>) {add = true}
        %dma_wait3A_294 = arith.constant 7 : i32
        %dma_wait3A_295 = arith.constant 0 : i32
        %dma_wait3A_296 = tpu.memref_slice %arg11[%dma_wait3A_294, %dma_wait3A_295] : memref<16x128xi32, #tpu.memory_space<vmem>> -> memref<1x128xi32, #tpu.memory_space<vmem>>
        %dma_wait3A_297 = tpu.memref_squeeze %dma_wait3A_296 : memref<1x128xi32, #tpu.memory_space<vmem>> -> memref<128xi32, #tpu.memory_space<vmem>>
        %dma_wait3A_298 = arith.constant 0 : i32
        %dma_wait3A_299 = arith.constant 0 : i32
        %dma_wait3A_300 = tpu.memref_slice %arg15[%dma_wait3A_298, %dma_wait3A_299] : memref<10240x128xf32, #tpu.memory_space<vmem_shared>> -> memref<10240x128xf32, #tpu.memory_space<vmem_shared>>
        tpu.wait_indirect_dma semaphore(%arg19 : memref<!tpu.dma_semaphore, #tpu.memory_space<semaphore_mem>>) src(%arg14 : memref<128x128xf32, #tpu.memory_space<vmem>>) dst(%dma_wait3A_300 : memref<10240x128xf32, #tpu.memory_space<vmem_shared>>)
        %dma_start3A_301 = arith.constant 9 : i32
        %dma_start3A_302 = arith.constant 0 : i32
        %dma_start3A_303 = tpu.memref_slice %arg9[%dma_start3A_301, %dma_start3A_302] : memref<16x128xi32, #tpu.memory_space<vmem>> -> memref<1x128xi32, #tpu.memory_space<vmem>>
        %dma_start3A_304 = tpu.memref_squeeze %dma_start3A_303 : memref<1x128xi32, #tpu.memory_space<vmem>> -> memref<128xi32, #tpu.memory_space<vmem>>
        %dma_start3A_305 = arith.constant 0 : i32
        %dma_start3A_306 = arith.constant 0 : i32
        %dma_start3A_307 = tpu.memref_slice %arg4[%dma_start3A_305, %dma_start3A_306] : memref<10000x128xf32, #tpu.memory_space<hbm>> -> memref<10000x128xf32, #tpu.memory_space<hbm>>
        tpu.enqueue_indirect_dma source(%dma_start3A_307 : memref<10000x128xf32, #tpu.memory_space<hbm>>) target(%arg14 : memref<128x128xf32, #tpu.memory_space<vmem>>) offsets(%dma_start3A_304 : memref<128xi32, #tpu.memory_space<vmem>>) semaphore(%arg17 : memref<!tpu.dma_semaphore, #tpu.memory_space<semaphore_mem>>)
        %dma_wait3A_308 = arith.constant 8 : i32
        %dma_wait3A_309 = arith.constant 0 : i32
        %dma_wait3A_310 = tpu.memref_slice %arg9[%dma_wait3A_308, %dma_wait3A_309] : memref<16x128xi32, #tpu.memory_space<vmem>> -> memref<1x128xi32, #tpu.memory_space<vmem>>
        %dma_wait3A_311 = tpu.memref_squeeze %dma_wait3A_310 : memref<1x128xi32, #tpu.memory_space<vmem>> -> memref<128xi32, #tpu.memory_space<vmem>>
        %dma_wait3A_312 = arith.constant 0 : i32
        %dma_wait3A_313 = arith.constant 0 : i32
        %dma_wait3A_314 = tpu.memref_slice %arg4[%dma_wait3A_312, %dma_wait3A_313] : memref<10000x128xf32, #tpu.memory_space<hbm>> -> memref<10000x128xf32, #tpu.memory_space<hbm>>
        tpu.wait_indirect_dma semaphore(%arg16 : memref<!tpu.dma_semaphore, #tpu.memory_space<semaphore_mem>>) src(%dma_wait3A_314 : memref<10000x128xf32, #tpu.memory_space<hbm>>) dst(%arg13 : memref<128x128xf32, #tpu.memory_space<vmem>>)
        %dma_start3A_315 = arith.constant 8 : i32
        %dma_start3A_316 = arith.constant 0 : i32
        %dma_start3A_317 = tpu.memref_slice %arg11[%dma_start3A_315, %dma_start3A_316] : memref<16x128xi32, #tpu.memory_space<vmem>> -> memref<1x128xi32, #tpu.memory_space<vmem>>
        %dma_start3A_318 = tpu.memref_squeeze %dma_start3A_317 : memref<1x128xi32, #tpu.memory_space<vmem>> -> memref<128xi32, #tpu.memory_space<vmem>>
        %dma_start3A_319 = arith.constant 0 : i32
        %dma_start3A_320 = arith.constant 0 : i32
        %dma_start3A_321 = tpu.memref_slice %arg15[%dma_start3A_319, %dma_start3A_320] : memref<10240x128xf32, #tpu.memory_space<vmem_shared>> -> memref<10240x128xf32, #tpu.memory_space<vmem_shared>>
        tpu.enqueue_indirect_dma source(%arg13 : memref<128x128xf32, #tpu.memory_space<vmem>>) target(%dma_start3A_321 : memref<10240x128xf32, #tpu.memory_space<vmem_shared>>) offsets(%dma_start3A_318 : memref<128xi32, #tpu.memory_space<vmem>>) semaphore(%arg18 : memref<!tpu.dma_semaphore, #tpu.memory_space<semaphore_mem>>) {add = true}
        %dma_wait3A_322 = arith.constant 8 : i32
        %dma_wait3A_323 = arith.constant 0 : i32
        %dma_wait3A_324 = tpu.memref_slice %arg11[%dma_wait3A_322, %dma_wait3A_323] : memref<16x128xi32, #tpu.memory_space<vmem>> -> memref<1x128xi32, #tpu.memory_space<vmem>>
        %dma_wait3A_325 = tpu.memref_squeeze %dma_wait3A_324 : memref<1x128xi32, #tpu.memory_space<vmem>> -> memref<128xi32, #tpu.memory_space<vmem>>
        %dma_wait3A_326 = arith.constant 0 : i32
        %dma_wait3A_327 = arith.constant 0 : i32
        %dma_wait3A_328 = tpu.memref_slice %arg15[%dma_wait3A_326, %dma_wait3A_327] : memref<10240x128xf32, #tpu.memory_space<vmem_shared>> -> memref<10240x128xf32, #tpu.memory_space<vmem_shared>>
        tpu.wait_indirect_dma semaphore(%arg18 : memref<!tpu.dma_semaphore, #tpu.memory_space<semaphore_mem>>) src(%arg13 : memref<128x128xf32, #tpu.memory_space<vmem>>) dst(%dma_wait3A_328 : memref<10240x128xf32, #tpu.memory_space<vmem_shared>>)
        %dma_start3A_329 = arith.constant 10 : i32
        %dma_start3A_330 = arith.constant 0 : i32
        %dma_start3A_331 = tpu.memref_slice %arg9[%dma_start3A_329, %dma_start3A_330] : memref<16x128xi32, #tpu.memory_space<vmem>> -> memref<1x128xi32, #tpu.memory_space<vmem>>
        %dma_start3A_332 = tpu.memref_squeeze %dma_start3A_331 : memref<1x128xi32, #tpu.memory_space<vmem>> -> memref<128xi32, #tpu.memory_space<vmem>>
        %dma_start3A_333 = arith.constant 0 : i32
        %dma_start3A_334 = arith.constant 0 : i32
        %dma_start3A_335 = tpu.memref_slice %arg4[%dma_start3A_333, %dma_start3A_334] : memref<10000x128xf32, #tpu.memory_space<hbm>> -> memref<10000x128xf32, #tpu.memory_space<hbm>>
        tpu.enqueue_indirect_dma source(%dma_start3A_335 : memref<10000x128xf32, #tpu.memory_space<hbm>>) target(%arg13 : memref<128x128xf32, #tpu.memory_space<vmem>>) offsets(%dma_start3A_332 : memref<128xi32, #tpu.memory_space<vmem>>) semaphore(%arg16 : memref<!tpu.dma_semaphore, #tpu.memory_space<semaphore_mem>>)
        %dma_wait3A_336 = arith.constant 9 : i32
        %dma_wait3A_337 = arith.constant 0 : i32
        %dma_wait3A_338 = tpu.memref_slice %arg9[%dma_wait3A_336, %dma_wait3A_337] : memref<16x128xi32, #tpu.memory_space<vmem>> -> memref<1x128xi32, #tpu.memory_space<vmem>>
        %dma_wait3A_339 = tpu.memref_squeeze %dma_wait3A_338 : memref<1x128xi32, #tpu.memory_space<vmem>> -> memref<128xi32, #tpu.memory_space<vmem>>
        %dma_wait3A_340 = arith.constant 0 : i32
        %dma_wait3A_341 = arith.constant 0 : i32
        %dma_wait3A_342 = tpu.memref_slice %arg4[%dma_wait3A_340, %dma_wait3A_341] : memref<10000x128xf32, #tpu.memory_space<hbm>> -> memref<10000x128xf32, #tpu.memory_space<hbm>>
        tpu.wait_indirect_dma semaphore(%arg17 : memref<!tpu.dma_semaphore, #tpu.memory_space<semaphore_mem>>) src(%dma_wait3A_342 : memref<10000x128xf32, #tpu.memory_space<hbm>>) dst(%arg14 : memref<128x128xf32, #tpu.memory_space<vmem>>)
        %dma_start3A_343 = arith.constant 9 : i32
        %dma_start3A_344 = arith.constant 0 : i32
        %dma_start3A_345 = tpu.memref_slice %arg11[%dma_start3A_343, %dma_start3A_344] : memref<16x128xi32, #tpu.memory_space<vmem>> -> memref<1x128xi32, #tpu.memory_space<vmem>>
        %dma_start3A_346 = tpu.memref_squeeze %dma_start3A_345 : memref<1x128xi32, #tpu.memory_space<vmem>> -> memref<128xi32, #tpu.memory_space<vmem>>
        %dma_start3A_347 = arith.constant 0 : i32
        %dma_start3A_348 = arith.constant 0 : i32
        %dma_start3A_349 = tpu.memref_slice %arg15[%dma_start3A_347, %dma_start3A_348] : memref<10240x128xf32, #tpu.memory_space<vmem_shared>> -> memref<10240x128xf32, #tpu.memory_space<vmem_shared>>
        tpu.enqueue_indirect_dma source(%arg14 : memref<128x128xf32, #tpu.memory_space<vmem>>) target(%dma_start3A_349 : memref<10240x128xf32, #tpu.memory_space<vmem_shared>>) offsets(%dma_start3A_346 : memref<128xi32, #tpu.memory_space<vmem>>) semaphore(%arg19 : memref<!tpu.dma_semaphore, #tpu.memory_space<semaphore_mem>>) {add = true}
        %dma_wait3A_350 = arith.constant 9 : i32
        %dma_wait3A_351 = arith.constant 0 : i32
        %dma_wait3A_352 = tpu.memref_slice %arg11[%dma_wait3A_350, %dma_wait3A_351] : memref<16x128xi32, #tpu.memory_space<vmem>> -> memref<1x128xi32, #tpu.memory_space<vmem>>
        %dma_wait3A_353 = tpu.memref_squeeze %dma_wait3A_352 : memref<1x128xi32, #tpu.memory_space<vmem>> -> memref<128xi32, #tpu.memory_space<vmem>>
        %dma_wait3A_354 = arith.constant 0 : i32
        %dma_wait3A_355 = arith.constant 0 : i32
        %dma_wait3A_356 = tpu.memref_slice %arg15[%dma_wait3A_354, %dma_wait3A_355] : memref<10240x128xf32, #tpu.memory_space<vmem_shared>> -> memref<10240x128xf32, #tpu.memory_space<vmem_shared>>
        tpu.wait_indirect_dma semaphore(%arg19 : memref<!tpu.dma_semaphore, #tpu.memory_space<semaphore_mem>>) src(%arg14 : memref<128x128xf32, #tpu.memory_space<vmem>>) dst(%dma_wait3A_356 : memref<10240x128xf32, #tpu.memory_space<vmem_shared>>)
        %dma_start3A_357 = arith.constant 11 : i32
        %dma_start3A_358 = arith.constant 0 : i32
        %dma_start3A_359 = tpu.memref_slice %arg9[%dma_start3A_357, %dma_start3A_358] : memref<16x128xi32, #tpu.memory_space<vmem>> -> memref<1x128xi32, #tpu.memory_space<vmem>>
        %dma_start3A_360 = tpu.memref_squeeze %dma_start3A_359 : memref<1x128xi32, #tpu.memory_space<vmem>> -> memref<128xi32, #tpu.memory_space<vmem>>
        %dma_start3A_361 = arith.constant 0 : i32
        %dma_start3A_362 = arith.constant 0 : i32
        %dma_start3A_363 = tpu.memref_slice %arg4[%dma_start3A_361, %dma_start3A_362] : memref<10000x128xf32, #tpu.memory_space<hbm>> -> memref<10000x128xf32, #tpu.memory_space<hbm>>
        tpu.enqueue_indirect_dma source(%dma_start3A_363 : memref<10000x128xf32, #tpu.memory_space<hbm>>) target(%arg14 : memref<128x128xf32, #tpu.memory_space<vmem>>) offsets(%dma_start3A_360 : memref<128xi32, #tpu.memory_space<vmem>>) semaphore(%arg17 : memref<!tpu.dma_semaphore, #tpu.memory_space<semaphore_mem>>)
        %dma_wait3A_364 = arith.constant 10 : i32
        %dma_wait3A_365 = arith.constant 0 : i32
        %dma_wait3A_366 = tpu.memref_slice %arg9[%dma_wait3A_364, %dma_wait3A_365] : memref<16x128xi32, #tpu.memory_space<vmem>> -> memref<1x128xi32, #tpu.memory_space<vmem>>
        %dma_wait3A_367 = tpu.memref_squeeze %dma_wait3A_366 : memref<1x128xi32, #tpu.memory_space<vmem>> -> memref<128xi32, #tpu.memory_space<vmem>>
        %dma_wait3A_368 = arith.constant 0 : i32
        %dma_wait3A_369 = arith.constant 0 : i32
        %dma_wait3A_370 = tpu.memref_slice %arg4[%dma_wait3A_368, %dma_wait3A_369] : memref<10000x128xf32, #tpu.memory_space<hbm>> -> memref<10000x128xf32, #tpu.memory_space<hbm>>
        tpu.wait_indirect_dma semaphore(%arg16 : memref<!tpu.dma_semaphore, #tpu.memory_space<semaphore_mem>>) src(%dma_wait3A_370 : memref<10000x128xf32, #tpu.memory_space<hbm>>) dst(%arg13 : memref<128x128xf32, #tpu.memory_space<vmem>>)
        %dma_start3A_371 = arith.constant 10 : i32
        %dma_start3A_372 = arith.constant 0 : i32
        %dma_start3A_373 = tpu.memref_slice %arg11[%dma_start3A_371, %dma_start3A_372] : memref<16x128xi32, #tpu.memory_space<vmem>> -> memref<1x128xi32, #tpu.memory_space<vmem>>
        %dma_start3A_374 = tpu.memref_squeeze %dma_start3A_373 : memref<1x128xi32, #tpu.memory_space<vmem>> -> memref<128xi32, #tpu.memory_space<vmem>>
        %dma_start3A_375 = arith.constant 0 : i32
        %dma_start3A_376 = arith.constant 0 : i32
        %dma_start3A_377 = tpu.memref_slice %arg15[%dma_start3A_375, %dma_start3A_376] : memref<10240x128xf32, #tpu.memory_space<vmem_shared>> -> memref<10240x128xf32, #tpu.memory_space<vmem_shared>>
        tpu.enqueue_indirect_dma source(%arg13 : memref<128x128xf32, #tpu.memory_space<vmem>>) target(%dma_start3A_377 : memref<10240x128xf32, #tpu.memory_space<vmem_shared>>) offsets(%dma_start3A_374 : memref<128xi32, #tpu.memory_space<vmem>>) semaphore(%arg18 : memref<!tpu.dma_semaphore, #tpu.memory_space<semaphore_mem>>) {add = true}
        %dma_wait3A_378 = arith.constant 10 : i32
        %dma_wait3A_379 = arith.constant 0 : i32
        %dma_wait3A_380 = tpu.memref_slice %arg11[%dma_wait3A_378, %dma_wait3A_379] : memref<16x128xi32, #tpu.memory_space<vmem>> -> memref<1x128xi32, #tpu.memory_space<vmem>>
        %dma_wait3A_381 = tpu.memref_squeeze %dma_wait3A_380 : memref<1x128xi32, #tpu.memory_space<vmem>> -> memref<128xi32, #tpu.memory_space<vmem>>
        %dma_wait3A_382 = arith.constant 0 : i32
        %dma_wait3A_383 = arith.constant 0 : i32
        %dma_wait3A_384 = tpu.memref_slice %arg15[%dma_wait3A_382, %dma_wait3A_383] : memref<10240x128xf32, #tpu.memory_space<vmem_shared>> -> memref<10240x128xf32, #tpu.memory_space<vmem_shared>>
        tpu.wait_indirect_dma semaphore(%arg18 : memref<!tpu.dma_semaphore, #tpu.memory_space<semaphore_mem>>) src(%arg13 : memref<128x128xf32, #tpu.memory_space<vmem>>) dst(%dma_wait3A_384 : memref<10240x128xf32, #tpu.memory_space<vmem_shared>>)
        %dma_start3A_385 = arith.constant 12 : i32
        %dma_start3A_386 = arith.constant 0 : i32
        %dma_start3A_387 = tpu.memref_slice %arg9[%dma_start3A_385, %dma_start3A_386] : memref<16x128xi32, #tpu.memory_space<vmem>> -> memref<1x128xi32, #tpu.memory_space<vmem>>
        %dma_start3A_388 = tpu.memref_squeeze %dma_start3A_387 : memref<1x128xi32, #tpu.memory_space<vmem>> -> memref<128xi32, #tpu.memory_space<vmem>>
        %dma_start3A_389 = arith.constant 0 : i32
        %dma_start3A_390 = arith.constant 0 : i32
        %dma_start3A_391 = tpu.memref_slice %arg4[%dma_start3A_389, %dma_start3A_390] : memref<10000x128xf32, #tpu.memory_space<hbm>> -> memref<10000x128xf32, #tpu.memory_space<hbm>>
        tpu.enqueue_indirect_dma source(%dma_start3A_391 : memref<10000x128xf32, #tpu.memory_space<hbm>>) target(%arg13 : memref<128x128xf32, #tpu.memory_space<vmem>>) offsets(%dma_start3A_388 : memref<128xi32, #tpu.memory_space<vmem>>) semaphore(%arg16 : memref<!tpu.dma_semaphore, #tpu.memory_space<semaphore_mem>>)
        %dma_wait3A_392 = arith.constant 11 : i32
        %dma_wait3A_393 = arith.constant 0 : i32
        %dma_wait3A_394 = tpu.memref_slice %arg9[%dma_wait3A_392, %dma_wait3A_393] : memref<16x128xi32, #tpu.memory_space<vmem>> -> memref<1x128xi32, #tpu.memory_space<vmem>>
        %dma_wait3A_395 = tpu.memref_squeeze %dma_wait3A_394 : memref<1x128xi32, #tpu.memory_space<vmem>> -> memref<128xi32, #tpu.memory_space<vmem>>
        %dma_wait3A_396 = arith.constant 0 : i32
        %dma_wait3A_397 = arith.constant 0 : i32
        %dma_wait3A_398 = tpu.memref_slice %arg4[%dma_wait3A_396, %dma_wait3A_397] : memref<10000x128xf32, #tpu.memory_space<hbm>> -> memref<10000x128xf32, #tpu.memory_space<hbm>>
        tpu.wait_indirect_dma semaphore(%arg17 : memref<!tpu.dma_semaphore, #tpu.memory_space<semaphore_mem>>) src(%dma_wait3A_398 : memref<10000x128xf32, #tpu.memory_space<hbm>>) dst(%arg14 : memref<128x128xf32, #tpu.memory_space<vmem>>)
        %dma_start3A_399 = arith.constant 11 : i32
        %dma_start3A_400 = arith.constant 0 : i32
        %dma_start3A_401 = tpu.memref_slice %arg11[%dma_start3A_399, %dma_start3A_400] : memref<16x128xi32, #tpu.memory_space<vmem>> -> memref<1x128xi32, #tpu.memory_space<vmem>>
        %dma_start3A_402 = tpu.memref_squeeze %dma_start3A_401 : memref<1x128xi32, #tpu.memory_space<vmem>> -> memref<128xi32, #tpu.memory_space<vmem>>
        %dma_start3A_403 = arith.constant 0 : i32
        %dma_start3A_404 = arith.constant 0 : i32
        %dma_start3A_405 = tpu.memref_slice %arg15[%dma_start3A_403, %dma_start3A_404] : memref<10240x128xf32, #tpu.memory_space<vmem_shared>> -> memref<10240x128xf32, #tpu.memory_space<vmem_shared>>
        tpu.enqueue_indirect_dma source(%arg14 : memref<128x128xf32, #tpu.memory_space<vmem>>) target(%dma_start3A_405 : memref<10240x128xf32, #tpu.memory_space<vmem_shared>>) offsets(%dma_start3A_402 : memref<128xi32, #tpu.memory_space<vmem>>) semaphore(%arg19 : memref<!tpu.dma_semaphore, #tpu.memory_space<semaphore_mem>>) {add = true}
        %dma_wait3A_406 = arith.constant 11 : i32
        %dma_wait3A_407 = arith.constant 0 : i32
        %dma_wait3A_408 = tpu.memref_slice %arg11[%dma_wait3A_406, %dma_wait3A_407] : memref<16x128xi32, #tpu.memory_space<vmem>> -> memref<1x128xi32, #tpu.memory_space<vmem>>
        %dma_wait3A_409 = tpu.memref_squeeze %dma_wait3A_408 : memref<1x128xi32, #tpu.memory_space<vmem>> -> memref<128xi32, #tpu.memory_space<vmem>>
        %dma_wait3A_410 = arith.constant 0 : i32
        %dma_wait3A_411 = arith.constant 0 : i32
        %dma_wait3A_412 = tpu.memref_slice %arg15[%dma_wait3A_410, %dma_wait3A_411] : memref<10240x128xf32, #tpu.memory_space<vmem_shared>> -> memref<10240x128xf32, #tpu.memory_space<vmem_shared>>
        tpu.wait_indirect_dma semaphore(%arg19 : memref<!tpu.dma_semaphore, #tpu.memory_space<semaphore_mem>>) src(%arg14 : memref<128x128xf32, #tpu.memory_space<vmem>>) dst(%dma_wait3A_412 : memref<10240x128xf32, #tpu.memory_space<vmem_shared>>)
        %dma_start3A_413 = arith.constant 13 : i32
        %dma_start3A_414 = arith.constant 0 : i32
        %dma_start3A_415 = tpu.memref_slice %arg9[%dma_start3A_413, %dma_start3A_414] : memref<16x128xi32, #tpu.memory_space<vmem>> -> memref<1x128xi32, #tpu.memory_space<vmem>>
        %dma_start3A_416 = tpu.memref_squeeze %dma_start3A_415 : memref<1x128xi32, #tpu.memory_space<vmem>> -> memref<128xi32, #tpu.memory_space<vmem>>
        %dma_start3A_417 = arith.constant 0 : i32
        %dma_start3A_418 = arith.constant 0 : i32
        %dma_start3A_419 = tpu.memref_slice %arg4[%dma_start3A_417, %dma_start3A_418] : memref<10000x128xf32, #tpu.memory_space<hbm>> -> memref<10000x128xf32, #tpu.memory_space<hbm>>
        tpu.enqueue_indirect_dma source(%dma_start3A_419 : memref<10000x128xf32, #tpu.memory_space<hbm>>) target(%arg14 : memref<128x128xf32, #tpu.memory_space<vmem>>) offsets(%dma_start3A_416 : memref<128xi32, #tpu.memory_space<vmem>>) semaphore(%arg17 : memref<!tpu.dma_semaphore, #tpu.memory_space<semaphore_mem>>)
        %dma_wait3A_420 = arith.constant 12 : i32
        %dma_wait3A_421 = arith.constant 0 : i32
        %dma_wait3A_422 = tpu.memref_slice %arg9[%dma_wait3A_420, %dma_wait3A_421] : memref<16x128xi32, #tpu.memory_space<vmem>> -> memref<1x128xi32, #tpu.memory_space<vmem>>
        %dma_wait3A_423 = tpu.memref_squeeze %dma_wait3A_422 : memref<1x128xi32, #tpu.memory_space<vmem>> -> memref<128xi32, #tpu.memory_space<vmem>>
        %dma_wait3A_424 = arith.constant 0 : i32
        %dma_wait3A_425 = arith.constant 0 : i32
        %dma_wait3A_426 = tpu.memref_slice %arg4[%dma_wait3A_424, %dma_wait3A_425] : memref<10000x128xf32, #tpu.memory_space<hbm>> -> memref<10000x128xf32, #tpu.memory_space<hbm>>
        tpu.wait_indirect_dma semaphore(%arg16 : memref<!tpu.dma_semaphore, #tpu.memory_space<semaphore_mem>>) src(%dma_wait3A_426 : memref<10000x128xf32, #tpu.memory_space<hbm>>) dst(%arg13 : memref<128x128xf32, #tpu.memory_space<vmem>>)
        %dma_start3A_427 = arith.constant 12 : i32
        %dma_start3A_428 = arith.constant 0 : i32
        %dma_start3A_429 = tpu.memref_slice %arg11[%dma_start3A_427, %dma_start3A_428] : memref<16x128xi32, #tpu.memory_space<vmem>> -> memref<1x128xi32, #tpu.memory_space<vmem>>
        %dma_start3A_430 = tpu.memref_squeeze %dma_start3A_429 : memref<1x128xi32, #tpu.memory_space<vmem>> -> memref<128xi32, #tpu.memory_space<vmem>>
        %dma_start3A_431 = arith.constant 0 : i32
        %dma_start3A_432 = arith.constant 0 : i32
        %dma_start3A_433 = tpu.memref_slice %arg15[%dma_start3A_431, %dma_start3A_432] : memref<10240x128xf32, #tpu.memory_space<vmem_shared>> -> memref<10240x128xf32, #tpu.memory_space<vmem_shared>>
        tpu.enqueue_indirect_dma source(%arg13 : memref<128x128xf32, #tpu.memory_space<vmem>>) target(%dma_start3A_433 : memref<10240x128xf32, #tpu.memory_space<vmem_shared>>) offsets(%dma_start3A_430 : memref<128xi32, #tpu.memory_space<vmem>>) semaphore(%arg18 : memref<!tpu.dma_semaphore, #tpu.memory_space<semaphore_mem>>) {add = true}
        %dma_wait3A_434 = arith.constant 12 : i32
        %dma_wait3A_435 = arith.constant 0 : i32
        %dma_wait3A_436 = tpu.memref_slice %arg11[%dma_wait3A_434, %dma_wait3A_435] : memref<16x128xi32, #tpu.memory_space<vmem>> -> memref<1x128xi32, #tpu.memory_space<vmem>>
        %dma_wait3A_437 = tpu.memref_squeeze %dma_wait3A_436 : memref<1x128xi32, #tpu.memory_space<vmem>> -> memref<128xi32, #tpu.memory_space<vmem>>
        %dma_wait3A_438 = arith.constant 0 : i32
        %dma_wait3A_439 = arith.constant 0 : i32
        %dma_wait3A_440 = tpu.memref_slice %arg15[%dma_wait3A_438, %dma_wait3A_439] : memref<10240x128xf32, #tpu.memory_space<vmem_shared>> -> memref<10240x128xf32, #tpu.memory_space<vmem_shared>>
        tpu.wait_indirect_dma semaphore(%arg18 : memref<!tpu.dma_semaphore, #tpu.memory_space<semaphore_mem>>) src(%arg13 : memref<128x128xf32, #tpu.memory_space<vmem>>) dst(%dma_wait3A_440 : memref<10240x128xf32, #tpu.memory_space<vmem_shared>>)
        %dma_start3A_441 = arith.constant 14 : i32
        %dma_start3A_442 = arith.constant 0 : i32
        %dma_start3A_443 = tpu.memref_slice %arg9[%dma_start3A_441, %dma_start3A_442] : memref<16x128xi32, #tpu.memory_space<vmem>> -> memref<1x128xi32, #tpu.memory_space<vmem>>
        %dma_start3A_444 = tpu.memref_squeeze %dma_start3A_443 : memref<1x128xi32, #tpu.memory_space<vmem>> -> memref<128xi32, #tpu.memory_space<vmem>>
        %dma_start3A_445 = arith.constant 0 : i32
        %dma_start3A_446 = arith.constant 0 : i32
        %dma_start3A_447 = tpu.memref_slice %arg4[%dma_start3A_445, %dma_start3A_446] : memref<10000x128xf32, #tpu.memory_space<hbm>> -> memref<10000x128xf32, #tpu.memory_space<hbm>>
        tpu.enqueue_indirect_dma source(%dma_start3A_447 : memref<10000x128xf32, #tpu.memory_space<hbm>>) target(%arg13 : memref<128x128xf32, #tpu.memory_space<vmem>>) offsets(%dma_start3A_444 : memref<128xi32, #tpu.memory_space<vmem>>) semaphore(%arg16 : memref<!tpu.dma_semaphore, #tpu.memory_space<semaphore_mem>>)
        %dma_wait3A_448 = arith.constant 13 : i32
        %dma_wait3A_449 = arith.constant 0 : i32
        %dma_wait3A_450 = tpu.memref_slice %arg9[%dma_wait3A_448, %dma_wait3A_449] : memref<16x128xi32, #tpu.memory_space<vmem>> -> memref<1x128xi32, #tpu.memory_space<vmem>>
        %dma_wait3A_451 = tpu.memref_squeeze %dma_wait3A_450 : memref<1x128xi32, #tpu.memory_space<vmem>> -> memref<128xi32, #tpu.memory_space<vmem>>
        %dma_wait3A_452 = arith.constant 0 : i32
        %dma_wait3A_453 = arith.constant 0 : i32
        %dma_wait3A_454 = tpu.memref_slice %arg4[%dma_wait3A_452, %dma_wait3A_453] : memref<10000x128xf32, #tpu.memory_space<hbm>> -> memref<10000x128xf32, #tpu.memory_space<hbm>>
        tpu.wait_indirect_dma semaphore(%arg17 : memref<!tpu.dma_semaphore, #tpu.memory_space<semaphore_mem>>) src(%dma_wait3A_454 : memref<10000x128xf32, #tpu.memory_space<hbm>>) dst(%arg14 : memref<128x128xf32, #tpu.memory_space<vmem>>)
        %dma_start3A_455 = arith.constant 13 : i32
        %dma_start3A_456 = arith.constant 0 : i32
        %dma_start3A_457 = tpu.memref_slice %arg11[%dma_start3A_455, %dma_start3A_456] : memref<16x128xi32, #tpu.memory_space<vmem>> -> memref<1x128xi32, #tpu.memory_space<vmem>>
        %dma_start3A_458 = tpu.memref_squeeze %dma_start3A_457 : memref<1x128xi32, #tpu.memory_space<vmem>> -> memref<128xi32, #tpu.memory_space<vmem>>
        %dma_start3A_459 = arith.constant 0 : i32
        %dma_start3A_460 = arith.constant 0 : i32
        %dma_start3A_461 = tpu.memref_slice %arg15[%dma_start3A_459, %dma_start3A_460] : memref<10240x128xf32, #tpu.memory_space<vmem_shared>> -> memref<10240x128xf32, #tpu.memory_space<vmem_shared>>
        tpu.enqueue_indirect_dma source(%arg14 : memref<128x128xf32, #tpu.memory_space<vmem>>) target(%dma_start3A_461 : memref<10240x128xf32, #tpu.memory_space<vmem_shared>>) offsets(%dma_start3A_458 : memref<128xi32, #tpu.memory_space<vmem>>) semaphore(%arg19 : memref<!tpu.dma_semaphore, #tpu.memory_space<semaphore_mem>>) {add = true}
        %dma_wait3A_462 = arith.constant 13 : i32
        %dma_wait3A_463 = arith.constant 0 : i32
        %dma_wait3A_464 = tpu.memref_slice %arg11[%dma_wait3A_462, %dma_wait3A_463] : memref<16x128xi32, #tpu.memory_space<vmem>> -> memref<1x128xi32, #tpu.memory_space<vmem>>
        %dma_wait3A_465 = tpu.memref_squeeze %dma_wait3A_464 : memref<1x128xi32, #tpu.memory_space<vmem>> -> memref<128xi32, #tpu.memory_space<vmem>>
        %dma_wait3A_466 = arith.constant 0 : i32
        %dma_wait3A_467 = arith.constant 0 : i32
        %dma_wait3A_468 = tpu.memref_slice %arg15[%dma_wait3A_466, %dma_wait3A_467] : memref<10240x128xf32, #tpu.memory_space<vmem_shared>> -> memref<10240x128xf32, #tpu.memory_space<vmem_shared>>
        tpu.wait_indirect_dma semaphore(%arg19 : memref<!tpu.dma_semaphore, #tpu.memory_space<semaphore_mem>>) src(%arg14 : memref<128x128xf32, #tpu.memory_space<vmem>>) dst(%dma_wait3A_468 : memref<10240x128xf32, #tpu.memory_space<vmem_shared>>)
        %dma_start3A_469 = arith.constant 15 : i32
        %dma_start3A_470 = arith.constant 0 : i32
        %dma_start3A_471 = tpu.memref_slice %arg9[%dma_start3A_469, %dma_start3A_470] : memref<16x128xi32, #tpu.memory_space<vmem>> -> memref<1x128xi32, #tpu.memory_space<vmem>>
        %dma_start3A_472 = tpu.memref_squeeze %dma_start3A_471 : memref<1x128xi32, #tpu.memory_space<vmem>> -> memref<128xi32, #tpu.memory_space<vmem>>
        %dma_start3A_473 = arith.constant 0 : i32
        %dma_start3A_474 = arith.constant 0 : i32
        %dma_start3A_475 = tpu.memref_slice %arg4[%dma_start3A_473, %dma_start3A_474] : memref<10000x128xf32, #tpu.memory_space<hbm>> -> memref<10000x128xf32, #tpu.memory_space<hbm>>
        tpu.enqueue_indirect_dma source(%dma_start3A_475 : memref<10000x128xf32, #tpu.memory_space<hbm>>) target(%arg14 : memref<128x128xf32, #tpu.memory_space<vmem>>) offsets(%dma_start3A_472 : memref<128xi32, #tpu.memory_space<vmem>>) semaphore(%arg17 : memref<!tpu.dma_semaphore, #tpu.memory_space<semaphore_mem>>)
        %dma_wait3A_476 = arith.constant 14 : i32
        %dma_wait3A_477 = arith.constant 0 : i32
        %dma_wait3A_478 = tpu.memref_slice %arg9[%dma_wait3A_476, %dma_wait3A_477] : memref<16x128xi32, #tpu.memory_space<vmem>> -> memref<1x128xi32, #tpu.memory_space<vmem>>
        %dma_wait3A_479 = tpu.memref_squeeze %dma_wait3A_478 : memref<1x128xi32, #tpu.memory_space<vmem>> -> memref<128xi32, #tpu.memory_space<vmem>>
        %dma_wait3A_480 = arith.constant 0 : i32
        %dma_wait3A_481 = arith.constant 0 : i32
        %dma_wait3A_482 = tpu.memref_slice %arg4[%dma_wait3A_480, %dma_wait3A_481] : memref<10000x128xf32, #tpu.memory_space<hbm>> -> memref<10000x128xf32, #tpu.memory_space<hbm>>
        tpu.wait_indirect_dma semaphore(%arg16 : memref<!tpu.dma_semaphore, #tpu.memory_space<semaphore_mem>>) src(%dma_wait3A_482 : memref<10000x128xf32, #tpu.memory_space<hbm>>) dst(%arg13 : memref<128x128xf32, #tpu.memory_space<vmem>>)
        %dma_start3A_483 = arith.constant 14 : i32
        %dma_start3A_484 = arith.constant 0 : i32
        %dma_start3A_485 = tpu.memref_slice %arg11[%dma_start3A_483, %dma_start3A_484] : memref<16x128xi32, #tpu.memory_space<vmem>> -> memref<1x128xi32, #tpu.memory_space<vmem>>
        %dma_start3A_486 = tpu.memref_squeeze %dma_start3A_485 : memref<1x128xi32, #tpu.memory_space<vmem>> -> memref<128xi32, #tpu.memory_space<vmem>>
        %dma_start3A_487 = arith.constant 0 : i32
        %dma_start3A_488 = arith.constant 0 : i32
        %dma_start3A_489 = tpu.memref_slice %arg15[%dma_start3A_487, %dma_start3A_488] : memref<10240x128xf32, #tpu.memory_space<vmem_shared>> -> memref<10240x128xf32, #tpu.memory_space<vmem_shared>>
        tpu.enqueue_indirect_dma source(%arg13 : memref<128x128xf32, #tpu.memory_space<vmem>>) target(%dma_start3A_489 : memref<10240x128xf32, #tpu.memory_space<vmem_shared>>) offsets(%dma_start3A_486 : memref<128xi32, #tpu.memory_space<vmem>>) semaphore(%arg18 : memref<!tpu.dma_semaphore, #tpu.memory_space<semaphore_mem>>) {add = true}
        %dma_wait3A_490 = arith.constant 0 : i32
        %dma_wait3A_491 = tpu.memref_slice %arg2[%add3A_61, %dma_wait3A_490] : memref<77x128xi32, #tpu.memory_space<hbm>> -> memref<16x128xi32, #tpu.memory_space<hbm>>
        %dma_wait3A_492 = arith.constant 0 : i32
        %dma_wait3A_493 = tpu.memref_slice %arg2[%add3A_61, %dma_wait3A_492] : memref<77x128xi32, #tpu.memory_space<hbm>> -> memref<16x128xi32, #tpu.memory_space<hbm>>
        tpu.wait_dma2 semaphore(%arg21 : memref<!tpu.dma_semaphore, #tpu.memory_space<semaphore_mem>>) src(%dma_wait3A_493 : memref<16x128xi32, #tpu.memory_space<hbm>>) dst(%arg10 : memref<16x128xi32, #tpu.memory_space<vmem>>)
        %dma_wait3A_494 = arith.constant 0 : i32
        %dma_wait3A_495 = tpu.memref_slice %arg3[%add3A_61, %dma_wait3A_494] : memref<77x128xi32, #tpu.memory_space<hbm>> -> memref<16x128xi32, #tpu.memory_space<hbm>>
        %dma_wait3A_496 = arith.constant 0 : i32
        %dma_wait3A_497 = tpu.memref_slice %arg3[%add3A_61, %dma_wait3A_496] : memref<77x128xi32, #tpu.memory_space<hbm>> -> memref<16x128xi32, #tpu.memory_space<hbm>>
        tpu.wait_dma2 semaphore(%arg21 : memref<!tpu.dma_semaphore, #tpu.memory_space<semaphore_mem>>) src(%dma_wait3A_497 : memref<16x128xi32, #tpu.memory_space<hbm>>) dst(%arg12 : memref<16x128xi32, #tpu.memory_space<vmem>>)
        %dma_wait3A_498 = arith.constant 14 : i32
        %dma_wait3A_499 = arith.constant 0 : i32
        %dma_wait3A_500 = tpu.memref_slice %arg11[%dma_wait3A_498, %dma_wait3A_499] : memref<16x128xi32, #tpu.memory_space<vmem>> -> memref<1x128xi32, #tpu.memory_space<vmem>>
        %dma_wait3A_501 = tpu.memref_squeeze %dma_wait3A_500 : memref<1x128xi32, #tpu.memory_space<vmem>> -> memref<128xi32, #tpu.memory_space<vmem>>
        %dma_wait3A_502 = arith.constant 0 : i32
        %dma_wait3A_503 = arith.constant 0 : i32
        %dma_wait3A_504 = tpu.memref_slice %arg15[%dma_wait3A_502, %dma_wait3A_503] : memref<10240x128xf32, #tpu.memory_space<vmem_shared>> -> memref<10240x128xf32, #tpu.memory_space<vmem_shared>>
        tpu.wait_indirect_dma semaphore(%arg18 : memref<!tpu.dma_semaphore, #tpu.memory_space<semaphore_mem>>) src(%arg13 : memref<128x128xf32, #tpu.memory_space<vmem>>) dst(%dma_wait3A_504 : memref<10240x128xf32, #tpu.memory_space<vmem_shared>>)
        %dma_start3A_505 = arith.constant 0 : i32
        %dma_start3A_506 = arith.constant 0 : i32
        %dma_start3A_507 = tpu.memref_slice %arg10[%dma_start3A_505, %dma_start3A_506] : memref<16x128xi32, #tpu.memory_space<vmem>> -> memref<1x128xi32, #tpu.memory_space<vmem>>
        %dma_start3A_508 = tpu.memref_squeeze %dma_start3A_507 : memref<1x128xi32, #tpu.memory_space<vmem>> -> memref<128xi32, #tpu.memory_space<vmem>>
        %dma_start3A_509 = arith.constant 0 : i32
        %dma_start3A_510 = arith.constant 0 : i32
        %dma_start3A_511 = tpu.memref_slice %arg4[%dma_start3A_509, %dma_start3A_510] : memref<10000x128xf32, #tpu.memory_space<hbm>> -> memref<10000x128xf32, #tpu.memory_space<hbm>>
        tpu.enqueue_indirect_dma source(%dma_start3A_511 : memref<10000x128xf32, #tpu.memory_space<hbm>>) target(%arg13 : memref<128x128xf32, #tpu.memory_space<vmem>>) offsets(%dma_start3A_508 : memref<128xi32, #tpu.memory_space<vmem>>) semaphore(%arg16 : memref<!tpu.dma_semaphore, #tpu.memory_space<semaphore_mem>>)
        %dma_wait3A_512 = arith.constant 15 : i32
        %dma_wait3A_513 = arith.constant 0 : i32
        %dma_wait3A_514 = tpu.memref_slice %arg9[%dma_wait3A_512, %dma_wait3A_513] : memref<16x128xi32, #tpu.memory_space<vmem>> -> memref<1x128xi32, #tpu.memory_space<vmem>>
        %dma_wait3A_515 = tpu.memref_squeeze %dma_wait3A_514 : memref<1x128xi32, #tpu.memory_space<vmem>> -> memref<128xi32, #tpu.memory_space<vmem>>
        %dma_wait3A_516 = arith.constant 0 : i32
        %dma_wait3A_517 = arith.constant 0 : i32
        %dma_wait3A_518 = tpu.memref_slice %arg4[%dma_wait3A_516, %dma_wait3A_517] : memref<10000x128xf32, #tpu.memory_space<hbm>> -> memref<10000x128xf32, #tpu.memory_space<hbm>>
        tpu.wait_indirect_dma semaphore(%arg17 : memref<!tpu.dma_semaphore, #tpu.memory_space<semaphore_mem>>) src(%dma_wait3A_518 : memref<10000x128xf32, #tpu.memory_space<hbm>>) dst(%arg14 : memref<128x128xf32, #tpu.memory_space<vmem>>)
        %dma_start3A_519 = arith.constant 15 : i32
        %dma_start3A_520 = arith.constant 0 : i32
        %dma_start3A_521 = tpu.memref_slice %arg11[%dma_start3A_519, %dma_start3A_520] : memref<16x128xi32, #tpu.memory_space<vmem>> -> memref<1x128xi32, #tpu.memory_space<vmem>>
        %dma_start3A_522 = tpu.memref_squeeze %dma_start3A_521 : memref<1x128xi32, #tpu.memory_space<vmem>> -> memref<128xi32, #tpu.memory_space<vmem>>
        %dma_start3A_523 = arith.constant 0 : i32
        %dma_start3A_524 = arith.constant 0 : i32
        %dma_start3A_525 = tpu.memref_slice %arg15[%dma_start3A_523, %dma_start3A_524] : memref<10240x128xf32, #tpu.memory_space<vmem_shared>> -> memref<10240x128xf32, #tpu.memory_space<vmem_shared>>
        tpu.enqueue_indirect_dma source(%arg14 : memref<128x128xf32, #tpu.memory_space<vmem>>) target(%dma_start3A_525 : memref<10240x128xf32, #tpu.memory_space<vmem_shared>>) offsets(%dma_start3A_522 : memref<128xi32, #tpu.memory_space<vmem>>) semaphore(%arg19 : memref<!tpu.dma_semaphore, #tpu.memory_space<semaphore_mem>>) {add = true}
        %dma_wait3A_526 = arith.constant 15 : i32
        %dma_wait3A_527 = arith.constant 0 : i32
        %dma_wait3A_528 = tpu.memref_slice %arg11[%dma_wait3A_526, %dma_wait3A_527] : memref<16x128xi32, #tpu.memory_space<vmem>> -> memref<1x128xi32, #tpu.memory_space<vmem>>
        %dma_wait3A_529 = tpu.memref_squeeze %dma_wait3A_528 : memref<1x128xi32, #tpu.memory_space<vmem>> -> memref<128xi32, #tpu.memory_space<vmem>>
        %dma_wait3A_530 = arith.constant 0 : i32
        %dma_wait3A_531 = arith.constant 0 : i32
        %dma_wait3A_532 = tpu.memref_slice %arg15[%dma_wait3A_530, %dma_wait3A_531] : memref<10240x128xf32, #tpu.memory_space<vmem_shared>> -> memref<10240x128xf32, #tpu.memory_space<vmem_shared>>
        tpu.wait_indirect_dma semaphore(%arg19 : memref<!tpu.dma_semaphore, #tpu.memory_space<semaphore_mem>>) src(%arg14 : memref<128x128xf32, #tpu.memory_space<vmem>>) dst(%dma_wait3A_532 : memref<10240x128xf32, #tpu.memory_space<vmem_shared>>)
        %dma_start3A_533 = arith.constant 1 : i32
        %dma_start3A_534 = arith.constant 0 : i32
        %dma_start3A_535 = tpu.memref_slice %arg10[%dma_start3A_533, %dma_start3A_534] : memref<16x128xi32, #tpu.memory_space<vmem>> -> memref<1x128xi32, #tpu.memory_space<vmem>>
        %dma_start3A_536 = tpu.memref_squeeze %dma_start3A_535 : memref<1x128xi32, #tpu.memory_space<vmem>> -> memref<128xi32, #tpu.memory_space<vmem>>
        %dma_start3A_537 = arith.constant 0 : i32
        %dma_start3A_538 = arith.constant 0 : i32
        %dma_start3A_539 = tpu.memref_slice %arg4[%dma_start3A_537, %dma_start3A_538] : memref<10000x128xf32, #tpu.memory_space<hbm>> -> memref<10000x128xf32, #tpu.memory_space<hbm>>
        tpu.enqueue_indirect_dma source(%dma_start3A_539 : memref<10000x128xf32, #tpu.memory_space<hbm>>) target(%arg14 : memref<128x128xf32, #tpu.memory_space<vmem>>) offsets(%dma_start3A_536 : memref<128xi32, #tpu.memory_space<vmem>>) semaphore(%arg17 : memref<!tpu.dma_semaphore, #tpu.memory_space<semaphore_mem>>)
        %dma_wait3A_540 = arith.constant 0 : i32
        %dma_wait3A_541 = arith.constant 0 : i32
        %dma_wait3A_542 = tpu.memref_slice %arg10[%dma_wait3A_540, %dma_wait3A_541] : memref<16x128xi32, #tpu.memory_space<vmem>> -> memref<1x128xi32, #tpu.memory_space<vmem>>
        %dma_wait3A_543 = tpu.memref_squeeze %dma_wait3A_542 : memref<1x128xi32, #tpu.memory_space<vmem>> -> memref<128xi32, #tpu.memory_space<vmem>>
        %dma_wait3A_544 = arith.constant 0 : i32
        %dma_wait3A_545 = arith.constant 0 : i32
        %dma_wait3A_546 = tpu.memref_slice %arg4[%dma_wait3A_544, %dma_wait3A_545] : memref<10000x128xf32, #tpu.memory_space<hbm>> -> memref<10000x128xf32, #tpu.memory_space<hbm>>
        tpu.wait_indirect_dma semaphore(%arg16 : memref<!tpu.dma_semaphore, #tpu.memory_space<semaphore_mem>>) src(%dma_wait3A_546 : memref<10000x128xf32, #tpu.memory_space<hbm>>) dst(%arg13 : memref<128x128xf32, #tpu.memory_space<vmem>>)
        %dma_start3A_547 = arith.constant 0 : i32
        %dma_start3A_548 = arith.constant 0 : i32
        %dma_start3A_549 = tpu.memref_slice %arg12[%dma_start3A_547, %dma_start3A_548] : memref<16x128xi32, #tpu.memory_space<vmem>> -> memref<1x128xi32, #tpu.memory_space<vmem>>
        %dma_start3A_550 = tpu.memref_squeeze %dma_start3A_549 : memref<1x128xi32, #tpu.memory_space<vmem>> -> memref<128xi32, #tpu.memory_space<vmem>>
        %dma_start3A_551 = arith.constant 0 : i32
        %dma_start3A_552 = arith.constant 0 : i32
        %dma_start3A_553 = tpu.memref_slice %arg15[%dma_start3A_551, %dma_start3A_552] : memref<10240x128xf32, #tpu.memory_space<vmem_shared>> -> memref<10240x128xf32, #tpu.memory_space<vmem_shared>>
        tpu.enqueue_indirect_dma source(%arg13 : memref<128x128xf32, #tpu.memory_space<vmem>>) target(%dma_start3A_553 : memref<10240x128xf32, #tpu.memory_space<vmem_shared>>) offsets(%dma_start3A_550 : memref<128xi32, #tpu.memory_space<vmem>>) semaphore(%arg18 : memref<!tpu.dma_semaphore, #tpu.memory_space<semaphore_mem>>) {add = true}
        %dma_wait3A_554 = arith.constant 0 : i32
        %dma_wait3A_555 = arith.constant 0 : i32
        %dma_wait3A_556 = tpu.memref_slice %arg12[%dma_wait3A_554, %dma_wait3A_555] : memref<16x128xi32, #tpu.memory_space<vmem>> -> memref<1x128xi32, #tpu.memory_space<vmem>>
        %dma_wait3A_557 = tpu.memref_squeeze %dma_wait3A_556 : memref<1x128xi32, #tpu.memory_space<vmem>> -> memref<128xi32, #tpu.memory_space<vmem>>
        %dma_wait3A_558 = arith.constant 0 : i32
        %dma_wait3A_559 = arith.constant 0 : i32
        %dma_wait3A_560 = tpu.memref_slice %arg15[%dma_wait3A_558, %dma_wait3A_559] : memref<10240x128xf32, #tpu.memory_space<vmem_shared>> -> memref<10240x128xf32, #tpu.memory_space<vmem_shared>>
        tpu.wait_indirect_dma semaphore(%arg18 : memref<!tpu.dma_semaphore, #tpu.memory_space<semaphore_mem>>) src(%arg13 : memref<128x128xf32, #tpu.memory_space<vmem>>) dst(%dma_wait3A_560 : memref<10240x128xf32, #tpu.memory_space<vmem_shared>>)
        %dma_start3A_561 = arith.constant 2 : i32
        %dma_start3A_562 = arith.constant 0 : i32
        %dma_start3A_563 = tpu.memref_slice %arg10[%dma_start3A_561, %dma_start3A_562] : memref<16x128xi32, #tpu.memory_space<vmem>> -> memref<1x128xi32, #tpu.memory_space<vmem>>
        %dma_start3A_564 = tpu.memref_squeeze %dma_start3A_563 : memref<1x128xi32, #tpu.memory_space<vmem>> -> memref<128xi32, #tpu.memory_space<vmem>>
        %dma_start3A_565 = arith.constant 0 : i32
        %dma_start3A_566 = arith.constant 0 : i32
        %dma_start3A_567 = tpu.memref_slice %arg4[%dma_start3A_565, %dma_start3A_566] : memref<10000x128xf32, #tpu.memory_space<hbm>> -> memref<10000x128xf32, #tpu.memory_space<hbm>>
        tpu.enqueue_indirect_dma source(%dma_start3A_567 : memref<10000x128xf32, #tpu.memory_space<hbm>>) target(%arg13 : memref<128x128xf32, #tpu.memory_space<vmem>>) offsets(%dma_start3A_564 : memref<128xi32, #tpu.memory_space<vmem>>) semaphore(%arg16 : memref<!tpu.dma_semaphore, #tpu.memory_space<semaphore_mem>>)
        %dma_wait3A_568 = arith.constant 1 : i32
        %dma_wait3A_569 = arith.constant 0 : i32
        %dma_wait3A_570 = tpu.memref_slice %arg10[%dma_wait3A_568, %dma_wait3A_569] : memref<16x128xi32, #tpu.memory_space<vmem>> -> memref<1x128xi32, #tpu.memory_space<vmem>>
        %dma_wait3A_571 = tpu.memref_squeeze %dma_wait3A_570 : memref<1x128xi32, #tpu.memory_space<vmem>> -> memref<128xi32, #tpu.memory_space<vmem>>
        %dma_wait3A_572 = arith.constant 0 : i32
        %dma_wait3A_573 = arith.constant 0 : i32
        %dma_wait3A_574 = tpu.memref_slice %arg4[%dma_wait3A_572, %dma_wait3A_573] : memref<10000x128xf32, #tpu.memory_space<hbm>> -> memref<10000x128xf32, #tpu.memory_space<hbm>>
        tpu.wait_indirect_dma semaphore(%arg17 : memref<!tpu.dma_semaphore, #tpu.memory_space<semaphore_mem>>) src(%dma_wait3A_574 : memref<10000x128xf32, #tpu.memory_space<hbm>>) dst(%arg14 : memref<128x128xf32, #tpu.memory_space<vmem>>)
        %dma_start3A_575 = arith.constant 1 : i32
        %dma_start3A_576 = arith.constant 0 : i32
        %dma_start3A_577 = tpu.memref_slice %arg12[%dma_start3A_575, %dma_start3A_576] : memref<16x128xi32, #tpu.memory_space<vmem>> -> memref<1x128xi32, #tpu.memory_space<vmem>>
        %dma_start3A_578 = tpu.memref_squeeze %dma_start3A_577 : memref<1x128xi32, #tpu.memory_space<vmem>> -> memref<128xi32, #tpu.memory_space<vmem>>
        %dma_start3A_579 = arith.constant 0 : i32
        %dma_start3A_580 = arith.constant 0 : i32
        %dma_start3A_581 = tpu.memref_slice %arg15[%dma_start3A_579, %dma_start3A_580] : memref<10240x128xf32, #tpu.memory_space<vmem_shared>> -> memref<10240x128xf32, #tpu.memory_space<vmem_shared>>
        tpu.enqueue_indirect_dma source(%arg14 : memref<128x128xf32, #tpu.memory_space<vmem>>) target(%dma_start3A_581 : memref<10240x128xf32, #tpu.memory_space<vmem_shared>>) offsets(%dma_start3A_578 : memref<128xi32, #tpu.memory_space<vmem>>) semaphore(%arg19 : memref<!tpu.dma_semaphore, #tpu.memory_space<semaphore_mem>>) {add = true}
        %add3A_582 = arith.constant 2 : i32
        %add3A_583 = arith.addi %mul3A_41, %add3A_582 : i32
        %mul3A_584 = arith.constant 160 : i32
        %mul3A_585 = arith.muli %arg1, %mul3A_584 : i32
        %mul3A_586 = arith.constant 16 : i32
        %mul3A_587 = arith.muli %add3A_583, %mul3A_586 : i32
        %add3A_588 = arith.addi %mul3A_585, %mul3A_587 : i32
        %dma_start3A_589 = arith.constant 0 : i32
        %dma_start3A_590 = tpu.memref_slice %arg2[%add3A_588, %dma_start3A_589] : memref<77x128xi32, #tpu.memory_space<hbm>> -> memref<16x128xi32, #tpu.memory_space<hbm>>
        %dma_start3A_591 = arith.constant 0 : i32
        %dma_start3A_592 = tpu.memref_slice %arg2[%add3A_588, %dma_start3A_591] : memref<77x128xi32, #tpu.memory_space<hbm>> -> memref<16x128xi32, #tpu.memory_space<hbm>>
        tpu.enqueue_dma source(%dma_start3A_592 : memref<16x128xi32, #tpu.memory_space<hbm>>) target(%arg9 : memref<16x128xi32, #tpu.memory_space<vmem>>) target_semaphore(%arg20 : memref<!tpu.dma_semaphore, #tpu.memory_space<semaphore_mem>>)
        %dma_start3A_593 = arith.constant 0 : i32
        %dma_start3A_594 = tpu.memref_slice %arg3[%add3A_588, %dma_start3A_593] : memref<77x128xi32, #tpu.memory_space<hbm>> -> memref<16x128xi32, #tpu.memory_space<hbm>>
        %dma_start3A_595 = arith.constant 0 : i32
        %dma_start3A_596 = tpu.memref_slice %arg3[%add3A_588, %dma_start3A_595] : memref<77x128xi32, #tpu.memory_space<hbm>> -> memref<16x128xi32, #tpu.memory_space<hbm>>
        tpu.enqueue_dma source(%dma_start3A_596 : memref<16x128xi32, #tpu.memory_space<hbm>>) target(%arg11 : memref<16x128xi32, #tpu.memory_space<vmem>>) target_semaphore(%arg20 : memref<!tpu.dma_semaphore, #tpu.memory_space<semaphore_mem>>)
        %dma_wait3A_597 = arith.constant 1 : i32
        %dma_wait3A_598 = arith.constant 0 : i32
        %dma_wait3A_599 = tpu.memref_slice %arg12[%dma_wait3A_597, %dma_wait3A_598] : memref<16x128xi32, #tpu.memory_space<vmem>> -> memref<1x128xi32, #tpu.memory_space<vmem>>
        %dma_wait3A_600 = tpu.memref_squeeze %dma_wait3A_599 : memref<1x128xi32, #tpu.memory_space<vmem>> -> memref<128xi32, #tpu.memory_space<vmem>>
        %dma_wait3A_601 = arith.constant 0 : i32
        %dma_wait3A_602 = arith.constant 0 : i32
        %dma_wait3A_603 = tpu.memref_slice %arg15[%dma_wait3A_601, %dma_wait3A_602] : memref<10240x128xf32, #tpu.memory_space<vmem_shared>> -> memref<10240x128xf32, #tpu.memory_space<vmem_shared>>
        tpu.wait_indirect_dma semaphore(%arg19 : memref<!tpu.dma_semaphore, #tpu.memory_space<semaphore_mem>>) src(%arg14 : memref<128x128xf32, #tpu.memory_space<vmem>>) dst(%dma_wait3A_603 : memref<10240x128xf32, #tpu.memory_space<vmem_shared>>)
        %dma_start3A_604 = arith.constant 3 : i32
        %dma_start3A_605 = arith.constant 0 : i32
        %dma_start3A_606 = tpu.memref_slice %arg10[%dma_start3A_604, %dma_start3A_605] : memref<16x128xi32, #tpu.memory_space<vmem>> -> memref<1x128xi32, #tpu.memory_space<vmem>>
        %dma_start3A_607 = tpu.memref_squeeze %dma_start3A_606 : memref<1x128xi32, #tpu.memory_space<vmem>> -> memref<128xi32, #tpu.memory_space<vmem>>
        %dma_start3A_608 = arith.constant 0 : i32
        %dma_start3A_609 = arith.constant 0 : i32
        %dma_start3A_610 = tpu.memref_slice %arg4[%dma_start3A_608, %dma_start3A_609] : memref<10000x128xf32, #tpu.memory_space<hbm>> -> memref<10000x128xf32, #tpu.memory_space<hbm>>
        tpu.enqueue_indirect_dma source(%dma_start3A_610 : memref<10000x128xf32, #tpu.memory_space<hbm>>) target(%arg14 : memref<128x128xf32, #tpu.memory_space<vmem>>) offsets(%dma_start3A_607 : memref<128xi32, #tpu.memory_space<vmem>>) semaphore(%arg17 : memref<!tpu.dma_semaphore, #tpu.memory_space<semaphore_mem>>)
        %dma_wait3A_611 = arith.constant 2 : i32
        %dma_wait3A_612 = arith.constant 0 : i32
        %dma_wait3A_613 = tpu.memref_slice %arg10[%dma_wait3A_611, %dma_wait3A_612] : memref<16x128xi32, #tpu.memory_space<vmem>> -> memref<1x128xi32, #tpu.memory_space<vmem>>
        %dma_wait3A_614 = tpu.memref_squeeze %dma_wait3A_613 : memref<1x128xi32, #tpu.memory_space<vmem>> -> memref<128xi32, #tpu.memory_space<vmem>>
        %dma_wait3A_615 = arith.constant 0 : i32
        %dma_wait3A_616 = arith.constant 0 : i32
        %dma_wait3A_617 = tpu.memref_slice %arg4[%dma_wait3A_615, %dma_wait3A_616] : memref<10000x128xf32, #tpu.memory_space<hbm>> -> memref<10000x128xf32, #tpu.memory_space<hbm>>
        tpu.wait_indirect_dma semaphore(%arg16 : memref<!tpu.dma_semaphore, #tpu.memory_space<semaphore_mem>>) src(%dma_wait3A_617 : memref<10000x128xf32, #tpu.memory_space<hbm>>) dst(%arg13 : memref<128x128xf32, #tpu.memory_space<vmem>>)
        %dma_start3A_618 = arith.constant 2 : i32
        %dma_start3A_619 = arith.constant 0 : i32
        %dma_start3A_620 = tpu.memref_slice %arg12[%dma_start3A_618, %dma_start3A_619] : memref<16x128xi32, #tpu.memory_space<vmem>> -> memref<1x128xi32, #tpu.memory_space<vmem>>
        %dma_start3A_621 = tpu.memref_squeeze %dma_start3A_620 : memref<1x128xi32, #tpu.memory_space<vmem>> -> memref<128xi32, #tpu.memory_space<vmem>>
        %dma_start3A_622 = arith.constant 0 : i32
        %dma_start3A_623 = arith.constant 0 : i32
        %dma_start3A_624 = tpu.memref_slice %arg15[%dma_start3A_622, %dma_start3A_623] : memref<10240x128xf32, #tpu.memory_space<vmem_shared>> -> memref<10240x128xf32, #tpu.memory_space<vmem_shared>>
        tpu.enqueue_indirect_dma source(%arg13 : memref<128x128xf32, #tpu.memory_space<vmem>>) target(%dma_start3A_624 : memref<10240x128xf32, #tpu.memory_space<vmem_shared>>) offsets(%dma_start3A_621 : memref<128xi32, #tpu.memory_space<vmem>>) semaphore(%arg18 : memref<!tpu.dma_semaphore, #tpu.memory_space<semaphore_mem>>) {add = true}
        %dma_wait3A_625 = arith.constant 2 : i32
        %dma_wait3A_626 = arith.constant 0 : i32
        %dma_wait3A_627 = tpu.memref_slice %arg12[%dma_wait3A_625, %dma_wait3A_626] : memref<16x128xi32, #tpu.memory_space<vmem>> -> memref<1x128xi32, #tpu.memory_space<vmem>>
        %dma_wait3A_628 = tpu.memref_squeeze %dma_wait3A_627 : memref<1x128xi32, #tpu.memory_space<vmem>> -> memref<128xi32, #tpu.memory_space<vmem>>
        %dma_wait3A_629 = arith.constant 0 : i32
        %dma_wait3A_630 = arith.constant 0 : i32
        %dma_wait3A_631 = tpu.memref_slice %arg15[%dma_wait3A_629, %dma_wait3A_630] : memref<10240x128xf32, #tpu.memory_space<vmem_shared>> -> memref<10240x128xf32, #tpu.memory_space<vmem_shared>>
        tpu.wait_indirect_dma semaphore(%arg18 : memref<!tpu.dma_semaphore, #tpu.memory_space<semaphore_mem>>) src(%arg13 : memref<128x128xf32, #tpu.memory_space<vmem>>) dst(%dma_wait3A_631 : memref<10240x128xf32, #tpu.memory_space<vmem_shared>>)
        %dma_start3A_632 = arith.constant 4 : i32
        %dma_start3A_633 = arith.constant 0 : i32
        %dma_start3A_634 = tpu.memref_slice %arg10[%dma_start3A_632, %dma_start3A_633] : memref<16x128xi32, #tpu.memory_space<vmem>> -> memref<1x128xi32, #tpu.memory_space<vmem>>
        %dma_start3A_635 = tpu.memref_squeeze %dma_start3A_634 : memref<1x128xi32, #tpu.memory_space<vmem>> -> memref<128xi32, #tpu.memory_space<vmem>>
        %dma_start3A_636 = arith.constant 0 : i32
        %dma_start3A_637 = arith.constant 0 : i32
        %dma_start3A_638 = tpu.memref_slice %arg4[%dma_start3A_636, %dma_start3A_637] : memref<10000x128xf32, #tpu.memory_space<hbm>> -> memref<10000x128xf32, #tpu.memory_space<hbm>>
        tpu.enqueue_indirect_dma source(%dma_start3A_638 : memref<10000x128xf32, #tpu.memory_space<hbm>>) target(%arg13 : memref<128x128xf32, #tpu.memory_space<vmem>>) offsets(%dma_start3A_635 : memref<128xi32, #tpu.memory_space<vmem>>) semaphore(%arg16 : memref<!tpu.dma_semaphore, #tpu.memory_space<semaphore_mem>>)
        %dma_wait3A_639 = arith.constant 3 : i32
        %dma_wait3A_640 = arith.constant 0 : i32
        %dma_wait3A_641 = tpu.memref_slice %arg10[%dma_wait3A_639, %dma_wait3A_640] : memref<16x128xi32, #tpu.memory_space<vmem>> -> memref<1x128xi32, #tpu.memory_space<vmem>>
        %dma_wait3A_642 = tpu.memref_squeeze %dma_wait3A_641 : memref<1x128xi32, #tpu.memory_space<vmem>> -> memref<128xi32, #tpu.memory_space<vmem>>
        %dma_wait3A_643 = arith.constant 0 : i32
        %dma_wait3A_644 = arith.constant 0 : i32
        %dma_wait3A_645 = tpu.memref_slice %arg4[%dma_wait3A_643, %dma_wait3A_644] : memref<10000x128xf32, #tpu.memory_space<hbm>> -> memref<10000x128xf32, #tpu.memory_space<hbm>>
        tpu.wait_indirect_dma semaphore(%arg17 : memref<!tpu.dma_semaphore, #tpu.memory_space<semaphore_mem>>) src(%dma_wait3A_645 : memref<10000x128xf32, #tpu.memory_space<hbm>>) dst(%arg14 : memref<128x128xf32, #tpu.memory_space<vmem>>)
        %dma_start3A_646 = arith.constant 3 : i32
        %dma_start3A_647 = arith.constant 0 : i32
        %dma_start3A_648 = tpu.memref_slice %arg12[%dma_start3A_646, %dma_start3A_647] : memref<16x128xi32, #tpu.memory_space<vmem>> -> memref<1x128xi32, #tpu.memory_space<vmem>>
        %dma_start3A_649 = tpu.memref_squeeze %dma_start3A_648 : memref<1x128xi32, #tpu.memory_space<vmem>> -> memref<128xi32, #tpu.memory_space<vmem>>
        %dma_start3A_650 = arith.constant 0 : i32
        %dma_start3A_651 = arith.constant 0 : i32
        %dma_start3A_652 = tpu.memref_slice %arg15[%dma_start3A_650, %dma_start3A_651] : memref<10240x128xf32, #tpu.memory_space<vmem_shared>> -> memref<10240x128xf32, #tpu.memory_space<vmem_shared>>
        tpu.enqueue_indirect_dma source(%arg14 : memref<128x128xf32, #tpu.memory_space<vmem>>) target(%dma_start3A_652 : memref<10240x128xf32, #tpu.memory_space<vmem_shared>>) offsets(%dma_start3A_649 : memref<128xi32, #tpu.memory_space<vmem>>) semaphore(%arg19 : memref<!tpu.dma_semaphore, #tpu.memory_space<semaphore_mem>>) {add = true}
        %dma_wait3A_653 = arith.constant 3 : i32
        %dma_wait3A_654 = arith.constant 0 : i32
        %dma_wait3A_655 = tpu.memref_slice %arg12[%dma_wait3A_653, %dma_wait3A_654] : memref<16x128xi32, #tpu.memory_space<vmem>> -> memref<1x128xi32, #tpu.memory_space<vmem>>
        %dma_wait3A_656 = tpu.memref_squeeze %dma_wait3A_655 : memref<1x128xi32, #tpu.memory_space<vmem>> -> memref<128xi32, #tpu.memory_space<vmem>>
        %dma_wait3A_657 = arith.constant 0 : i32
        %dma_wait3A_658 = arith.constant 0 : i32
        %dma_wait3A_659 = tpu.memref_slice %arg15[%dma_wait3A_657, %dma_wait3A_658] : memref<10240x128xf32, #tpu.memory_space<vmem_shared>> -> memref<10240x128xf32, #tpu.memory_space<vmem_shared>>
        tpu.wait_indirect_dma semaphore(%arg19 : memref<!tpu.dma_semaphore, #tpu.memory_space<semaphore_mem>>) src(%arg14 : memref<128x128xf32, #tpu.memory_space<vmem>>) dst(%dma_wait3A_659 : memref<10240x128xf32, #tpu.memory_space<vmem_shared>>)
        %dma_start3A_660 = arith.constant 5 : i32
        %dma_start3A_661 = arith.constant 0 : i32
        %dma_start3A_662 = tpu.memref_slice %arg10[%dma_start3A_660, %dma_start3A_661] : memref<16x128xi32, #tpu.memory_space<vmem>> -> memref<1x128xi32, #tpu.memory_space<vmem>>
        %dma_start3A_663 = tpu.memref_squeeze %dma_start3A_662 : memref<1x128xi32, #tpu.memory_space<vmem>> -> memref<128xi32, #tpu.memory_space<vmem>>
        %dma_start3A_664 = arith.constant 0 : i32
        %dma_start3A_665 = arith.constant 0 : i32
        %dma_start3A_666 = tpu.memref_slice %arg4[%dma_start3A_664, %dma_start3A_665] : memref<10000x128xf32, #tpu.memory_space<hbm>> -> memref<10000x128xf32, #tpu.memory_space<hbm>>
        tpu.enqueue_indirect_dma source(%dma_start3A_666 : memref<10000x128xf32, #tpu.memory_space<hbm>>) target(%arg14 : memref<128x128xf32, #tpu.memory_space<vmem>>) offsets(%dma_start3A_663 : memref<128xi32, #tpu.memory_space<vmem>>) semaphore(%arg17 : memref<!tpu.dma_semaphore, #tpu.memory_space<semaphore_mem>>)
        %dma_wait3A_667 = arith.constant 4 : i32
        %dma_wait3A_668 = arith.constant 0 : i32
        %dma_wait3A_669 = tpu.memref_slice %arg10[%dma_wait3A_667, %dma_wait3A_668] : memref<16x128xi32, #tpu.memory_space<vmem>> -> memref<1x128xi32, #tpu.memory_space<vmem>>
        %dma_wait3A_670 = tpu.memref_squeeze %dma_wait3A_669 : memref<1x128xi32, #tpu.memory_space<vmem>> -> memref<128xi32, #tpu.memory_space<vmem>>
        %dma_wait3A_671 = arith.constant 0 : i32
        %dma_wait3A_672 = arith.constant 0 : i32
        %dma_wait3A_673 = tpu.memref_slice %arg4[%dma_wait3A_671, %dma_wait3A_672] : memref<10000x128xf32, #tpu.memory_space<hbm>> -> memref<10000x128xf32, #tpu.memory_space<hbm>>
        tpu.wait_indirect_dma semaphore(%arg16 : memref<!tpu.dma_semaphore, #tpu.memory_space<semaphore_mem>>) src(%dma_wait3A_673 : memref<10000x128xf32, #tpu.memory_space<hbm>>) dst(%arg13 : memref<128x128xf32, #tpu.memory_space<vmem>>)
        %dma_start3A_674 = arith.constant 4 : i32
        %dma_start3A_675 = arith.constant 0 : i32
        %dma_start3A_676 = tpu.memref_slice %arg12[%dma_start3A_674, %dma_start3A_675] : memref<16x128xi32, #tpu.memory_space<vmem>> -> memref<1x128xi32, #tpu.memory_space<vmem>>
        %dma_start3A_677 = tpu.memref_squeeze %dma_start3A_676 : memref<1x128xi32, #tpu.memory_space<vmem>> -> memref<128xi32, #tpu.memory_space<vmem>>
        %dma_start3A_678 = arith.constant 0 : i32
        %dma_start3A_679 = arith.constant 0 : i32
        %dma_start3A_680 = tpu.memref_slice %arg15[%dma_start3A_678, %dma_start3A_679] : memref<10240x128xf32, #tpu.memory_space<vmem_shared>> -> memref<10240x128xf32, #tpu.memory_space<vmem_shared>>
        tpu.enqueue_indirect_dma source(%arg13 : memref<128x128xf32, #tpu.memory_space<vmem>>) target(%dma_start3A_680 : memref<10240x128xf32, #tpu.memory_space<vmem_shared>>) offsets(%dma_start3A_677 : memref<128xi32, #tpu.memory_space<vmem>>) semaphore(%arg18 : memref<!tpu.dma_semaphore, #tpu.memory_space<semaphore_mem>>) {add = true}
        %dma_wait3A_681 = arith.constant 4 : i32
        %dma_wait3A_682 = arith.constant 0 : i32
        %dma_wait3A_683 = tpu.memref_slice %arg12[%dma_wait3A_681, %dma_wait3A_682] : memref<16x128xi32, #tpu.memory_space<vmem>> -> memref<1x128xi32, #tpu.memory_space<vmem>>
        %dma_wait3A_684 = tpu.memref_squeeze %dma_wait3A_683 : memref<1x128xi32, #tpu.memory_space<vmem>> -> memref<128xi32, #tpu.memory_space<vmem>>
        %dma_wait3A_685 = arith.constant 0 : i32
        %dma_wait3A_686 = arith.constant 0 : i32
        %dma_wait3A_687 = tpu.memref_slice %arg15[%dma_wait3A_685, %dma_wait3A_686] : memref<10240x128xf32, #tpu.memory_space<vmem_shared>> -> memref<10240x128xf32, #tpu.memory_space<vmem_shared>>
        tpu.wait_indirect_dma semaphore(%arg18 : memref<!tpu.dma_semaphore, #tpu.memory_space<semaphore_mem>>) src(%arg13 : memref<128x128xf32, #tpu.memory_space<vmem>>) dst(%dma_wait3A_687 : memref<10240x128xf32, #tpu.memory_space<vmem_shared>>)
        %dma_start3A_688 = arith.constant 6 : i32
        %dma_start3A_689 = arith.constant 0 : i32
        %dma_start3A_690 = tpu.memref_slice %arg10[%dma_start3A_688, %dma_start3A_689] : memref<16x128xi32, #tpu.memory_space<vmem>> -> memref<1x128xi32, #tpu.memory_space<vmem>>
        %dma_start3A_691 = tpu.memref_squeeze %dma_start3A_690 : memref<1x128xi32, #tpu.memory_space<vmem>> -> memref<128xi32, #tpu.memory_space<vmem>>
        %dma_start3A_692 = arith.constant 0 : i32
        %dma_start3A_693 = arith.constant 0 : i32
        %dma_start3A_694 = tpu.memref_slice %arg4[%dma_start3A_692, %dma_start3A_693] : memref<10000x128xf32, #tpu.memory_space<hbm>> -> memref<10000x128xf32, #tpu.memory_space<hbm>>
        tpu.enqueue_indirect_dma source(%dma_start3A_694 : memref<10000x128xf32, #tpu.memory_space<hbm>>) target(%arg13 : memref<128x128xf32, #tpu.memory_space<vmem>>) offsets(%dma_start3A_691 : memref<128xi32, #tpu.memory_space<vmem>>) semaphore(%arg16 : memref<!tpu.dma_semaphore, #tpu.memory_space<semaphore_mem>>)
        %dma_wait3A_695 = arith.constant 5 : i32
        %dma_wait3A_696 = arith.constant 0 : i32
        %dma_wait3A_697 = tpu.memref_slice %arg10[%dma_wait3A_695, %dma_wait3A_696] : memref<16x128xi32, #tpu.memory_space<vmem>> -> memref<1x128xi32, #tpu.memory_space<vmem>>
        %dma_wait3A_698 = tpu.memref_squeeze %dma_wait3A_697 : memref<1x128xi32, #tpu.memory_space<vmem>> -> memref<128xi32, #tpu.memory_space<vmem>>
        %dma_wait3A_699 = arith.constant 0 : i32
        %dma_wait3A_700 = arith.constant 0 : i32
        %dma_wait3A_701 = tpu.memref_slice %arg4[%dma_wait3A_699, %dma_wait3A_700] : memref<10000x128xf32, #tpu.memory_space<hbm>> -> memref<10000x128xf32, #tpu.memory_space<hbm>>
        tpu.wait_indirect_dma semaphore(%arg17 : memref<!tpu.dma_semaphore, #tpu.memory_space<semaphore_mem>>) src(%dma_wait3A_701 : memref<10000x128xf32, #tpu.memory_space<hbm>>) dst(%arg14 : memref<128x128xf32, #tpu.memory_space<vmem>>)
        %dma_start3A_702 = arith.constant 5 : i32
        %dma_start3A_703 = arith.constant 0 : i32
        %dma_start3A_704 = tpu.memref_slice %arg12[%dma_start3A_702, %dma_start3A_703] : memref<16x128xi32, #tpu.memory_space<vmem>> -> memref<1x128xi32, #tpu.memory_space<vmem>>
        %dma_start3A_705 = tpu.memref_squeeze %dma_start3A_704 : memref<1x128xi32, #tpu.memory_space<vmem>> -> memref<128xi32, #tpu.memory_space<vmem>>
        %dma_start3A_706 = arith.constant 0 : i32
        %dma_start3A_707 = arith.constant 0 : i32
        %dma_start3A_708 = tpu.memref_slice %arg15[%dma_start3A_706, %dma_start3A_707] : memref<10240x128xf32, #tpu.memory_space<vmem_shared>> -> memref<10240x128xf32, #tpu.memory_space<vmem_shared>>
        tpu.enqueue_indirect_dma source(%arg14 : memref<128x128xf32, #tpu.memory_space<vmem>>) target(%dma_start3A_708 : memref<10240x128xf32, #tpu.memory_space<vmem_shared>>) offsets(%dma_start3A_705 : memref<128xi32, #tpu.memory_space<vmem>>) semaphore(%arg19 : memref<!tpu.dma_semaphore, #tpu.memory_space<semaphore_mem>>) {add = true}
        %dma_wait3A_709 = arith.constant 5 : i32
        %dma_wait3A_710 = arith.constant 0 : i32
        %dma_wait3A_711 = tpu.memref_slice %arg12[%dma_wait3A_709, %dma_wait3A_710] : memref<16x128xi32, #tpu.memory_space<vmem>> -> memref<1x128xi32, #tpu.memory_space<vmem>>
        %dma_wait3A_712 = tpu.memref_squeeze %dma_wait3A_711 : memref<1x128xi32, #tpu.memory_space<vmem>> -> memref<128xi32, #tpu.memory_space<vmem>>
        %dma_wait3A_713 = arith.constant 0 : i32
        %dma_wait3A_714 = arith.constant 0 : i32
        %dma_wait3A_715 = tpu.memref_slice %arg15[%dma_wait3A_713, %dma_wait3A_714] : memref<10240x128xf32, #tpu.memory_space<vmem_shared>> -> memref<10240x128xf32, #tpu.memory_space<vmem_shared>>
        tpu.wait_indirect_dma semaphore(%arg19 : memref<!tpu.dma_semaphore, #tpu.memory_space<semaphore_mem>>) src(%arg14 : memref<128x128xf32, #tpu.memory_space<vmem>>) dst(%dma_wait3A_715 : memref<10240x128xf32, #tpu.memory_space<vmem_shared>>)
        %dma_start3A_716 = arith.constant 7 : i32
        %dma_start3A_717 = arith.constant 0 : i32
        %dma_start3A_718 = tpu.memref_slice %arg10[%dma_start3A_716, %dma_start3A_717] : memref<16x128xi32, #tpu.memory_space<vmem>> -> memref<1x128xi32, #tpu.memory_space<vmem>>
        %dma_start3A_719 = tpu.memref_squeeze %dma_start3A_718 : memref<1x128xi32, #tpu.memory_space<vmem>> -> memref<128xi32, #tpu.memory_space<vmem>>
        %dma_start3A_720 = arith.constant 0 : i32
        %dma_start3A_721 = arith.constant 0 : i32
        %dma_start3A_722 = tpu.memref_slice %arg4[%dma_start3A_720, %dma_start3A_721] : memref<10000x128xf32, #tpu.memory_space<hbm>> -> memref<10000x128xf32, #tpu.memory_space<hbm>>
        tpu.enqueue_indirect_dma source(%dma_start3A_722 : memref<10000x128xf32, #tpu.memory_space<hbm>>) target(%arg14 : memref<128x128xf32, #tpu.memory_space<vmem>>) offsets(%dma_start3A_719 : memref<128xi32, #tpu.memory_space<vmem>>) semaphore(%arg17 : memref<!tpu.dma_semaphore, #tpu.memory_space<semaphore_mem>>)
        %dma_wait3A_723 = arith.constant 6 : i32
        %dma_wait3A_724 = arith.constant 0 : i32
        %dma_wait3A_725 = tpu.memref_slice %arg10[%dma_wait3A_723, %dma_wait3A_724] : memref<16x128xi32, #tpu.memory_space<vmem>> -> memref<1x128xi32, #tpu.memory_space<vmem>>
        %dma_wait3A_726 = tpu.memref_squeeze %dma_wait3A_725 : memref<1x128xi32, #tpu.memory_space<vmem>> -> memref<128xi32, #tpu.memory_space<vmem>>
        %dma_wait3A_727 = arith.constant 0 : i32
        %dma_wait3A_728 = arith.constant 0 : i32
        %dma_wait3A_729 = tpu.memref_slice %arg4[%dma_wait3A_727, %dma_wait3A_728] : memref<10000x128xf32, #tpu.memory_space<hbm>> -> memref<10000x128xf32, #tpu.memory_space<hbm>>
        tpu.wait_indirect_dma semaphore(%arg16 : memref<!tpu.dma_semaphore, #tpu.memory_space<semaphore_mem>>) src(%dma_wait3A_729 : memref<10000x128xf32, #tpu.memory_space<hbm>>) dst(%arg13 : memref<128x128xf32, #tpu.memory_space<vmem>>)
        %dma_start3A_730 = arith.constant 6 : i32
        %dma_start3A_731 = arith.constant 0 : i32
        %dma_start3A_732 = tpu.memref_slice %arg12[%dma_start3A_730, %dma_start3A_731] : memref<16x128xi32, #tpu.memory_space<vmem>> -> memref<1x128xi32, #tpu.memory_space<vmem>>
        %dma_start3A_733 = tpu.memref_squeeze %dma_start3A_732 : memref<1x128xi32, #tpu.memory_space<vmem>> -> memref<128xi32, #tpu.memory_space<vmem>>
        %dma_start3A_734 = arith.constant 0 : i32
        %dma_start3A_735 = arith.constant 0 : i32
        %dma_start3A_736 = tpu.memref_slice %arg15[%dma_start3A_734, %dma_start3A_735] : memref<10240x128xf32, #tpu.memory_space<vmem_shared>> -> memref<10240x128xf32, #tpu.memory_space<vmem_shared>>
        tpu.enqueue_indirect_dma source(%arg13 : memref<128x128xf32, #tpu.memory_space<vmem>>) target(%dma_start3A_736 : memref<10240x128xf32, #tpu.memory_space<vmem_shared>>) offsets(%dma_start3A_733 : memref<128xi32, #tpu.memory_space<vmem>>) semaphore(%arg18 : memref<!tpu.dma_semaphore, #tpu.memory_space<semaphore_mem>>) {add = true}
        %dma_wait3A_737 = arith.constant 6 : i32
        %dma_wait3A_738 = arith.constant 0 : i32
        %dma_wait3A_739 = tpu.memref_slice %arg12[%dma_wait3A_737, %dma_wait3A_738] : memref<16x128xi32, #tpu.memory_space<vmem>> -> memref<1x128xi32, #tpu.memory_space<vmem>>
        %dma_wait3A_740 = tpu.memref_squeeze %dma_wait3A_739 : memref<1x128xi32, #tpu.memory_space<vmem>> -> memref<128xi32, #tpu.memory_space<vmem>>
        %dma_wait3A_741 = arith.constant 0 : i32
        %dma_wait3A_742 = arith.constant 0 : i32
        %dma_wait3A_743 = tpu.memref_slice %arg15[%dma_wait3A_741, %dma_wait3A_742] : memref<10240x128xf32, #tpu.memory_space<vmem_shared>> -> memref<10240x128xf32, #tpu.memory_space<vmem_shared>>
        tpu.wait_indirect_dma semaphore(%arg18 : memref<!tpu.dma_semaphore, #tpu.memory_space<semaphore_mem>>) src(%arg13 : memref<128x128xf32, #tpu.memory_space<vmem>>) dst(%dma_wait3A_743 : memref<10240x128xf32, #tpu.memory_space<vmem_shared>>)
        %dma_start3A_744 = arith.constant 8 : i32
        %dma_start3A_745 = arith.constant 0 : i32
        %dma_start3A_746 = tpu.memref_slice %arg10[%dma_start3A_744, %dma_start3A_745] : memref<16x128xi32, #tpu.memory_space<vmem>> -> memref<1x128xi32, #tpu.memory_space<vmem>>
        %dma_start3A_747 = tpu.memref_squeeze %dma_start3A_746 : memref<1x128xi32, #tpu.memory_space<vmem>> -> memref<128xi32, #tpu.memory_space<vmem>>
        %dma_start3A_748 = arith.constant 0 : i32
        %dma_start3A_749 = arith.constant 0 : i32
        %dma_start3A_750 = tpu.memref_slice %arg4[%dma_start3A_748, %dma_start3A_749] : memref<10000x128xf32, #tpu.memory_space<hbm>> -> memref<10000x128xf32, #tpu.memory_space<hbm>>
        tpu.enqueue_indirect_dma source(%dma_start3A_750 : memref<10000x128xf32, #tpu.memory_space<hbm>>) target(%arg13 : memref<128x128xf32, #tpu.memory_space<vmem>>) offsets(%dma_start3A_747 : memref<128xi32, #tpu.memory_space<vmem>>) semaphore(%arg16 : memref<!tpu.dma_semaphore, #tpu.memory_space<semaphore_mem>>)
        %dma_wait3A_751 = arith.constant 7 : i32
        %dma_wait3A_752 = arith.constant 0 : i32
        %dma_wait3A_753 = tpu.memref_slice %arg10[%dma_wait3A_751, %dma_wait3A_752] : memref<16x128xi32, #tpu.memory_space<vmem>> -> memref<1x128xi32, #tpu.memory_space<vmem>>
        %dma_wait3A_754 = tpu.memref_squeeze %dma_wait3A_753 : memref<1x128xi32, #tpu.memory_space<vmem>> -> memref<128xi32, #tpu.memory_space<vmem>>
        %dma_wait3A_755 = arith.constant 0 : i32
        %dma_wait3A_756 = arith.constant 0 : i32
        %dma_wait3A_757 = tpu.memref_slice %arg4[%dma_wait3A_755, %dma_wait3A_756] : memref<10000x128xf32, #tpu.memory_space<hbm>> -> memref<10000x128xf32, #tpu.memory_space<hbm>>
        tpu.wait_indirect_dma semaphore(%arg17 : memref<!tpu.dma_semaphore, #tpu.memory_space<semaphore_mem>>) src(%dma_wait3A_757 : memref<10000x128xf32, #tpu.memory_space<hbm>>) dst(%arg14 : memref<128x128xf32, #tpu.memory_space<vmem>>)
        %dma_start3A_758 = arith.constant 7 : i32
        %dma_start3A_759 = arith.constant 0 : i32
        %dma_start3A_760 = tpu.memref_slice %arg12[%dma_start3A_758, %dma_start3A_759] : memref<16x128xi32, #tpu.memory_space<vmem>> -> memref<1x128xi32, #tpu.memory_space<vmem>>
        %dma_start3A_761 = tpu.memref_squeeze %dma_start3A_760 : memref<1x128xi32, #tpu.memory_space<vmem>> -> memref<128xi32, #tpu.memory_space<vmem>>
        %dma_start3A_762 = arith.constant 0 : i32
        %dma_start3A_763 = arith.constant 0 : i32
        %dma_start3A_764 = tpu.memref_slice %arg15[%dma_start3A_762, %dma_start3A_763] : memref<10240x128xf32, #tpu.memory_space<vmem_shared>> -> memref<10240x128xf32, #tpu.memory_space<vmem_shared>>
        tpu.enqueue_indirect_dma source(%arg14 : memref<128x128xf32, #tpu.memory_space<vmem>>) target(%dma_start3A_764 : memref<10240x128xf32, #tpu.memory_space<vmem_shared>>) offsets(%dma_start3A_761 : memref<128xi32, #tpu.memory_space<vmem>>) semaphore(%arg19 : memref<!tpu.dma_semaphore, #tpu.memory_space<semaphore_mem>>) {add = true}
        %dma_wait3A_765 = arith.constant 7 : i32
        %dma_wait3A_766 = arith.constant 0 : i32
        %dma_wait3A_767 = tpu.memref_slice %arg12[%dma_wait3A_765, %dma_wait3A_766] : memref<16x128xi32, #tpu.memory_space<vmem>> -> memref<1x128xi32, #tpu.memory_space<vmem>>
        %dma_wait3A_768 = tpu.memref_squeeze %dma_wait3A_767 : memref<1x128xi32, #tpu.memory_space<vmem>> -> memref<128xi32, #tpu.memory_space<vmem>>
        %dma_wait3A_769 = arith.constant 0 : i32
        %dma_wait3A_770 = arith.constant 0 : i32
        %dma_wait3A_771 = tpu.memref_slice %arg15[%dma_wait3A_769, %dma_wait3A_770] : memref<10240x128xf32, #tpu.memory_space<vmem_shared>> -> memref<10240x128xf32, #tpu.memory_space<vmem_shared>>
        tpu.wait_indirect_dma semaphore(%arg19 : memref<!tpu.dma_semaphore, #tpu.memory_space<semaphore_mem>>) src(%arg14 : memref<128x128xf32, #tpu.memory_space<vmem>>) dst(%dma_wait3A_771 : memref<10240x128xf32, #tpu.memory_space<vmem_shared>>)
        %dma_start3A_772 = arith.constant 9 : i32
        %dma_start3A_773 = arith.constant 0 : i32
        %dma_start3A_774 = tpu.memref_slice %arg10[%dma_start3A_772, %dma_start3A_773] : memref<16x128xi32, #tpu.memory_space<vmem>> -> memref<1x128xi32, #tpu.memory_space<vmem>>
        %dma_start3A_775 = tpu.memref_squeeze %dma_start3A_774 : memref<1x128xi32, #tpu.memory_space<vmem>> -> memref<128xi32, #tpu.memory_space<vmem>>
        %dma_start3A_776 = arith.constant 0 : i32
        %dma_start3A_777 = arith.constant 0 : i32
        %dma_start3A_778 = tpu.memref_slice %arg4[%dma_start3A_776, %dma_start3A_777] : memref<10000x128xf32, #tpu.memory_space<hbm>> -> memref<10000x128xf32, #tpu.memory_space<hbm>>
        tpu.enqueue_indirect_dma source(%dma_start3A_778 : memref<10000x128xf32, #tpu.memory_space<hbm>>) target(%arg14 : memref<128x128xf32, #tpu.memory_space<vmem>>) offsets(%dma_start3A_775 : memref<128xi32, #tpu.memory_space<vmem>>) semaphore(%arg17 : memref<!tpu.dma_semaphore, #tpu.memory_space<semaphore_mem>>)
        %dma_wait3A_779 = arith.constant 8 : i32
        %dma_wait3A_780 = arith.constant 0 : i32
        %dma_wait3A_781 = tpu.memref_slice %arg10[%dma_wait3A_779, %dma_wait3A_780] : memref<16x128xi32, #tpu.memory_space<vmem>> -> memref<1x128xi32, #tpu.memory_space<vmem>>
        %dma_wait3A_782 = tpu.memref_squeeze %dma_wait3A_781 : memref<1x128xi32, #tpu.memory_space<vmem>> -> memref<128xi32, #tpu.memory_space<vmem>>
        %dma_wait3A_783 = arith.constant 0 : i32
        %dma_wait3A_784 = arith.constant 0 : i32
        %dma_wait3A_785 = tpu.memref_slice %arg4[%dma_wait3A_783, %dma_wait3A_784] : memref<10000x128xf32, #tpu.memory_space<hbm>> -> memref<10000x128xf32, #tpu.memory_space<hbm>>
        tpu.wait_indirect_dma semaphore(%arg16 : memref<!tpu.dma_semaphore, #tpu.memory_space<semaphore_mem>>) src(%dma_wait3A_785 : memref<10000x128xf32, #tpu.memory_space<hbm>>) dst(%arg13 : memref<128x128xf32, #tpu.memory_space<vmem>>)
        %dma_start3A_786 = arith.constant 8 : i32
        %dma_start3A_787 = arith.constant 0 : i32
        %dma_start3A_788 = tpu.memref_slice %arg12[%dma_start3A_786, %dma_start3A_787] : memref<16x128xi32, #tpu.memory_space<vmem>> -> memref<1x128xi32, #tpu.memory_space<vmem>>
        %dma_start3A_789 = tpu.memref_squeeze %dma_start3A_788 : memref<1x128xi32, #tpu.memory_space<vmem>> -> memref<128xi32, #tpu.memory_space<vmem>>
        %dma_start3A_790 = arith.constant 0 : i32
        %dma_start3A_791 = arith.constant 0 : i32
        %dma_start3A_792 = tpu.memref_slice %arg15[%dma_start3A_790, %dma_start3A_791] : memref<10240x128xf32, #tpu.memory_space<vmem_shared>> -> memref<10240x128xf32, #tpu.memory_space<vmem_shared>>
        tpu.enqueue_indirect_dma source(%arg13 : memref<128x128xf32, #tpu.memory_space<vmem>>) target(%dma_start3A_792 : memref<10240x128xf32, #tpu.memory_space<vmem_shared>>) offsets(%dma_start3A_789 : memref<128xi32, #tpu.memory_space<vmem>>) semaphore(%arg18 : memref<!tpu.dma_semaphore, #tpu.memory_space<semaphore_mem>>) {add = true}
        %dma_wait3A_793 = arith.constant 8 : i32
        %dma_wait3A_794 = arith.constant 0 : i32
        %dma_wait3A_795 = tpu.memref_slice %arg12[%dma_wait3A_793, %dma_wait3A_794] : memref<16x128xi32, #tpu.memory_space<vmem>> -> memref<1x128xi32, #tpu.memory_space<vmem>>
        %dma_wait3A_796 = tpu.memref_squeeze %dma_wait3A_795 : memref<1x128xi32, #tpu.memory_space<vmem>> -> memref<128xi32, #tpu.memory_space<vmem>>
        %dma_wait3A_797 = arith.constant 0 : i32
        %dma_wait3A_798 = arith.constant 0 : i32
        %dma_wait3A_799 = tpu.memref_slice %arg15[%dma_wait3A_797, %dma_wait3A_798] : memref<10240x128xf32, #tpu.memory_space<vmem_shared>> -> memref<10240x128xf32, #tpu.memory_space<vmem_shared>>
        tpu.wait_indirect_dma semaphore(%arg18 : memref<!tpu.dma_semaphore, #tpu.memory_space<semaphore_mem>>) src(%arg13 : memref<128x128xf32, #tpu.memory_space<vmem>>) dst(%dma_wait3A_799 : memref<10240x128xf32, #tpu.memory_space<vmem_shared>>)
        %dma_start3A_800 = arith.constant 10 : i32
        %dma_start3A_801 = arith.constant 0 : i32
        %dma_start3A_802 = tpu.memref_slice %arg10[%dma_start3A_800, %dma_start3A_801] : memref<16x128xi32, #tpu.memory_space<vmem>> -> memref<1x128xi32, #tpu.memory_space<vmem>>
        %dma_start3A_803 = tpu.memref_squeeze %dma_start3A_802 : memref<1x128xi32, #tpu.memory_space<vmem>> -> memref<128xi32, #tpu.memory_space<vmem>>
        %dma_start3A_804 = arith.constant 0 : i32
        %dma_start3A_805 = arith.constant 0 : i32
        %dma_start3A_806 = tpu.memref_slice %arg4[%dma_start3A_804, %dma_start3A_805] : memref<10000x128xf32, #tpu.memory_space<hbm>> -> memref<10000x128xf32, #tpu.memory_space<hbm>>
        tpu.enqueue_indirect_dma source(%dma_start3A_806 : memref<10000x128xf32, #tpu.memory_space<hbm>>) target(%arg13 : memref<128x128xf32, #tpu.memory_space<vmem>>) offsets(%dma_start3A_803 : memref<128xi32, #tpu.memory_space<vmem>>) semaphore(%arg16 : memref<!tpu.dma_semaphore, #tpu.memory_space<semaphore_mem>>)
        %dma_wait3A_807 = arith.constant 9 : i32
        %dma_wait3A_808 = arith.constant 0 : i32
        %dma_wait3A_809 = tpu.memref_slice %arg10[%dma_wait3A_807, %dma_wait3A_808] : memref<16x128xi32, #tpu.memory_space<vmem>> -> memref<1x128xi32, #tpu.memory_space<vmem>>
        %dma_wait3A_810 = tpu.memref_squeeze %dma_wait3A_809 : memref<1x128xi32, #tpu.memory_space<vmem>> -> memref<128xi32, #tpu.memory_space<vmem>>
        %dma_wait3A_811 = arith.constant 0 : i32
        %dma_wait3A_812 = arith.constant 0 : i32
        %dma_wait3A_813 = tpu.memref_slice %arg4[%dma_wait3A_811, %dma_wait3A_812] : memref<10000x128xf32, #tpu.memory_space<hbm>> -> memref<10000x128xf32, #tpu.memory_space<hbm>>
        tpu.wait_indirect_dma semaphore(%arg17 : memref<!tpu.dma_semaphore, #tpu.memory_space<semaphore_mem>>) src(%dma_wait3A_813 : memref<10000x128xf32, #tpu.memory_space<hbm>>) dst(%arg14 : memref<128x128xf32, #tpu.memory_space<vmem>>)
        %dma_start3A_814 = arith.constant 9 : i32
        %dma_start3A_815 = arith.constant 0 : i32
        %dma_start3A_816 = tpu.memref_slice %arg12[%dma_start3A_814, %dma_start3A_815] : memref<16x128xi32, #tpu.memory_space<vmem>> -> memref<1x128xi32, #tpu.memory_space<vmem>>
        %dma_start3A_817 = tpu.memref_squeeze %dma_start3A_816 : memref<1x128xi32, #tpu.memory_space<vmem>> -> memref<128xi32, #tpu.memory_space<vmem>>
        %dma_start3A_818 = arith.constant 0 : i32
        %dma_start3A_819 = arith.constant 0 : i32
        %dma_start3A_820 = tpu.memref_slice %arg15[%dma_start3A_818, %dma_start3A_819] : memref<10240x128xf32, #tpu.memory_space<vmem_shared>> -> memref<10240x128xf32, #tpu.memory_space<vmem_shared>>
        tpu.enqueue_indirect_dma source(%arg14 : memref<128x128xf32, #tpu.memory_space<vmem>>) target(%dma_start3A_820 : memref<10240x128xf32, #tpu.memory_space<vmem_shared>>) offsets(%dma_start3A_817 : memref<128xi32, #tpu.memory_space<vmem>>) semaphore(%arg19 : memref<!tpu.dma_semaphore, #tpu.memory_space<semaphore_mem>>) {add = true}
        %dma_wait3A_821 = arith.constant 9 : i32
        %dma_wait3A_822 = arith.constant 0 : i32
        %dma_wait3A_823 = tpu.memref_slice %arg12[%dma_wait3A_821, %dma_wait3A_822] : memref<16x128xi32, #tpu.memory_space<vmem>> -> memref<1x128xi32, #tpu.memory_space<vmem>>
        %dma_wait3A_824 = tpu.memref_squeeze %dma_wait3A_823 : memref<1x128xi32, #tpu.memory_space<vmem>> -> memref<128xi32, #tpu.memory_space<vmem>>
        %dma_wait3A_825 = arith.constant 0 : i32
        %dma_wait3A_826 = arith.constant 0 : i32
        %dma_wait3A_827 = tpu.memref_slice %arg15[%dma_wait3A_825, %dma_wait3A_826] : memref<10240x128xf32, #tpu.memory_space<vmem_shared>> -> memref<10240x128xf32, #tpu.memory_space<vmem_shared>>
        tpu.wait_indirect_dma semaphore(%arg19 : memref<!tpu.dma_semaphore, #tpu.memory_space<semaphore_mem>>) src(%arg14 : memref<128x128xf32, #tpu.memory_space<vmem>>) dst(%dma_wait3A_827 : memref<10240x128xf32, #tpu.memory_space<vmem_shared>>)
        %dma_start3A_828 = arith.constant 11 : i32
        %dma_start3A_829 = arith.constant 0 : i32
        %dma_start3A_830 = tpu.memref_slice %arg10[%dma_start3A_828, %dma_start3A_829] : memref<16x128xi32, #tpu.memory_space<vmem>> -> memref<1x128xi32, #tpu.memory_space<vmem>>
        %dma_start3A_831 = tpu.memref_squeeze %dma_start3A_830 : memref<1x128xi32, #tpu.memory_space<vmem>> -> memref<128xi32, #tpu.memory_space<vmem>>
        %dma_start3A_832 = arith.constant 0 : i32
        %dma_start3A_833 = arith.constant 0 : i32
        %dma_start3A_834 = tpu.memref_slice %arg4[%dma_start3A_832, %dma_start3A_833] : memref<10000x128xf32, #tpu.memory_space<hbm>> -> memref<10000x128xf32, #tpu.memory_space<hbm>>
        tpu.enqueue_indirect_dma source(%dma_start3A_834 : memref<10000x128xf32, #tpu.memory_space<hbm>>) target(%arg14 : memref<128x128xf32, #tpu.memory_space<vmem>>) offsets(%dma_start3A_831 : memref<128xi32, #tpu.memory_space<vmem>>) semaphore(%arg17 : memref<!tpu.dma_semaphore, #tpu.memory_space<semaphore_mem>>)
        %dma_wait3A_835 = arith.constant 10 : i32
        %dma_wait3A_836 = arith.constant 0 : i32
        %dma_wait3A_837 = tpu.memref_slice %arg10[%dma_wait3A_835, %dma_wait3A_836] : memref<16x128xi32, #tpu.memory_space<vmem>> -> memref<1x128xi32, #tpu.memory_space<vmem>>
        %dma_wait3A_838 = tpu.memref_squeeze %dma_wait3A_837 : memref<1x128xi32, #tpu.memory_space<vmem>> -> memref<128xi32, #tpu.memory_space<vmem>>
        %dma_wait3A_839 = arith.constant 0 : i32
        %dma_wait3A_840 = arith.constant 0 : i32
        %dma_wait3A_841 = tpu.memref_slice %arg4[%dma_wait3A_839, %dma_wait3A_840] : memref<10000x128xf32, #tpu.memory_space<hbm>> -> memref<10000x128xf32, #tpu.memory_space<hbm>>
        tpu.wait_indirect_dma semaphore(%arg16 : memref<!tpu.dma_semaphore, #tpu.memory_space<semaphore_mem>>) src(%dma_wait3A_841 : memref<10000x128xf32, #tpu.memory_space<hbm>>) dst(%arg13 : memref<128x128xf32, #tpu.memory_space<vmem>>)
        %dma_start3A_842 = arith.constant 10 : i32
        %dma_start3A_843 = arith.constant 0 : i32
        %dma_start3A_844 = tpu.memref_slice %arg12[%dma_start3A_842, %dma_start3A_843] : memref<16x128xi32, #tpu.memory_space<vmem>> -> memref<1x128xi32, #tpu.memory_space<vmem>>
        %dma_start3A_845 = tpu.memref_squeeze %dma_start3A_844 : memref<1x128xi32, #tpu.memory_space<vmem>> -> memref<128xi32, #tpu.memory_space<vmem>>
        %dma_start3A_846 = arith.constant 0 : i32
        %dma_start3A_847 = arith.constant 0 : i32
        %dma_start3A_848 = tpu.memref_slice %arg15[%dma_start3A_846, %dma_start3A_847] : memref<10240x128xf32, #tpu.memory_space<vmem_shared>> -> memref<10240x128xf32, #tpu.memory_space<vmem_shared>>
        tpu.enqueue_indirect_dma source(%arg13 : memref<128x128xf32, #tpu.memory_space<vmem>>) target(%dma_start3A_848 : memref<10240x128xf32, #tpu.memory_space<vmem_shared>>) offsets(%dma_start3A_845 : memref<128xi32, #tpu.memory_space<vmem>>) semaphore(%arg18 : memref<!tpu.dma_semaphore, #tpu.memory_space<semaphore_mem>>) {add = true}
        %dma_wait3A_849 = arith.constant 10 : i32
        %dma_wait3A_850 = arith.constant 0 : i32
        %dma_wait3A_851 = tpu.memref_slice %arg12[%dma_wait3A_849, %dma_wait3A_850] : memref<16x128xi32, #tpu.memory_space<vmem>> -> memref<1x128xi32, #tpu.memory_space<vmem>>
        %dma_wait3A_852 = tpu.memref_squeeze %dma_wait3A_851 : memref<1x128xi32, #tpu.memory_space<vmem>> -> memref<128xi32, #tpu.memory_space<vmem>>
        %dma_wait3A_853 = arith.constant 0 : i32
        %dma_wait3A_854 = arith.constant 0 : i32
        %dma_wait3A_855 = tpu.memref_slice %arg15[%dma_wait3A_853, %dma_wait3A_854] : memref<10240x128xf32, #tpu.memory_space<vmem_shared>> -> memref<10240x128xf32, #tpu.memory_space<vmem_shared>>
        tpu.wait_indirect_dma semaphore(%arg18 : memref<!tpu.dma_semaphore, #tpu.memory_space<semaphore_mem>>) src(%arg13 : memref<128x128xf32, #tpu.memory_space<vmem>>) dst(%dma_wait3A_855 : memref<10240x128xf32, #tpu.memory_space<vmem_shared>>)
        %dma_start3A_856 = arith.constant 12 : i32
        %dma_start3A_857 = arith.constant 0 : i32
        %dma_start3A_858 = tpu.memref_slice %arg10[%dma_start3A_856, %dma_start3A_857] : memref<16x128xi32, #tpu.memory_space<vmem>> -> memref<1x128xi32, #tpu.memory_space<vmem>>
        %dma_start3A_859 = tpu.memref_squeeze %dma_start3A_858 : memref<1x128xi32, #tpu.memory_space<vmem>> -> memref<128xi32, #tpu.memory_space<vmem>>
        %dma_start3A_860 = arith.constant 0 : i32
        %dma_start3A_861 = arith.constant 0 : i32
        %dma_start3A_862 = tpu.memref_slice %arg4[%dma_start3A_860, %dma_start3A_861] : memref<10000x128xf32, #tpu.memory_space<hbm>> -> memref<10000x128xf32, #tpu.memory_space<hbm>>
        tpu.enqueue_indirect_dma source(%dma_start3A_862 : memref<10000x128xf32, #tpu.memory_space<hbm>>) target(%arg13 : memref<128x128xf32, #tpu.memory_space<vmem>>) offsets(%dma_start3A_859 : memref<128xi32, #tpu.memory_space<vmem>>) semaphore(%arg16 : memref<!tpu.dma_semaphore, #tpu.memory_space<semaphore_mem>>)
        %dma_wait3A_863 = arith.constant 11 : i32
        %dma_wait3A_864 = arith.constant 0 : i32
        %dma_wait3A_865 = tpu.memref_slice %arg10[%dma_wait3A_863, %dma_wait3A_864] : memref<16x128xi32, #tpu.memory_space<vmem>> -> memref<1x128xi32, #tpu.memory_space<vmem>>
        %dma_wait3A_866 = tpu.memref_squeeze %dma_wait3A_865 : memref<1x128xi32, #tpu.memory_space<vmem>> -> memref<128xi32, #tpu.memory_space<vmem>>
        %dma_wait3A_867 = arith.constant 0 : i32
        %dma_wait3A_868 = arith.constant 0 : i32
        %dma_wait3A_869 = tpu.memref_slice %arg4[%dma_wait3A_867, %dma_wait3A_868] : memref<10000x128xf32, #tpu.memory_space<hbm>> -> memref<10000x128xf32, #tpu.memory_space<hbm>>
        tpu.wait_indirect_dma semaphore(%arg17 : memref<!tpu.dma_semaphore, #tpu.memory_space<semaphore_mem>>) src(%dma_wait3A_869 : memref<10000x128xf32, #tpu.memory_space<hbm>>) dst(%arg14 : memref<128x128xf32, #tpu.memory_space<vmem>>)
        %dma_start3A_870 = arith.constant 11 : i32
        %dma_start3A_871 = arith.constant 0 : i32
        %dma_start3A_872 = tpu.memref_slice %arg12[%dma_start3A_870, %dma_start3A_871] : memref<16x128xi32, #tpu.memory_space<vmem>> -> memref<1x128xi32, #tpu.memory_space<vmem>>
        %dma_start3A_873 = tpu.memref_squeeze %dma_start3A_872 : memref<1x128xi32, #tpu.memory_space<vmem>> -> memref<128xi32, #tpu.memory_space<vmem>>
        %dma_start3A_874 = arith.constant 0 : i32
        %dma_start3A_875 = arith.constant 0 : i32
        %dma_start3A_876 = tpu.memref_slice %arg15[%dma_start3A_874, %dma_start3A_875] : memref<10240x128xf32, #tpu.memory_space<vmem_shared>> -> memref<10240x128xf32, #tpu.memory_space<vmem_shared>>
        tpu.enqueue_indirect_dma source(%arg14 : memref<128x128xf32, #tpu.memory_space<vmem>>) target(%dma_start3A_876 : memref<10240x128xf32, #tpu.memory_space<vmem_shared>>) offsets(%dma_start3A_873 : memref<128xi32, #tpu.memory_space<vmem>>) semaphore(%arg19 : memref<!tpu.dma_semaphore, #tpu.memory_space<semaphore_mem>>) {add = true}
        %dma_wait3A_877 = arith.constant 11 : i32
        %dma_wait3A_878 = arith.constant 0 : i32
        %dma_wait3A_879 = tpu.memref_slice %arg12[%dma_wait3A_877, %dma_wait3A_878] : memref<16x128xi32, #tpu.memory_space<vmem>> -> memref<1x128xi32, #tpu.memory_space<vmem>>
        %dma_wait3A_880 = tpu.memref_squeeze %dma_wait3A_879 : memref<1x128xi32, #tpu.memory_space<vmem>> -> memref<128xi32, #tpu.memory_space<vmem>>
        %dma_wait3A_881 = arith.constant 0 : i32
        %dma_wait3A_882 = arith.constant 0 : i32
        %dma_wait3A_883 = tpu.memref_slice %arg15[%dma_wait3A_881, %dma_wait3A_882] : memref<10240x128xf32, #tpu.memory_space<vmem_shared>> -> memref<10240x128xf32, #tpu.memory_space<vmem_shared>>
        tpu.wait_indirect_dma semaphore(%arg19 : memref<!tpu.dma_semaphore, #tpu.memory_space<semaphore_mem>>) src(%arg14 : memref<128x128xf32, #tpu.memory_space<vmem>>) dst(%dma_wait3A_883 : memref<10240x128xf32, #tpu.memory_space<vmem_shared>>)
        %dma_start3A_884 = arith.constant 13 : i32
        %dma_start3A_885 = arith.constant 0 : i32
        %dma_start3A_886 = tpu.memref_slice %arg10[%dma_start3A_884, %dma_start3A_885] : memref<16x128xi32, #tpu.memory_space<vmem>> -> memref<1x128xi32, #tpu.memory_space<vmem>>
        %dma_start3A_887 = tpu.memref_squeeze %dma_start3A_886 : memref<1x128xi32, #tpu.memory_space<vmem>> -> memref<128xi32, #tpu.memory_space<vmem>>
        %dma_start3A_888 = arith.constant 0 : i32
        %dma_start3A_889 = arith.constant 0 : i32
        %dma_start3A_890 = tpu.memref_slice %arg4[%dma_start3A_888, %dma_start3A_889] : memref<10000x128xf32, #tpu.memory_space<hbm>> -> memref<10000x128xf32, #tpu.memory_space<hbm>>
        tpu.enqueue_indirect_dma source(%dma_start3A_890 : memref<10000x128xf32, #tpu.memory_space<hbm>>) target(%arg14 : memref<128x128xf32, #tpu.memory_space<vmem>>) offsets(%dma_start3A_887 : memref<128xi32, #tpu.memory_space<vmem>>) semaphore(%arg17 : memref<!tpu.dma_semaphore, #tpu.memory_space<semaphore_mem>>)
        %dma_wait3A_891 = arith.constant 12 : i32
        %dma_wait3A_892 = arith.constant 0 : i32
        %dma_wait3A_893 = tpu.memref_slice %arg10[%dma_wait3A_891, %dma_wait3A_892] : memref<16x128xi32, #tpu.memory_space<vmem>> -> memref<1x128xi32, #tpu.memory_space<vmem>>
        %dma_wait3A_894 = tpu.memref_squeeze %dma_wait3A_893 : memref<1x128xi32, #tpu.memory_space<vmem>> -> memref<128xi32, #tpu.memory_space<vmem>>
        %dma_wait3A_895 = arith.constant 0 : i32
        %dma_wait3A_896 = arith.constant 0 : i32
        %dma_wait3A_897 = tpu.memref_slice %arg4[%dma_wait3A_895, %dma_wait3A_896] : memref<10000x128xf32, #tpu.memory_space<hbm>> -> memref<10000x128xf32, #tpu.memory_space<hbm>>
        tpu.wait_indirect_dma semaphore(%arg16 : memref<!tpu.dma_semaphore, #tpu.memory_space<semaphore_mem>>) src(%dma_wait3A_897 : memref<10000x128xf32, #tpu.memory_space<hbm>>) dst(%arg13 : memref<128x128xf32, #tpu.memory_space<vmem>>)
        %dma_start3A_898 = arith.constant 12 : i32
        %dma_start3A_899 = arith.constant 0 : i32
        %dma_start3A_900 = tpu.memref_slice %arg12[%dma_start3A_898, %dma_start3A_899] : memref<16x128xi32, #tpu.memory_space<vmem>> -> memref<1x128xi32, #tpu.memory_space<vmem>>
        %dma_start3A_901 = tpu.memref_squeeze %dma_start3A_900 : memref<1x128xi32, #tpu.memory_space<vmem>> -> memref<128xi32, #tpu.memory_space<vmem>>
        %dma_start3A_902 = arith.constant 0 : i32
        %dma_start3A_903 = arith.constant 0 : i32
        %dma_start3A_904 = tpu.memref_slice %arg15[%dma_start3A_902, %dma_start3A_903] : memref<10240x128xf32, #tpu.memory_space<vmem_shared>> -> memref<10240x128xf32, #tpu.memory_space<vmem_shared>>
        tpu.enqueue_indirect_dma source(%arg13 : memref<128x128xf32, #tpu.memory_space<vmem>>) target(%dma_start3A_904 : memref<10240x128xf32, #tpu.memory_space<vmem_shared>>) offsets(%dma_start3A_901 : memref<128xi32, #tpu.memory_space<vmem>>) semaphore(%arg18 : memref<!tpu.dma_semaphore, #tpu.memory_space<semaphore_mem>>) {add = true}
        %dma_wait3A_905 = arith.constant 12 : i32
        %dma_wait3A_906 = arith.constant 0 : i32
        %dma_wait3A_907 = tpu.memref_slice %arg12[%dma_wait3A_905, %dma_wait3A_906] : memref<16x128xi32, #tpu.memory_space<vmem>> -> memref<1x128xi32, #tpu.memory_space<vmem>>
        %dma_wait3A_908 = tpu.memref_squeeze %dma_wait3A_907 : memref<1x128xi32, #tpu.memory_space<vmem>> -> memref<128xi32, #tpu.memory_space<vmem>>
        %dma_wait3A_909 = arith.constant 0 : i32
        %dma_wait3A_910 = arith.constant 0 : i32
        %dma_wait3A_911 = tpu.memref_slice %arg15[%dma_wait3A_909, %dma_wait3A_910] : memref<10240x128xf32, #tpu.memory_space<vmem_shared>> -> memref<10240x128xf32, #tpu.memory_space<vmem_shared>>
        tpu.wait_indirect_dma semaphore(%arg18 : memref<!tpu.dma_semaphore, #tpu.memory_space<semaphore_mem>>) src(%arg13 : memref<128x128xf32, #tpu.memory_space<vmem>>) dst(%dma_wait3A_911 : memref<10240x128xf32, #tpu.memory_space<vmem_shared>>)
        %dma_start3A_912 = arith.constant 14 : i32
        %dma_start3A_913 = arith.constant 0 : i32
        %dma_start3A_914 = tpu.memref_slice %arg10[%dma_start3A_912, %dma_start3A_913] : memref<16x128xi32, #tpu.memory_space<vmem>> -> memref<1x128xi32, #tpu.memory_space<vmem>>
        %dma_start3A_915 = tpu.memref_squeeze %dma_start3A_914 : memref<1x128xi32, #tpu.memory_space<vmem>> -> memref<128xi32, #tpu.memory_space<vmem>>
        %dma_start3A_916 = arith.constant 0 : i32
        %dma_start3A_917 = arith.constant 0 : i32
        %dma_start3A_918 = tpu.memref_slice %arg4[%dma_start3A_916, %dma_start3A_917] : memref<10000x128xf32, #tpu.memory_space<hbm>> -> memref<10000x128xf32, #tpu.memory_space<hbm>>
        tpu.enqueue_indirect_dma source(%dma_start3A_918 : memref<10000x128xf32, #tpu.memory_space<hbm>>) target(%arg13 : memref<128x128xf32, #tpu.memory_space<vmem>>) offsets(%dma_start3A_915 : memref<128xi32, #tpu.memory_space<vmem>>) semaphore(%arg16 : memref<!tpu.dma_semaphore, #tpu.memory_space<semaphore_mem>>)
        %dma_wait3A_919 = arith.constant 13 : i32
        %dma_wait3A_920 = arith.constant 0 : i32
        %dma_wait3A_921 = tpu.memref_slice %arg10[%dma_wait3A_919, %dma_wait3A_920] : memref<16x128xi32, #tpu.memory_space<vmem>> -> memref<1x128xi32, #tpu.memory_space<vmem>>
        %dma_wait3A_922 = tpu.memref_squeeze %dma_wait3A_921 : memref<1x128xi32, #tpu.memory_space<vmem>> -> memref<128xi32, #tpu.memory_space<vmem>>
        %dma_wait3A_923 = arith.constant 0 : i32
        %dma_wait3A_924 = arith.constant 0 : i32
        %dma_wait3A_925 = tpu.memref_slice %arg4[%dma_wait3A_923, %dma_wait3A_924] : memref<10000x128xf32, #tpu.memory_space<hbm>> -> memref<10000x128xf32, #tpu.memory_space<hbm>>
        tpu.wait_indirect_dma semaphore(%arg17 : memref<!tpu.dma_semaphore, #tpu.memory_space<semaphore_mem>>) src(%dma_wait3A_925 : memref<10000x128xf32, #tpu.memory_space<hbm>>) dst(%arg14 : memref<128x128xf32, #tpu.memory_space<vmem>>)
        %dma_start3A_926 = arith.constant 13 : i32
        %dma_start3A_927 = arith.constant 0 : i32
        %dma_start3A_928 = tpu.memref_slice %arg12[%dma_start3A_926, %dma_start3A_927] : memref<16x128xi32, #tpu.memory_space<vmem>> -> memref<1x128xi32, #tpu.memory_space<vmem>>
        %dma_start3A_929 = tpu.memref_squeeze %dma_start3A_928 : memref<1x128xi32, #tpu.memory_space<vmem>> -> memref<128xi32, #tpu.memory_space<vmem>>
        %dma_start3A_930 = arith.constant 0 : i32
        %dma_start3A_931 = arith.constant 0 : i32
        %dma_start3A_932 = tpu.memref_slice %arg15[%dma_start3A_930, %dma_start3A_931] : memref<10240x128xf32, #tpu.memory_space<vmem_shared>> -> memref<10240x128xf32, #tpu.memory_space<vmem_shared>>
        tpu.enqueue_indirect_dma source(%arg14 : memref<128x128xf32, #tpu.memory_space<vmem>>) target(%dma_start3A_932 : memref<10240x128xf32, #tpu.memory_space<vmem_shared>>) offsets(%dma_start3A_929 : memref<128xi32, #tpu.memory_space<vmem>>) semaphore(%arg19 : memref<!tpu.dma_semaphore, #tpu.memory_space<semaphore_mem>>) {add = true}
        %dma_wait3A_933 = arith.constant 13 : i32
        %dma_wait3A_934 = arith.constant 0 : i32
        %dma_wait3A_935 = tpu.memref_slice %arg12[%dma_wait3A_933, %dma_wait3A_934] : memref<16x128xi32, #tpu.memory_space<vmem>> -> memref<1x128xi32, #tpu.memory_space<vmem>>
        %dma_wait3A_936 = tpu.memref_squeeze %dma_wait3A_935 : memref<1x128xi32, #tpu.memory_space<vmem>> -> memref<128xi32, #tpu.memory_space<vmem>>
        %dma_wait3A_937 = arith.constant 0 : i32
        %dma_wait3A_938 = arith.constant 0 : i32
        %dma_wait3A_939 = tpu.memref_slice %arg15[%dma_wait3A_937, %dma_wait3A_938] : memref<10240x128xf32, #tpu.memory_space<vmem_shared>> -> memref<10240x128xf32, #tpu.memory_space<vmem_shared>>
        tpu.wait_indirect_dma semaphore(%arg19 : memref<!tpu.dma_semaphore, #tpu.memory_space<semaphore_mem>>) src(%arg14 : memref<128x128xf32, #tpu.memory_space<vmem>>) dst(%dma_wait3A_939 : memref<10240x128xf32, #tpu.memory_space<vmem_shared>>)
        %dma_start3A_940 = arith.constant 15 : i32
        %dma_start3A_941 = arith.constant 0 : i32
        %dma_start3A_942 = tpu.memref_slice %arg10[%dma_start3A_940, %dma_start3A_941] : memref<16x128xi32, #tpu.memory_space<vmem>> -> memref<1x128xi32, #tpu.memory_space<vmem>>
        %dma_start3A_943 = tpu.memref_squeeze %dma_start3A_942 : memref<1x128xi32, #tpu.memory_space<vmem>> -> memref<128xi32, #tpu.memory_space<vmem>>
        %dma_start3A_944 = arith.constant 0 : i32
        %dma_start3A_945 = arith.constant 0 : i32
        %dma_start3A_946 = tpu.memref_slice %arg4[%dma_start3A_944, %dma_start3A_945] : memref<10000x128xf32, #tpu.memory_space<hbm>> -> memref<10000x128xf32, #tpu.memory_space<hbm>>
        tpu.enqueue_indirect_dma source(%dma_start3A_946 : memref<10000x128xf32, #tpu.memory_space<hbm>>) target(%arg14 : memref<128x128xf32, #tpu.memory_space<vmem>>) offsets(%dma_start3A_943 : memref<128xi32, #tpu.memory_space<vmem>>) semaphore(%arg17 : memref<!tpu.dma_semaphore, #tpu.memory_space<semaphore_mem>>)
        %dma_wait3A_947 = arith.constant 14 : i32
        %dma_wait3A_948 = arith.constant 0 : i32
        %dma_wait3A_949 = tpu.memref_slice %arg10[%dma_wait3A_947, %dma_wait3A_948] : memref<16x128xi32, #tpu.memory_space<vmem>> -> memref<1x128xi32, #tpu.memory_space<vmem>>
        %dma_wait3A_950 = tpu.memref_squeeze %dma_wait3A_949 : memref<1x128xi32, #tpu.memory_space<vmem>> -> memref<128xi32, #tpu.memory_space<vmem>>
        %dma_wait3A_951 = arith.constant 0 : i32
        %dma_wait3A_952 = arith.constant 0 : i32
        %dma_wait3A_953 = tpu.memref_slice %arg4[%dma_wait3A_951, %dma_wait3A_952] : memref<10000x128xf32, #tpu.memory_space<hbm>> -> memref<10000x128xf32, #tpu.memory_space<hbm>>
        tpu.wait_indirect_dma semaphore(%arg16 : memref<!tpu.dma_semaphore, #tpu.memory_space<semaphore_mem>>) src(%dma_wait3A_953 : memref<10000x128xf32, #tpu.memory_space<hbm>>) dst(%arg13 : memref<128x128xf32, #tpu.memory_space<vmem>>)
        %dma_start3A_954 = arith.constant 14 : i32
        %dma_start3A_955 = arith.constant 0 : i32
        %dma_start3A_956 = tpu.memref_slice %arg12[%dma_start3A_954, %dma_start3A_955] : memref<16x128xi32, #tpu.memory_space<vmem>> -> memref<1x128xi32, #tpu.memory_space<vmem>>
        %dma_start3A_957 = tpu.memref_squeeze %dma_start3A_956 : memref<1x128xi32, #tpu.memory_space<vmem>> -> memref<128xi32, #tpu.memory_space<vmem>>
        %dma_start3A_958 = arith.constant 0 : i32
        %dma_start3A_959 = arith.constant 0 : i32
        %dma_start3A_960 = tpu.memref_slice %arg15[%dma_start3A_958, %dma_start3A_959] : memref<10240x128xf32, #tpu.memory_space<vmem_shared>> -> memref<10240x128xf32, #tpu.memory_space<vmem_shared>>
        tpu.enqueue_indirect_dma source(%arg13 : memref<128x128xf32, #tpu.memory_space<vmem>>) target(%dma_start3A_960 : memref<10240x128xf32, #tpu.memory_space<vmem_shared>>) offsets(%dma_start3A_957 : memref<128xi32, #tpu.memory_space<vmem>>) semaphore(%arg18 : memref<!tpu.dma_semaphore, #tpu.memory_space<semaphore_mem>>) {add = true}
        %dma_wait3A_961 = arith.constant 15 : i32
        %dma_wait3A_962 = arith.constant 0 : i32
        %dma_wait3A_963 = tpu.memref_slice %arg10[%dma_wait3A_961, %dma_wait3A_962] : memref<16x128xi32, #tpu.memory_space<vmem>> -> memref<1x128xi32, #tpu.memory_space<vmem>>
        %dma_wait3A_964 = tpu.memref_squeeze %dma_wait3A_963 : memref<1x128xi32, #tpu.memory_space<vmem>> -> memref<128xi32, #tpu.memory_space<vmem>>
        %dma_wait3A_965 = arith.constant 0 : i32
        %dma_wait3A_966 = arith.constant 0 : i32
        %dma_wait3A_967 = tpu.memref_slice %arg4[%dma_wait3A_965, %dma_wait3A_966] : memref<10000x128xf32, #tpu.memory_space<hbm>> -> memref<10000x128xf32, #tpu.memory_space<hbm>>
        tpu.wait_indirect_dma semaphore(%arg17 : memref<!tpu.dma_semaphore, #tpu.memory_space<semaphore_mem>>) src(%dma_wait3A_967 : memref<10000x128xf32, #tpu.memory_space<hbm>>) dst(%arg14 : memref<128x128xf32, #tpu.memory_space<vmem>>)
        %dma_start3A_968 = arith.constant 15 : i32
        %dma_start3A_969 = arith.constant 0 : i32
        %dma_start3A_970 = tpu.memref_slice %arg12[%dma_start3A_968, %dma_start3A_969] : memref<16x128xi32, #tpu.memory_space<vmem>> -> memref<1x128xi32, #tpu.memory_space<vmem>>
        %dma_start3A_971 = tpu.memref_squeeze %dma_start3A_970 : memref<1x128xi32, #tpu.memory_space<vmem>> -> memref<128xi32, #tpu.memory_space<vmem>>
        %dma_start3A_972 = arith.constant 0 : i32
        %dma_start3A_973 = arith.constant 0 : i32
        %dma_start3A_974 = tpu.memref_slice %arg15[%dma_start3A_972, %dma_start3A_973] : memref<10240x128xf32, #tpu.memory_space<vmem_shared>> -> memref<10240x128xf32, #tpu.memory_space<vmem_shared>>
        tpu.enqueue_indirect_dma source(%arg14 : memref<128x128xf32, #tpu.memory_space<vmem>>) target(%dma_start3A_974 : memref<10240x128xf32, #tpu.memory_space<vmem_shared>>) offsets(%dma_start3A_971 : memref<128xi32, #tpu.memory_space<vmem>>) semaphore(%arg19 : memref<!tpu.dma_semaphore, #tpu.memory_space<semaphore_mem>>) {add = true}
        %dma_wait3A_975 = arith.constant 14 : i32
        %dma_wait3A_976 = arith.constant 0 : i32
        %dma_wait3A_977 = tpu.memref_slice %arg12[%dma_wait3A_975, %dma_wait3A_976] : memref<16x128xi32, #tpu.memory_space<vmem>> -> memref<1x128xi32, #tpu.memory_space<vmem>>
        %dma_wait3A_978 = tpu.memref_squeeze %dma_wait3A_977 : memref<1x128xi32, #tpu.memory_space<vmem>> -> memref<128xi32, #tpu.memory_space<vmem>>
        %dma_wait3A_979 = arith.constant 0 : i32
        %dma_wait3A_980 = arith.constant 0 : i32
        %dma_wait3A_981 = tpu.memref_slice %arg15[%dma_wait3A_979, %dma_wait3A_980] : memref<10240x128xf32, #tpu.memory_space<vmem_shared>> -> memref<10240x128xf32, #tpu.memory_space<vmem_shared>>
        tpu.wait_indirect_dma semaphore(%arg18 : memref<!tpu.dma_semaphore, #tpu.memory_space<semaphore_mem>>) src(%arg13 : memref<128x128xf32, #tpu.memory_space<vmem>>) dst(%dma_wait3A_981 : memref<10240x128xf32, #tpu.memory_space<vmem_shared>>)
        %dma_wait3A_982 = arith.constant 15 : i32
        %dma_wait3A_983 = arith.constant 0 : i32
        %dma_wait3A_984 = tpu.memref_slice %arg12[%dma_wait3A_982, %dma_wait3A_983] : memref<16x128xi32, #tpu.memory_space<vmem>> -> memref<1x128xi32, #tpu.memory_space<vmem>>
        %dma_wait3A_985 = tpu.memref_squeeze %dma_wait3A_984 : memref<1x128xi32, #tpu.memory_space<vmem>> -> memref<128xi32, #tpu.memory_space<vmem>>
        %dma_wait3A_986 = arith.constant 0 : i32
        %dma_wait3A_987 = arith.constant 0 : i32
        %dma_wait3A_988 = tpu.memref_slice %arg15[%dma_wait3A_986, %dma_wait3A_987] : memref<10240x128xf32, #tpu.memory_space<vmem_shared>> -> memref<10240x128xf32, #tpu.memory_space<vmem_shared>>
        tpu.wait_indirect_dma semaphore(%arg19 : memref<!tpu.dma_semaphore, #tpu.memory_space<semaphore_mem>>) src(%arg14 : memref<128x128xf32, #tpu.memory_space<vmem>>) dst(%dma_wait3A_988 : memref<10240x128xf32, #tpu.memory_space<vmem_shared>>)
      }
      %scan3A_22 = arith.constant 5 : i32
      %mul3A_23 = arith.constant 160 : i32
      %mul3A_24 = arith.muli %arg1, %mul3A_23 : i32
      %add3A_25 = arith.constant 160 : i32
      %add3A_26 = arith.addi %mul3A_24, %add3A_25 : i32
      %dma_wait3A = arith.constant 0 : i32
      %dma_wait3A_27 = tpu.memref_slice %arg2[%add3A_26, %dma_wait3A] : memref<77x128xi32, #tpu.memory_space<hbm>> -> memref<16x128xi32, #tpu.memory_space<hbm>>
      %dma_wait3A_28 = arith.constant 0 : i32
      %dma_wait3A_29 = tpu.memref_slice %arg2[%add3A_26, %dma_wait3A_28] : memref<77x128xi32, #tpu.memory_space<hbm>> -> memref<16x128xi32, #tpu.memory_space<hbm>>
      tpu.wait_dma2 semaphore(%arg20 : memref<!tpu.dma_semaphore, #tpu.memory_space<semaphore_mem>>) src(%dma_wait3A_29 : memref<16x128xi32, #tpu.memory_space<hbm>>) dst(%arg9 : memref<16x128xi32, #tpu.memory_space<vmem>>)
      %dma_wait3A_30 = arith.constant 0 : i32
      %dma_wait3A_31 = tpu.memref_slice %arg3[%add3A_26, %dma_wait3A_30] : memref<77x128xi32, #tpu.memory_space<hbm>> -> memref<16x128xi32, #tpu.memory_space<hbm>>
      %dma_wait3A_32 = arith.constant 0 : i32
      %dma_wait3A_33 = tpu.memref_slice %arg3[%add3A_26, %dma_wait3A_32] : memref<77x128xi32, #tpu.memory_space<hbm>> -> memref<16x128xi32, #tpu.memory_space<hbm>>
      tpu.wait_dma2 semaphore(%arg20 : memref<!tpu.dma_semaphore, #tpu.memory_space<semaphore_mem>>) src(%dma_wait3A_33 : memref<16x128xi32, #tpu.memory_space<hbm>>) dst(%arg11 : memref<16x128xi32, #tpu.memory_space<vmem>>)
      %barrier3A_34 = arith.constant 0 : index
      tpu.barrier barrier_id(%barrier3A_34)
      %mul3A_35 = arith.constant 640 : i32
      %mul3A_36 = arith.muli %arg1, %mul3A_35 : i32
      %mul3A_37 = arith.constant 640 : i32
      %mul3A_38 = arith.muli %arg1, %mul3A_37 : i32
      "tpu.region"() ({
        %run_scoped3A = tpu.sem_alloc : memref<!tpu.dma_semaphore, #tpu.memory_space<semaphore_mem>>
        %dma_start3A_39 = arith.constant 0 : i32
        %dma_start3A_40 = tpu.memref_slice %arg7[%mul3A_38, %dma_start3A_39] : memref<10240x128xf32, #tpu.memory_space<hbm>> -> memref<640x128xf32, #tpu.memory_space<hbm>>
        %dma_start3A_41 = arith.constant 0 : i32
        %dma_start3A_42 = tpu.memref_slice %arg15[%mul3A_36, %dma_start3A_41] : memref<10240x128xf32, #tpu.memory_space<vmem_shared>> -> memref<640x128xf32, #tpu.memory_space<vmem_shared>>
        tpu.enqueue_dma source(%dma_start3A_42 : memref<640x128xf32, #tpu.memory_space<vmem_shared>>) target(%dma_start3A_40 : memref<640x128xf32, #tpu.memory_space<hbm>>) target_semaphore(%run_scoped3A : memref<!tpu.dma_semaphore, #tpu.memory_space<semaphore_mem>>)
        %dma_wait3A_43 = arith.constant 0 : i32
        %dma_wait3A_44 = tpu.memref_slice %arg7[%mul3A_38, %dma_wait3A_43] : memref<10240x128xf32, #tpu.memory_space<hbm>> -> memref<640x128xf32, #tpu.memory_space<hbm>>
        %dma_wait3A_45 = arith.constant 0 : i32
        %dma_wait3A_46 = tpu.memref_slice %arg15[%mul3A_36, %dma_wait3A_45] : memref<10240x128xf32, #tpu.memory_space<vmem_shared>> -> memref<640x128xf32, #tpu.memory_space<vmem_shared>>
        tpu.wait_dma2 semaphore(%run_scoped3A : memref<!tpu.dma_semaphore, #tpu.memory_space<semaphore_mem>>) src(%dma_wait3A_46 : memref<640x128xf32, #tpu.memory_space<vmem_shared>>) dst(%dma_wait3A_44 : memref<640x128xf32, #tpu.memory_space<hbm>>)
        tpu.yield
      }) : () -> ()
    } else {
    }
    %eq3A_2 = arith.constant 1 : i32
    %eq3A_3 = arith.cmpi eq, %arg0, %eq3A_2 : i32
    %convert_element_type3A_4 = arith.extui %eq3A_3 : i1 to i32
    %cond3A_5 = arith.constant 0 : i32
    %cond3A_6 = arith.cmpi ne, %convert_element_type3A_4, %cond3A_5 : i32
    scf.if %cond3A_6 {
      %mul3A = arith.constant 160 : i32
      %mul3A_7 = arith.muli %arg1, %mul3A : i32
      %add3A = arith.constant 0 : i32
      %add3A_8 = arith.addi %mul3A_7, %add3A : i32
      %dma_start3A = arith.constant 0 : i32
      %dma_start3A_9 = tpu.memref_slice %arg2[%add3A_8, %dma_start3A] : memref<77x128xi32, #tpu.memory_space<hbm>> -> memref<16x128xi32, #tpu.memory_space<hbm>>
      %dma_start3A_10 = arith.constant 0 : i32
      %dma_start3A_11 = tpu.memref_slice %arg2[%add3A_8, %dma_start3A_10] : memref<77x128xi32, #tpu.memory_space<hbm>> -> memref<16x128xi32, #tpu.memory_space<hbm>>
      tpu.enqueue_dma source(%dma_start3A_11 : memref<16x128xi32, #tpu.memory_space<hbm>>) target(%arg9 : memref<16x128xi32, #tpu.memory_space<vmem>>) target_semaphore(%arg20 : memref<!tpu.dma_semaphore, #tpu.memory_space<semaphore_mem>>)
      %dma_start3A_12 = arith.constant 0 : i32
      %dma_start3A_13 = tpu.memref_slice %arg3[%add3A_8, %dma_start3A_12] : memref<77x128xi32, #tpu.memory_space<hbm>> -> memref<16x128xi32, #tpu.memory_space<hbm>>
      %dma_start3A_14 = arith.constant 0 : i32
      %dma_start3A_15 = tpu.memref_slice %arg3[%add3A_8, %dma_start3A_14] : memref<77x128xi32, #tpu.memory_space<hbm>> -> memref<16x128xi32, #tpu.memory_space<hbm>>
      tpu.enqueue_dma source(%dma_start3A_15 : memref<16x128xi32, #tpu.memory_space<hbm>>) target(%arg11 : memref<16x128xi32, #tpu.memory_space<vmem>>) target_semaphore(%arg20 : memref<!tpu.dma_semaphore, #tpu.memory_space<semaphore_mem>>)
      %mul3A_16 = arith.constant 640 : i32
      %mul3A_17 = arith.muli %arg1, %mul3A_16 : i32
      "tpu.region"() ({
        %run_scoped3A = tpu.sem_alloc : memref<!tpu.dma_semaphore, #tpu.memory_space<semaphore_mem>>
        %dma_start3A_39 = arith.constant 0 : i32
        %dma_start3A_40 = tpu.memref_slice %arg15[%mul3A_17, %dma_start3A_39] : memref<10240x128xf32, #tpu.memory_space<vmem_shared>> -> memref<640x128xf32, #tpu.memory_space<vmem_shared>>
        tpu.enqueue_dma source(%arg6 : memref<640x128xf32, #tpu.memory_space<hbm>>) target(%dma_start3A_40 : memref<640x128xf32, #tpu.memory_space<vmem_shared>>) target_semaphore(%run_scoped3A : memref<!tpu.dma_semaphore, #tpu.memory_space<semaphore_mem>>)
        %dma_wait3A_41 = arith.constant 0 : i32
        %dma_wait3A_42 = tpu.memref_slice %arg15[%mul3A_17, %dma_wait3A_41] : memref<10240x128xf32, #tpu.memory_space<vmem_shared>> -> memref<640x128xf32, #tpu.memory_space<vmem_shared>>
        tpu.wait_dma2 semaphore(%run_scoped3A : memref<!tpu.dma_semaphore, #tpu.memory_space<semaphore_mem>>) src(%arg6 : memref<640x128xf32, #tpu.memory_space<hbm>>) dst(%dma_wait3A_42 : memref<640x128xf32, #tpu.memory_space<vmem_shared>>)
        tpu.yield
      }) : () -> ()
      %barrier3A = arith.constant 0 : index
      tpu.barrier barrier_id(%barrier3A)
      %scan3A = arith.constant 0 : i32
      %scan3A_18 = arith.constant 0 : i32
      %scan3A_19 = arith.constant 5 : i32
      %scan3A_20 = arith.addi %scan3A_18, %scan3A_19 : i32
      %scan3A_21 = arith.constant 1 : i32
      scf.for %scan3A_39 = %scan3A_18 to %scan3A_20 step %scan3A_21  : i32 {
        %mul3A_40 = arith.constant 2 : i32
        %mul3A_41 = arith.muli %mul3A_40, %scan3A_39 : i32
        %mul3A_42 = arith.constant 160 : i32
        %mul3A_43 = arith.muli %arg1, %mul3A_42 : i32
        %mul3A_44 = arith.constant 16 : i32
        %mul3A_45 = arith.muli %mul3A_41, %mul3A_44 : i32
        %add3A_46 = arith.addi %mul3A_43, %mul3A_45 : i32
        %dma_wait3A_47 = arith.constant 0 : i32
        %dma_wait3A_48 = tpu.memref_slice %arg2[%add3A_46, %dma_wait3A_47] : memref<77x128xi32, #tpu.memory_space<hbm>> -> memref<16x128xi32, #tpu.memory_space<hbm>>
        %dma_wait3A_49 = arith.constant 0 : i32
        %dma_wait3A_50 = tpu.memref_slice %arg2[%add3A_46, %dma_wait3A_49] : memref<77x128xi32, #tpu.memory_space<hbm>> -> memref<16x128xi32, #tpu.memory_space<hbm>>
        tpu.wait_dma2 semaphore(%arg20 : memref<!tpu.dma_semaphore, #tpu.memory_space<semaphore_mem>>) src(%dma_wait3A_50 : memref<16x128xi32, #tpu.memory_space<hbm>>) dst(%arg9 : memref<16x128xi32, #tpu.memory_space<vmem>>)
        %dma_wait3A_51 = arith.constant 0 : i32
        %dma_wait3A_52 = tpu.memref_slice %arg3[%add3A_46, %dma_wait3A_51] : memref<77x128xi32, #tpu.memory_space<hbm>> -> memref<16x128xi32, #tpu.memory_space<hbm>>
        %dma_wait3A_53 = arith.constant 0 : i32
        %dma_wait3A_54 = tpu.memref_slice %arg3[%add3A_46, %dma_wait3A_53] : memref<77x128xi32, #tpu.memory_space<hbm>> -> memref<16x128xi32, #tpu.memory_space<hbm>>
        tpu.wait_dma2 semaphore(%arg20 : memref<!tpu.dma_semaphore, #tpu.memory_space<semaphore_mem>>) src(%dma_wait3A_54 : memref<16x128xi32, #tpu.memory_space<hbm>>) dst(%arg11 : memref<16x128xi32, #tpu.memory_space<vmem>>)
        %add3A_55 = arith.constant 1 : i32
        %add3A_56 = arith.addi %mul3A_41, %add3A_55 : i32
        %mul3A_57 = arith.constant 160 : i32
        %mul3A_58 = arith.muli %arg1, %mul3A_57 : i32
        %mul3A_59 = arith.constant 16 : i32
        %mul3A_60 = arith.muli %add3A_56, %mul3A_59 : i32
        %add3A_61 = arith.addi %mul3A_58, %mul3A_60 : i32
        %dma_start3A_62 = arith.constant 0 : i32
        %dma_start3A_63 = tpu.memref_slice %arg2[%add3A_61, %dma_start3A_62] : memref<77x128xi32, #tpu.memory_space<hbm>> -> memref<16x128xi32, #tpu.memory_space<hbm>>
        %dma_start3A_64 = arith.constant 0 : i32
        %dma_start3A_65 = tpu.memref_slice %arg2[%add3A_61, %dma_start3A_64] : memref<77x128xi32, #tpu.memory_space<hbm>> -> memref<16x128xi32, #tpu.memory_space<hbm>>
        tpu.enqueue_dma source(%dma_start3A_65 : memref<16x128xi32, #tpu.memory_space<hbm>>) target(%arg10 : memref<16x128xi32, #tpu.memory_space<vmem>>) target_semaphore(%arg21 : memref<!tpu.dma_semaphore, #tpu.memory_space<semaphore_mem>>)
        %dma_start3A_66 = arith.constant 0 : i32
        %dma_start3A_67 = tpu.memref_slice %arg3[%add3A_61, %dma_start3A_66] : memref<77x128xi32, #tpu.memory_space<hbm>> -> memref<16x128xi32, #tpu.memory_space<hbm>>
        %dma_start3A_68 = arith.constant 0 : i32
        %dma_start3A_69 = tpu.memref_slice %arg3[%add3A_61, %dma_start3A_68] : memref<77x128xi32, #tpu.memory_space<hbm>> -> memref<16x128xi32, #tpu.memory_space<hbm>>
        tpu.enqueue_dma source(%dma_start3A_69 : memref<16x128xi32, #tpu.memory_space<hbm>>) target(%arg12 : memref<16x128xi32, #tpu.memory_space<vmem>>) target_semaphore(%arg21 : memref<!tpu.dma_semaphore, #tpu.memory_space<semaphore_mem>>)
        %dma_start3A_70 = arith.constant 0 : i32
        %dma_start3A_71 = arith.constant 0 : i32
        %dma_start3A_72 = tpu.memref_slice %arg9[%dma_start3A_70, %dma_start3A_71] : memref<16x128xi32, #tpu.memory_space<vmem>> -> memref<1x128xi32, #tpu.memory_space<vmem>>
        %dma_start3A_73 = tpu.memref_squeeze %dma_start3A_72 : memref<1x128xi32, #tpu.memory_space<vmem>> -> memref<128xi32, #tpu.memory_space<vmem>>
        %dma_start3A_74 = arith.constant 0 : i32
        %dma_start3A_75 = arith.constant 0 : i32
        %dma_start3A_76 = tpu.memref_slice %arg5[%dma_start3A_74, %dma_start3A_75] : memref<256x128xf32, #tpu.memory_space<hbm>> -> memref<256x128xf32, #tpu.memory_space<hbm>>
        tpu.enqueue_indirect_dma source(%dma_start3A_76 : memref<256x128xf32, #tpu.memory_space<hbm>>) target(%arg13 : memref<128x128xf32, #tpu.memory_space<vmem>>) offsets(%dma_start3A_73 : memref<128xi32, #tpu.memory_space<vmem>>) semaphore(%arg16 : memref<!tpu.dma_semaphore, #tpu.memory_space<semaphore_mem>>)
        %dma_start3A_77 = arith.constant 1 : i32
        %dma_start3A_78 = arith.constant 0 : i32
        %dma_start3A_79 = tpu.memref_slice %arg9[%dma_start3A_77, %dma_start3A_78] : memref<16x128xi32, #tpu.memory_space<vmem>> -> memref<1x128xi32, #tpu.memory_space<vmem>>
        %dma_start3A_80 = tpu.memref_squeeze %dma_start3A_79 : memref<1x128xi32, #tpu.memory_space<vmem>> -> memref<128xi32, #tpu.memory_space<vmem>>
        %dma_start3A_81 = arith.constant 0 : i32
        %dma_start3A_82 = arith.constant 0 : i32
        %dma_start3A_83 = tpu.memref_slice %arg5[%dma_start3A_81, %dma_start3A_82] : memref<256x128xf32, #tpu.memory_space<hbm>> -> memref<256x128xf32, #tpu.memory_space<hbm>>
        tpu.enqueue_indirect_dma source(%dma_start3A_83 : memref<256x128xf32, #tpu.memory_space<hbm>>) target(%arg14 : memref<128x128xf32, #tpu.memory_space<vmem>>) offsets(%dma_start3A_80 : memref<128xi32, #tpu.memory_space<vmem>>) semaphore(%arg17 : memref<!tpu.dma_semaphore, #tpu.memory_space<semaphore_mem>>)
        %dma_wait3A_84 = arith.constant 0 : i32
        %dma_wait3A_85 = arith.constant 0 : i32
        %dma_wait3A_86 = tpu.memref_slice %arg9[%dma_wait3A_84, %dma_wait3A_85] : memref<16x128xi32, #tpu.memory_space<vmem>> -> memref<1x128xi32, #tpu.memory_space<vmem>>
        %dma_wait3A_87 = tpu.memref_squeeze %dma_wait3A_86 : memref<1x128xi32, #tpu.memory_space<vmem>> -> memref<128xi32, #tpu.memory_space<vmem>>
        %dma_wait3A_88 = arith.constant 0 : i32
        %dma_wait3A_89 = arith.constant 0 : i32
        %dma_wait3A_90 = tpu.memref_slice %arg5[%dma_wait3A_88, %dma_wait3A_89] : memref<256x128xf32, #tpu.memory_space<hbm>> -> memref<256x128xf32, #tpu.memory_space<hbm>>
        tpu.wait_indirect_dma semaphore(%arg16 : memref<!tpu.dma_semaphore, #tpu.memory_space<semaphore_mem>>) src(%dma_wait3A_90 : memref<256x128xf32, #tpu.memory_space<hbm>>) dst(%arg13 : memref<128x128xf32, #tpu.memory_space<vmem>>)
        %dma_start3A_91 = arith.constant 0 : i32
        %dma_start3A_92 = arith.constant 0 : i32
        %dma_start3A_93 = tpu.memref_slice %arg11[%dma_start3A_91, %dma_start3A_92] : memref<16x128xi32, #tpu.memory_space<vmem>> -> memref<1x128xi32, #tpu.memory_space<vmem>>
        %dma_start3A_94 = tpu.memref_squeeze %dma_start3A_93 : memref<1x128xi32, #tpu.memory_space<vmem>> -> memref<128xi32, #tpu.memory_space<vmem>>
        %dma_start3A_95 = arith.constant 0 : i32
        %dma_start3A_96 = arith.constant 0 : i32
        %dma_start3A_97 = tpu.memref_slice %arg15[%dma_start3A_95, %dma_start3A_96] : memref<10240x128xf32, #tpu.memory_space<vmem_shared>> -> memref<10240x128xf32, #tpu.memory_space<vmem_shared>>
        tpu.enqueue_indirect_dma source(%arg13 : memref<128x128xf32, #tpu.memory_space<vmem>>) target(%dma_start3A_97 : memref<10240x128xf32, #tpu.memory_space<vmem_shared>>) offsets(%dma_start3A_94 : memref<128xi32, #tpu.memory_space<vmem>>) semaphore(%arg18 : memref<!tpu.dma_semaphore, #tpu.memory_space<semaphore_mem>>) {add = true}
        %dma_wait3A_98 = arith.constant 0 : i32
        %dma_wait3A_99 = arith.constant 0 : i32
        %dma_wait3A_100 = tpu.memref_slice %arg11[%dma_wait3A_98, %dma_wait3A_99] : memref<16x128xi32, #tpu.memory_space<vmem>> -> memref<1x128xi32, #tpu.memory_space<vmem>>
        %dma_wait3A_101 = tpu.memref_squeeze %dma_wait3A_100 : memref<1x128xi32, #tpu.memory_space<vmem>> -> memref<128xi32, #tpu.memory_space<vmem>>
        %dma_wait3A_102 = arith.constant 0 : i32
        %dma_wait3A_103 = arith.constant 0 : i32
        %dma_wait3A_104 = tpu.memref_slice %arg15[%dma_wait3A_102, %dma_wait3A_103] : memref<10240x128xf32, #tpu.memory_space<vmem_shared>> -> memref<10240x128xf32, #tpu.memory_space<vmem_shared>>
        tpu.wait_indirect_dma semaphore(%arg18 : memref<!tpu.dma_semaphore, #tpu.memory_space<semaphore_mem>>) src(%arg13 : memref<128x128xf32, #tpu.memory_space<vmem>>) dst(%dma_wait3A_104 : memref<10240x128xf32, #tpu.memory_space<vmem_shared>>)
        %dma_start3A_105 = arith.constant 2 : i32
        %dma_start3A_106 = arith.constant 0 : i32
        %dma_start3A_107 = tpu.memref_slice %arg9[%dma_start3A_105, %dma_start3A_106] : memref<16x128xi32, #tpu.memory_space<vmem>> -> memref<1x128xi32, #tpu.memory_space<vmem>>
        %dma_start3A_108 = tpu.memref_squeeze %dma_start3A_107 : memref<1x128xi32, #tpu.memory_space<vmem>> -> memref<128xi32, #tpu.memory_space<vmem>>
        %dma_start3A_109 = arith.constant 0 : i32
        %dma_start3A_110 = arith.constant 0 : i32
        %dma_start3A_111 = tpu.memref_slice %arg5[%dma_start3A_109, %dma_start3A_110] : memref<256x128xf32, #tpu.memory_space<hbm>> -> memref<256x128xf32, #tpu.memory_space<hbm>>
        tpu.enqueue_indirect_dma source(%dma_start3A_111 : memref<256x128xf32, #tpu.memory_space<hbm>>) target(%arg13 : memref<128x128xf32, #tpu.memory_space<vmem>>) offsets(%dma_start3A_108 : memref<128xi32, #tpu.memory_space<vmem>>) semaphore(%arg16 : memref<!tpu.dma_semaphore, #tpu.memory_space<semaphore_mem>>)
        %dma_wait3A_112 = arith.constant 1 : i32
        %dma_wait3A_113 = arith.constant 0 : i32
        %dma_wait3A_114 = tpu.memref_slice %arg9[%dma_wait3A_112, %dma_wait3A_113] : memref<16x128xi32, #tpu.memory_space<vmem>> -> memref<1x128xi32, #tpu.memory_space<vmem>>
        %dma_wait3A_115 = tpu.memref_squeeze %dma_wait3A_114 : memref<1x128xi32, #tpu.memory_space<vmem>> -> memref<128xi32, #tpu.memory_space<vmem>>
        %dma_wait3A_116 = arith.constant 0 : i32
        %dma_wait3A_117 = arith.constant 0 : i32
        %dma_wait3A_118 = tpu.memref_slice %arg5[%dma_wait3A_116, %dma_wait3A_117] : memref<256x128xf32, #tpu.memory_space<hbm>> -> memref<256x128xf32, #tpu.memory_space<hbm>>
        tpu.wait_indirect_dma semaphore(%arg17 : memref<!tpu.dma_semaphore, #tpu.memory_space<semaphore_mem>>) src(%dma_wait3A_118 : memref<256x128xf32, #tpu.memory_space<hbm>>) dst(%arg14 : memref<128x128xf32, #tpu.memory_space<vmem>>)
        %dma_start3A_119 = arith.constant 1 : i32
        %dma_start3A_120 = arith.constant 0 : i32
        %dma_start3A_121 = tpu.memref_slice %arg11[%dma_start3A_119, %dma_start3A_120] : memref<16x128xi32, #tpu.memory_space<vmem>> -> memref<1x128xi32, #tpu.memory_space<vmem>>
        %dma_start3A_122 = tpu.memref_squeeze %dma_start3A_121 : memref<1x128xi32, #tpu.memory_space<vmem>> -> memref<128xi32, #tpu.memory_space<vmem>>
        %dma_start3A_123 = arith.constant 0 : i32
        %dma_start3A_124 = arith.constant 0 : i32
        %dma_start3A_125 = tpu.memref_slice %arg15[%dma_start3A_123, %dma_start3A_124] : memref<10240x128xf32, #tpu.memory_space<vmem_shared>> -> memref<10240x128xf32, #tpu.memory_space<vmem_shared>>
        tpu.enqueue_indirect_dma source(%arg14 : memref<128x128xf32, #tpu.memory_space<vmem>>) target(%dma_start3A_125 : memref<10240x128xf32, #tpu.memory_space<vmem_shared>>) offsets(%dma_start3A_122 : memref<128xi32, #tpu.memory_space<vmem>>) semaphore(%arg19 : memref<!tpu.dma_semaphore, #tpu.memory_space<semaphore_mem>>) {add = true}
        %dma_wait3A_126 = arith.constant 1 : i32
        %dma_wait3A_127 = arith.constant 0 : i32
        %dma_wait3A_128 = tpu.memref_slice %arg11[%dma_wait3A_126, %dma_wait3A_127] : memref<16x128xi32, #tpu.memory_space<vmem>> -> memref<1x128xi32, #tpu.memory_space<vmem>>
        %dma_wait3A_129 = tpu.memref_squeeze %dma_wait3A_128 : memref<1x128xi32, #tpu.memory_space<vmem>> -> memref<128xi32, #tpu.memory_space<vmem>>
        %dma_wait3A_130 = arith.constant 0 : i32
        %dma_wait3A_131 = arith.constant 0 : i32
        %dma_wait3A_132 = tpu.memref_slice %arg15[%dma_wait3A_130, %dma_wait3A_131] : memref<10240x128xf32, #tpu.memory_space<vmem_shared>> -> memref<10240x128xf32, #tpu.memory_space<vmem_shared>>
        tpu.wait_indirect_dma semaphore(%arg19 : memref<!tpu.dma_semaphore, #tpu.memory_space<semaphore_mem>>) src(%arg14 : memref<128x128xf32, #tpu.memory_space<vmem>>) dst(%dma_wait3A_132 : memref<10240x128xf32, #tpu.memory_space<vmem_shared>>)
        %dma_start3A_133 = arith.constant 3 : i32
        %dma_start3A_134 = arith.constant 0 : i32
        %dma_start3A_135 = tpu.memref_slice %arg9[%dma_start3A_133, %dma_start3A_134] : memref<16x128xi32, #tpu.memory_space<vmem>> -> memref<1x128xi32, #tpu.memory_space<vmem>>
        %dma_start3A_136 = tpu.memref_squeeze %dma_start3A_135 : memref<1x128xi32, #tpu.memory_space<vmem>> -> memref<128xi32, #tpu.memory_space<vmem>>
        %dma_start3A_137 = arith.constant 0 : i32
        %dma_start3A_138 = arith.constant 0 : i32
        %dma_start3A_139 = tpu.memref_slice %arg5[%dma_start3A_137, %dma_start3A_138] : memref<256x128xf32, #tpu.memory_space<hbm>> -> memref<256x128xf32, #tpu.memory_space<hbm>>
        tpu.enqueue_indirect_dma source(%dma_start3A_139 : memref<256x128xf32, #tpu.memory_space<hbm>>) target(%arg14 : memref<128x128xf32, #tpu.memory_space<vmem>>) offsets(%dma_start3A_136 : memref<128xi32, #tpu.memory_space<vmem>>) semaphore(%arg17 : memref<!tpu.dma_semaphore, #tpu.memory_space<semaphore_mem>>)
        %dma_wait3A_140 = arith.constant 2 : i32
        %dma_wait3A_141 = arith.constant 0 : i32
        %dma_wait3A_142 = tpu.memref_slice %arg9[%dma_wait3A_140, %dma_wait3A_141] : memref<16x128xi32, #tpu.memory_space<vmem>> -> memref<1x128xi32, #tpu.memory_space<vmem>>
        %dma_wait3A_143 = tpu.memref_squeeze %dma_wait3A_142 : memref<1x128xi32, #tpu.memory_space<vmem>> -> memref<128xi32, #tpu.memory_space<vmem>>
        %dma_wait3A_144 = arith.constant 0 : i32
        %dma_wait3A_145 = arith.constant 0 : i32
        %dma_wait3A_146 = tpu.memref_slice %arg5[%dma_wait3A_144, %dma_wait3A_145] : memref<256x128xf32, #tpu.memory_space<hbm>> -> memref<256x128xf32, #tpu.memory_space<hbm>>
        tpu.wait_indirect_dma semaphore(%arg16 : memref<!tpu.dma_semaphore, #tpu.memory_space<semaphore_mem>>) src(%dma_wait3A_146 : memref<256x128xf32, #tpu.memory_space<hbm>>) dst(%arg13 : memref<128x128xf32, #tpu.memory_space<vmem>>)
        %dma_start3A_147 = arith.constant 2 : i32
        %dma_start3A_148 = arith.constant 0 : i32
        %dma_start3A_149 = tpu.memref_slice %arg11[%dma_start3A_147, %dma_start3A_148] : memref<16x128xi32, #tpu.memory_space<vmem>> -> memref<1x128xi32, #tpu.memory_space<vmem>>
        %dma_start3A_150 = tpu.memref_squeeze %dma_start3A_149 : memref<1x128xi32, #tpu.memory_space<vmem>> -> memref<128xi32, #tpu.memory_space<vmem>>
        %dma_start3A_151 = arith.constant 0 : i32
        %dma_start3A_152 = arith.constant 0 : i32
        %dma_start3A_153 = tpu.memref_slice %arg15[%dma_start3A_151, %dma_start3A_152] : memref<10240x128xf32, #tpu.memory_space<vmem_shared>> -> memref<10240x128xf32, #tpu.memory_space<vmem_shared>>
        tpu.enqueue_indirect_dma source(%arg13 : memref<128x128xf32, #tpu.memory_space<vmem>>) target(%dma_start3A_153 : memref<10240x128xf32, #tpu.memory_space<vmem_shared>>) offsets(%dma_start3A_150 : memref<128xi32, #tpu.memory_space<vmem>>) semaphore(%arg18 : memref<!tpu.dma_semaphore, #tpu.memory_space<semaphore_mem>>) {add = true}
        %dma_wait3A_154 = arith.constant 2 : i32
        %dma_wait3A_155 = arith.constant 0 : i32
        %dma_wait3A_156 = tpu.memref_slice %arg11[%dma_wait3A_154, %dma_wait3A_155] : memref<16x128xi32, #tpu.memory_space<vmem>> -> memref<1x128xi32, #tpu.memory_space<vmem>>
        %dma_wait3A_157 = tpu.memref_squeeze %dma_wait3A_156 : memref<1x128xi32, #tpu.memory_space<vmem>> -> memref<128xi32, #tpu.memory_space<vmem>>
        %dma_wait3A_158 = arith.constant 0 : i32
        %dma_wait3A_159 = arith.constant 0 : i32
        %dma_wait3A_160 = tpu.memref_slice %arg15[%dma_wait3A_158, %dma_wait3A_159] : memref<10240x128xf32, #tpu.memory_space<vmem_shared>> -> memref<10240x128xf32, #tpu.memory_space<vmem_shared>>
        tpu.wait_indirect_dma semaphore(%arg18 : memref<!tpu.dma_semaphore, #tpu.memory_space<semaphore_mem>>) src(%arg13 : memref<128x128xf32, #tpu.memory_space<vmem>>) dst(%dma_wait3A_160 : memref<10240x128xf32, #tpu.memory_space<vmem_shared>>)
        %dma_start3A_161 = arith.constant 4 : i32
        %dma_start3A_162 = arith.constant 0 : i32
        %dma_start3A_163 = tpu.memref_slice %arg9[%dma_start3A_161, %dma_start3A_162] : memref<16x128xi32, #tpu.memory_space<vmem>> -> memref<1x128xi32, #tpu.memory_space<vmem>>
        %dma_start3A_164 = tpu.memref_squeeze %dma_start3A_163 : memref<1x128xi32, #tpu.memory_space<vmem>> -> memref<128xi32, #tpu.memory_space<vmem>>
        %dma_start3A_165 = arith.constant 0 : i32
        %dma_start3A_166 = arith.constant 0 : i32
        %dma_start3A_167 = tpu.memref_slice %arg5[%dma_start3A_165, %dma_start3A_166] : memref<256x128xf32, #tpu.memory_space<hbm>> -> memref<256x128xf32, #tpu.memory_space<hbm>>
        tpu.enqueue_indirect_dma source(%dma_start3A_167 : memref<256x128xf32, #tpu.memory_space<hbm>>) target(%arg13 : memref<128x128xf32, #tpu.memory_space<vmem>>) offsets(%dma_start3A_164 : memref<128xi32, #tpu.memory_space<vmem>>) semaphore(%arg16 : memref<!tpu.dma_semaphore, #tpu.memory_space<semaphore_mem>>)
        %dma_wait3A_168 = arith.constant 3 : i32
        %dma_wait3A_169 = arith.constant 0 : i32
        %dma_wait3A_170 = tpu.memref_slice %arg9[%dma_wait3A_168, %dma_wait3A_169] : memref<16x128xi32, #tpu.memory_space<vmem>> -> memref<1x128xi32, #tpu.memory_space<vmem>>
        %dma_wait3A_171 = tpu.memref_squeeze %dma_wait3A_170 : memref<1x128xi32, #tpu.memory_space<vmem>> -> memref<128xi32, #tpu.memory_space<vmem>>
        %dma_wait3A_172 = arith.constant 0 : i32
        %dma_wait3A_173 = arith.constant 0 : i32
        %dma_wait3A_174 = tpu.memref_slice %arg5[%dma_wait3A_172, %dma_wait3A_173] : memref<256x128xf32, #tpu.memory_space<hbm>> -> memref<256x128xf32, #tpu.memory_space<hbm>>
        tpu.wait_indirect_dma semaphore(%arg17 : memref<!tpu.dma_semaphore, #tpu.memory_space<semaphore_mem>>) src(%dma_wait3A_174 : memref<256x128xf32, #tpu.memory_space<hbm>>) dst(%arg14 : memref<128x128xf32, #tpu.memory_space<vmem>>)
        %dma_start3A_175 = arith.constant 3 : i32
        %dma_start3A_176 = arith.constant 0 : i32
        %dma_start3A_177 = tpu.memref_slice %arg11[%dma_start3A_175, %dma_start3A_176] : memref<16x128xi32, #tpu.memory_space<vmem>> -> memref<1x128xi32, #tpu.memory_space<vmem>>
        %dma_start3A_178 = tpu.memref_squeeze %dma_start3A_177 : memref<1x128xi32, #tpu.memory_space<vmem>> -> memref<128xi32, #tpu.memory_space<vmem>>
        %dma_start3A_179 = arith.constant 0 : i32
        %dma_start3A_180 = arith.constant 0 : i32
        %dma_start3A_181 = tpu.memref_slice %arg15[%dma_start3A_179, %dma_start3A_180] : memref<10240x128xf32, #tpu.memory_space<vmem_shared>> -> memref<10240x128xf32, #tpu.memory_space<vmem_shared>>
        tpu.enqueue_indirect_dma source(%arg14 : memref<128x128xf32, #tpu.memory_space<vmem>>) target(%dma_start3A_181 : memref<10240x128xf32, #tpu.memory_space<vmem_shared>>) offsets(%dma_start3A_178 : memref<128xi32, #tpu.memory_space<vmem>>) semaphore(%arg19 : memref<!tpu.dma_semaphore, #tpu.memory_space<semaphore_mem>>) {add = true}
        %dma_wait3A_182 = arith.constant 3 : i32
        %dma_wait3A_183 = arith.constant 0 : i32
        %dma_wait3A_184 = tpu.memref_slice %arg11[%dma_wait3A_182, %dma_wait3A_183] : memref<16x128xi32, #tpu.memory_space<vmem>> -> memref<1x128xi32, #tpu.memory_space<vmem>>
        %dma_wait3A_185 = tpu.memref_squeeze %dma_wait3A_184 : memref<1x128xi32, #tpu.memory_space<vmem>> -> memref<128xi32, #tpu.memory_space<vmem>>
        %dma_wait3A_186 = arith.constant 0 : i32
        %dma_wait3A_187 = arith.constant 0 : i32
        %dma_wait3A_188 = tpu.memref_slice %arg15[%dma_wait3A_186, %dma_wait3A_187] : memref<10240x128xf32, #tpu.memory_space<vmem_shared>> -> memref<10240x128xf32, #tpu.memory_space<vmem_shared>>
        tpu.wait_indirect_dma semaphore(%arg19 : memref<!tpu.dma_semaphore, #tpu.memory_space<semaphore_mem>>) src(%arg14 : memref<128x128xf32, #tpu.memory_space<vmem>>) dst(%dma_wait3A_188 : memref<10240x128xf32, #tpu.memory_space<vmem_shared>>)
        %dma_start3A_189 = arith.constant 5 : i32
        %dma_start3A_190 = arith.constant 0 : i32
        %dma_start3A_191 = tpu.memref_slice %arg9[%dma_start3A_189, %dma_start3A_190] : memref<16x128xi32, #tpu.memory_space<vmem>> -> memref<1x128xi32, #tpu.memory_space<vmem>>
        %dma_start3A_192 = tpu.memref_squeeze %dma_start3A_191 : memref<1x128xi32, #tpu.memory_space<vmem>> -> memref<128xi32, #tpu.memory_space<vmem>>
        %dma_start3A_193 = arith.constant 0 : i32
        %dma_start3A_194 = arith.constant 0 : i32
        %dma_start3A_195 = tpu.memref_slice %arg5[%dma_start3A_193, %dma_start3A_194] : memref<256x128xf32, #tpu.memory_space<hbm>> -> memref<256x128xf32, #tpu.memory_space<hbm>>
        tpu.enqueue_indirect_dma source(%dma_start3A_195 : memref<256x128xf32, #tpu.memory_space<hbm>>) target(%arg14 : memref<128x128xf32, #tpu.memory_space<vmem>>) offsets(%dma_start3A_192 : memref<128xi32, #tpu.memory_space<vmem>>) semaphore(%arg17 : memref<!tpu.dma_semaphore, #tpu.memory_space<semaphore_mem>>)
        %dma_wait3A_196 = arith.constant 4 : i32
        %dma_wait3A_197 = arith.constant 0 : i32
        %dma_wait3A_198 = tpu.memref_slice %arg9[%dma_wait3A_196, %dma_wait3A_197] : memref<16x128xi32, #tpu.memory_space<vmem>> -> memref<1x128xi32, #tpu.memory_space<vmem>>
        %dma_wait3A_199 = tpu.memref_squeeze %dma_wait3A_198 : memref<1x128xi32, #tpu.memory_space<vmem>> -> memref<128xi32, #tpu.memory_space<vmem>>
        %dma_wait3A_200 = arith.constant 0 : i32
        %dma_wait3A_201 = arith.constant 0 : i32
        %dma_wait3A_202 = tpu.memref_slice %arg5[%dma_wait3A_200, %dma_wait3A_201] : memref<256x128xf32, #tpu.memory_space<hbm>> -> memref<256x128xf32, #tpu.memory_space<hbm>>
        tpu.wait_indirect_dma semaphore(%arg16 : memref<!tpu.dma_semaphore, #tpu.memory_space<semaphore_mem>>) src(%dma_wait3A_202 : memref<256x128xf32, #tpu.memory_space<hbm>>) dst(%arg13 : memref<128x128xf32, #tpu.memory_space<vmem>>)
        %dma_start3A_203 = arith.constant 4 : i32
        %dma_start3A_204 = arith.constant 0 : i32
        %dma_start3A_205 = tpu.memref_slice %arg11[%dma_start3A_203, %dma_start3A_204] : memref<16x128xi32, #tpu.memory_space<vmem>> -> memref<1x128xi32, #tpu.memory_space<vmem>>
        %dma_start3A_206 = tpu.memref_squeeze %dma_start3A_205 : memref<1x128xi32, #tpu.memory_space<vmem>> -> memref<128xi32, #tpu.memory_space<vmem>>
        %dma_start3A_207 = arith.constant 0 : i32
        %dma_start3A_208 = arith.constant 0 : i32
        %dma_start3A_209 = tpu.memref_slice %arg15[%dma_start3A_207, %dma_start3A_208] : memref<10240x128xf32, #tpu.memory_space<vmem_shared>> -> memref<10240x128xf32, #tpu.memory_space<vmem_shared>>
        tpu.enqueue_indirect_dma source(%arg13 : memref<128x128xf32, #tpu.memory_space<vmem>>) target(%dma_start3A_209 : memref<10240x128xf32, #tpu.memory_space<vmem_shared>>) offsets(%dma_start3A_206 : memref<128xi32, #tpu.memory_space<vmem>>) semaphore(%arg18 : memref<!tpu.dma_semaphore, #tpu.memory_space<semaphore_mem>>) {add = true}
        %dma_wait3A_210 = arith.constant 4 : i32
        %dma_wait3A_211 = arith.constant 0 : i32
        %dma_wait3A_212 = tpu.memref_slice %arg11[%dma_wait3A_210, %dma_wait3A_211] : memref<16x128xi32, #tpu.memory_space<vmem>> -> memref<1x128xi32, #tpu.memory_space<vmem>>
        %dma_wait3A_213 = tpu.memref_squeeze %dma_wait3A_212 : memref<1x128xi32, #tpu.memory_space<vmem>> -> memref<128xi32, #tpu.memory_space<vmem>>
        %dma_wait3A_214 = arith.constant 0 : i32
        %dma_wait3A_215 = arith.constant 0 : i32
        %dma_wait3A_216 = tpu.memref_slice %arg15[%dma_wait3A_214, %dma_wait3A_215] : memref<10240x128xf32, #tpu.memory_space<vmem_shared>> -> memref<10240x128xf32, #tpu.memory_space<vmem_shared>>
        tpu.wait_indirect_dma semaphore(%arg18 : memref<!tpu.dma_semaphore, #tpu.memory_space<semaphore_mem>>) src(%arg13 : memref<128x128xf32, #tpu.memory_space<vmem>>) dst(%dma_wait3A_216 : memref<10240x128xf32, #tpu.memory_space<vmem_shared>>)
        %dma_start3A_217 = arith.constant 6 : i32
        %dma_start3A_218 = arith.constant 0 : i32
        %dma_start3A_219 = tpu.memref_slice %arg9[%dma_start3A_217, %dma_start3A_218] : memref<16x128xi32, #tpu.memory_space<vmem>> -> memref<1x128xi32, #tpu.memory_space<vmem>>
        %dma_start3A_220 = tpu.memref_squeeze %dma_start3A_219 : memref<1x128xi32, #tpu.memory_space<vmem>> -> memref<128xi32, #tpu.memory_space<vmem>>
        %dma_start3A_221 = arith.constant 0 : i32
        %dma_start3A_222 = arith.constant 0 : i32
        %dma_start3A_223 = tpu.memref_slice %arg5[%dma_start3A_221, %dma_start3A_222] : memref<256x128xf32, #tpu.memory_space<hbm>> -> memref<256x128xf32, #tpu.memory_space<hbm>>
        tpu.enqueue_indirect_dma source(%dma_start3A_223 : memref<256x128xf32, #tpu.memory_space<hbm>>) target(%arg13 : memref<128x128xf32, #tpu.memory_space<vmem>>) offsets(%dma_start3A_220 : memref<128xi32, #tpu.memory_space<vmem>>) semaphore(%arg16 : memref<!tpu.dma_semaphore, #tpu.memory_space<semaphore_mem>>)
        %dma_wait3A_224 = arith.constant 5 : i32
        %dma_wait3A_225 = arith.constant 0 : i32
        %dma_wait3A_226 = tpu.memref_slice %arg9[%dma_wait3A_224, %dma_wait3A_225] : memref<16x128xi32, #tpu.memory_space<vmem>> -> memref<1x128xi32, #tpu.memory_space<vmem>>
        %dma_wait3A_227 = tpu.memref_squeeze %dma_wait3A_226 : memref<1x128xi32, #tpu.memory_space<vmem>> -> memref<128xi32, #tpu.memory_space<vmem>>
        %dma_wait3A_228 = arith.constant 0 : i32
        %dma_wait3A_229 = arith.constant 0 : i32
        %dma_wait3A_230 = tpu.memref_slice %arg5[%dma_wait3A_228, %dma_wait3A_229] : memref<256x128xf32, #tpu.memory_space<hbm>> -> memref<256x128xf32, #tpu.memory_space<hbm>>
        tpu.wait_indirect_dma semaphore(%arg17 : memref<!tpu.dma_semaphore, #tpu.memory_space<semaphore_mem>>) src(%dma_wait3A_230 : memref<256x128xf32, #tpu.memory_space<hbm>>) dst(%arg14 : memref<128x128xf32, #tpu.memory_space<vmem>>)
        %dma_start3A_231 = arith.constant 5 : i32
        %dma_start3A_232 = arith.constant 0 : i32
        %dma_start3A_233 = tpu.memref_slice %arg11[%dma_start3A_231, %dma_start3A_232] : memref<16x128xi32, #tpu.memory_space<vmem>> -> memref<1x128xi32, #tpu.memory_space<vmem>>
        %dma_start3A_234 = tpu.memref_squeeze %dma_start3A_233 : memref<1x128xi32, #tpu.memory_space<vmem>> -> memref<128xi32, #tpu.memory_space<vmem>>
        %dma_start3A_235 = arith.constant 0 : i32
        %dma_start3A_236 = arith.constant 0 : i32
        %dma_start3A_237 = tpu.memref_slice %arg15[%dma_start3A_235, %dma_start3A_236] : memref<10240x128xf32, #tpu.memory_space<vmem_shared>> -> memref<10240x128xf32, #tpu.memory_space<vmem_shared>>
        tpu.enqueue_indirect_dma source(%arg14 : memref<128x128xf32, #tpu.memory_space<vmem>>) target(%dma_start3A_237 : memref<10240x128xf32, #tpu.memory_space<vmem_shared>>) offsets(%dma_start3A_234 : memref<128xi32, #tpu.memory_space<vmem>>) semaphore(%arg19 : memref<!tpu.dma_semaphore, #tpu.memory_space<semaphore_mem>>) {add = true}
        %dma_wait3A_238 = arith.constant 5 : i32
        %dma_wait3A_239 = arith.constant 0 : i32
        %dma_wait3A_240 = tpu.memref_slice %arg11[%dma_wait3A_238, %dma_wait3A_239] : memref<16x128xi32, #tpu.memory_space<vmem>> -> memref<1x128xi32, #tpu.memory_space<vmem>>
        %dma_wait3A_241 = tpu.memref_squeeze %dma_wait3A_240 : memref<1x128xi32, #tpu.memory_space<vmem>> -> memref<128xi32, #tpu.memory_space<vmem>>
        %dma_wait3A_242 = arith.constant 0 : i32
        %dma_wait3A_243 = arith.constant 0 : i32
        %dma_wait3A_244 = tpu.memref_slice %arg15[%dma_wait3A_242, %dma_wait3A_243] : memref<10240x128xf32, #tpu.memory_space<vmem_shared>> -> memref<10240x128xf32, #tpu.memory_space<vmem_shared>>
        tpu.wait_indirect_dma semaphore(%arg19 : memref<!tpu.dma_semaphore, #tpu.memory_space<semaphore_mem>>) src(%arg14 : memref<128x128xf32, #tpu.memory_space<vmem>>) dst(%dma_wait3A_244 : memref<10240x128xf32, #tpu.memory_space<vmem_shared>>)
        %dma_start3A_245 = arith.constant 7 : i32
        %dma_start3A_246 = arith.constant 0 : i32
        %dma_start3A_247 = tpu.memref_slice %arg9[%dma_start3A_245, %dma_start3A_246] : memref<16x128xi32, #tpu.memory_space<vmem>> -> memref<1x128xi32, #tpu.memory_space<vmem>>
        %dma_start3A_248 = tpu.memref_squeeze %dma_start3A_247 : memref<1x128xi32, #tpu.memory_space<vmem>> -> memref<128xi32, #tpu.memory_space<vmem>>
        %dma_start3A_249 = arith.constant 0 : i32
        %dma_start3A_250 = arith.constant 0 : i32
        %dma_start3A_251 = tpu.memref_slice %arg5[%dma_start3A_249, %dma_start3A_250] : memref<256x128xf32, #tpu.memory_space<hbm>> -> memref<256x128xf32, #tpu.memory_space<hbm>>
        tpu.enqueue_indirect_dma source(%dma_start3A_251 : memref<256x128xf32, #tpu.memory_space<hbm>>) target(%arg14 : memref<128x128xf32, #tpu.memory_space<vmem>>) offsets(%dma_start3A_248 : memref<128xi32, #tpu.memory_space<vmem>>) semaphore(%arg17 : memref<!tpu.dma_semaphore, #tpu.memory_space<semaphore_mem>>)
        %dma_wait3A_252 = arith.constant 6 : i32
        %dma_wait3A_253 = arith.constant 0 : i32
        %dma_wait3A_254 = tpu.memref_slice %arg9[%dma_wait3A_252, %dma_wait3A_253] : memref<16x128xi32, #tpu.memory_space<vmem>> -> memref<1x128xi32, #tpu.memory_space<vmem>>
        %dma_wait3A_255 = tpu.memref_squeeze %dma_wait3A_254 : memref<1x128xi32, #tpu.memory_space<vmem>> -> memref<128xi32, #tpu.memory_space<vmem>>
        %dma_wait3A_256 = arith.constant 0 : i32
        %dma_wait3A_257 = arith.constant 0 : i32
        %dma_wait3A_258 = tpu.memref_slice %arg5[%dma_wait3A_256, %dma_wait3A_257] : memref<256x128xf32, #tpu.memory_space<hbm>> -> memref<256x128xf32, #tpu.memory_space<hbm>>
        tpu.wait_indirect_dma semaphore(%arg16 : memref<!tpu.dma_semaphore, #tpu.memory_space<semaphore_mem>>) src(%dma_wait3A_258 : memref<256x128xf32, #tpu.memory_space<hbm>>) dst(%arg13 : memref<128x128xf32, #tpu.memory_space<vmem>>)
        %dma_start3A_259 = arith.constant 6 : i32
        %dma_start3A_260 = arith.constant 0 : i32
        %dma_start3A_261 = tpu.memref_slice %arg11[%dma_start3A_259, %dma_start3A_260] : memref<16x128xi32, #tpu.memory_space<vmem>> -> memref<1x128xi32, #tpu.memory_space<vmem>>
        %dma_start3A_262 = tpu.memref_squeeze %dma_start3A_261 : memref<1x128xi32, #tpu.memory_space<vmem>> -> memref<128xi32, #tpu.memory_space<vmem>>
        %dma_start3A_263 = arith.constant 0 : i32
        %dma_start3A_264 = arith.constant 0 : i32
        %dma_start3A_265 = tpu.memref_slice %arg15[%dma_start3A_263, %dma_start3A_264] : memref<10240x128xf32, #tpu.memory_space<vmem_shared>> -> memref<10240x128xf32, #tpu.memory_space<vmem_shared>>
        tpu.enqueue_indirect_dma source(%arg13 : memref<128x128xf32, #tpu.memory_space<vmem>>) target(%dma_start3A_265 : memref<10240x128xf32, #tpu.memory_space<vmem_shared>>) offsets(%dma_start3A_262 : memref<128xi32, #tpu.memory_space<vmem>>) semaphore(%arg18 : memref<!tpu.dma_semaphore, #tpu.memory_space<semaphore_mem>>) {add = true}
        %dma_wait3A_266 = arith.constant 6 : i32
        %dma_wait3A_267 = arith.constant 0 : i32
        %dma_wait3A_268 = tpu.memref_slice %arg11[%dma_wait3A_266, %dma_wait3A_267] : memref<16x128xi32, #tpu.memory_space<vmem>> -> memref<1x128xi32, #tpu.memory_space<vmem>>
        %dma_wait3A_269 = tpu.memref_squeeze %dma_wait3A_268 : memref<1x128xi32, #tpu.memory_space<vmem>> -> memref<128xi32, #tpu.memory_space<vmem>>
        %dma_wait3A_270 = arith.constant 0 : i32
        %dma_wait3A_271 = arith.constant 0 : i32
        %dma_wait3A_272 = tpu.memref_slice %arg15[%dma_wait3A_270, %dma_wait3A_271] : memref<10240x128xf32, #tpu.memory_space<vmem_shared>> -> memref<10240x128xf32, #tpu.memory_space<vmem_shared>>
        tpu.wait_indirect_dma semaphore(%arg18 : memref<!tpu.dma_semaphore, #tpu.memory_space<semaphore_mem>>) src(%arg13 : memref<128x128xf32, #tpu.memory_space<vmem>>) dst(%dma_wait3A_272 : memref<10240x128xf32, #tpu.memory_space<vmem_shared>>)
        %dma_start3A_273 = arith.constant 8 : i32
        %dma_start3A_274 = arith.constant 0 : i32
        %dma_start3A_275 = tpu.memref_slice %arg9[%dma_start3A_273, %dma_start3A_274] : memref<16x128xi32, #tpu.memory_space<vmem>> -> memref<1x128xi32, #tpu.memory_space<vmem>>
        %dma_start3A_276 = tpu.memref_squeeze %dma_start3A_275 : memref<1x128xi32, #tpu.memory_space<vmem>> -> memref<128xi32, #tpu.memory_space<vmem>>
        %dma_start3A_277 = arith.constant 0 : i32
        %dma_start3A_278 = arith.constant 0 : i32
        %dma_start3A_279 = tpu.memref_slice %arg5[%dma_start3A_277, %dma_start3A_278] : memref<256x128xf32, #tpu.memory_space<hbm>> -> memref<256x128xf32, #tpu.memory_space<hbm>>
        tpu.enqueue_indirect_dma source(%dma_start3A_279 : memref<256x128xf32, #tpu.memory_space<hbm>>) target(%arg13 : memref<128x128xf32, #tpu.memory_space<vmem>>) offsets(%dma_start3A_276 : memref<128xi32, #tpu.memory_space<vmem>>) semaphore(%arg16 : memref<!tpu.dma_semaphore, #tpu.memory_space<semaphore_mem>>)
        %dma_wait3A_280 = arith.constant 7 : i32
        %dma_wait3A_281 = arith.constant 0 : i32
        %dma_wait3A_282 = tpu.memref_slice %arg9[%dma_wait3A_280, %dma_wait3A_281] : memref<16x128xi32, #tpu.memory_space<vmem>> -> memref<1x128xi32, #tpu.memory_space<vmem>>
        %dma_wait3A_283 = tpu.memref_squeeze %dma_wait3A_282 : memref<1x128xi32, #tpu.memory_space<vmem>> -> memref<128xi32, #tpu.memory_space<vmem>>
        %dma_wait3A_284 = arith.constant 0 : i32
        %dma_wait3A_285 = arith.constant 0 : i32
        %dma_wait3A_286 = tpu.memref_slice %arg5[%dma_wait3A_284, %dma_wait3A_285] : memref<256x128xf32, #tpu.memory_space<hbm>> -> memref<256x128xf32, #tpu.memory_space<hbm>>
        tpu.wait_indirect_dma semaphore(%arg17 : memref<!tpu.dma_semaphore, #tpu.memory_space<semaphore_mem>>) src(%dma_wait3A_286 : memref<256x128xf32, #tpu.memory_space<hbm>>) dst(%arg14 : memref<128x128xf32, #tpu.memory_space<vmem>>)
        %dma_start3A_287 = arith.constant 7 : i32
        %dma_start3A_288 = arith.constant 0 : i32
        %dma_start3A_289 = tpu.memref_slice %arg11[%dma_start3A_287, %dma_start3A_288] : memref<16x128xi32, #tpu.memory_space<vmem>> -> memref<1x128xi32, #tpu.memory_space<vmem>>
        %dma_start3A_290 = tpu.memref_squeeze %dma_start3A_289 : memref<1x128xi32, #tpu.memory_space<vmem>> -> memref<128xi32, #tpu.memory_space<vmem>>
        %dma_start3A_291 = arith.constant 0 : i32
        %dma_start3A_292 = arith.constant 0 : i32
        %dma_start3A_293 = tpu.memref_slice %arg15[%dma_start3A_291, %dma_start3A_292] : memref<10240x128xf32, #tpu.memory_space<vmem_shared>> -> memref<10240x128xf32, #tpu.memory_space<vmem_shared>>
        tpu.enqueue_indirect_dma source(%arg14 : memref<128x128xf32, #tpu.memory_space<vmem>>) target(%dma_start3A_293 : memref<10240x128xf32, #tpu.memory_space<vmem_shared>>) offsets(%dma_start3A_290 : memref<128xi32, #tpu.memory_space<vmem>>) semaphore(%arg19 : memref<!tpu.dma_semaphore, #tpu.memory_space<semaphore_mem>>) {add = true}
        %dma_wait3A_294 = arith.constant 7 : i32
        %dma_wait3A_295 = arith.constant 0 : i32
        %dma_wait3A_296 = tpu.memref_slice %arg11[%dma_wait3A_294, %dma_wait3A_295] : memref<16x128xi32, #tpu.memory_space<vmem>> -> memref<1x128xi32, #tpu.memory_space<vmem>>
        %dma_wait3A_297 = tpu.memref_squeeze %dma_wait3A_296 : memref<1x128xi32, #tpu.memory_space<vmem>> -> memref<128xi32, #tpu.memory_space<vmem>>
        %dma_wait3A_298 = arith.constant 0 : i32
        %dma_wait3A_299 = arith.constant 0 : i32
        %dma_wait3A_300 = tpu.memref_slice %arg15[%dma_wait3A_298, %dma_wait3A_299] : memref<10240x128xf32, #tpu.memory_space<vmem_shared>> -> memref<10240x128xf32, #tpu.memory_space<vmem_shared>>
        tpu.wait_indirect_dma semaphore(%arg19 : memref<!tpu.dma_semaphore, #tpu.memory_space<semaphore_mem>>) src(%arg14 : memref<128x128xf32, #tpu.memory_space<vmem>>) dst(%dma_wait3A_300 : memref<10240x128xf32, #tpu.memory_space<vmem_shared>>)
        %dma_start3A_301 = arith.constant 9 : i32
        %dma_start3A_302 = arith.constant 0 : i32
        %dma_start3A_303 = tpu.memref_slice %arg9[%dma_start3A_301, %dma_start3A_302] : memref<16x128xi32, #tpu.memory_space<vmem>> -> memref<1x128xi32, #tpu.memory_space<vmem>>
        %dma_start3A_304 = tpu.memref_squeeze %dma_start3A_303 : memref<1x128xi32, #tpu.memory_space<vmem>> -> memref<128xi32, #tpu.memory_space<vmem>>
        %dma_start3A_305 = arith.constant 0 : i32
        %dma_start3A_306 = arith.constant 0 : i32
        %dma_start3A_307 = tpu.memref_slice %arg5[%dma_start3A_305, %dma_start3A_306] : memref<256x128xf32, #tpu.memory_space<hbm>> -> memref<256x128xf32, #tpu.memory_space<hbm>>
        tpu.enqueue_indirect_dma source(%dma_start3A_307 : memref<256x128xf32, #tpu.memory_space<hbm>>) target(%arg14 : memref<128x128xf32, #tpu.memory_space<vmem>>) offsets(%dma_start3A_304 : memref<128xi32, #tpu.memory_space<vmem>>) semaphore(%arg17 : memref<!tpu.dma_semaphore, #tpu.memory_space<semaphore_mem>>)
        %dma_wait3A_308 = arith.constant 8 : i32
        %dma_wait3A_309 = arith.constant 0 : i32
        %dma_wait3A_310 = tpu.memref_slice %arg9[%dma_wait3A_308, %dma_wait3A_309] : memref<16x128xi32, #tpu.memory_space<vmem>> -> memref<1x128xi32, #tpu.memory_space<vmem>>
        %dma_wait3A_311 = tpu.memref_squeeze %dma_wait3A_310 : memref<1x128xi32, #tpu.memory_space<vmem>> -> memref<128xi32, #tpu.memory_space<vmem>>
        %dma_wait3A_312 = arith.constant 0 : i32
        %dma_wait3A_313 = arith.constant 0 : i32
        %dma_wait3A_314 = tpu.memref_slice %arg5[%dma_wait3A_312, %dma_wait3A_313] : memref<256x128xf32, #tpu.memory_space<hbm>> -> memref<256x128xf32, #tpu.memory_space<hbm>>
        tpu.wait_indirect_dma semaphore(%arg16 : memref<!tpu.dma_semaphore, #tpu.memory_space<semaphore_mem>>) src(%dma_wait3A_314 : memref<256x128xf32, #tpu.memory_space<hbm>>) dst(%arg13 : memref<128x128xf32, #tpu.memory_space<vmem>>)
        %dma_start3A_315 = arith.constant 8 : i32
        %dma_start3A_316 = arith.constant 0 : i32
        %dma_start3A_317 = tpu.memref_slice %arg11[%dma_start3A_315, %dma_start3A_316] : memref<16x128xi32, #tpu.memory_space<vmem>> -> memref<1x128xi32, #tpu.memory_space<vmem>>
        %dma_start3A_318 = tpu.memref_squeeze %dma_start3A_317 : memref<1x128xi32, #tpu.memory_space<vmem>> -> memref<128xi32, #tpu.memory_space<vmem>>
        %dma_start3A_319 = arith.constant 0 : i32
        %dma_start3A_320 = arith.constant 0 : i32
        %dma_start3A_321 = tpu.memref_slice %arg15[%dma_start3A_319, %dma_start3A_320] : memref<10240x128xf32, #tpu.memory_space<vmem_shared>> -> memref<10240x128xf32, #tpu.memory_space<vmem_shared>>
        tpu.enqueue_indirect_dma source(%arg13 : memref<128x128xf32, #tpu.memory_space<vmem>>) target(%dma_start3A_321 : memref<10240x128xf32, #tpu.memory_space<vmem_shared>>) offsets(%dma_start3A_318 : memref<128xi32, #tpu.memory_space<vmem>>) semaphore(%arg18 : memref<!tpu.dma_semaphore, #tpu.memory_space<semaphore_mem>>) {add = true}
        %dma_wait3A_322 = arith.constant 8 : i32
        %dma_wait3A_323 = arith.constant 0 : i32
        %dma_wait3A_324 = tpu.memref_slice %arg11[%dma_wait3A_322, %dma_wait3A_323] : memref<16x128xi32, #tpu.memory_space<vmem>> -> memref<1x128xi32, #tpu.memory_space<vmem>>
        %dma_wait3A_325 = tpu.memref_squeeze %dma_wait3A_324 : memref<1x128xi32, #tpu.memory_space<vmem>> -> memref<128xi32, #tpu.memory_space<vmem>>
        %dma_wait3A_326 = arith.constant 0 : i32
        %dma_wait3A_327 = arith.constant 0 : i32
        %dma_wait3A_328 = tpu.memref_slice %arg15[%dma_wait3A_326, %dma_wait3A_327] : memref<10240x128xf32, #tpu.memory_space<vmem_shared>> -> memref<10240x128xf32, #tpu.memory_space<vmem_shared>>
        tpu.wait_indirect_dma semaphore(%arg18 : memref<!tpu.dma_semaphore, #tpu.memory_space<semaphore_mem>>) src(%arg13 : memref<128x128xf32, #tpu.memory_space<vmem>>) dst(%dma_wait3A_328 : memref<10240x128xf32, #tpu.memory_space<vmem_shared>>)
        %dma_start3A_329 = arith.constant 10 : i32
        %dma_start3A_330 = arith.constant 0 : i32
        %dma_start3A_331 = tpu.memref_slice %arg9[%dma_start3A_329, %dma_start3A_330] : memref<16x128xi32, #tpu.memory_space<vmem>> -> memref<1x128xi32, #tpu.memory_space<vmem>>
        %dma_start3A_332 = tpu.memref_squeeze %dma_start3A_331 : memref<1x128xi32, #tpu.memory_space<vmem>> -> memref<128xi32, #tpu.memory_space<vmem>>
        %dma_start3A_333 = arith.constant 0 : i32
        %dma_start3A_334 = arith.constant 0 : i32
        %dma_start3A_335 = tpu.memref_slice %arg5[%dma_start3A_333, %dma_start3A_334] : memref<256x128xf32, #tpu.memory_space<hbm>> -> memref<256x128xf32, #tpu.memory_space<hbm>>
        tpu.enqueue_indirect_dma source(%dma_start3A_335 : memref<256x128xf32, #tpu.memory_space<hbm>>) target(%arg13 : memref<128x128xf32, #tpu.memory_space<vmem>>) offsets(%dma_start3A_332 : memref<128xi32, #tpu.memory_space<vmem>>) semaphore(%arg16 : memref<!tpu.dma_semaphore, #tpu.memory_space<semaphore_mem>>)
        %dma_wait3A_336 = arith.constant 9 : i32
        %dma_wait3A_337 = arith.constant 0 : i32
        %dma_wait3A_338 = tpu.memref_slice %arg9[%dma_wait3A_336, %dma_wait3A_337] : memref<16x128xi32, #tpu.memory_space<vmem>> -> memref<1x128xi32, #tpu.memory_space<vmem>>
        %dma_wait3A_339 = tpu.memref_squeeze %dma_wait3A_338 : memref<1x128xi32, #tpu.memory_space<vmem>> -> memref<128xi32, #tpu.memory_space<vmem>>
        %dma_wait3A_340 = arith.constant 0 : i32
        %dma_wait3A_341 = arith.constant 0 : i32
        %dma_wait3A_342 = tpu.memref_slice %arg5[%dma_wait3A_340, %dma_wait3A_341] : memref<256x128xf32, #tpu.memory_space<hbm>> -> memref<256x128xf32, #tpu.memory_space<hbm>>
        tpu.wait_indirect_dma semaphore(%arg17 : memref<!tpu.dma_semaphore, #tpu.memory_space<semaphore_mem>>) src(%dma_wait3A_342 : memref<256x128xf32, #tpu.memory_space<hbm>>) dst(%arg14 : memref<128x128xf32, #tpu.memory_space<vmem>>)
        %dma_start3A_343 = arith.constant 9 : i32
        %dma_start3A_344 = arith.constant 0 : i32
        %dma_start3A_345 = tpu.memref_slice %arg11[%dma_start3A_343, %dma_start3A_344] : memref<16x128xi32, #tpu.memory_space<vmem>> -> memref<1x128xi32, #tpu.memory_space<vmem>>
        %dma_start3A_346 = tpu.memref_squeeze %dma_start3A_345 : memref<1x128xi32, #tpu.memory_space<vmem>> -> memref<128xi32, #tpu.memory_space<vmem>>
        %dma_start3A_347 = arith.constant 0 : i32
        %dma_start3A_348 = arith.constant 0 : i32
        %dma_start3A_349 = tpu.memref_slice %arg15[%dma_start3A_347, %dma_start3A_348] : memref<10240x128xf32, #tpu.memory_space<vmem_shared>> -> memref<10240x128xf32, #tpu.memory_space<vmem_shared>>
        tpu.enqueue_indirect_dma source(%arg14 : memref<128x128xf32, #tpu.memory_space<vmem>>) target(%dma_start3A_349 : memref<10240x128xf32, #tpu.memory_space<vmem_shared>>) offsets(%dma_start3A_346 : memref<128xi32, #tpu.memory_space<vmem>>) semaphore(%arg19 : memref<!tpu.dma_semaphore, #tpu.memory_space<semaphore_mem>>) {add = true}
        %dma_wait3A_350 = arith.constant 9 : i32
        %dma_wait3A_351 = arith.constant 0 : i32
        %dma_wait3A_352 = tpu.memref_slice %arg11[%dma_wait3A_350, %dma_wait3A_351] : memref<16x128xi32, #tpu.memory_space<vmem>> -> memref<1x128xi32, #tpu.memory_space<vmem>>
        %dma_wait3A_353 = tpu.memref_squeeze %dma_wait3A_352 : memref<1x128xi32, #tpu.memory_space<vmem>> -> memref<128xi32, #tpu.memory_space<vmem>>
        %dma_wait3A_354 = arith.constant 0 : i32
        %dma_wait3A_355 = arith.constant 0 : i32
        %dma_wait3A_356 = tpu.memref_slice %arg15[%dma_wait3A_354, %dma_wait3A_355] : memref<10240x128xf32, #tpu.memory_space<vmem_shared>> -> memref<10240x128xf32, #tpu.memory_space<vmem_shared>>
        tpu.wait_indirect_dma semaphore(%arg19 : memref<!tpu.dma_semaphore, #tpu.memory_space<semaphore_mem>>) src(%arg14 : memref<128x128xf32, #tpu.memory_space<vmem>>) dst(%dma_wait3A_356 : memref<10240x128xf32, #tpu.memory_space<vmem_shared>>)
        %dma_start3A_357 = arith.constant 11 : i32
        %dma_start3A_358 = arith.constant 0 : i32
        %dma_start3A_359 = tpu.memref_slice %arg9[%dma_start3A_357, %dma_start3A_358] : memref<16x128xi32, #tpu.memory_space<vmem>> -> memref<1x128xi32, #tpu.memory_space<vmem>>
        %dma_start3A_360 = tpu.memref_squeeze %dma_start3A_359 : memref<1x128xi32, #tpu.memory_space<vmem>> -> memref<128xi32, #tpu.memory_space<vmem>>
        %dma_start3A_361 = arith.constant 0 : i32
        %dma_start3A_362 = arith.constant 0 : i32
        %dma_start3A_363 = tpu.memref_slice %arg5[%dma_start3A_361, %dma_start3A_362] : memref<256x128xf32, #tpu.memory_space<hbm>> -> memref<256x128xf32, #tpu.memory_space<hbm>>
        tpu.enqueue_indirect_dma source(%dma_start3A_363 : memref<256x128xf32, #tpu.memory_space<hbm>>) target(%arg14 : memref<128x128xf32, #tpu.memory_space<vmem>>) offsets(%dma_start3A_360 : memref<128xi32, #tpu.memory_space<vmem>>) semaphore(%arg17 : memref<!tpu.dma_semaphore, #tpu.memory_space<semaphore_mem>>)
        %dma_wait3A_364 = arith.constant 10 : i32
        %dma_wait3A_365 = arith.constant 0 : i32
        %dma_wait3A_366 = tpu.memref_slice %arg9[%dma_wait3A_364, %dma_wait3A_365] : memref<16x128xi32, #tpu.memory_space<vmem>> -> memref<1x128xi32, #tpu.memory_space<vmem>>
        %dma_wait3A_367 = tpu.memref_squeeze %dma_wait3A_366 : memref<1x128xi32, #tpu.memory_space<vmem>> -> memref<128xi32, #tpu.memory_space<vmem>>
        %dma_wait3A_368 = arith.constant 0 : i32
        %dma_wait3A_369 = arith.constant 0 : i32
        %dma_wait3A_370 = tpu.memref_slice %arg5[%dma_wait3A_368, %dma_wait3A_369] : memref<256x128xf32, #tpu.memory_space<hbm>> -> memref<256x128xf32, #tpu.memory_space<hbm>>
        tpu.wait_indirect_dma semaphore(%arg16 : memref<!tpu.dma_semaphore, #tpu.memory_space<semaphore_mem>>) src(%dma_wait3A_370 : memref<256x128xf32, #tpu.memory_space<hbm>>) dst(%arg13 : memref<128x128xf32, #tpu.memory_space<vmem>>)
        %dma_start3A_371 = arith.constant 10 : i32
        %dma_start3A_372 = arith.constant 0 : i32
        %dma_start3A_373 = tpu.memref_slice %arg11[%dma_start3A_371, %dma_start3A_372] : memref<16x128xi32, #tpu.memory_space<vmem>> -> memref<1x128xi32, #tpu.memory_space<vmem>>
        %dma_start3A_374 = tpu.memref_squeeze %dma_start3A_373 : memref<1x128xi32, #tpu.memory_space<vmem>> -> memref<128xi32, #tpu.memory_space<vmem>>
        %dma_start3A_375 = arith.constant 0 : i32
        %dma_start3A_376 = arith.constant 0 : i32
        %dma_start3A_377 = tpu.memref_slice %arg15[%dma_start3A_375, %dma_start3A_376] : memref<10240x128xf32, #tpu.memory_space<vmem_shared>> -> memref<10240x128xf32, #tpu.memory_space<vmem_shared>>
        tpu.enqueue_indirect_dma source(%arg13 : memref<128x128xf32, #tpu.memory_space<vmem>>) target(%dma_start3A_377 : memref<10240x128xf32, #tpu.memory_space<vmem_shared>>) offsets(%dma_start3A_374 : memref<128xi32, #tpu.memory_space<vmem>>) semaphore(%arg18 : memref<!tpu.dma_semaphore, #tpu.memory_space<semaphore_mem>>) {add = true}
        %dma_wait3A_378 = arith.constant 10 : i32
        %dma_wait3A_379 = arith.constant 0 : i32
        %dma_wait3A_380 = tpu.memref_slice %arg11[%dma_wait3A_378, %dma_wait3A_379] : memref<16x128xi32, #tpu.memory_space<vmem>> -> memref<1x128xi32, #tpu.memory_space<vmem>>
        %dma_wait3A_381 = tpu.memref_squeeze %dma_wait3A_380 : memref<1x128xi32, #tpu.memory_space<vmem>> -> memref<128xi32, #tpu.memory_space<vmem>>
        %dma_wait3A_382 = arith.constant 0 : i32
        %dma_wait3A_383 = arith.constant 0 : i32
        %dma_wait3A_384 = tpu.memref_slice %arg15[%dma_wait3A_382, %dma_wait3A_383] : memref<10240x128xf32, #tpu.memory_space<vmem_shared>> -> memref<10240x128xf32, #tpu.memory_space<vmem_shared>>
        tpu.wait_indirect_dma semaphore(%arg18 : memref<!tpu.dma_semaphore, #tpu.memory_space<semaphore_mem>>) src(%arg13 : memref<128x128xf32, #tpu.memory_space<vmem>>) dst(%dma_wait3A_384 : memref<10240x128xf32, #tpu.memory_space<vmem_shared>>)
        %dma_start3A_385 = arith.constant 12 : i32
        %dma_start3A_386 = arith.constant 0 : i32
        %dma_start3A_387 = tpu.memref_slice %arg9[%dma_start3A_385, %dma_start3A_386] : memref<16x128xi32, #tpu.memory_space<vmem>> -> memref<1x128xi32, #tpu.memory_space<vmem>>
        %dma_start3A_388 = tpu.memref_squeeze %dma_start3A_387 : memref<1x128xi32, #tpu.memory_space<vmem>> -> memref<128xi32, #tpu.memory_space<vmem>>
        %dma_start3A_389 = arith.constant 0 : i32
        %dma_start3A_390 = arith.constant 0 : i32
        %dma_start3A_391 = tpu.memref_slice %arg5[%dma_start3A_389, %dma_start3A_390] : memref<256x128xf32, #tpu.memory_space<hbm>> -> memref<256x128xf32, #tpu.memory_space<hbm>>
        tpu.enqueue_indirect_dma source(%dma_start3A_391 : memref<256x128xf32, #tpu.memory_space<hbm>>) target(%arg13 : memref<128x128xf32, #tpu.memory_space<vmem>>) offsets(%dma_start3A_388 : memref<128xi32, #tpu.memory_space<vmem>>) semaphore(%arg16 : memref<!tpu.dma_semaphore, #tpu.memory_space<semaphore_mem>>)
        %dma_wait3A_392 = arith.constant 11 : i32
        %dma_wait3A_393 = arith.constant 0 : i32
        %dma_wait3A_394 = tpu.memref_slice %arg9[%dma_wait3A_392, %dma_wait3A_393] : memref<16x128xi32, #tpu.memory_space<vmem>> -> memref<1x128xi32, #tpu.memory_space<vmem>>
        %dma_wait3A_395 = tpu.memref_squeeze %dma_wait3A_394 : memref<1x128xi32, #tpu.memory_space<vmem>> -> memref<128xi32, #tpu.memory_space<vmem>>
        %dma_wait3A_396 = arith.constant 0 : i32
        %dma_wait3A_397 = arith.constant 0 : i32
        %dma_wait3A_398 = tpu.memref_slice %arg5[%dma_wait3A_396, %dma_wait3A_397] : memref<256x128xf32, #tpu.memory_space<hbm>> -> memref<256x128xf32, #tpu.memory_space<hbm>>
        tpu.wait_indirect_dma semaphore(%arg17 : memref<!tpu.dma_semaphore, #tpu.memory_space<semaphore_mem>>) src(%dma_wait3A_398 : memref<256x128xf32, #tpu.memory_space<hbm>>) dst(%arg14 : memref<128x128xf32, #tpu.memory_space<vmem>>)
        %dma_start3A_399 = arith.constant 11 : i32
        %dma_start3A_400 = arith.constant 0 : i32
        %dma_start3A_401 = tpu.memref_slice %arg11[%dma_start3A_399, %dma_start3A_400] : memref<16x128xi32, #tpu.memory_space<vmem>> -> memref<1x128xi32, #tpu.memory_space<vmem>>
        %dma_start3A_402 = tpu.memref_squeeze %dma_start3A_401 : memref<1x128xi32, #tpu.memory_space<vmem>> -> memref<128xi32, #tpu.memory_space<vmem>>
        %dma_start3A_403 = arith.constant 0 : i32
        %dma_start3A_404 = arith.constant 0 : i32
        %dma_start3A_405 = tpu.memref_slice %arg15[%dma_start3A_403, %dma_start3A_404] : memref<10240x128xf32, #tpu.memory_space<vmem_shared>> -> memref<10240x128xf32, #tpu.memory_space<vmem_shared>>
        tpu.enqueue_indirect_dma source(%arg14 : memref<128x128xf32, #tpu.memory_space<vmem>>) target(%dma_start3A_405 : memref<10240x128xf32, #tpu.memory_space<vmem_shared>>) offsets(%dma_start3A_402 : memref<128xi32, #tpu.memory_space<vmem>>) semaphore(%arg19 : memref<!tpu.dma_semaphore, #tpu.memory_space<semaphore_mem>>) {add = true}
        %dma_wait3A_406 = arith.constant 11 : i32
        %dma_wait3A_407 = arith.constant 0 : i32
        %dma_wait3A_408 = tpu.memref_slice %arg11[%dma_wait3A_406, %dma_wait3A_407] : memref<16x128xi32, #tpu.memory_space<vmem>> -> memref<1x128xi32, #tpu.memory_space<vmem>>
        %dma_wait3A_409 = tpu.memref_squeeze %dma_wait3A_408 : memref<1x128xi32, #tpu.memory_space<vmem>> -> memref<128xi32, #tpu.memory_space<vmem>>
        %dma_wait3A_410 = arith.constant 0 : i32
        %dma_wait3A_411 = arith.constant 0 : i32
        %dma_wait3A_412 = tpu.memref_slice %arg15[%dma_wait3A_410, %dma_wait3A_411] : memref<10240x128xf32, #tpu.memory_space<vmem_shared>> -> memref<10240x128xf32, #tpu.memory_space<vmem_shared>>
        tpu.wait_indirect_dma semaphore(%arg19 : memref<!tpu.dma_semaphore, #tpu.memory_space<semaphore_mem>>) src(%arg14 : memref<128x128xf32, #tpu.memory_space<vmem>>) dst(%dma_wait3A_412 : memref<10240x128xf32, #tpu.memory_space<vmem_shared>>)
        %dma_start3A_413 = arith.constant 13 : i32
        %dma_start3A_414 = arith.constant 0 : i32
        %dma_start3A_415 = tpu.memref_slice %arg9[%dma_start3A_413, %dma_start3A_414] : memref<16x128xi32, #tpu.memory_space<vmem>> -> memref<1x128xi32, #tpu.memory_space<vmem>>
        %dma_start3A_416 = tpu.memref_squeeze %dma_start3A_415 : memref<1x128xi32, #tpu.memory_space<vmem>> -> memref<128xi32, #tpu.memory_space<vmem>>
        %dma_start3A_417 = arith.constant 0 : i32
        %dma_start3A_418 = arith.constant 0 : i32
        %dma_start3A_419 = tpu.memref_slice %arg5[%dma_start3A_417, %dma_start3A_418] : memref<256x128xf32, #tpu.memory_space<hbm>> -> memref<256x128xf32, #tpu.memory_space<hbm>>
        tpu.enqueue_indirect_dma source(%dma_start3A_419 : memref<256x128xf32, #tpu.memory_space<hbm>>) target(%arg14 : memref<128x128xf32, #tpu.memory_space<vmem>>) offsets(%dma_start3A_416 : memref<128xi32, #tpu.memory_space<vmem>>) semaphore(%arg17 : memref<!tpu.dma_semaphore, #tpu.memory_space<semaphore_mem>>)
        %dma_wait3A_420 = arith.constant 12 : i32
        %dma_wait3A_421 = arith.constant 0 : i32
        %dma_wait3A_422 = tpu.memref_slice %arg9[%dma_wait3A_420, %dma_wait3A_421] : memref<16x128xi32, #tpu.memory_space<vmem>> -> memref<1x128xi32, #tpu.memory_space<vmem>>
        %dma_wait3A_423 = tpu.memref_squeeze %dma_wait3A_422 : memref<1x128xi32, #tpu.memory_space<vmem>> -> memref<128xi32, #tpu.memory_space<vmem>>
        %dma_wait3A_424 = arith.constant 0 : i32
        %dma_wait3A_425 = arith.constant 0 : i32
        %dma_wait3A_426 = tpu.memref_slice %arg5[%dma_wait3A_424, %dma_wait3A_425] : memref<256x128xf32, #tpu.memory_space<hbm>> -> memref<256x128xf32, #tpu.memory_space<hbm>>
        tpu.wait_indirect_dma semaphore(%arg16 : memref<!tpu.dma_semaphore, #tpu.memory_space<semaphore_mem>>) src(%dma_wait3A_426 : memref<256x128xf32, #tpu.memory_space<hbm>>) dst(%arg13 : memref<128x128xf32, #tpu.memory_space<vmem>>)
        %dma_start3A_427 = arith.constant 12 : i32
        %dma_start3A_428 = arith.constant 0 : i32
        %dma_start3A_429 = tpu.memref_slice %arg11[%dma_start3A_427, %dma_start3A_428] : memref<16x128xi32, #tpu.memory_space<vmem>> -> memref<1x128xi32, #tpu.memory_space<vmem>>
        %dma_start3A_430 = tpu.memref_squeeze %dma_start3A_429 : memref<1x128xi32, #tpu.memory_space<vmem>> -> memref<128xi32, #tpu.memory_space<vmem>>
        %dma_start3A_431 = arith.constant 0 : i32
        %dma_start3A_432 = arith.constant 0 : i32
        %dma_start3A_433 = tpu.memref_slice %arg15[%dma_start3A_431, %dma_start3A_432] : memref<10240x128xf32, #tpu.memory_space<vmem_shared>> -> memref<10240x128xf32, #tpu.memory_space<vmem_shared>>
        tpu.enqueue_indirect_dma source(%arg13 : memref<128x128xf32, #tpu.memory_space<vmem>>) target(%dma_start3A_433 : memref<10240x128xf32, #tpu.memory_space<vmem_shared>>) offsets(%dma_start3A_430 : memref<128xi32, #tpu.memory_space<vmem>>) semaphore(%arg18 : memref<!tpu.dma_semaphore, #tpu.memory_space<semaphore_mem>>) {add = true}
        %dma_wait3A_434 = arith.constant 12 : i32
        %dma_wait3A_435 = arith.constant 0 : i32
        %dma_wait3A_436 = tpu.memref_slice %arg11[%dma_wait3A_434, %dma_wait3A_435] : memref<16x128xi32, #tpu.memory_space<vmem>> -> memref<1x128xi32, #tpu.memory_space<vmem>>
        %dma_wait3A_437 = tpu.memref_squeeze %dma_wait3A_436 : memref<1x128xi32, #tpu.memory_space<vmem>> -> memref<128xi32, #tpu.memory_space<vmem>>
        %dma_wait3A_438 = arith.constant 0 : i32
        %dma_wait3A_439 = arith.constant 0 : i32
        %dma_wait3A_440 = tpu.memref_slice %arg15[%dma_wait3A_438, %dma_wait3A_439] : memref<10240x128xf32, #tpu.memory_space<vmem_shared>> -> memref<10240x128xf32, #tpu.memory_space<vmem_shared>>
        tpu.wait_indirect_dma semaphore(%arg18 : memref<!tpu.dma_semaphore, #tpu.memory_space<semaphore_mem>>) src(%arg13 : memref<128x128xf32, #tpu.memory_space<vmem>>) dst(%dma_wait3A_440 : memref<10240x128xf32, #tpu.memory_space<vmem_shared>>)
        %dma_start3A_441 = arith.constant 14 : i32
        %dma_start3A_442 = arith.constant 0 : i32
        %dma_start3A_443 = tpu.memref_slice %arg9[%dma_start3A_441, %dma_start3A_442] : memref<16x128xi32, #tpu.memory_space<vmem>> -> memref<1x128xi32, #tpu.memory_space<vmem>>
        %dma_start3A_444 = tpu.memref_squeeze %dma_start3A_443 : memref<1x128xi32, #tpu.memory_space<vmem>> -> memref<128xi32, #tpu.memory_space<vmem>>
        %dma_start3A_445 = arith.constant 0 : i32
        %dma_start3A_446 = arith.constant 0 : i32
        %dma_start3A_447 = tpu.memref_slice %arg5[%dma_start3A_445, %dma_start3A_446] : memref<256x128xf32, #tpu.memory_space<hbm>> -> memref<256x128xf32, #tpu.memory_space<hbm>>
        tpu.enqueue_indirect_dma source(%dma_start3A_447 : memref<256x128xf32, #tpu.memory_space<hbm>>) target(%arg13 : memref<128x128xf32, #tpu.memory_space<vmem>>) offsets(%dma_start3A_444 : memref<128xi32, #tpu.memory_space<vmem>>) semaphore(%arg16 : memref<!tpu.dma_semaphore, #tpu.memory_space<semaphore_mem>>)
        %dma_wait3A_448 = arith.constant 13 : i32
        %dma_wait3A_449 = arith.constant 0 : i32
        %dma_wait3A_450 = tpu.memref_slice %arg9[%dma_wait3A_448, %dma_wait3A_449] : memref<16x128xi32, #tpu.memory_space<vmem>> -> memref<1x128xi32, #tpu.memory_space<vmem>>
        %dma_wait3A_451 = tpu.memref_squeeze %dma_wait3A_450 : memref<1x128xi32, #tpu.memory_space<vmem>> -> memref<128xi32, #tpu.memory_space<vmem>>
        %dma_wait3A_452 = arith.constant 0 : i32
        %dma_wait3A_453 = arith.constant 0 : i32
        %dma_wait3A_454 = tpu.memref_slice %arg5[%dma_wait3A_452, %dma_wait3A_453] : memref<256x128xf32, #tpu.memory_space<hbm>> -> memref<256x128xf32, #tpu.memory_space<hbm>>
        tpu.wait_indirect_dma semaphore(%arg17 : memref<!tpu.dma_semaphore, #tpu.memory_space<semaphore_mem>>) src(%dma_wait3A_454 : memref<256x128xf32, #tpu.memory_space<hbm>>) dst(%arg14 : memref<128x128xf32, #tpu.memory_space<vmem>>)
        %dma_start3A_455 = arith.constant 13 : i32
        %dma_start3A_456 = arith.constant 0 : i32
        %dma_start3A_457 = tpu.memref_slice %arg11[%dma_start3A_455, %dma_start3A_456] : memref<16x128xi32, #tpu.memory_space<vmem>> -> memref<1x128xi32, #tpu.memory_space<vmem>>
        %dma_start3A_458 = tpu.memref_squeeze %dma_start3A_457 : memref<1x128xi32, #tpu.memory_space<vmem>> -> memref<128xi32, #tpu.memory_space<vmem>>
        %dma_start3A_459 = arith.constant 0 : i32
        %dma_start3A_460 = arith.constant 0 : i32
        %dma_start3A_461 = tpu.memref_slice %arg15[%dma_start3A_459, %dma_start3A_460] : memref<10240x128xf32, #tpu.memory_space<vmem_shared>> -> memref<10240x128xf32, #tpu.memory_space<vmem_shared>>
        tpu.enqueue_indirect_dma source(%arg14 : memref<128x128xf32, #tpu.memory_space<vmem>>) target(%dma_start3A_461 : memref<10240x128xf32, #tpu.memory_space<vmem_shared>>) offsets(%dma_start3A_458 : memref<128xi32, #tpu.memory_space<vmem>>) semaphore(%arg19 : memref<!tpu.dma_semaphore, #tpu.memory_space<semaphore_mem>>) {add = true}
        %dma_wait3A_462 = arith.constant 13 : i32
        %dma_wait3A_463 = arith.constant 0 : i32
        %dma_wait3A_464 = tpu.memref_slice %arg11[%dma_wait3A_462, %dma_wait3A_463] : memref<16x128xi32, #tpu.memory_space<vmem>> -> memref<1x128xi32, #tpu.memory_space<vmem>>
        %dma_wait3A_465 = tpu.memref_squeeze %dma_wait3A_464 : memref<1x128xi32, #tpu.memory_space<vmem>> -> memref<128xi32, #tpu.memory_space<vmem>>
        %dma_wait3A_466 = arith.constant 0 : i32
        %dma_wait3A_467 = arith.constant 0 : i32
        %dma_wait3A_468 = tpu.memref_slice %arg15[%dma_wait3A_466, %dma_wait3A_467] : memref<10240x128xf32, #tpu.memory_space<vmem_shared>> -> memref<10240x128xf32, #tpu.memory_space<vmem_shared>>
        tpu.wait_indirect_dma semaphore(%arg19 : memref<!tpu.dma_semaphore, #tpu.memory_space<semaphore_mem>>) src(%arg14 : memref<128x128xf32, #tpu.memory_space<vmem>>) dst(%dma_wait3A_468 : memref<10240x128xf32, #tpu.memory_space<vmem_shared>>)
        %dma_start3A_469 = arith.constant 15 : i32
        %dma_start3A_470 = arith.constant 0 : i32
        %dma_start3A_471 = tpu.memref_slice %arg9[%dma_start3A_469, %dma_start3A_470] : memref<16x128xi32, #tpu.memory_space<vmem>> -> memref<1x128xi32, #tpu.memory_space<vmem>>
        %dma_start3A_472 = tpu.memref_squeeze %dma_start3A_471 : memref<1x128xi32, #tpu.memory_space<vmem>> -> memref<128xi32, #tpu.memory_space<vmem>>
        %dma_start3A_473 = arith.constant 0 : i32
        %dma_start3A_474 = arith.constant 0 : i32
        %dma_start3A_475 = tpu.memref_slice %arg5[%dma_start3A_473, %dma_start3A_474] : memref<256x128xf32, #tpu.memory_space<hbm>> -> memref<256x128xf32, #tpu.memory_space<hbm>>
        tpu.enqueue_indirect_dma source(%dma_start3A_475 : memref<256x128xf32, #tpu.memory_space<hbm>>) target(%arg14 : memref<128x128xf32, #tpu.memory_space<vmem>>) offsets(%dma_start3A_472 : memref<128xi32, #tpu.memory_space<vmem>>) semaphore(%arg17 : memref<!tpu.dma_semaphore, #tpu.memory_space<semaphore_mem>>)
        %dma_wait3A_476 = arith.constant 14 : i32
        %dma_wait3A_477 = arith.constant 0 : i32
        %dma_wait3A_478 = tpu.memref_slice %arg9[%dma_wait3A_476, %dma_wait3A_477] : memref<16x128xi32, #tpu.memory_space<vmem>> -> memref<1x128xi32, #tpu.memory_space<vmem>>
        %dma_wait3A_479 = tpu.memref_squeeze %dma_wait3A_478 : memref<1x128xi32, #tpu.memory_space<vmem>> -> memref<128xi32, #tpu.memory_space<vmem>>
        %dma_wait3A_480 = arith.constant 0 : i32
        %dma_wait3A_481 = arith.constant 0 : i32
        %dma_wait3A_482 = tpu.memref_slice %arg5[%dma_wait3A_480, %dma_wait3A_481] : memref<256x128xf32, #tpu.memory_space<hbm>> -> memref<256x128xf32, #tpu.memory_space<hbm>>
        tpu.wait_indirect_dma semaphore(%arg16 : memref<!tpu.dma_semaphore, #tpu.memory_space<semaphore_mem>>) src(%dma_wait3A_482 : memref<256x128xf32, #tpu.memory_space<hbm>>) dst(%arg13 : memref<128x128xf32, #tpu.memory_space<vmem>>)
        %dma_start3A_483 = arith.constant 14 : i32
        %dma_start3A_484 = arith.constant 0 : i32
        %dma_start3A_485 = tpu.memref_slice %arg11[%dma_start3A_483, %dma_start3A_484] : memref<16x128xi32, #tpu.memory_space<vmem>> -> memref<1x128xi32, #tpu.memory_space<vmem>>
        %dma_start3A_486 = tpu.memref_squeeze %dma_start3A_485 : memref<1x128xi32, #tpu.memory_space<vmem>> -> memref<128xi32, #tpu.memory_space<vmem>>
        %dma_start3A_487 = arith.constant 0 : i32
        %dma_start3A_488 = arith.constant 0 : i32
        %dma_start3A_489 = tpu.memref_slice %arg15[%dma_start3A_487, %dma_start3A_488] : memref<10240x128xf32, #tpu.memory_space<vmem_shared>> -> memref<10240x128xf32, #tpu.memory_space<vmem_shared>>
        tpu.enqueue_indirect_dma source(%arg13 : memref<128x128xf32, #tpu.memory_space<vmem>>) target(%dma_start3A_489 : memref<10240x128xf32, #tpu.memory_space<vmem_shared>>) offsets(%dma_start3A_486 : memref<128xi32, #tpu.memory_space<vmem>>) semaphore(%arg18 : memref<!tpu.dma_semaphore, #tpu.memory_space<semaphore_mem>>) {add = true}
        %dma_wait3A_490 = arith.constant 0 : i32
        %dma_wait3A_491 = tpu.memref_slice %arg2[%add3A_61, %dma_wait3A_490] : memref<77x128xi32, #tpu.memory_space<hbm>> -> memref<16x128xi32, #tpu.memory_space<hbm>>
        %dma_wait3A_492 = arith.constant 0 : i32
        %dma_wait3A_493 = tpu.memref_slice %arg2[%add3A_61, %dma_wait3A_492] : memref<77x128xi32, #tpu.memory_space<hbm>> -> memref<16x128xi32, #tpu.memory_space<hbm>>
        tpu.wait_dma2 semaphore(%arg21 : memref<!tpu.dma_semaphore, #tpu.memory_space<semaphore_mem>>) src(%dma_wait3A_493 : memref<16x128xi32, #tpu.memory_space<hbm>>) dst(%arg10 : memref<16x128xi32, #tpu.memory_space<vmem>>)
        %dma_wait3A_494 = arith.constant 0 : i32
        %dma_wait3A_495 = tpu.memref_slice %arg3[%add3A_61, %dma_wait3A_494] : memref<77x128xi32, #tpu.memory_space<hbm>> -> memref<16x128xi32, #tpu.memory_space<hbm>>
        %dma_wait3A_496 = arith.constant 0 : i32
        %dma_wait3A_497 = tpu.memref_slice %arg3[%add3A_61, %dma_wait3A_496] : memref<77x128xi32, #tpu.memory_space<hbm>> -> memref<16x128xi32, #tpu.memory_space<hbm>>
        tpu.wait_dma2 semaphore(%arg21 : memref<!tpu.dma_semaphore, #tpu.memory_space<semaphore_mem>>) src(%dma_wait3A_497 : memref<16x128xi32, #tpu.memory_space<hbm>>) dst(%arg12 : memref<16x128xi32, #tpu.memory_space<vmem>>)
        %dma_wait3A_498 = arith.constant 14 : i32
        %dma_wait3A_499 = arith.constant 0 : i32
        %dma_wait3A_500 = tpu.memref_slice %arg11[%dma_wait3A_498, %dma_wait3A_499] : memref<16x128xi32, #tpu.memory_space<vmem>> -> memref<1x128xi32, #tpu.memory_space<vmem>>
        %dma_wait3A_501 = tpu.memref_squeeze %dma_wait3A_500 : memref<1x128xi32, #tpu.memory_space<vmem>> -> memref<128xi32, #tpu.memory_space<vmem>>
        %dma_wait3A_502 = arith.constant 0 : i32
        %dma_wait3A_503 = arith.constant 0 : i32
        %dma_wait3A_504 = tpu.memref_slice %arg15[%dma_wait3A_502, %dma_wait3A_503] : memref<10240x128xf32, #tpu.memory_space<vmem_shared>> -> memref<10240x128xf32, #tpu.memory_space<vmem_shared>>
        tpu.wait_indirect_dma semaphore(%arg18 : memref<!tpu.dma_semaphore, #tpu.memory_space<semaphore_mem>>) src(%arg13 : memref<128x128xf32, #tpu.memory_space<vmem>>) dst(%dma_wait3A_504 : memref<10240x128xf32, #tpu.memory_space<vmem_shared>>)
        %dma_start3A_505 = arith.constant 0 : i32
        %dma_start3A_506 = arith.constant 0 : i32
        %dma_start3A_507 = tpu.memref_slice %arg10[%dma_start3A_505, %dma_start3A_506] : memref<16x128xi32, #tpu.memory_space<vmem>> -> memref<1x128xi32, #tpu.memory_space<vmem>>
        %dma_start3A_508 = tpu.memref_squeeze %dma_start3A_507 : memref<1x128xi32, #tpu.memory_space<vmem>> -> memref<128xi32, #tpu.memory_space<vmem>>
        %dma_start3A_509 = arith.constant 0 : i32
        %dma_start3A_510 = arith.constant 0 : i32
        %dma_start3A_511 = tpu.memref_slice %arg5[%dma_start3A_509, %dma_start3A_510] : memref<256x128xf32, #tpu.memory_space<hbm>> -> memref<256x128xf32, #tpu.memory_space<hbm>>
        tpu.enqueue_indirect_dma source(%dma_start3A_511 : memref<256x128xf32, #tpu.memory_space<hbm>>) target(%arg13 : memref<128x128xf32, #tpu.memory_space<vmem>>) offsets(%dma_start3A_508 : memref<128xi32, #tpu.memory_space<vmem>>) semaphore(%arg16 : memref<!tpu.dma_semaphore, #tpu.memory_space<semaphore_mem>>)
        %dma_wait3A_512 = arith.constant 15 : i32
        %dma_wait3A_513 = arith.constant 0 : i32
        %dma_wait3A_514 = tpu.memref_slice %arg9[%dma_wait3A_512, %dma_wait3A_513] : memref<16x128xi32, #tpu.memory_space<vmem>> -> memref<1x128xi32, #tpu.memory_space<vmem>>
        %dma_wait3A_515 = tpu.memref_squeeze %dma_wait3A_514 : memref<1x128xi32, #tpu.memory_space<vmem>> -> memref<128xi32, #tpu.memory_space<vmem>>
        %dma_wait3A_516 = arith.constant 0 : i32
        %dma_wait3A_517 = arith.constant 0 : i32
        %dma_wait3A_518 = tpu.memref_slice %arg5[%dma_wait3A_516, %dma_wait3A_517] : memref<256x128xf32, #tpu.memory_space<hbm>> -> memref<256x128xf32, #tpu.memory_space<hbm>>
        tpu.wait_indirect_dma semaphore(%arg17 : memref<!tpu.dma_semaphore, #tpu.memory_space<semaphore_mem>>) src(%dma_wait3A_518 : memref<256x128xf32, #tpu.memory_space<hbm>>) dst(%arg14 : memref<128x128xf32, #tpu.memory_space<vmem>>)
        %dma_start3A_519 = arith.constant 15 : i32
        %dma_start3A_520 = arith.constant 0 : i32
        %dma_start3A_521 = tpu.memref_slice %arg11[%dma_start3A_519, %dma_start3A_520] : memref<16x128xi32, #tpu.memory_space<vmem>> -> memref<1x128xi32, #tpu.memory_space<vmem>>
        %dma_start3A_522 = tpu.memref_squeeze %dma_start3A_521 : memref<1x128xi32, #tpu.memory_space<vmem>> -> memref<128xi32, #tpu.memory_space<vmem>>
        %dma_start3A_523 = arith.constant 0 : i32
        %dma_start3A_524 = arith.constant 0 : i32
        %dma_start3A_525 = tpu.memref_slice %arg15[%dma_start3A_523, %dma_start3A_524] : memref<10240x128xf32, #tpu.memory_space<vmem_shared>> -> memref<10240x128xf32, #tpu.memory_space<vmem_shared>>
        tpu.enqueue_indirect_dma source(%arg14 : memref<128x128xf32, #tpu.memory_space<vmem>>) target(%dma_start3A_525 : memref<10240x128xf32, #tpu.memory_space<vmem_shared>>) offsets(%dma_start3A_522 : memref<128xi32, #tpu.memory_space<vmem>>) semaphore(%arg19 : memref<!tpu.dma_semaphore, #tpu.memory_space<semaphore_mem>>) {add = true}
        %dma_wait3A_526 = arith.constant 15 : i32
        %dma_wait3A_527 = arith.constant 0 : i32
        %dma_wait3A_528 = tpu.memref_slice %arg11[%dma_wait3A_526, %dma_wait3A_527] : memref<16x128xi32, #tpu.memory_space<vmem>> -> memref<1x128xi32, #tpu.memory_space<vmem>>
        %dma_wait3A_529 = tpu.memref_squeeze %dma_wait3A_528 : memref<1x128xi32, #tpu.memory_space<vmem>> -> memref<128xi32, #tpu.memory_space<vmem>>
        %dma_wait3A_530 = arith.constant 0 : i32
        %dma_wait3A_531 = arith.constant 0 : i32
        %dma_wait3A_532 = tpu.memref_slice %arg15[%dma_wait3A_530, %dma_wait3A_531] : memref<10240x128xf32, #tpu.memory_space<vmem_shared>> -> memref<10240x128xf32, #tpu.memory_space<vmem_shared>>
        tpu.wait_indirect_dma semaphore(%arg19 : memref<!tpu.dma_semaphore, #tpu.memory_space<semaphore_mem>>) src(%arg14 : memref<128x128xf32, #tpu.memory_space<vmem>>) dst(%dma_wait3A_532 : memref<10240x128xf32, #tpu.memory_space<vmem_shared>>)
        %dma_start3A_533 = arith.constant 1 : i32
        %dma_start3A_534 = arith.constant 0 : i32
        %dma_start3A_535 = tpu.memref_slice %arg10[%dma_start3A_533, %dma_start3A_534] : memref<16x128xi32, #tpu.memory_space<vmem>> -> memref<1x128xi32, #tpu.memory_space<vmem>>
        %dma_start3A_536 = tpu.memref_squeeze %dma_start3A_535 : memref<1x128xi32, #tpu.memory_space<vmem>> -> memref<128xi32, #tpu.memory_space<vmem>>
        %dma_start3A_537 = arith.constant 0 : i32
        %dma_start3A_538 = arith.constant 0 : i32
        %dma_start3A_539 = tpu.memref_slice %arg5[%dma_start3A_537, %dma_start3A_538] : memref<256x128xf32, #tpu.memory_space<hbm>> -> memref<256x128xf32, #tpu.memory_space<hbm>>
        tpu.enqueue_indirect_dma source(%dma_start3A_539 : memref<256x128xf32, #tpu.memory_space<hbm>>) target(%arg14 : memref<128x128xf32, #tpu.memory_space<vmem>>) offsets(%dma_start3A_536 : memref<128xi32, #tpu.memory_space<vmem>>) semaphore(%arg17 : memref<!tpu.dma_semaphore, #tpu.memory_space<semaphore_mem>>)
        %dma_wait3A_540 = arith.constant 0 : i32
        %dma_wait3A_541 = arith.constant 0 : i32
        %dma_wait3A_542 = tpu.memref_slice %arg10[%dma_wait3A_540, %dma_wait3A_541] : memref<16x128xi32, #tpu.memory_space<vmem>> -> memref<1x128xi32, #tpu.memory_space<vmem>>
        %dma_wait3A_543 = tpu.memref_squeeze %dma_wait3A_542 : memref<1x128xi32, #tpu.memory_space<vmem>> -> memref<128xi32, #tpu.memory_space<vmem>>
        %dma_wait3A_544 = arith.constant 0 : i32
        %dma_wait3A_545 = arith.constant 0 : i32
        %dma_wait3A_546 = tpu.memref_slice %arg5[%dma_wait3A_544, %dma_wait3A_545] : memref<256x128xf32, #tpu.memory_space<hbm>> -> memref<256x128xf32, #tpu.memory_space<hbm>>
        tpu.wait_indirect_dma semaphore(%arg16 : memref<!tpu.dma_semaphore, #tpu.memory_space<semaphore_mem>>) src(%dma_wait3A_546 : memref<256x128xf32, #tpu.memory_space<hbm>>) dst(%arg13 : memref<128x128xf32, #tpu.memory_space<vmem>>)
        %dma_start3A_547 = arith.constant 0 : i32
        %dma_start3A_548 = arith.constant 0 : i32
        %dma_start3A_549 = tpu.memref_slice %arg12[%dma_start3A_547, %dma_start3A_548] : memref<16x128xi32, #tpu.memory_space<vmem>> -> memref<1x128xi32, #tpu.memory_space<vmem>>
        %dma_start3A_550 = tpu.memref_squeeze %dma_start3A_549 : memref<1x128xi32, #tpu.memory_space<vmem>> -> memref<128xi32, #tpu.memory_space<vmem>>
        %dma_start3A_551 = arith.constant 0 : i32
        %dma_start3A_552 = arith.constant 0 : i32
        %dma_start3A_553 = tpu.memref_slice %arg15[%dma_start3A_551, %dma_start3A_552] : memref<10240x128xf32, #tpu.memory_space<vmem_shared>> -> memref<10240x128xf32, #tpu.memory_space<vmem_shared>>
        tpu.enqueue_indirect_dma source(%arg13 : memref<128x128xf32, #tpu.memory_space<vmem>>) target(%dma_start3A_553 : memref<10240x128xf32, #tpu.memory_space<vmem_shared>>) offsets(%dma_start3A_550 : memref<128xi32, #tpu.memory_space<vmem>>) semaphore(%arg18 : memref<!tpu.dma_semaphore, #tpu.memory_space<semaphore_mem>>) {add = true}
        %dma_wait3A_554 = arith.constant 0 : i32
        %dma_wait3A_555 = arith.constant 0 : i32
        %dma_wait3A_556 = tpu.memref_slice %arg12[%dma_wait3A_554, %dma_wait3A_555] : memref<16x128xi32, #tpu.memory_space<vmem>> -> memref<1x128xi32, #tpu.memory_space<vmem>>
        %dma_wait3A_557 = tpu.memref_squeeze %dma_wait3A_556 : memref<1x128xi32, #tpu.memory_space<vmem>> -> memref<128xi32, #tpu.memory_space<vmem>>
        %dma_wait3A_558 = arith.constant 0 : i32
        %dma_wait3A_559 = arith.constant 0 : i32
        %dma_wait3A_560 = tpu.memref_slice %arg15[%dma_wait3A_558, %dma_wait3A_559] : memref<10240x128xf32, #tpu.memory_space<vmem_shared>> -> memref<10240x128xf32, #tpu.memory_space<vmem_shared>>
        tpu.wait_indirect_dma semaphore(%arg18 : memref<!tpu.dma_semaphore, #tpu.memory_space<semaphore_mem>>) src(%arg13 : memref<128x128xf32, #tpu.memory_space<vmem>>) dst(%dma_wait3A_560 : memref<10240x128xf32, #tpu.memory_space<vmem_shared>>)
        %dma_start3A_561 = arith.constant 2 : i32
        %dma_start3A_562 = arith.constant 0 : i32
        %dma_start3A_563 = tpu.memref_slice %arg10[%dma_start3A_561, %dma_start3A_562] : memref<16x128xi32, #tpu.memory_space<vmem>> -> memref<1x128xi32, #tpu.memory_space<vmem>>
        %dma_start3A_564 = tpu.memref_squeeze %dma_start3A_563 : memref<1x128xi32, #tpu.memory_space<vmem>> -> memref<128xi32, #tpu.memory_space<vmem>>
        %dma_start3A_565 = arith.constant 0 : i32
        %dma_start3A_566 = arith.constant 0 : i32
        %dma_start3A_567 = tpu.memref_slice %arg5[%dma_start3A_565, %dma_start3A_566] : memref<256x128xf32, #tpu.memory_space<hbm>> -> memref<256x128xf32, #tpu.memory_space<hbm>>
        tpu.enqueue_indirect_dma source(%dma_start3A_567 : memref<256x128xf32, #tpu.memory_space<hbm>>) target(%arg13 : memref<128x128xf32, #tpu.memory_space<vmem>>) offsets(%dma_start3A_564 : memref<128xi32, #tpu.memory_space<vmem>>) semaphore(%arg16 : memref<!tpu.dma_semaphore, #tpu.memory_space<semaphore_mem>>)
        %dma_wait3A_568 = arith.constant 1 : i32
        %dma_wait3A_569 = arith.constant 0 : i32
        %dma_wait3A_570 = tpu.memref_slice %arg10[%dma_wait3A_568, %dma_wait3A_569] : memref<16x128xi32, #tpu.memory_space<vmem>> -> memref<1x128xi32, #tpu.memory_space<vmem>>
        %dma_wait3A_571 = tpu.memref_squeeze %dma_wait3A_570 : memref<1x128xi32, #tpu.memory_space<vmem>> -> memref<128xi32, #tpu.memory_space<vmem>>
        %dma_wait3A_572 = arith.constant 0 : i32
        %dma_wait3A_573 = arith.constant 0 : i32
        %dma_wait3A_574 = tpu.memref_slice %arg5[%dma_wait3A_572, %dma_wait3A_573] : memref<256x128xf32, #tpu.memory_space<hbm>> -> memref<256x128xf32, #tpu.memory_space<hbm>>
        tpu.wait_indirect_dma semaphore(%arg17 : memref<!tpu.dma_semaphore, #tpu.memory_space<semaphore_mem>>) src(%dma_wait3A_574 : memref<256x128xf32, #tpu.memory_space<hbm>>) dst(%arg14 : memref<128x128xf32, #tpu.memory_space<vmem>>)
        %dma_start3A_575 = arith.constant 1 : i32
        %dma_start3A_576 = arith.constant 0 : i32
        %dma_start3A_577 = tpu.memref_slice %arg12[%dma_start3A_575, %dma_start3A_576] : memref<16x128xi32, #tpu.memory_space<vmem>> -> memref<1x128xi32, #tpu.memory_space<vmem>>
        %dma_start3A_578 = tpu.memref_squeeze %dma_start3A_577 : memref<1x128xi32, #tpu.memory_space<vmem>> -> memref<128xi32, #tpu.memory_space<vmem>>
        %dma_start3A_579 = arith.constant 0 : i32
        %dma_start3A_580 = arith.constant 0 : i32
        %dma_start3A_581 = tpu.memref_slice %arg15[%dma_start3A_579, %dma_start3A_580] : memref<10240x128xf32, #tpu.memory_space<vmem_shared>> -> memref<10240x128xf32, #tpu.memory_space<vmem_shared>>
        tpu.enqueue_indirect_dma source(%arg14 : memref<128x128xf32, #tpu.memory_space<vmem>>) target(%dma_start3A_581 : memref<10240x128xf32, #tpu.memory_space<vmem_shared>>) offsets(%dma_start3A_578 : memref<128xi32, #tpu.memory_space<vmem>>) semaphore(%arg19 : memref<!tpu.dma_semaphore, #tpu.memory_space<semaphore_mem>>) {add = true}
        %add3A_582 = arith.constant 2 : i32
        %add3A_583 = arith.addi %mul3A_41, %add3A_582 : i32
        %mul3A_584 = arith.constant 160 : i32
        %mul3A_585 = arith.muli %arg1, %mul3A_584 : i32
        %mul3A_586 = arith.constant 16 : i32
        %mul3A_587 = arith.muli %add3A_583, %mul3A_586 : i32
        %add3A_588 = arith.addi %mul3A_585, %mul3A_587 : i32
        %dma_start3A_589 = arith.constant 0 : i32
        %dma_start3A_590 = tpu.memref_slice %arg2[%add3A_588, %dma_start3A_589] : memref<77x128xi32, #tpu.memory_space<hbm>> -> memref<16x128xi32, #tpu.memory_space<hbm>>
        %dma_start3A_591 = arith.constant 0 : i32
        %dma_start3A_592 = tpu.memref_slice %arg2[%add3A_588, %dma_start3A_591] : memref<77x128xi32, #tpu.memory_space<hbm>> -> memref<16x128xi32, #tpu.memory_space<hbm>>
        tpu.enqueue_dma source(%dma_start3A_592 : memref<16x128xi32, #tpu.memory_space<hbm>>) target(%arg9 : memref<16x128xi32, #tpu.memory_space<vmem>>) target_semaphore(%arg20 : memref<!tpu.dma_semaphore, #tpu.memory_space<semaphore_mem>>)
        %dma_start3A_593 = arith.constant 0 : i32
        %dma_start3A_594 = tpu.memref_slice %arg3[%add3A_588, %dma_start3A_593] : memref<77x128xi32, #tpu.memory_space<hbm>> -> memref<16x128xi32, #tpu.memory_space<hbm>>
        %dma_start3A_595 = arith.constant 0 : i32
        %dma_start3A_596 = tpu.memref_slice %arg3[%add3A_588, %dma_start3A_595] : memref<77x128xi32, #tpu.memory_space<hbm>> -> memref<16x128xi32, #tpu.memory_space<hbm>>
        tpu.enqueue_dma source(%dma_start3A_596 : memref<16x128xi32, #tpu.memory_space<hbm>>) target(%arg11 : memref<16x128xi32, #tpu.memory_space<vmem>>) target_semaphore(%arg20 : memref<!tpu.dma_semaphore, #tpu.memory_space<semaphore_mem>>)
        %dma_wait3A_597 = arith.constant 1 : i32
        %dma_wait3A_598 = arith.constant 0 : i32
        %dma_wait3A_599 = tpu.memref_slice %arg12[%dma_wait3A_597, %dma_wait3A_598] : memref<16x128xi32, #tpu.memory_space<vmem>> -> memref<1x128xi32, #tpu.memory_space<vmem>>
        %dma_wait3A_600 = tpu.memref_squeeze %dma_wait3A_599 : memref<1x128xi32, #tpu.memory_space<vmem>> -> memref<128xi32, #tpu.memory_space<vmem>>
        %dma_wait3A_601 = arith.constant 0 : i32
        %dma_wait3A_602 = arith.constant 0 : i32
        %dma_wait3A_603 = tpu.memref_slice %arg15[%dma_wait3A_601, %dma_wait3A_602] : memref<10240x128xf32, #tpu.memory_space<vmem_shared>> -> memref<10240x128xf32, #tpu.memory_space<vmem_shared>>
        tpu.wait_indirect_dma semaphore(%arg19 : memref<!tpu.dma_semaphore, #tpu.memory_space<semaphore_mem>>) src(%arg14 : memref<128x128xf32, #tpu.memory_space<vmem>>) dst(%dma_wait3A_603 : memref<10240x128xf32, #tpu.memory_space<vmem_shared>>)
        %dma_start3A_604 = arith.constant 3 : i32
        %dma_start3A_605 = arith.constant 0 : i32
        %dma_start3A_606 = tpu.memref_slice %arg10[%dma_start3A_604, %dma_start3A_605] : memref<16x128xi32, #tpu.memory_space<vmem>> -> memref<1x128xi32, #tpu.memory_space<vmem>>
        %dma_start3A_607 = tpu.memref_squeeze %dma_start3A_606 : memref<1x128xi32, #tpu.memory_space<vmem>> -> memref<128xi32, #tpu.memory_space<vmem>>
        %dma_start3A_608 = arith.constant 0 : i32
        %dma_start3A_609 = arith.constant 0 : i32
        %dma_start3A_610 = tpu.memref_slice %arg5[%dma_start3A_608, %dma_start3A_609] : memref<256x128xf32, #tpu.memory_space<hbm>> -> memref<256x128xf32, #tpu.memory_space<hbm>>
        tpu.enqueue_indirect_dma source(%dma_start3A_610 : memref<256x128xf32, #tpu.memory_space<hbm>>) target(%arg14 : memref<128x128xf32, #tpu.memory_space<vmem>>) offsets(%dma_start3A_607 : memref<128xi32, #tpu.memory_space<vmem>>) semaphore(%arg17 : memref<!tpu.dma_semaphore, #tpu.memory_space<semaphore_mem>>)
        %dma_wait3A_611 = arith.constant 2 : i32
        %dma_wait3A_612 = arith.constant 0 : i32
        %dma_wait3A_613 = tpu.memref_slice %arg10[%dma_wait3A_611, %dma_wait3A_612] : memref<16x128xi32, #tpu.memory_space<vmem>> -> memref<1x128xi32, #tpu.memory_space<vmem>>
        %dma_wait3A_614 = tpu.memref_squeeze %dma_wait3A_613 : memref<1x128xi32, #tpu.memory_space<vmem>> -> memref<128xi32, #tpu.memory_space<vmem>>
        %dma_wait3A_615 = arith.constant 0 : i32
        %dma_wait3A_616 = arith.constant 0 : i32
        %dma_wait3A_617 = tpu.memref_slice %arg5[%dma_wait3A_615, %dma_wait3A_616] : memref<256x128xf32, #tpu.memory_space<hbm>> -> memref<256x128xf32, #tpu.memory_space<hbm>>
        tpu.wait_indirect_dma semaphore(%arg16 : memref<!tpu.dma_semaphore, #tpu.memory_space<semaphore_mem>>) src(%dma_wait3A_617 : memref<256x128xf32, #tpu.memory_space<hbm>>) dst(%arg13 : memref<128x128xf32, #tpu.memory_space<vmem>>)
        %dma_start3A_618 = arith.constant 2 : i32
        %dma_start3A_619 = arith.constant 0 : i32
        %dma_start3A_620 = tpu.memref_slice %arg12[%dma_start3A_618, %dma_start3A_619] : memref<16x128xi32, #tpu.memory_space<vmem>> -> memref<1x128xi32, #tpu.memory_space<vmem>>
        %dma_start3A_621 = tpu.memref_squeeze %dma_start3A_620 : memref<1x128xi32, #tpu.memory_space<vmem>> -> memref<128xi32, #tpu.memory_space<vmem>>
        %dma_start3A_622 = arith.constant 0 : i32
        %dma_start3A_623 = arith.constant 0 : i32
        %dma_start3A_624 = tpu.memref_slice %arg15[%dma_start3A_622, %dma_start3A_623] : memref<10240x128xf32, #tpu.memory_space<vmem_shared>> -> memref<10240x128xf32, #tpu.memory_space<vmem_shared>>
        tpu.enqueue_indirect_dma source(%arg13 : memref<128x128xf32, #tpu.memory_space<vmem>>) target(%dma_start3A_624 : memref<10240x128xf32, #tpu.memory_space<vmem_shared>>) offsets(%dma_start3A_621 : memref<128xi32, #tpu.memory_space<vmem>>) semaphore(%arg18 : memref<!tpu.dma_semaphore, #tpu.memory_space<semaphore_mem>>) {add = true}
        %dma_wait3A_625 = arith.constant 2 : i32
        %dma_wait3A_626 = arith.constant 0 : i32
        %dma_wait3A_627 = tpu.memref_slice %arg12[%dma_wait3A_625, %dma_wait3A_626] : memref<16x128xi32, #tpu.memory_space<vmem>> -> memref<1x128xi32, #tpu.memory_space<vmem>>
        %dma_wait3A_628 = tpu.memref_squeeze %dma_wait3A_627 : memref<1x128xi32, #tpu.memory_space<vmem>> -> memref<128xi32, #tpu.memory_space<vmem>>
        %dma_wait3A_629 = arith.constant 0 : i32
        %dma_wait3A_630 = arith.constant 0 : i32
        %dma_wait3A_631 = tpu.memref_slice %arg15[%dma_wait3A_629, %dma_wait3A_630] : memref<10240x128xf32, #tpu.memory_space<vmem_shared>> -> memref<10240x128xf32, #tpu.memory_space<vmem_shared>>
        tpu.wait_indirect_dma semaphore(%arg18 : memref<!tpu.dma_semaphore, #tpu.memory_space<semaphore_mem>>) src(%arg13 : memref<128x128xf32, #tpu.memory_space<vmem>>) dst(%dma_wait3A_631 : memref<10240x128xf32, #tpu.memory_space<vmem_shared>>)
        %dma_start3A_632 = arith.constant 4 : i32
        %dma_start3A_633 = arith.constant 0 : i32
        %dma_start3A_634 = tpu.memref_slice %arg10[%dma_start3A_632, %dma_start3A_633] : memref<16x128xi32, #tpu.memory_space<vmem>> -> memref<1x128xi32, #tpu.memory_space<vmem>>
        %dma_start3A_635 = tpu.memref_squeeze %dma_start3A_634 : memref<1x128xi32, #tpu.memory_space<vmem>> -> memref<128xi32, #tpu.memory_space<vmem>>
        %dma_start3A_636 = arith.constant 0 : i32
        %dma_start3A_637 = arith.constant 0 : i32
        %dma_start3A_638 = tpu.memref_slice %arg5[%dma_start3A_636, %dma_start3A_637] : memref<256x128xf32, #tpu.memory_space<hbm>> -> memref<256x128xf32, #tpu.memory_space<hbm>>
        tpu.enqueue_indirect_dma source(%dma_start3A_638 : memref<256x128xf32, #tpu.memory_space<hbm>>) target(%arg13 : memref<128x128xf32, #tpu.memory_space<vmem>>) offsets(%dma_start3A_635 : memref<128xi32, #tpu.memory_space<vmem>>) semaphore(%arg16 : memref<!tpu.dma_semaphore, #tpu.memory_space<semaphore_mem>>)
        %dma_wait3A_639 = arith.constant 3 : i32
        %dma_wait3A_640 = arith.constant 0 : i32
        %dma_wait3A_641 = tpu.memref_slice %arg10[%dma_wait3A_639, %dma_wait3A_640] : memref<16x128xi32, #tpu.memory_space<vmem>> -> memref<1x128xi32, #tpu.memory_space<vmem>>
        %dma_wait3A_642 = tpu.memref_squeeze %dma_wait3A_641 : memref<1x128xi32, #tpu.memory_space<vmem>> -> memref<128xi32, #tpu.memory_space<vmem>>
        %dma_wait3A_643 = arith.constant 0 : i32
        %dma_wait3A_644 = arith.constant 0 : i32
        %dma_wait3A_645 = tpu.memref_slice %arg5[%dma_wait3A_643, %dma_wait3A_644] : memref<256x128xf32, #tpu.memory_space<hbm>> -> memref<256x128xf32, #tpu.memory_space<hbm>>
        tpu.wait_indirect_dma semaphore(%arg17 : memref<!tpu.dma_semaphore, #tpu.memory_space<semaphore_mem>>) src(%dma_wait3A_645 : memref<256x128xf32, #tpu.memory_space<hbm>>) dst(%arg14 : memref<128x128xf32, #tpu.memory_space<vmem>>)
        %dma_start3A_646 = arith.constant 3 : i32
        %dma_start3A_647 = arith.constant 0 : i32
        %dma_start3A_648 = tpu.memref_slice %arg12[%dma_start3A_646, %dma_start3A_647] : memref<16x128xi32, #tpu.memory_space<vmem>> -> memref<1x128xi32, #tpu.memory_space<vmem>>
        %dma_start3A_649 = tpu.memref_squeeze %dma_start3A_648 : memref<1x128xi32, #tpu.memory_space<vmem>> -> memref<128xi32, #tpu.memory_space<vmem>>
        %dma_start3A_650 = arith.constant 0 : i32
        %dma_start3A_651 = arith.constant 0 : i32
        %dma_start3A_652 = tpu.memref_slice %arg15[%dma_start3A_650, %dma_start3A_651] : memref<10240x128xf32, #tpu.memory_space<vmem_shared>> -> memref<10240x128xf32, #tpu.memory_space<vmem_shared>>
        tpu.enqueue_indirect_dma source(%arg14 : memref<128x128xf32, #tpu.memory_space<vmem>>) target(%dma_start3A_652 : memref<10240x128xf32, #tpu.memory_space<vmem_shared>>) offsets(%dma_start3A_649 : memref<128xi32, #tpu.memory_space<vmem>>) semaphore(%arg19 : memref<!tpu.dma_semaphore, #tpu.memory_space<semaphore_mem>>) {add = true}
        %dma_wait3A_653 = arith.constant 3 : i32
        %dma_wait3A_654 = arith.constant 0 : i32
        %dma_wait3A_655 = tpu.memref_slice %arg12[%dma_wait3A_653, %dma_wait3A_654] : memref<16x128xi32, #tpu.memory_space<vmem>> -> memref<1x128xi32, #tpu.memory_space<vmem>>
        %dma_wait3A_656 = tpu.memref_squeeze %dma_wait3A_655 : memref<1x128xi32, #tpu.memory_space<vmem>> -> memref<128xi32, #tpu.memory_space<vmem>>
        %dma_wait3A_657 = arith.constant 0 : i32
        %dma_wait3A_658 = arith.constant 0 : i32
        %dma_wait3A_659 = tpu.memref_slice %arg15[%dma_wait3A_657, %dma_wait3A_658] : memref<10240x128xf32, #tpu.memory_space<vmem_shared>> -> memref<10240x128xf32, #tpu.memory_space<vmem_shared>>
        tpu.wait_indirect_dma semaphore(%arg19 : memref<!tpu.dma_semaphore, #tpu.memory_space<semaphore_mem>>) src(%arg14 : memref<128x128xf32, #tpu.memory_space<vmem>>) dst(%dma_wait3A_659 : memref<10240x128xf32, #tpu.memory_space<vmem_shared>>)
        %dma_start3A_660 = arith.constant 5 : i32
        %dma_start3A_661 = arith.constant 0 : i32
        %dma_start3A_662 = tpu.memref_slice %arg10[%dma_start3A_660, %dma_start3A_661] : memref<16x128xi32, #tpu.memory_space<vmem>> -> memref<1x128xi32, #tpu.memory_space<vmem>>
        %dma_start3A_663 = tpu.memref_squeeze %dma_start3A_662 : memref<1x128xi32, #tpu.memory_space<vmem>> -> memref<128xi32, #tpu.memory_space<vmem>>
        %dma_start3A_664 = arith.constant 0 : i32
        %dma_start3A_665 = arith.constant 0 : i32
        %dma_start3A_666 = tpu.memref_slice %arg5[%dma_start3A_664, %dma_start3A_665] : memref<256x128xf32, #tpu.memory_space<hbm>> -> memref<256x128xf32, #tpu.memory_space<hbm>>
        tpu.enqueue_indirect_dma source(%dma_start3A_666 : memref<256x128xf32, #tpu.memory_space<hbm>>) target(%arg14 : memref<128x128xf32, #tpu.memory_space<vmem>>) offsets(%dma_start3A_663 : memref<128xi32, #tpu.memory_space<vmem>>) semaphore(%arg17 : memref<!tpu.dma_semaphore, #tpu.memory_space<semaphore_mem>>)
        %dma_wait3A_667 = arith.constant 4 : i32
        %dma_wait3A_668 = arith.constant 0 : i32
        %dma_wait3A_669 = tpu.memref_slice %arg10[%dma_wait3A_667, %dma_wait3A_668] : memref<16x128xi32, #tpu.memory_space<vmem>> -> memref<1x128xi32, #tpu.memory_space<vmem>>
        %dma_wait3A_670 = tpu.memref_squeeze %dma_wait3A_669 : memref<1x128xi32, #tpu.memory_space<vmem>> -> memref<128xi32, #tpu.memory_space<vmem>>
        %dma_wait3A_671 = arith.constant 0 : i32
        %dma_wait3A_672 = arith.constant 0 : i32
        %dma_wait3A_673 = tpu.memref_slice %arg5[%dma_wait3A_671, %dma_wait3A_672] : memref<256x128xf32, #tpu.memory_space<hbm>> -> memref<256x128xf32, #tpu.memory_space<hbm>>
        tpu.wait_indirect_dma semaphore(%arg16 : memref<!tpu.dma_semaphore, #tpu.memory_space<semaphore_mem>>) src(%dma_wait3A_673 : memref<256x128xf32, #tpu.memory_space<hbm>>) dst(%arg13 : memref<128x128xf32, #tpu.memory_space<vmem>>)
        %dma_start3A_674 = arith.constant 4 : i32
        %dma_start3A_675 = arith.constant 0 : i32
        %dma_start3A_676 = tpu.memref_slice %arg12[%dma_start3A_674, %dma_start3A_675] : memref<16x128xi32, #tpu.memory_space<vmem>> -> memref<1x128xi32, #tpu.memory_space<vmem>>
        %dma_start3A_677 = tpu.memref_squeeze %dma_start3A_676 : memref<1x128xi32, #tpu.memory_space<vmem>> -> memref<128xi32, #tpu.memory_space<vmem>>
        %dma_start3A_678 = arith.constant 0 : i32
        %dma_start3A_679 = arith.constant 0 : i32
        %dma_start3A_680 = tpu.memref_slice %arg15[%dma_start3A_678, %dma_start3A_679] : memref<10240x128xf32, #tpu.memory_space<vmem_shared>> -> memref<10240x128xf32, #tpu.memory_space<vmem_shared>>
        tpu.enqueue_indirect_dma source(%arg13 : memref<128x128xf32, #tpu.memory_space<vmem>>) target(%dma_start3A_680 : memref<10240x128xf32, #tpu.memory_space<vmem_shared>>) offsets(%dma_start3A_677 : memref<128xi32, #tpu.memory_space<vmem>>) semaphore(%arg18 : memref<!tpu.dma_semaphore, #tpu.memory_space<semaphore_mem>>) {add = true}
        %dma_wait3A_681 = arith.constant 4 : i32
        %dma_wait3A_682 = arith.constant 0 : i32
        %dma_wait3A_683 = tpu.memref_slice %arg12[%dma_wait3A_681, %dma_wait3A_682] : memref<16x128xi32, #tpu.memory_space<vmem>> -> memref<1x128xi32, #tpu.memory_space<vmem>>
        %dma_wait3A_684 = tpu.memref_squeeze %dma_wait3A_683 : memref<1x128xi32, #tpu.memory_space<vmem>> -> memref<128xi32, #tpu.memory_space<vmem>>
        %dma_wait3A_685 = arith.constant 0 : i32
        %dma_wait3A_686 = arith.constant 0 : i32
        %dma_wait3A_687 = tpu.memref_slice %arg15[%dma_wait3A_685, %dma_wait3A_686] : memref<10240x128xf32, #tpu.memory_space<vmem_shared>> -> memref<10240x128xf32, #tpu.memory_space<vmem_shared>>
        tpu.wait_indirect_dma semaphore(%arg18 : memref<!tpu.dma_semaphore, #tpu.memory_space<semaphore_mem>>) src(%arg13 : memref<128x128xf32, #tpu.memory_space<vmem>>) dst(%dma_wait3A_687 : memref<10240x128xf32, #tpu.memory_space<vmem_shared>>)
        %dma_start3A_688 = arith.constant 6 : i32
        %dma_start3A_689 = arith.constant 0 : i32
        %dma_start3A_690 = tpu.memref_slice %arg10[%dma_start3A_688, %dma_start3A_689] : memref<16x128xi32, #tpu.memory_space<vmem>> -> memref<1x128xi32, #tpu.memory_space<vmem>>
        %dma_start3A_691 = tpu.memref_squeeze %dma_start3A_690 : memref<1x128xi32, #tpu.memory_space<vmem>> -> memref<128xi32, #tpu.memory_space<vmem>>
        %dma_start3A_692 = arith.constant 0 : i32
        %dma_start3A_693 = arith.constant 0 : i32
        %dma_start3A_694 = tpu.memref_slice %arg5[%dma_start3A_692, %dma_start3A_693] : memref<256x128xf32, #tpu.memory_space<hbm>> -> memref<256x128xf32, #tpu.memory_space<hbm>>
        tpu.enqueue_indirect_dma source(%dma_start3A_694 : memref<256x128xf32, #tpu.memory_space<hbm>>) target(%arg13 : memref<128x128xf32, #tpu.memory_space<vmem>>) offsets(%dma_start3A_691 : memref<128xi32, #tpu.memory_space<vmem>>) semaphore(%arg16 : memref<!tpu.dma_semaphore, #tpu.memory_space<semaphore_mem>>)
        %dma_wait3A_695 = arith.constant 5 : i32
        %dma_wait3A_696 = arith.constant 0 : i32
        %dma_wait3A_697 = tpu.memref_slice %arg10[%dma_wait3A_695, %dma_wait3A_696] : memref<16x128xi32, #tpu.memory_space<vmem>> -> memref<1x128xi32, #tpu.memory_space<vmem>>
        %dma_wait3A_698 = tpu.memref_squeeze %dma_wait3A_697 : memref<1x128xi32, #tpu.memory_space<vmem>> -> memref<128xi32, #tpu.memory_space<vmem>>
        %dma_wait3A_699 = arith.constant 0 : i32
        %dma_wait3A_700 = arith.constant 0 : i32
        %dma_wait3A_701 = tpu.memref_slice %arg5[%dma_wait3A_699, %dma_wait3A_700] : memref<256x128xf32, #tpu.memory_space<hbm>> -> memref<256x128xf32, #tpu.memory_space<hbm>>
        tpu.wait_indirect_dma semaphore(%arg17 : memref<!tpu.dma_semaphore, #tpu.memory_space<semaphore_mem>>) src(%dma_wait3A_701 : memref<256x128xf32, #tpu.memory_space<hbm>>) dst(%arg14 : memref<128x128xf32, #tpu.memory_space<vmem>>)
        %dma_start3A_702 = arith.constant 5 : i32
        %dma_start3A_703 = arith.constant 0 : i32
        %dma_start3A_704 = tpu.memref_slice %arg12[%dma_start3A_702, %dma_start3A_703] : memref<16x128xi32, #tpu.memory_space<vmem>> -> memref<1x128xi32, #tpu.memory_space<vmem>>
        %dma_start3A_705 = tpu.memref_squeeze %dma_start3A_704 : memref<1x128xi32, #tpu.memory_space<vmem>> -> memref<128xi32, #tpu.memory_space<vmem>>
        %dma_start3A_706 = arith.constant 0 : i32
        %dma_start3A_707 = arith.constant 0 : i32
        %dma_start3A_708 = tpu.memref_slice %arg15[%dma_start3A_706, %dma_start3A_707] : memref<10240x128xf32, #tpu.memory_space<vmem_shared>> -> memref<10240x128xf32, #tpu.memory_space<vmem_shared>>
        tpu.enqueue_indirect_dma source(%arg14 : memref<128x128xf32, #tpu.memory_space<vmem>>) target(%dma_start3A_708 : memref<10240x128xf32, #tpu.memory_space<vmem_shared>>) offsets(%dma_start3A_705 : memref<128xi32, #tpu.memory_space<vmem>>) semaphore(%arg19 : memref<!tpu.dma_semaphore, #tpu.memory_space<semaphore_mem>>) {add = true}
        %dma_wait3A_709 = arith.constant 5 : i32
        %dma_wait3A_710 = arith.constant 0 : i32
        %dma_wait3A_711 = tpu.memref_slice %arg12[%dma_wait3A_709, %dma_wait3A_710] : memref<16x128xi32, #tpu.memory_space<vmem>> -> memref<1x128xi32, #tpu.memory_space<vmem>>
        %dma_wait3A_712 = tpu.memref_squeeze %dma_wait3A_711 : memref<1x128xi32, #tpu.memory_space<vmem>> -> memref<128xi32, #tpu.memory_space<vmem>>
        %dma_wait3A_713 = arith.constant 0 : i32
        %dma_wait3A_714 = arith.constant 0 : i32
        %dma_wait3A_715 = tpu.memref_slice %arg15[%dma_wait3A_713, %dma_wait3A_714] : memref<10240x128xf32, #tpu.memory_space<vmem_shared>> -> memref<10240x128xf32, #tpu.memory_space<vmem_shared>>
        tpu.wait_indirect_dma semaphore(%arg19 : memref<!tpu.dma_semaphore, #tpu.memory_space<semaphore_mem>>) src(%arg14 : memref<128x128xf32, #tpu.memory_space<vmem>>) dst(%dma_wait3A_715 : memref<10240x128xf32, #tpu.memory_space<vmem_shared>>)
        %dma_start3A_716 = arith.constant 7 : i32
        %dma_start3A_717 = arith.constant 0 : i32
        %dma_start3A_718 = tpu.memref_slice %arg10[%dma_start3A_716, %dma_start3A_717] : memref<16x128xi32, #tpu.memory_space<vmem>> -> memref<1x128xi32, #tpu.memory_space<vmem>>
        %dma_start3A_719 = tpu.memref_squeeze %dma_start3A_718 : memref<1x128xi32, #tpu.memory_space<vmem>> -> memref<128xi32, #tpu.memory_space<vmem>>
        %dma_start3A_720 = arith.constant 0 : i32
        %dma_start3A_721 = arith.constant 0 : i32
        %dma_start3A_722 = tpu.memref_slice %arg5[%dma_start3A_720, %dma_start3A_721] : memref<256x128xf32, #tpu.memory_space<hbm>> -> memref<256x128xf32, #tpu.memory_space<hbm>>
        tpu.enqueue_indirect_dma source(%dma_start3A_722 : memref<256x128xf32, #tpu.memory_space<hbm>>) target(%arg14 : memref<128x128xf32, #tpu.memory_space<vmem>>) offsets(%dma_start3A_719 : memref<128xi32, #tpu.memory_space<vmem>>) semaphore(%arg17 : memref<!tpu.dma_semaphore, #tpu.memory_space<semaphore_mem>>)
        %dma_wait3A_723 = arith.constant 6 : i32
        %dma_wait3A_724 = arith.constant 0 : i32
        %dma_wait3A_725 = tpu.memref_slice %arg10[%dma_wait3A_723, %dma_wait3A_724] : memref<16x128xi32, #tpu.memory_space<vmem>> -> memref<1x128xi32, #tpu.memory_space<vmem>>
        %dma_wait3A_726 = tpu.memref_squeeze %dma_wait3A_725 : memref<1x128xi32, #tpu.memory_space<vmem>> -> memref<128xi32, #tpu.memory_space<vmem>>
        %dma_wait3A_727 = arith.constant 0 : i32
        %dma_wait3A_728 = arith.constant 0 : i32
        %dma_wait3A_729 = tpu.memref_slice %arg5[%dma_wait3A_727, %dma_wait3A_728] : memref<256x128xf32, #tpu.memory_space<hbm>> -> memref<256x128xf32, #tpu.memory_space<hbm>>
        tpu.wait_indirect_dma semaphore(%arg16 : memref<!tpu.dma_semaphore, #tpu.memory_space<semaphore_mem>>) src(%dma_wait3A_729 : memref<256x128xf32, #tpu.memory_space<hbm>>) dst(%arg13 : memref<128x128xf32, #tpu.memory_space<vmem>>)
        %dma_start3A_730 = arith.constant 6 : i32
        %dma_start3A_731 = arith.constant 0 : i32
        %dma_start3A_732 = tpu.memref_slice %arg12[%dma_start3A_730, %dma_start3A_731] : memref<16x128xi32, #tpu.memory_space<vmem>> -> memref<1x128xi32, #tpu.memory_space<vmem>>
        %dma_start3A_733 = tpu.memref_squeeze %dma_start3A_732 : memref<1x128xi32, #tpu.memory_space<vmem>> -> memref<128xi32, #tpu.memory_space<vmem>>
        %dma_start3A_734 = arith.constant 0 : i32
        %dma_start3A_735 = arith.constant 0 : i32
        %dma_start3A_736 = tpu.memref_slice %arg15[%dma_start3A_734, %dma_start3A_735] : memref<10240x128xf32, #tpu.memory_space<vmem_shared>> -> memref<10240x128xf32, #tpu.memory_space<vmem_shared>>
        tpu.enqueue_indirect_dma source(%arg13 : memref<128x128xf32, #tpu.memory_space<vmem>>) target(%dma_start3A_736 : memref<10240x128xf32, #tpu.memory_space<vmem_shared>>) offsets(%dma_start3A_733 : memref<128xi32, #tpu.memory_space<vmem>>) semaphore(%arg18 : memref<!tpu.dma_semaphore, #tpu.memory_space<semaphore_mem>>) {add = true}
        %dma_wait3A_737 = arith.constant 6 : i32
        %dma_wait3A_738 = arith.constant 0 : i32
        %dma_wait3A_739 = tpu.memref_slice %arg12[%dma_wait3A_737, %dma_wait3A_738] : memref<16x128xi32, #tpu.memory_space<vmem>> -> memref<1x128xi32, #tpu.memory_space<vmem>>
        %dma_wait3A_740 = tpu.memref_squeeze %dma_wait3A_739 : memref<1x128xi32, #tpu.memory_space<vmem>> -> memref<128xi32, #tpu.memory_space<vmem>>
        %dma_wait3A_741 = arith.constant 0 : i32
        %dma_wait3A_742 = arith.constant 0 : i32
        %dma_wait3A_743 = tpu.memref_slice %arg15[%dma_wait3A_741, %dma_wait3A_742] : memref<10240x128xf32, #tpu.memory_space<vmem_shared>> -> memref<10240x128xf32, #tpu.memory_space<vmem_shared>>
        tpu.wait_indirect_dma semaphore(%arg18 : memref<!tpu.dma_semaphore, #tpu.memory_space<semaphore_mem>>) src(%arg13 : memref<128x128xf32, #tpu.memory_space<vmem>>) dst(%dma_wait3A_743 : memref<10240x128xf32, #tpu.memory_space<vmem_shared>>)
        %dma_start3A_744 = arith.constant 8 : i32
        %dma_start3A_745 = arith.constant 0 : i32
        %dma_start3A_746 = tpu.memref_slice %arg10[%dma_start3A_744, %dma_start3A_745] : memref<16x128xi32, #tpu.memory_space<vmem>> -> memref<1x128xi32, #tpu.memory_space<vmem>>
        %dma_start3A_747 = tpu.memref_squeeze %dma_start3A_746 : memref<1x128xi32, #tpu.memory_space<vmem>> -> memref<128xi32, #tpu.memory_space<vmem>>
        %dma_start3A_748 = arith.constant 0 : i32
        %dma_start3A_749 = arith.constant 0 : i32
        %dma_start3A_750 = tpu.memref_slice %arg5[%dma_start3A_748, %dma_start3A_749] : memref<256x128xf32, #tpu.memory_space<hbm>> -> memref<256x128xf32, #tpu.memory_space<hbm>>
        tpu.enqueue_indirect_dma source(%dma_start3A_750 : memref<256x128xf32, #tpu.memory_space<hbm>>) target(%arg13 : memref<128x128xf32, #tpu.memory_space<vmem>>) offsets(%dma_start3A_747 : memref<128xi32, #tpu.memory_space<vmem>>) semaphore(%arg16 : memref<!tpu.dma_semaphore, #tpu.memory_space<semaphore_mem>>)
        %dma_wait3A_751 = arith.constant 7 : i32
        %dma_wait3A_752 = arith.constant 0 : i32
        %dma_wait3A_753 = tpu.memref_slice %arg10[%dma_wait3A_751, %dma_wait3A_752] : memref<16x128xi32, #tpu.memory_space<vmem>> -> memref<1x128xi32, #tpu.memory_space<vmem>>
        %dma_wait3A_754 = tpu.memref_squeeze %dma_wait3A_753 : memref<1x128xi32, #tpu.memory_space<vmem>> -> memref<128xi32, #tpu.memory_space<vmem>>
        %dma_wait3A_755 = arith.constant 0 : i32
        %dma_wait3A_756 = arith.constant 0 : i32
        %dma_wait3A_757 = tpu.memref_slice %arg5[%dma_wait3A_755, %dma_wait3A_756] : memref<256x128xf32, #tpu.memory_space<hbm>> -> memref<256x128xf32, #tpu.memory_space<hbm>>
        tpu.wait_indirect_dma semaphore(%arg17 : memref<!tpu.dma_semaphore, #tpu.memory_space<semaphore_mem>>) src(%dma_wait3A_757 : memref<256x128xf32, #tpu.memory_space<hbm>>) dst(%arg14 : memref<128x128xf32, #tpu.memory_space<vmem>>)
        %dma_start3A_758 = arith.constant 7 : i32
        %dma_start3A_759 = arith.constant 0 : i32
        %dma_start3A_760 = tpu.memref_slice %arg12[%dma_start3A_758, %dma_start3A_759] : memref<16x128xi32, #tpu.memory_space<vmem>> -> memref<1x128xi32, #tpu.memory_space<vmem>>
        %dma_start3A_761 = tpu.memref_squeeze %dma_start3A_760 : memref<1x128xi32, #tpu.memory_space<vmem>> -> memref<128xi32, #tpu.memory_space<vmem>>
        %dma_start3A_762 = arith.constant 0 : i32
        %dma_start3A_763 = arith.constant 0 : i32
        %dma_start3A_764 = tpu.memref_slice %arg15[%dma_start3A_762, %dma_start3A_763] : memref<10240x128xf32, #tpu.memory_space<vmem_shared>> -> memref<10240x128xf32, #tpu.memory_space<vmem_shared>>
        tpu.enqueue_indirect_dma source(%arg14 : memref<128x128xf32, #tpu.memory_space<vmem>>) target(%dma_start3A_764 : memref<10240x128xf32, #tpu.memory_space<vmem_shared>>) offsets(%dma_start3A_761 : memref<128xi32, #tpu.memory_space<vmem>>) semaphore(%arg19 : memref<!tpu.dma_semaphore, #tpu.memory_space<semaphore_mem>>) {add = true}
        %dma_wait3A_765 = arith.constant 7 : i32
        %dma_wait3A_766 = arith.constant 0 : i32
        %dma_wait3A_767 = tpu.memref_slice %arg12[%dma_wait3A_765, %dma_wait3A_766] : memref<16x128xi32, #tpu.memory_space<vmem>> -> memref<1x128xi32, #tpu.memory_space<vmem>>
        %dma_wait3A_768 = tpu.memref_squeeze %dma_wait3A_767 : memref<1x128xi32, #tpu.memory_space<vmem>> -> memref<128xi32, #tpu.memory_space<vmem>>
        %dma_wait3A_769 = arith.constant 0 : i32
        %dma_wait3A_770 = arith.constant 0 : i32
        %dma_wait3A_771 = tpu.memref_slice %arg15[%dma_wait3A_769, %dma_wait3A_770] : memref<10240x128xf32, #tpu.memory_space<vmem_shared>> -> memref<10240x128xf32, #tpu.memory_space<vmem_shared>>
        tpu.wait_indirect_dma semaphore(%arg19 : memref<!tpu.dma_semaphore, #tpu.memory_space<semaphore_mem>>) src(%arg14 : memref<128x128xf32, #tpu.memory_space<vmem>>) dst(%dma_wait3A_771 : memref<10240x128xf32, #tpu.memory_space<vmem_shared>>)
        %dma_start3A_772 = arith.constant 9 : i32
        %dma_start3A_773 = arith.constant 0 : i32
        %dma_start3A_774 = tpu.memref_slice %arg10[%dma_start3A_772, %dma_start3A_773] : memref<16x128xi32, #tpu.memory_space<vmem>> -> memref<1x128xi32, #tpu.memory_space<vmem>>
        %dma_start3A_775 = tpu.memref_squeeze %dma_start3A_774 : memref<1x128xi32, #tpu.memory_space<vmem>> -> memref<128xi32, #tpu.memory_space<vmem>>
        %dma_start3A_776 = arith.constant 0 : i32
        %dma_start3A_777 = arith.constant 0 : i32
        %dma_start3A_778 = tpu.memref_slice %arg5[%dma_start3A_776, %dma_start3A_777] : memref<256x128xf32, #tpu.memory_space<hbm>> -> memref<256x128xf32, #tpu.memory_space<hbm>>
        tpu.enqueue_indirect_dma source(%dma_start3A_778 : memref<256x128xf32, #tpu.memory_space<hbm>>) target(%arg14 : memref<128x128xf32, #tpu.memory_space<vmem>>) offsets(%dma_start3A_775 : memref<128xi32, #tpu.memory_space<vmem>>) semaphore(%arg17 : memref<!tpu.dma_semaphore, #tpu.memory_space<semaphore_mem>>)
        %dma_wait3A_779 = arith.constant 8 : i32
        %dma_wait3A_780 = arith.constant 0 : i32
        %dma_wait3A_781 = tpu.memref_slice %arg10[%dma_wait3A_779, %dma_wait3A_780] : memref<16x128xi32, #tpu.memory_space<vmem>> -> memref<1x128xi32, #tpu.memory_space<vmem>>
        %dma_wait3A_782 = tpu.memref_squeeze %dma_wait3A_781 : memref<1x128xi32, #tpu.memory_space<vmem>> -> memref<128xi32, #tpu.memory_space<vmem>>
        %dma_wait3A_783 = arith.constant 0 : i32
        %dma_wait3A_784 = arith.constant 0 : i32
        %dma_wait3A_785 = tpu.memref_slice %arg5[%dma_wait3A_783, %dma_wait3A_784] : memref<256x128xf32, #tpu.memory_space<hbm>> -> memref<256x128xf32, #tpu.memory_space<hbm>>
        tpu.wait_indirect_dma semaphore(%arg16 : memref<!tpu.dma_semaphore, #tpu.memory_space<semaphore_mem>>) src(%dma_wait3A_785 : memref<256x128xf32, #tpu.memory_space<hbm>>) dst(%arg13 : memref<128x128xf32, #tpu.memory_space<vmem>>)
        %dma_start3A_786 = arith.constant 8 : i32
        %dma_start3A_787 = arith.constant 0 : i32
        %dma_start3A_788 = tpu.memref_slice %arg12[%dma_start3A_786, %dma_start3A_787] : memref<16x128xi32, #tpu.memory_space<vmem>> -> memref<1x128xi32, #tpu.memory_space<vmem>>
        %dma_start3A_789 = tpu.memref_squeeze %dma_start3A_788 : memref<1x128xi32, #tpu.memory_space<vmem>> -> memref<128xi32, #tpu.memory_space<vmem>>
        %dma_start3A_790 = arith.constant 0 : i32
        %dma_start3A_791 = arith.constant 0 : i32
        %dma_start3A_792 = tpu.memref_slice %arg15[%dma_start3A_790, %dma_start3A_791] : memref<10240x128xf32, #tpu.memory_space<vmem_shared>> -> memref<10240x128xf32, #tpu.memory_space<vmem_shared>>
        tpu.enqueue_indirect_dma source(%arg13 : memref<128x128xf32, #tpu.memory_space<vmem>>) target(%dma_start3A_792 : memref<10240x128xf32, #tpu.memory_space<vmem_shared>>) offsets(%dma_start3A_789 : memref<128xi32, #tpu.memory_space<vmem>>) semaphore(%arg18 : memref<!tpu.dma_semaphore, #tpu.memory_space<semaphore_mem>>) {add = true}
        %dma_wait3A_793 = arith.constant 8 : i32
        %dma_wait3A_794 = arith.constant 0 : i32
        %dma_wait3A_795 = tpu.memref_slice %arg12[%dma_wait3A_793, %dma_wait3A_794] : memref<16x128xi32, #tpu.memory_space<vmem>> -> memref<1x128xi32, #tpu.memory_space<vmem>>
        %dma_wait3A_796 = tpu.memref_squeeze %dma_wait3A_795 : memref<1x128xi32, #tpu.memory_space<vmem>> -> memref<128xi32, #tpu.memory_space<vmem>>
        %dma_wait3A_797 = arith.constant 0 : i32
        %dma_wait3A_798 = arith.constant 0 : i32
        %dma_wait3A_799 = tpu.memref_slice %arg15[%dma_wait3A_797, %dma_wait3A_798] : memref<10240x128xf32, #tpu.memory_space<vmem_shared>> -> memref<10240x128xf32, #tpu.memory_space<vmem_shared>>
        tpu.wait_indirect_dma semaphore(%arg18 : memref<!tpu.dma_semaphore, #tpu.memory_space<semaphore_mem>>) src(%arg13 : memref<128x128xf32, #tpu.memory_space<vmem>>) dst(%dma_wait3A_799 : memref<10240x128xf32, #tpu.memory_space<vmem_shared>>)
        %dma_start3A_800 = arith.constant 10 : i32
        %dma_start3A_801 = arith.constant 0 : i32
        %dma_start3A_802 = tpu.memref_slice %arg10[%dma_start3A_800, %dma_start3A_801] : memref<16x128xi32, #tpu.memory_space<vmem>> -> memref<1x128xi32, #tpu.memory_space<vmem>>
        %dma_start3A_803 = tpu.memref_squeeze %dma_start3A_802 : memref<1x128xi32, #tpu.memory_space<vmem>> -> memref<128xi32, #tpu.memory_space<vmem>>
        %dma_start3A_804 = arith.constant 0 : i32
        %dma_start3A_805 = arith.constant 0 : i32
        %dma_start3A_806 = tpu.memref_slice %arg5[%dma_start3A_804, %dma_start3A_805] : memref<256x128xf32, #tpu.memory_space<hbm>> -> memref<256x128xf32, #tpu.memory_space<hbm>>
        tpu.enqueue_indirect_dma source(%dma_start3A_806 : memref<256x128xf32, #tpu.memory_space<hbm>>) target(%arg13 : memref<128x128xf32, #tpu.memory_space<vmem>>) offsets(%dma_start3A_803 : memref<128xi32, #tpu.memory_space<vmem>>) semaphore(%arg16 : memref<!tpu.dma_semaphore, #tpu.memory_space<semaphore_mem>>)
        %dma_wait3A_807 = arith.constant 9 : i32
        %dma_wait3A_808 = arith.constant 0 : i32
        %dma_wait3A_809 = tpu.memref_slice %arg10[%dma_wait3A_807, %dma_wait3A_808] : memref<16x128xi32, #tpu.memory_space<vmem>> -> memref<1x128xi32, #tpu.memory_space<vmem>>
        %dma_wait3A_810 = tpu.memref_squeeze %dma_wait3A_809 : memref<1x128xi32, #tpu.memory_space<vmem>> -> memref<128xi32, #tpu.memory_space<vmem>>
        %dma_wait3A_811 = arith.constant 0 : i32
        %dma_wait3A_812 = arith.constant 0 : i32
        %dma_wait3A_813 = tpu.memref_slice %arg5[%dma_wait3A_811, %dma_wait3A_812] : memref<256x128xf32, #tpu.memory_space<hbm>> -> memref<256x128xf32, #tpu.memory_space<hbm>>
        tpu.wait_indirect_dma semaphore(%arg17 : memref<!tpu.dma_semaphore, #tpu.memory_space<semaphore_mem>>) src(%dma_wait3A_813 : memref<256x128xf32, #tpu.memory_space<hbm>>) dst(%arg14 : memref<128x128xf32, #tpu.memory_space<vmem>>)
        %dma_start3A_814 = arith.constant 9 : i32
        %dma_start3A_815 = arith.constant 0 : i32
        %dma_start3A_816 = tpu.memref_slice %arg12[%dma_start3A_814, %dma_start3A_815] : memref<16x128xi32, #tpu.memory_space<vmem>> -> memref<1x128xi32, #tpu.memory_space<vmem>>
        %dma_start3A_817 = tpu.memref_squeeze %dma_start3A_816 : memref<1x128xi32, #tpu.memory_space<vmem>> -> memref<128xi32, #tpu.memory_space<vmem>>
        %dma_start3A_818 = arith.constant 0 : i32
        %dma_start3A_819 = arith.constant 0 : i32
        %dma_start3A_820 = tpu.memref_slice %arg15[%dma_start3A_818, %dma_start3A_819] : memref<10240x128xf32, #tpu.memory_space<vmem_shared>> -> memref<10240x128xf32, #tpu.memory_space<vmem_shared>>
        tpu.enqueue_indirect_dma source(%arg14 : memref<128x128xf32, #tpu.memory_space<vmem>>) target(%dma_start3A_820 : memref<10240x128xf32, #tpu.memory_space<vmem_shared>>) offsets(%dma_start3A_817 : memref<128xi32, #tpu.memory_space<vmem>>) semaphore(%arg19 : memref<!tpu.dma_semaphore, #tpu.memory_space<semaphore_mem>>) {add = true}
        %dma_wait3A_821 = arith.constant 9 : i32
        %dma_wait3A_822 = arith.constant 0 : i32
        %dma_wait3A_823 = tpu.memref_slice %arg12[%dma_wait3A_821, %dma_wait3A_822] : memref<16x128xi32, #tpu.memory_space<vmem>> -> memref<1x128xi32, #tpu.memory_space<vmem>>
        %dma_wait3A_824 = tpu.memref_squeeze %dma_wait3A_823 : memref<1x128xi32, #tpu.memory_space<vmem>> -> memref<128xi32, #tpu.memory_space<vmem>>
        %dma_wait3A_825 = arith.constant 0 : i32
        %dma_wait3A_826 = arith.constant 0 : i32
        %dma_wait3A_827 = tpu.memref_slice %arg15[%dma_wait3A_825, %dma_wait3A_826] : memref<10240x128xf32, #tpu.memory_space<vmem_shared>> -> memref<10240x128xf32, #tpu.memory_space<vmem_shared>>
        tpu.wait_indirect_dma semaphore(%arg19 : memref<!tpu.dma_semaphore, #tpu.memory_space<semaphore_mem>>) src(%arg14 : memref<128x128xf32, #tpu.memory_space<vmem>>) dst(%dma_wait3A_827 : memref<10240x128xf32, #tpu.memory_space<vmem_shared>>)
        %dma_start3A_828 = arith.constant 11 : i32
        %dma_start3A_829 = arith.constant 0 : i32
        %dma_start3A_830 = tpu.memref_slice %arg10[%dma_start3A_828, %dma_start3A_829] : memref<16x128xi32, #tpu.memory_space<vmem>> -> memref<1x128xi32, #tpu.memory_space<vmem>>
        %dma_start3A_831 = tpu.memref_squeeze %dma_start3A_830 : memref<1x128xi32, #tpu.memory_space<vmem>> -> memref<128xi32, #tpu.memory_space<vmem>>
        %dma_start3A_832 = arith.constant 0 : i32
        %dma_start3A_833 = arith.constant 0 : i32
        %dma_start3A_834 = tpu.memref_slice %arg5[%dma_start3A_832, %dma_start3A_833] : memref<256x128xf32, #tpu.memory_space<hbm>> -> memref<256x128xf32, #tpu.memory_space<hbm>>
        tpu.enqueue_indirect_dma source(%dma_start3A_834 : memref<256x128xf32, #tpu.memory_space<hbm>>) target(%arg14 : memref<128x128xf32, #tpu.memory_space<vmem>>) offsets(%dma_start3A_831 : memref<128xi32, #tpu.memory_space<vmem>>) semaphore(%arg17 : memref<!tpu.dma_semaphore, #tpu.memory_space<semaphore_mem>>)
        %dma_wait3A_835 = arith.constant 10 : i32
        %dma_wait3A_836 = arith.constant 0 : i32
        %dma_wait3A_837 = tpu.memref_slice %arg10[%dma_wait3A_835, %dma_wait3A_836] : memref<16x128xi32, #tpu.memory_space<vmem>> -> memref<1x128xi32, #tpu.memory_space<vmem>>
        %dma_wait3A_838 = tpu.memref_squeeze %dma_wait3A_837 : memref<1x128xi32, #tpu.memory_space<vmem>> -> memref<128xi32, #tpu.memory_space<vmem>>
        %dma_wait3A_839 = arith.constant 0 : i32
        %dma_wait3A_840 = arith.constant 0 : i32
        %dma_wait3A_841 = tpu.memref_slice %arg5[%dma_wait3A_839, %dma_wait3A_840] : memref<256x128xf32, #tpu.memory_space<hbm>> -> memref<256x128xf32, #tpu.memory_space<hbm>>
        tpu.wait_indirect_dma semaphore(%arg16 : memref<!tpu.dma_semaphore, #tpu.memory_space<semaphore_mem>>) src(%dma_wait3A_841 : memref<256x128xf32, #tpu.memory_space<hbm>>) dst(%arg13 : memref<128x128xf32, #tpu.memory_space<vmem>>)
        %dma_start3A_842 = arith.constant 10 : i32
        %dma_start3A_843 = arith.constant 0 : i32
        %dma_start3A_844 = tpu.memref_slice %arg12[%dma_start3A_842, %dma_start3A_843] : memref<16x128xi32, #tpu.memory_space<vmem>> -> memref<1x128xi32, #tpu.memory_space<vmem>>
        %dma_start3A_845 = tpu.memref_squeeze %dma_start3A_844 : memref<1x128xi32, #tpu.memory_space<vmem>> -> memref<128xi32, #tpu.memory_space<vmem>>
        %dma_start3A_846 = arith.constant 0 : i32
        %dma_start3A_847 = arith.constant 0 : i32
        %dma_start3A_848 = tpu.memref_slice %arg15[%dma_start3A_846, %dma_start3A_847] : memref<10240x128xf32, #tpu.memory_space<vmem_shared>> -> memref<10240x128xf32, #tpu.memory_space<vmem_shared>>
        tpu.enqueue_indirect_dma source(%arg13 : memref<128x128xf32, #tpu.memory_space<vmem>>) target(%dma_start3A_848 : memref<10240x128xf32, #tpu.memory_space<vmem_shared>>) offsets(%dma_start3A_845 : memref<128xi32, #tpu.memory_space<vmem>>) semaphore(%arg18 : memref<!tpu.dma_semaphore, #tpu.memory_space<semaphore_mem>>) {add = true}
        %dma_wait3A_849 = arith.constant 10 : i32
        %dma_wait3A_850 = arith.constant 0 : i32
        %dma_wait3A_851 = tpu.memref_slice %arg12[%dma_wait3A_849, %dma_wait3A_850] : memref<16x128xi32, #tpu.memory_space<vmem>> -> memref<1x128xi32, #tpu.memory_space<vmem>>
        %dma_wait3A_852 = tpu.memref_squeeze %dma_wait3A_851 : memref<1x128xi32, #tpu.memory_space<vmem>> -> memref<128xi32, #tpu.memory_space<vmem>>
        %dma_wait3A_853 = arith.constant 0 : i32
        %dma_wait3A_854 = arith.constant 0 : i32
        %dma_wait3A_855 = tpu.memref_slice %arg15[%dma_wait3A_853, %dma_wait3A_854] : memref<10240x128xf32, #tpu.memory_space<vmem_shared>> -> memref<10240x128xf32, #tpu.memory_space<vmem_shared>>
        tpu.wait_indirect_dma semaphore(%arg18 : memref<!tpu.dma_semaphore, #tpu.memory_space<semaphore_mem>>) src(%arg13 : memref<128x128xf32, #tpu.memory_space<vmem>>) dst(%dma_wait3A_855 : memref<10240x128xf32, #tpu.memory_space<vmem_shared>>)
        %dma_start3A_856 = arith.constant 12 : i32
        %dma_start3A_857 = arith.constant 0 : i32
        %dma_start3A_858 = tpu.memref_slice %arg10[%dma_start3A_856, %dma_start3A_857] : memref<16x128xi32, #tpu.memory_space<vmem>> -> memref<1x128xi32, #tpu.memory_space<vmem>>
        %dma_start3A_859 = tpu.memref_squeeze %dma_start3A_858 : memref<1x128xi32, #tpu.memory_space<vmem>> -> memref<128xi32, #tpu.memory_space<vmem>>
        %dma_start3A_860 = arith.constant 0 : i32
        %dma_start3A_861 = arith.constant 0 : i32
        %dma_start3A_862 = tpu.memref_slice %arg5[%dma_start3A_860, %dma_start3A_861] : memref<256x128xf32, #tpu.memory_space<hbm>> -> memref<256x128xf32, #tpu.memory_space<hbm>>
        tpu.enqueue_indirect_dma source(%dma_start3A_862 : memref<256x128xf32, #tpu.memory_space<hbm>>) target(%arg13 : memref<128x128xf32, #tpu.memory_space<vmem>>) offsets(%dma_start3A_859 : memref<128xi32, #tpu.memory_space<vmem>>) semaphore(%arg16 : memref<!tpu.dma_semaphore, #tpu.memory_space<semaphore_mem>>)
        %dma_wait3A_863 = arith.constant 11 : i32
        %dma_wait3A_864 = arith.constant 0 : i32
        %dma_wait3A_865 = tpu.memref_slice %arg10[%dma_wait3A_863, %dma_wait3A_864] : memref<16x128xi32, #tpu.memory_space<vmem>> -> memref<1x128xi32, #tpu.memory_space<vmem>>
        %dma_wait3A_866 = tpu.memref_squeeze %dma_wait3A_865 : memref<1x128xi32, #tpu.memory_space<vmem>> -> memref<128xi32, #tpu.memory_space<vmem>>
        %dma_wait3A_867 = arith.constant 0 : i32
        %dma_wait3A_868 = arith.constant 0 : i32
        %dma_wait3A_869 = tpu.memref_slice %arg5[%dma_wait3A_867, %dma_wait3A_868] : memref<256x128xf32, #tpu.memory_space<hbm>> -> memref<256x128xf32, #tpu.memory_space<hbm>>
        tpu.wait_indirect_dma semaphore(%arg17 : memref<!tpu.dma_semaphore, #tpu.memory_space<semaphore_mem>>) src(%dma_wait3A_869 : memref<256x128xf32, #tpu.memory_space<hbm>>) dst(%arg14 : memref<128x128xf32, #tpu.memory_space<vmem>>)
        %dma_start3A_870 = arith.constant 11 : i32
        %dma_start3A_871 = arith.constant 0 : i32
        %dma_start3A_872 = tpu.memref_slice %arg12[%dma_start3A_870, %dma_start3A_871] : memref<16x128xi32, #tpu.memory_space<vmem>> -> memref<1x128xi32, #tpu.memory_space<vmem>>
        %dma_start3A_873 = tpu.memref_squeeze %dma_start3A_872 : memref<1x128xi32, #tpu.memory_space<vmem>> -> memref<128xi32, #tpu.memory_space<vmem>>
        %dma_start3A_874 = arith.constant 0 : i32
        %dma_start3A_875 = arith.constant 0 : i32
        %dma_start3A_876 = tpu.memref_slice %arg15[%dma_start3A_874, %dma_start3A_875] : memref<10240x128xf32, #tpu.memory_space<vmem_shared>> -> memref<10240x128xf32, #tpu.memory_space<vmem_shared>>
        tpu.enqueue_indirect_dma source(%arg14 : memref<128x128xf32, #tpu.memory_space<vmem>>) target(%dma_start3A_876 : memref<10240x128xf32, #tpu.memory_space<vmem_shared>>) offsets(%dma_start3A_873 : memref<128xi32, #tpu.memory_space<vmem>>) semaphore(%arg19 : memref<!tpu.dma_semaphore, #tpu.memory_space<semaphore_mem>>) {add = true}
        %dma_wait3A_877 = arith.constant 11 : i32
        %dma_wait3A_878 = arith.constant 0 : i32
        %dma_wait3A_879 = tpu.memref_slice %arg12[%dma_wait3A_877, %dma_wait3A_878] : memref<16x128xi32, #tpu.memory_space<vmem>> -> memref<1x128xi32, #tpu.memory_space<vmem>>
        %dma_wait3A_880 = tpu.memref_squeeze %dma_wait3A_879 : memref<1x128xi32, #tpu.memory_space<vmem>> -> memref<128xi32, #tpu.memory_space<vmem>>
        %dma_wait3A_881 = arith.constant 0 : i32
        %dma_wait3A_882 = arith.constant 0 : i32
        %dma_wait3A_883 = tpu.memref_slice %arg15[%dma_wait3A_881, %dma_wait3A_882] : memref<10240x128xf32, #tpu.memory_space<vmem_shared>> -> memref<10240x128xf32, #tpu.memory_space<vmem_shared>>
        tpu.wait_indirect_dma semaphore(%arg19 : memref<!tpu.dma_semaphore, #tpu.memory_space<semaphore_mem>>) src(%arg14 : memref<128x128xf32, #tpu.memory_space<vmem>>) dst(%dma_wait3A_883 : memref<10240x128xf32, #tpu.memory_space<vmem_shared>>)
        %dma_start3A_884 = arith.constant 13 : i32
        %dma_start3A_885 = arith.constant 0 : i32
        %dma_start3A_886 = tpu.memref_slice %arg10[%dma_start3A_884, %dma_start3A_885] : memref<16x128xi32, #tpu.memory_space<vmem>> -> memref<1x128xi32, #tpu.memory_space<vmem>>
        %dma_start3A_887 = tpu.memref_squeeze %dma_start3A_886 : memref<1x128xi32, #tpu.memory_space<vmem>> -> memref<128xi32, #tpu.memory_space<vmem>>
        %dma_start3A_888 = arith.constant 0 : i32
        %dma_start3A_889 = arith.constant 0 : i32
        %dma_start3A_890 = tpu.memref_slice %arg5[%dma_start3A_888, %dma_start3A_889] : memref<256x128xf32, #tpu.memory_space<hbm>> -> memref<256x128xf32, #tpu.memory_space<hbm>>
        tpu.enqueue_indirect_dma source(%dma_start3A_890 : memref<256x128xf32, #tpu.memory_space<hbm>>) target(%arg14 : memref<128x128xf32, #tpu.memory_space<vmem>>) offsets(%dma_start3A_887 : memref<128xi32, #tpu.memory_space<vmem>>) semaphore(%arg17 : memref<!tpu.dma_semaphore, #tpu.memory_space<semaphore_mem>>)
        %dma_wait3A_891 = arith.constant 12 : i32
        %dma_wait3A_892 = arith.constant 0 : i32
        %dma_wait3A_893 = tpu.memref_slice %arg10[%dma_wait3A_891, %dma_wait3A_892] : memref<16x128xi32, #tpu.memory_space<vmem>> -> memref<1x128xi32, #tpu.memory_space<vmem>>
        %dma_wait3A_894 = tpu.memref_squeeze %dma_wait3A_893 : memref<1x128xi32, #tpu.memory_space<vmem>> -> memref<128xi32, #tpu.memory_space<vmem>>
        %dma_wait3A_895 = arith.constant 0 : i32
        %dma_wait3A_896 = arith.constant 0 : i32
        %dma_wait3A_897 = tpu.memref_slice %arg5[%dma_wait3A_895, %dma_wait3A_896] : memref<256x128xf32, #tpu.memory_space<hbm>> -> memref<256x128xf32, #tpu.memory_space<hbm>>
        tpu.wait_indirect_dma semaphore(%arg16 : memref<!tpu.dma_semaphore, #tpu.memory_space<semaphore_mem>>) src(%dma_wait3A_897 : memref<256x128xf32, #tpu.memory_space<hbm>>) dst(%arg13 : memref<128x128xf32, #tpu.memory_space<vmem>>)
        %dma_start3A_898 = arith.constant 12 : i32
        %dma_start3A_899 = arith.constant 0 : i32
        %dma_start3A_900 = tpu.memref_slice %arg12[%dma_start3A_898, %dma_start3A_899] : memref<16x128xi32, #tpu.memory_space<vmem>> -> memref<1x128xi32, #tpu.memory_space<vmem>>
        %dma_start3A_901 = tpu.memref_squeeze %dma_start3A_900 : memref<1x128xi32, #tpu.memory_space<vmem>> -> memref<128xi32, #tpu.memory_space<vmem>>
        %dma_start3A_902 = arith.constant 0 : i32
        %dma_start3A_903 = arith.constant 0 : i32
        %dma_start3A_904 = tpu.memref_slice %arg15[%dma_start3A_902, %dma_start3A_903] : memref<10240x128xf32, #tpu.memory_space<vmem_shared>> -> memref<10240x128xf32, #tpu.memory_space<vmem_shared>>
        tpu.enqueue_indirect_dma source(%arg13 : memref<128x128xf32, #tpu.memory_space<vmem>>) target(%dma_start3A_904 : memref<10240x128xf32, #tpu.memory_space<vmem_shared>>) offsets(%dma_start3A_901 : memref<128xi32, #tpu.memory_space<vmem>>) semaphore(%arg18 : memref<!tpu.dma_semaphore, #tpu.memory_space<semaphore_mem>>) {add = true}
        %dma_wait3A_905 = arith.constant 12 : i32
        %dma_wait3A_906 = arith.constant 0 : i32
        %dma_wait3A_907 = tpu.memref_slice %arg12[%dma_wait3A_905, %dma_wait3A_906] : memref<16x128xi32, #tpu.memory_space<vmem>> -> memref<1x128xi32, #tpu.memory_space<vmem>>
        %dma_wait3A_908 = tpu.memref_squeeze %dma_wait3A_907 : memref<1x128xi32, #tpu.memory_space<vmem>> -> memref<128xi32, #tpu.memory_space<vmem>>
        %dma_wait3A_909 = arith.constant 0 : i32
        %dma_wait3A_910 = arith.constant 0 : i32
        %dma_wait3A_911 = tpu.memref_slice %arg15[%dma_wait3A_909, %dma_wait3A_910] : memref<10240x128xf32, #tpu.memory_space<vmem_shared>> -> memref<10240x128xf32, #tpu.memory_space<vmem_shared>>
        tpu.wait_indirect_dma semaphore(%arg18 : memref<!tpu.dma_semaphore, #tpu.memory_space<semaphore_mem>>) src(%arg13 : memref<128x128xf32, #tpu.memory_space<vmem>>) dst(%dma_wait3A_911 : memref<10240x128xf32, #tpu.memory_space<vmem_shared>>)
        %dma_start3A_912 = arith.constant 14 : i32
        %dma_start3A_913 = arith.constant 0 : i32
        %dma_start3A_914 = tpu.memref_slice %arg10[%dma_start3A_912, %dma_start3A_913] : memref<16x128xi32, #tpu.memory_space<vmem>> -> memref<1x128xi32, #tpu.memory_space<vmem>>
        %dma_start3A_915 = tpu.memref_squeeze %dma_start3A_914 : memref<1x128xi32, #tpu.memory_space<vmem>> -> memref<128xi32, #tpu.memory_space<vmem>>
        %dma_start3A_916 = arith.constant 0 : i32
        %dma_start3A_917 = arith.constant 0 : i32
        %dma_start3A_918 = tpu.memref_slice %arg5[%dma_start3A_916, %dma_start3A_917] : memref<256x128xf32, #tpu.memory_space<hbm>> -> memref<256x128xf32, #tpu.memory_space<hbm>>
        tpu.enqueue_indirect_dma source(%dma_start3A_918 : memref<256x128xf32, #tpu.memory_space<hbm>>) target(%arg13 : memref<128x128xf32, #tpu.memory_space<vmem>>) offsets(%dma_start3A_915 : memref<128xi32, #tpu.memory_space<vmem>>) semaphore(%arg16 : memref<!tpu.dma_semaphore, #tpu.memory_space<semaphore_mem>>)
        %dma_wait3A_919 = arith.constant 13 : i32
        %dma_wait3A_920 = arith.constant 0 : i32
        %dma_wait3A_921 = tpu.memref_slice %arg10[%dma_wait3A_919, %dma_wait3A_920] : memref<16x128xi32, #tpu.memory_space<vmem>> -> memref<1x128xi32, #tpu.memory_space<vmem>>
        %dma_wait3A_922 = tpu.memref_squeeze %dma_wait3A_921 : memref<1x128xi32, #tpu.memory_space<vmem>> -> memref<128xi32, #tpu.memory_space<vmem>>
        %dma_wait3A_923 = arith.constant 0 : i32
        %dma_wait3A_924 = arith.constant 0 : i32
        %dma_wait3A_925 = tpu.memref_slice %arg5[%dma_wait3A_923, %dma_wait3A_924] : memref<256x128xf32, #tpu.memory_space<hbm>> -> memref<256x128xf32, #tpu.memory_space<hbm>>
        tpu.wait_indirect_dma semaphore(%arg17 : memref<!tpu.dma_semaphore, #tpu.memory_space<semaphore_mem>>) src(%dma_wait3A_925 : memref<256x128xf32, #tpu.memory_space<hbm>>) dst(%arg14 : memref<128x128xf32, #tpu.memory_space<vmem>>)
        %dma_start3A_926 = arith.constant 13 : i32
        %dma_start3A_927 = arith.constant 0 : i32
        %dma_start3A_928 = tpu.memref_slice %arg12[%dma_start3A_926, %dma_start3A_927] : memref<16x128xi32, #tpu.memory_space<vmem>> -> memref<1x128xi32, #tpu.memory_space<vmem>>
        %dma_start3A_929 = tpu.memref_squeeze %dma_start3A_928 : memref<1x128xi32, #tpu.memory_space<vmem>> -> memref<128xi32, #tpu.memory_space<vmem>>
        %dma_start3A_930 = arith.constant 0 : i32
        %dma_start3A_931 = arith.constant 0 : i32
        %dma_start3A_932 = tpu.memref_slice %arg15[%dma_start3A_930, %dma_start3A_931] : memref<10240x128xf32, #tpu.memory_space<vmem_shared>> -> memref<10240x128xf32, #tpu.memory_space<vmem_shared>>
        tpu.enqueue_indirect_dma source(%arg14 : memref<128x128xf32, #tpu.memory_space<vmem>>) target(%dma_start3A_932 : memref<10240x128xf32, #tpu.memory_space<vmem_shared>>) offsets(%dma_start3A_929 : memref<128xi32, #tpu.memory_space<vmem>>) semaphore(%arg19 : memref<!tpu.dma_semaphore, #tpu.memory_space<semaphore_mem>>) {add = true}
        %dma_wait3A_933 = arith.constant 13 : i32
        %dma_wait3A_934 = arith.constant 0 : i32
        %dma_wait3A_935 = tpu.memref_slice %arg12[%dma_wait3A_933, %dma_wait3A_934] : memref<16x128xi32, #tpu.memory_space<vmem>> -> memref<1x128xi32, #tpu.memory_space<vmem>>
        %dma_wait3A_936 = tpu.memref_squeeze %dma_wait3A_935 : memref<1x128xi32, #tpu.memory_space<vmem>> -> memref<128xi32, #tpu.memory_space<vmem>>
        %dma_wait3A_937 = arith.constant 0 : i32
        %dma_wait3A_938 = arith.constant 0 : i32
        %dma_wait3A_939 = tpu.memref_slice %arg15[%dma_wait3A_937, %dma_wait3A_938] : memref<10240x128xf32, #tpu.memory_space<vmem_shared>> -> memref<10240x128xf32, #tpu.memory_space<vmem_shared>>
        tpu.wait_indirect_dma semaphore(%arg19 : memref<!tpu.dma_semaphore, #tpu.memory_space<semaphore_mem>>) src(%arg14 : memref<128x128xf32, #tpu.memory_space<vmem>>) dst(%dma_wait3A_939 : memref<10240x128xf32, #tpu.memory_space<vmem_shared>>)
        %dma_start3A_940 = arith.constant 15 : i32
        %dma_start3A_941 = arith.constant 0 : i32
        %dma_start3A_942 = tpu.memref_slice %arg10[%dma_start3A_940, %dma_start3A_941] : memref<16x128xi32, #tpu.memory_space<vmem>> -> memref<1x128xi32, #tpu.memory_space<vmem>>
        %dma_start3A_943 = tpu.memref_squeeze %dma_start3A_942 : memref<1x128xi32, #tpu.memory_space<vmem>> -> memref<128xi32, #tpu.memory_space<vmem>>
        %dma_start3A_944 = arith.constant 0 : i32
        %dma_start3A_945 = arith.constant 0 : i32
        %dma_start3A_946 = tpu.memref_slice %arg5[%dma_start3A_944, %dma_start3A_945] : memref<256x128xf32, #tpu.memory_space<hbm>> -> memref<256x128xf32, #tpu.memory_space<hbm>>
        tpu.enqueue_indirect_dma source(%dma_start3A_946 : memref<256x128xf32, #tpu.memory_space<hbm>>) target(%arg14 : memref<128x128xf32, #tpu.memory_space<vmem>>) offsets(%dma_start3A_943 : memref<128xi32, #tpu.memory_space<vmem>>) semaphore(%arg17 : memref<!tpu.dma_semaphore, #tpu.memory_space<semaphore_mem>>)
        %dma_wait3A_947 = arith.constant 14 : i32
        %dma_wait3A_948 = arith.constant 0 : i32
        %dma_wait3A_949 = tpu.memref_slice %arg10[%dma_wait3A_947, %dma_wait3A_948] : memref<16x128xi32, #tpu.memory_space<vmem>> -> memref<1x128xi32, #tpu.memory_space<vmem>>
        %dma_wait3A_950 = tpu.memref_squeeze %dma_wait3A_949 : memref<1x128xi32, #tpu.memory_space<vmem>> -> memref<128xi32, #tpu.memory_space<vmem>>
        %dma_wait3A_951 = arith.constant 0 : i32
        %dma_wait3A_952 = arith.constant 0 : i32
        %dma_wait3A_953 = tpu.memref_slice %arg5[%dma_wait3A_951, %dma_wait3A_952] : memref<256x128xf32, #tpu.memory_space<hbm>> -> memref<256x128xf32, #tpu.memory_space<hbm>>
        tpu.wait_indirect_dma semaphore(%arg16 : memref<!tpu.dma_semaphore, #tpu.memory_space<semaphore_mem>>) src(%dma_wait3A_953 : memref<256x128xf32, #tpu.memory_space<hbm>>) dst(%arg13 : memref<128x128xf32, #tpu.memory_space<vmem>>)
        %dma_start3A_954 = arith.constant 14 : i32
        %dma_start3A_955 = arith.constant 0 : i32
        %dma_start3A_956 = tpu.memref_slice %arg12[%dma_start3A_954, %dma_start3A_955] : memref<16x128xi32, #tpu.memory_space<vmem>> -> memref<1x128xi32, #tpu.memory_space<vmem>>
        %dma_start3A_957 = tpu.memref_squeeze %dma_start3A_956 : memref<1x128xi32, #tpu.memory_space<vmem>> -> memref<128xi32, #tpu.memory_space<vmem>>
        %dma_start3A_958 = arith.constant 0 : i32
        %dma_start3A_959 = arith.constant 0 : i32
        %dma_start3A_960 = tpu.memref_slice %arg15[%dma_start3A_958, %dma_start3A_959] : memref<10240x128xf32, #tpu.memory_space<vmem_shared>> -> memref<10240x128xf32, #tpu.memory_space<vmem_shared>>
        tpu.enqueue_indirect_dma source(%arg13 : memref<128x128xf32, #tpu.memory_space<vmem>>) target(%dma_start3A_960 : memref<10240x128xf32, #tpu.memory_space<vmem_shared>>) offsets(%dma_start3A_957 : memref<128xi32, #tpu.memory_space<vmem>>) semaphore(%arg18 : memref<!tpu.dma_semaphore, #tpu.memory_space<semaphore_mem>>) {add = true}
        %dma_wait3A_961 = arith.constant 15 : i32
        %dma_wait3A_962 = arith.constant 0 : i32
        %dma_wait3A_963 = tpu.memref_slice %arg10[%dma_wait3A_961, %dma_wait3A_962] : memref<16x128xi32, #tpu.memory_space<vmem>> -> memref<1x128xi32, #tpu.memory_space<vmem>>
        %dma_wait3A_964 = tpu.memref_squeeze %dma_wait3A_963 : memref<1x128xi32, #tpu.memory_space<vmem>> -> memref<128xi32, #tpu.memory_space<vmem>>
        %dma_wait3A_965 = arith.constant 0 : i32
        %dma_wait3A_966 = arith.constant 0 : i32
        %dma_wait3A_967 = tpu.memref_slice %arg5[%dma_wait3A_965, %dma_wait3A_966] : memref<256x128xf32, #tpu.memory_space<hbm>> -> memref<256x128xf32, #tpu.memory_space<hbm>>
        tpu.wait_indirect_dma semaphore(%arg17 : memref<!tpu.dma_semaphore, #tpu.memory_space<semaphore_mem>>) src(%dma_wait3A_967 : memref<256x128xf32, #tpu.memory_space<hbm>>) dst(%arg14 : memref<128x128xf32, #tpu.memory_space<vmem>>)
        %dma_start3A_968 = arith.constant 15 : i32
        %dma_start3A_969 = arith.constant 0 : i32
        %dma_start3A_970 = tpu.memref_slice %arg12[%dma_start3A_968, %dma_start3A_969] : memref<16x128xi32, #tpu.memory_space<vmem>> -> memref<1x128xi32, #tpu.memory_space<vmem>>
        %dma_start3A_971 = tpu.memref_squeeze %dma_start3A_970 : memref<1x128xi32, #tpu.memory_space<vmem>> -> memref<128xi32, #tpu.memory_space<vmem>>
        %dma_start3A_972 = arith.constant 0 : i32
        %dma_start3A_973 = arith.constant 0 : i32
        %dma_start3A_974 = tpu.memref_slice %arg15[%dma_start3A_972, %dma_start3A_973] : memref<10240x128xf32, #tpu.memory_space<vmem_shared>> -> memref<10240x128xf32, #tpu.memory_space<vmem_shared>>
        tpu.enqueue_indirect_dma source(%arg14 : memref<128x128xf32, #tpu.memory_space<vmem>>) target(%dma_start3A_974 : memref<10240x128xf32, #tpu.memory_space<vmem_shared>>) offsets(%dma_start3A_971 : memref<128xi32, #tpu.memory_space<vmem>>) semaphore(%arg19 : memref<!tpu.dma_semaphore, #tpu.memory_space<semaphore_mem>>) {add = true}
        %dma_wait3A_975 = arith.constant 14 : i32
        %dma_wait3A_976 = arith.constant 0 : i32
        %dma_wait3A_977 = tpu.memref_slice %arg12[%dma_wait3A_975, %dma_wait3A_976] : memref<16x128xi32, #tpu.memory_space<vmem>> -> memref<1x128xi32, #tpu.memory_space<vmem>>
        %dma_wait3A_978 = tpu.memref_squeeze %dma_wait3A_977 : memref<1x128xi32, #tpu.memory_space<vmem>> -> memref<128xi32, #tpu.memory_space<vmem>>
        %dma_wait3A_979 = arith.constant 0 : i32
        %dma_wait3A_980 = arith.constant 0 : i32
        %dma_wait3A_981 = tpu.memref_slice %arg15[%dma_wait3A_979, %dma_wait3A_980] : memref<10240x128xf32, #tpu.memory_space<vmem_shared>> -> memref<10240x128xf32, #tpu.memory_space<vmem_shared>>
        tpu.wait_indirect_dma semaphore(%arg18 : memref<!tpu.dma_semaphore, #tpu.memory_space<semaphore_mem>>) src(%arg13 : memref<128x128xf32, #tpu.memory_space<vmem>>) dst(%dma_wait3A_981 : memref<10240x128xf32, #tpu.memory_space<vmem_shared>>)
        %dma_wait3A_982 = arith.constant 15 : i32
        %dma_wait3A_983 = arith.constant 0 : i32
        %dma_wait3A_984 = tpu.memref_slice %arg12[%dma_wait3A_982, %dma_wait3A_983] : memref<16x128xi32, #tpu.memory_space<vmem>> -> memref<1x128xi32, #tpu.memory_space<vmem>>
        %dma_wait3A_985 = tpu.memref_squeeze %dma_wait3A_984 : memref<1x128xi32, #tpu.memory_space<vmem>> -> memref<128xi32, #tpu.memory_space<vmem>>
        %dma_wait3A_986 = arith.constant 0 : i32
        %dma_wait3A_987 = arith.constant 0 : i32
        %dma_wait3A_988 = tpu.memref_slice %arg15[%dma_wait3A_986, %dma_wait3A_987] : memref<10240x128xf32, #tpu.memory_space<vmem_shared>> -> memref<10240x128xf32, #tpu.memory_space<vmem_shared>>
        tpu.wait_indirect_dma semaphore(%arg19 : memref<!tpu.dma_semaphore, #tpu.memory_space<semaphore_mem>>) src(%arg14 : memref<128x128xf32, #tpu.memory_space<vmem>>) dst(%dma_wait3A_988 : memref<10240x128xf32, #tpu.memory_space<vmem_shared>>)
      }
      %scan3A_22 = arith.constant 5 : i32
      %mul3A_23 = arith.constant 160 : i32
      %mul3A_24 = arith.muli %arg1, %mul3A_23 : i32
      %add3A_25 = arith.constant 160 : i32
      %add3A_26 = arith.addi %mul3A_24, %add3A_25 : i32
      %dma_wait3A = arith.constant 0 : i32
      %dma_wait3A_27 = tpu.memref_slice %arg2[%add3A_26, %dma_wait3A] : memref<77x128xi32, #tpu.memory_space<hbm>> -> memref<16x128xi32, #tpu.memory_space<hbm>>
      %dma_wait3A_28 = arith.constant 0 : i32
      %dma_wait3A_29 = tpu.memref_slice %arg2[%add3A_26, %dma_wait3A_28] : memref<77x128xi32, #tpu.memory_space<hbm>> -> memref<16x128xi32, #tpu.memory_space<hbm>>
      tpu.wait_dma2 semaphore(%arg20 : memref<!tpu.dma_semaphore, #tpu.memory_space<semaphore_mem>>) src(%dma_wait3A_29 : memref<16x128xi32, #tpu.memory_space<hbm>>) dst(%arg9 : memref<16x128xi32, #tpu.memory_space<vmem>>)
      %dma_wait3A_30 = arith.constant 0 : i32
      %dma_wait3A_31 = tpu.memref_slice %arg3[%add3A_26, %dma_wait3A_30] : memref<77x128xi32, #tpu.memory_space<hbm>> -> memref<16x128xi32, #tpu.memory_space<hbm>>
      %dma_wait3A_32 = arith.constant 0 : i32
      %dma_wait3A_33 = tpu.memref_slice %arg3[%add3A_26, %dma_wait3A_32] : memref<77x128xi32, #tpu.memory_space<hbm>> -> memref<16x128xi32, #tpu.memory_space<hbm>>
      tpu.wait_dma2 semaphore(%arg20 : memref<!tpu.dma_semaphore, #tpu.memory_space<semaphore_mem>>) src(%dma_wait3A_33 : memref<16x128xi32, #tpu.memory_space<hbm>>) dst(%arg11 : memref<16x128xi32, #tpu.memory_space<vmem>>)
      %barrier3A_34 = arith.constant 0 : index
      tpu.barrier barrier_id(%barrier3A_34)
      %mul3A_35 = arith.constant 640 : i32
      %mul3A_36 = arith.muli %arg1, %mul3A_35 : i32
      %mul3A_37 = arith.constant 640 : i32
      %mul3A_38 = arith.muli %arg1, %mul3A_37 : i32
      "tpu.region"() ({
        %run_scoped3A = tpu.sem_alloc : memref<!tpu.dma_semaphore, #tpu.memory_space<semaphore_mem>>
        %dma_start3A_39 = arith.constant 0 : i32
        %dma_start3A_40 = tpu.memref_slice %arg8[%mul3A_38, %dma_start3A_39] : memref<10240x128xf32, #tpu.memory_space<hbm>> -> memref<640x128xf32, #tpu.memory_space<hbm>>
        %dma_start3A_41 = arith.constant 0 : i32
        %dma_start3A_42 = tpu.memref_slice %arg15[%mul3A_36, %dma_start3A_41] : memref<10240x128xf32, #tpu.memory_space<vmem_shared>> -> memref<640x128xf32, #tpu.memory_space<vmem_shared>>
        tpu.enqueue_dma source(%dma_start3A_42 : memref<640x128xf32, #tpu.memory_space<vmem_shared>>) target(%dma_start3A_40 : memref<640x128xf32, #tpu.memory_space<hbm>>) target_semaphore(%run_scoped3A : memref<!tpu.dma_semaphore, #tpu.memory_space<semaphore_mem>>)
        %dma_wait3A_43 = arith.constant 0 : i32
        %dma_wait3A_44 = tpu.memref_slice %arg8[%mul3A_38, %dma_wait3A_43] : memref<10240x128xf32, #tpu.memory_space<hbm>> -> memref<640x128xf32, #tpu.memory_space<hbm>>
        %dma_wait3A_45 = arith.constant 0 : i32
        %dma_wait3A_46 = tpu.memref_slice %arg15[%mul3A_36, %dma_wait3A_45] : memref<10240x128xf32, #tpu.memory_space<vmem_shared>> -> memref<640x128xf32, #tpu.memory_space<vmem_shared>>
        tpu.wait_dma2 semaphore(%run_scoped3A : memref<!tpu.dma_semaphore, #tpu.memory_space<semaphore_mem>>) src(%dma_wait3A_46 : memref<640x128xf32, #tpu.memory_space<vmem_shared>>) dst(%dma_wait3A_44 : memref<640x128xf32, #tpu.memory_space<hbm>>)
        tpu.yield
      }) : () -> ()
    } else {
    }
    return
  }
}

module attributes {stable_mosaic.version = 14 : i64} {
  func.func @_tc_body(%arg0: i32, %arg1: memref<1000x128xf32, #tpu.memory_space<vmem>>, %arg2: memref<1000x128xf32, #tpu.memory_space<vmem>>, %arg3: memref<1000x128xf32, #tpu.memory_space<vmem>>, %arg4: memref<1000x128xf32, #tpu.memory_space<vmem>>, %arg5: memref<1x1x1000xi32, #tpu.memory_space<vmem>>, %arg6: memref<256x128xi32, #tpu.memory_space<vmem>>, %arg7: memref<128x128xf32, #tpu.memory_space<vmem>>, %arg8: memref<1x128xf32, #tpu.memory_space<vmem>>, %arg9: memref<128x128xf32, #tpu.memory_space<vmem>>, %arg10: memref<1x128xf32, #tpu.memory_space<vmem>>, %arg11: memref<1x1xf32, #tpu.memory_space<vmem>>, %arg12: memref<1x128xf32, #tpu.memory_space<vmem>>, %arg13: memref<1x128xf32, #tpu.memory_space<vmem>>, %arg14: memref<1x128xf32, #tpu.memory_space<vmem>>, %arg15: memref<1x128xf32, #tpu.memory_space<vmem>>, %arg16: memref<128x128xf32, #tpu.memory_space<vmem>>, %arg17: memref<1x128xf32, #tpu.memory_space<vmem>>, %arg18: memref<128x128xf32, #tpu.memory_space<vmem>>, %arg19: memref<1x128xf32, #tpu.memory_space<vmem>>, %arg20: memref<1x1xf32, #tpu.memory_space<vmem>>, %arg21: memref<1x128xf32, #tpu.memory_space<vmem>>, %arg22: memref<1x128xf32, #tpu.memory_space<vmem>>, %arg23: memref<1x128xf32, #tpu.memory_space<vmem>>, %arg24: memref<1x128xf32, #tpu.memory_space<vmem>>, %arg25: memref<128x128xf32, #tpu.memory_space<vmem>>, %arg26: memref<1x128xf32, #tpu.memory_space<vmem>>, %arg27: memref<128x128xf32, #tpu.memory_space<vmem>>, %arg28: memref<128x128xf32, #tpu.memory_space<vmem>>, %arg29: memref<128x128xf32, #tpu.memory_space<vmem>>, %arg30: memref<1x128xf32, #tpu.memory_space<vmem>>, %arg31: memref<8x128xf32, #tpu.memory_space<vmem>>, %arg32: memref<1x128xf32, #tpu.memory_space<vmem>>, %arg33: memref<256x128xf32, #tpu.memory_space<vmem>>, %arg34: memref<256x128xf32, #tpu.memory_space<vmem>>, %arg35: memref<256x128xf32, #tpu.memory_space<vmem>>, %arg36: memref<256x128xf32, #tpu.memory_space<vmem>>) attributes {dimension_semantics = [#tpu.dimension_semantics<arbitrary>], iteration_bounds = array<i64: 10>, scalar_prefetch = 0 : i64, scratch_operands = 3 : i64, tpu.core_type = #tpu.core_type<tc>, window_params = [{transform_indices = @transform_0, window_bounds = array<i64: 1000, 128>}, {transform_indices = @transform_1, window_bounds = array<i64: 1000, 128>}, {transform_indices = @transform_2, window_bounds = array<i64: 1000, 128>}, {transform_indices = @transform_3, window_bounds = array<i64: 1000, 128>}, {transform_indices = @transform_4, window_bounds = array<i64: 1, 1, 1000>}, {transform_indices = @transform_5, window_bounds = array<i64: 256, 128>}, {pipeline_mode = #tpu.pipeline_mode<synchronous>, transform_indices = @transform_6, window_bounds = array<i64: 128, 128>}, {pipeline_mode = #tpu.pipeline_mode<synchronous>, transform_indices = @transform_7, window_bounds = array<i64: 1, 128>}, {pipeline_mode = #tpu.pipeline_mode<synchronous>, transform_indices = @transform_8, window_bounds = array<i64: 128, 128>}, {pipeline_mode = #tpu.pipeline_mode<synchronous>, transform_indices = @transform_9, window_bounds = array<i64: 1, 128>}, {pipeline_mode = #tpu.pipeline_mode<synchronous>, transform_indices = @transform_10, window_bounds = array<i64: 1, 1>}, {pipeline_mode = #tpu.pipeline_mode<synchronous>, transform_indices = @transform_11, window_bounds = array<i64: 1, 128>}, {pipeline_mode = #tpu.pipeline_mode<synchronous>, transform_indices = @transform_12, window_bounds = array<i64: 1, 128>}, {pipeline_mode = #tpu.pipeline_mode<synchronous>, transform_indices = @transform_13, window_bounds = array<i64: 1, 128>}, {pipeline_mode = #tpu.pipeline_mode<synchronous>, transform_indices = @transform_14, window_bounds = array<i64: 1, 128>}, {pipeline_mode = #tpu.pipeline_mode<synchronous>, transform_indices = @transform_15, window_bounds = array<i64: 128, 128>}, {pipeline_mode = #tpu.pipeline_mode<synchronous>, transform_indices = @transform_16, window_bounds = array<i64: 1, 128>}, {pipeline_mode = #tpu.pipeline_mode<synchronous>, transform_indices = @transform_17, window_bounds = array<i64: 128, 128>}, {pipeline_mode = #tpu.pipeline_mode<synchronous>, transform_indices = @transform_18, window_bounds = array<i64: 1, 128>}, {pipeline_mode = #tpu.pipeline_mode<synchronous>, transform_indices = @transform_19, window_bounds = array<i64: 1, 1>}, {pipeline_mode = #tpu.pipeline_mode<synchronous>, transform_indices = @transform_20, window_bounds = array<i64: 1, 128>}, {pipeline_mode = #tpu.pipeline_mode<synchronous>, transform_indices = @transform_21, window_bounds = array<i64: 1, 128>}, {pipeline_mode = #tpu.pipeline_mode<synchronous>, transform_indices = @transform_22, window_bounds = array<i64: 1, 128>}, {pipeline_mode = #tpu.pipeline_mode<synchronous>, transform_indices = @transform_23, window_bounds = array<i64: 1, 128>}, {pipeline_mode = #tpu.pipeline_mode<synchronous>, transform_indices = @transform_24, window_bounds = array<i64: 128, 128>}, {pipeline_mode = #tpu.pipeline_mode<synchronous>, transform_indices = @transform_25, window_bounds = array<i64: 1, 128>}, {pipeline_mode = #tpu.pipeline_mode<synchronous>, transform_indices = @transform_26, window_bounds = array<i64: 128, 128>}, {pipeline_mode = #tpu.pipeline_mode<synchronous>, transform_indices = @transform_27, window_bounds = array<i64: 128, 128>}, {pipeline_mode = #tpu.pipeline_mode<synchronous>, transform_indices = @transform_28, window_bounds = array<i64: 128, 128>}, {pipeline_mode = #tpu.pipeline_mode<synchronous>, transform_indices = @transform_29, window_bounds = array<i64: 1, 128>}, {pipeline_mode = #tpu.pipeline_mode<synchronous>, transform_indices = @transform_30, window_bounds = array<i64: 8, 128>}, {pipeline_mode = #tpu.pipeline_mode<synchronous>, transform_indices = @transform_31, window_bounds = array<i64: 1, 128>}, {pipeline_mode = #tpu.pipeline_mode<synchronous>, transform_indices = @transform_32, window_bounds = array<i64: 256, 128>}]} {
    %get3A = arith.constant 0 : index
    %get3A_0 = arith.constant 0 : index
    %get3A_1 = vector.load %arg1[%get3A, %get3A_0] : memref<1000x128xf32, #tpu.memory_space<vmem>>, vector<1000x128xf32>
    %get3A_2 = arith.constant 0 : index
    %get3A_3 = arith.constant 0 : index
    %get3A_4 = vector.load %arg3[%get3A_2, %get3A_3] : memref<1000x128xf32, #tpu.memory_space<vmem>>, vector<1000x128xf32>
    %get3A_5 = arith.constant 0 : index
    %get3A_6 = arith.constant 0 : index
    %get3A_7 = vector.load %arg7[%get3A_5, %get3A_6] : memref<128x128xf32, #tpu.memory_space<vmem>>, vector<128x128xf32>
    %get3A_8 = arith.constant 0 : index
    %get3A_9 = arith.constant 0 : index
    %get3A_10 = vector.load %arg8[%get3A_8, %get3A_9] : memref<1x128xf32, #tpu.memory_space<vmem>>, vector<1x128xf32>
    %get3A_11 = arith.constant 0 : index
    %get3A_12 = arith.constant 0 : index
    %get3A_13 = vector.load %arg9[%get3A_11, %get3A_12] : memref<128x128xf32, #tpu.memory_space<vmem>>, vector<128x128xf32>
    %get3A_14 = arith.constant 0 : index
    %get3A_15 = arith.constant 0 : index
    %get3A_16 = vector.load %arg10[%get3A_14, %get3A_15] : memref<1x128xf32, #tpu.memory_space<vmem>>, vector<1x128xf32>
    %get3A_17 = arith.constant 0 : index
    %get3A_18 = arith.constant 0 : index
    %get3A_19 = vector.load %arg11[%get3A_17, %get3A_18] : memref<1x1xf32, #tpu.memory_space<vmem>>, vector<1x1xf32>
    %get3A_20 = vector.extract %get3A_19[0, 0] : f32 from vector<1x1xf32>
    %get3A_21 = arith.constant 0 : index
    %get3A_22 = arith.constant 0 : index
    %get3A_23 = vector.load %arg12[%get3A_21, %get3A_22] : memref<1x128xf32, #tpu.memory_space<vmem>>, vector<1x128xf32>
    %get3A_24 = arith.constant 0 : index
    %get3A_25 = arith.constant 0 : index
    %get3A_26 = vector.load %arg13[%get3A_24, %get3A_25] : memref<1x128xf32, #tpu.memory_space<vmem>>, vector<1x128xf32>
    %get3A_27 = arith.constant 0 : index
    %get3A_28 = arith.constant 0 : index
    %get3A_29 = vector.load %arg14[%get3A_27, %get3A_28] : memref<1x128xf32, #tpu.memory_space<vmem>>, vector<1x128xf32>
    %get3A_30 = arith.constant 0 : index
    %get3A_31 = arith.constant 0 : index
    %get3A_32 = vector.load %arg15[%get3A_30, %get3A_31] : memref<1x128xf32, #tpu.memory_space<vmem>>, vector<1x128xf32>
    %add3A = arith.constant 1.000000e+00 : f32
    %add3A_33 = arith.addf %add3A, %get3A_20 : f32
    %mul3A = vector.broadcast %add3A_33 : f32 to vector<1000x128xf32>
    %mul3A_34 = arith.mulf %mul3A, %get3A_1 : vector<1000x128xf32>
    %add3A_35 = arith.addf %mul3A_34, %get3A_4 : vector<1000x128xf32>
    %convert_element_type3A = arith.truncf %add3A_35 : vector<1000x128xf32> to vector<1000x128xbf16>
    %convert_element_type3A_36 = arith.truncf %get3A_7 : vector<128x128xf32> to vector<128x128xbf16>
    %dot_general3A = arith.constant dense<0.000000e+00> : vector<1000x128xf32>
    %dot_general3A_37 = tpu.matmul %convert_element_type3A, %convert_element_type3A_36, %dot_general3A {dimension_numbers = #tpu.dot_dimension_numbers<[1], [1], [0], [0], [0, 0, 1, 0], [], []>, transpose_lhs_hint = false} : vector<1000x128xbf16>, vector<128x128xbf16>, vector<1000x128xf32> -> vector<1000x128xf32>
    %add3A_38 = vector.broadcast %get3A_10 : vector<1x128xf32> to vector<1000x128xf32>
    %add3A_39 = arith.addf %dot_general3A_37, %add3A_38 : vector<1000x128xf32>
    %max3A = arith.constant 0.000000e+00 : f32
    %max3A_40 = vector.broadcast %max3A : f32 to vector<1000x128xf32>
    %max3A_41 = arith.maximumf %add3A_39, %max3A_40 : vector<1000x128xf32>
    %convert_element_type3A_42 = arith.truncf %max3A_41 : vector<1000x128xf32> to vector<1000x128xbf16>
    %convert_element_type3A_43 = arith.truncf %get3A_13 : vector<128x128xf32> to vector<128x128xbf16>
    %dot_general3A_44 = arith.constant dense<0.000000e+00> : vector<1000x128xf32>
    %dot_general3A_45 = tpu.matmul %convert_element_type3A_42, %convert_element_type3A_43, %dot_general3A_44 {dimension_numbers = #tpu.dot_dimension_numbers<[1], [1], [0], [0], [0, 0, 1, 0], [], []>, transpose_lhs_hint = false} : vector<1000x128xbf16>, vector<128x128xbf16>, vector<1000x128xf32> -> vector<1000x128xf32>
    %add3A_46 = vector.broadcast %get3A_16 : vector<1x128xf32> to vector<1000x128xf32>
    %add3A_47 = arith.addf %dot_general3A_45, %add3A_46 : vector<1000x128xf32>
    %custom_jvp_call3A = arith.constant 0.000000e+00 : f32
    %max3A_48 = vector.broadcast %custom_jvp_call3A : f32 to vector<1x128xf32>
    %max3A_49 = arith.maximumf %get3A_23, %max3A_48 : vector<1x128xf32>
    %sub3A = vector.broadcast %custom_jvp_call3A : f32 to vector<1x128xf32>
    %sub3A_50 = arith.subf %get3A_23, %sub3A : vector<1x128xf32>
    %ne3A = arith.cmpf one, %sub3A_50, %sub3A_50 : vector<1x128xf32>
    %add3A_51 = vector.broadcast %custom_jvp_call3A : f32 to vector<1x128xf32>
    %add3A_52 = arith.addf %get3A_23, %add3A_51 : vector<1x128xf32>
    %abs3A = math.absf %sub3A_50 : vector<1x128xf32>
    %neg3A = arith.constant 0.000000e+00 : f32
    %neg3A_53 = vector.broadcast %neg3A : f32 to vector<1x128xf32>
    %neg3A_54 = arith.subf %neg3A_53, %abs3A : vector<1x128xf32>
    %exp3A = math.exp %neg3A_54 : vector<1x128xf32>
    %log1p3A = math.log1p %exp3A : vector<1x128xf32>
    %add3A_55 = arith.addf %max3A_49, %log1p3A : vector<1x128xf32>
    %select_n3A = arith.select %ne3A, %add3A_52, %add3A_55 : vector<1x128xi1>, vector<1x128xf32>
    %mul3A_56 = arith.mulf %select_n3A, %get3A_29 : vector<1x128xf32>
    %add3A_57 = arith.constant 1.000000e+00 : f32
    %add3A_58 = vector.broadcast %add3A_57 : f32 to vector<1x128xf32>
    %add3A_59 = arith.addf %add3A_58, %mul3A_56 : vector<1x128xf32>
    %custom_jvp_call3A_60 = arith.constant 0.000000e+00 : f32
    %max3A_61 = vector.broadcast %custom_jvp_call3A_60 : f32 to vector<1x128xf32>
    %max3A_62 = arith.maximumf %get3A_26, %max3A_61 : vector<1x128xf32>
    %sub3A_63 = vector.broadcast %custom_jvp_call3A_60 : f32 to vector<1x128xf32>
    %sub3A_64 = arith.subf %get3A_26, %sub3A_63 : vector<1x128xf32>
    %ne3A_65 = arith.cmpf one, %sub3A_64, %sub3A_64 : vector<1x128xf32>
    %add3A_66 = vector.broadcast %custom_jvp_call3A_60 : f32 to vector<1x128xf32>
    %add3A_67 = arith.addf %get3A_26, %add3A_66 : vector<1x128xf32>
    %abs3A_68 = math.absf %sub3A_64 : vector<1x128xf32>
    %neg3A_69 = arith.constant 0.000000e+00 : f32
    %neg3A_70 = vector.broadcast %neg3A_69 : f32 to vector<1x128xf32>
    %neg3A_71 = arith.subf %neg3A_70, %abs3A_68 : vector<1x128xf32>
    %exp3A_72 = math.exp %neg3A_71 : vector<1x128xf32>
    %log1p3A_73 = math.log1p %exp3A_72 : vector<1x128xf32>
    %add3A_74 = arith.addf %max3A_62, %log1p3A_73 : vector<1x128xf32>
    %select_n3A_75 = arith.select %ne3A_65, %add3A_67, %add3A_74 : vector<1x128xi1>, vector<1x128xf32>
    %mul3A_76 = arith.mulf %select_n3A_75, %get3A_32 : vector<1x128xf32>
    %mul3A_77 = vector.broadcast %add3A_59 : vector<1x128xf32> to vector<1000x128xf32>
    %mul3A_78 = arith.mulf %mul3A_77, %add3A_47 : vector<1000x128xf32>
    %add3A_79 = vector.broadcast %mul3A_76 : vector<1x128xf32> to vector<1000x128xf32>
    %add3A_80 = arith.addf %mul3A_78, %add3A_79 : vector<1000x128xf32>
    %logistic3A = arith.negf %add3A_80 : vector<1000x128xf32>
    %logistic3A_81 = math.exp %logistic3A : vector<1000x128xf32>
    %logistic3A_82 = arith.constant 1.000000e+00 : f32
    %logistic3A_83 = vector.broadcast %logistic3A_82 : f32 to vector<1000x128xf32>
    %logistic3A_84 = arith.addf %logistic3A_83, %logistic3A_81 : vector<1000x128xf32>
    %logistic3A_85 = arith.divf %logistic3A_83, %logistic3A_84 : vector<1000x128xf32>
    %mul3A_86 = arith.mulf %add3A_80, %logistic3A_85 : vector<1000x128xf32>
    %get3A_87 = arith.constant 0 : index
    %get3A_88 = arith.constant 0 : index
    %get3A_89 = vector.load %arg2[%get3A_87, %get3A_88] : memref<1000x128xf32, #tpu.memory_space<vmem>>, vector<1000x128xf32>
    %get3A_90 = arith.constant 0 : index
    %get3A_91 = arith.constant 0 : index
    %get3A_92 = vector.load %arg4[%get3A_90, %get3A_91] : memref<1000x128xf32, #tpu.memory_space<vmem>>, vector<1000x128xf32>
    %get3A_93 = arith.constant 0 : index
    %get3A_94 = arith.constant 0 : index
    %get3A_95 = vector.load %arg16[%get3A_93, %get3A_94] : memref<128x128xf32, #tpu.memory_space<vmem>>, vector<128x128xf32>
    %get3A_96 = arith.constant 0 : index
    %get3A_97 = arith.constant 0 : index
    %get3A_98 = vector.load %arg17[%get3A_96, %get3A_97] : memref<1x128xf32, #tpu.memory_space<vmem>>, vector<1x128xf32>
    %get3A_99 = arith.constant 0 : index
    %get3A_100 = arith.constant 0 : index
    %get3A_101 = vector.load %arg18[%get3A_99, %get3A_100] : memref<128x128xf32, #tpu.memory_space<vmem>>, vector<128x128xf32>
    %get3A_102 = arith.constant 0 : index
    %get3A_103 = arith.constant 0 : index
    %get3A_104 = vector.load %arg19[%get3A_102, %get3A_103] : memref<1x128xf32, #tpu.memory_space<vmem>>, vector<1x128xf32>
    %get3A_105 = arith.constant 0 : index
    %get3A_106 = arith.constant 0 : index
    %get3A_107 = vector.load %arg20[%get3A_105, %get3A_106] : memref<1x1xf32, #tpu.memory_space<vmem>>, vector<1x1xf32>
    %get3A_108 = vector.extract %get3A_107[0, 0] : f32 from vector<1x1xf32>
    %get3A_109 = arith.constant 0 : index
    %get3A_110 = arith.constant 0 : index
    %get3A_111 = vector.load %arg21[%get3A_109, %get3A_110] : memref<1x128xf32, #tpu.memory_space<vmem>>, vector<1x128xf32>
    %get3A_112 = arith.constant 0 : index
    %get3A_113 = arith.constant 0 : index
    %get3A_114 = vector.load %arg22[%get3A_112, %get3A_113] : memref<1x128xf32, #tpu.memory_space<vmem>>, vector<1x128xf32>
    %get3A_115 = arith.constant 0 : index
    %get3A_116 = arith.constant 0 : index
    %get3A_117 = vector.load %arg23[%get3A_115, %get3A_116] : memref<1x128xf32, #tpu.memory_space<vmem>>, vector<1x128xf32>
    %get3A_118 = arith.constant 0 : index
    %get3A_119 = arith.constant 0 : index
    %get3A_120 = vector.load %arg24[%get3A_118, %get3A_119] : memref<1x128xf32, #tpu.memory_space<vmem>>, vector<1x128xf32>
    %add3A_121 = arith.constant 1.000000e+00 : f32
    %add3A_122 = arith.addf %add3A_121, %get3A_108 : f32
    %mul3A_123 = vector.broadcast %add3A_122 : f32 to vector<1000x128xf32>
    %mul3A_124 = arith.mulf %mul3A_123, %get3A_89 : vector<1000x128xf32>
    %add3A_125 = arith.addf %mul3A_124, %get3A_92 : vector<1000x128xf32>
    %convert_element_type3A_126 = arith.truncf %add3A_125 : vector<1000x128xf32> to vector<1000x128xbf16>
    %convert_element_type3A_127 = arith.truncf %get3A_95 : vector<128x128xf32> to vector<128x128xbf16>
    %dot_general3A_128 = arith.constant dense<0.000000e+00> : vector<1000x128xf32>
    %dot_general3A_129 = tpu.matmul %convert_element_type3A_126, %convert_element_type3A_127, %dot_general3A_128 {dimension_numbers = #tpu.dot_dimension_numbers<[1], [1], [0], [0], [0, 0, 1, 0], [], []>, transpose_lhs_hint = false} : vector<1000x128xbf16>, vector<128x128xbf16>, vector<1000x128xf32> -> vector<1000x128xf32>
    %add3A_130 = vector.broadcast %get3A_98 : vector<1x128xf32> to vector<1000x128xf32>
    %add3A_131 = arith.addf %dot_general3A_129, %add3A_130 : vector<1000x128xf32>
    %max3A_132 = arith.constant 0.000000e+00 : f32
    %max3A_133 = vector.broadcast %max3A_132 : f32 to vector<1000x128xf32>
    %max3A_134 = arith.maximumf %add3A_131, %max3A_133 : vector<1000x128xf32>
    %convert_element_type3A_135 = arith.truncf %max3A_134 : vector<1000x128xf32> to vector<1000x128xbf16>
    %convert_element_type3A_136 = arith.truncf %get3A_101 : vector<128x128xf32> to vector<128x128xbf16>
    %dot_general3A_137 = arith.constant dense<0.000000e+00> : vector<1000x128xf32>
    %dot_general3A_138 = tpu.matmul %convert_element_type3A_135, %convert_element_type3A_136, %dot_general3A_137 {dimension_numbers = #tpu.dot_dimension_numbers<[1], [1], [0], [0], [0, 0, 1, 0], [], []>, transpose_lhs_hint = false} : vector<1000x128xbf16>, vector<128x128xbf16>, vector<1000x128xf32> -> vector<1000x128xf32>
    %add3A_139 = vector.broadcast %get3A_104 : vector<1x128xf32> to vector<1000x128xf32>
    %add3A_140 = arith.addf %dot_general3A_138, %add3A_139 : vector<1000x128xf32>
    %custom_jvp_call3A_141 = arith.constant 0.000000e+00 : f32
    %max3A_142 = vector.broadcast %custom_jvp_call3A_141 : f32 to vector<1x128xf32>
    %max3A_143 = arith.maximumf %get3A_111, %max3A_142 : vector<1x128xf32>
    %sub3A_144 = vector.broadcast %custom_jvp_call3A_141 : f32 to vector<1x128xf32>
    %sub3A_145 = arith.subf %get3A_111, %sub3A_144 : vector<1x128xf32>
    %ne3A_146 = arith.cmpf one, %sub3A_145, %sub3A_145 : vector<1x128xf32>
    %add3A_147 = vector.broadcast %custom_jvp_call3A_141 : f32 to vector<1x128xf32>
    %add3A_148 = arith.addf %get3A_111, %add3A_147 : vector<1x128xf32>
    %abs3A_149 = math.absf %sub3A_145 : vector<1x128xf32>
    %neg3A_150 = arith.constant 0.000000e+00 : f32
    %neg3A_151 = vector.broadcast %neg3A_150 : f32 to vector<1x128xf32>
    %neg3A_152 = arith.subf %neg3A_151, %abs3A_149 : vector<1x128xf32>
    %exp3A_153 = math.exp %neg3A_152 : vector<1x128xf32>
    %log1p3A_154 = math.log1p %exp3A_153 : vector<1x128xf32>
    %add3A_155 = arith.addf %max3A_143, %log1p3A_154 : vector<1x128xf32>
    %select_n3A_156 = arith.select %ne3A_146, %add3A_148, %add3A_155 : vector<1x128xi1>, vector<1x128xf32>
    %mul3A_157 = arith.mulf %select_n3A_156, %get3A_117 : vector<1x128xf32>
    %add3A_158 = arith.constant 1.000000e+00 : f32
    %add3A_159 = vector.broadcast %add3A_158 : f32 to vector<1x128xf32>
    %add3A_160 = arith.addf %add3A_159, %mul3A_157 : vector<1x128xf32>
    %custom_jvp_call3A_161 = arith.constant 0.000000e+00 : f32
    %max3A_162 = vector.broadcast %custom_jvp_call3A_161 : f32 to vector<1x128xf32>
    %max3A_163 = arith.maximumf %get3A_114, %max3A_162 : vector<1x128xf32>
    %sub3A_164 = vector.broadcast %custom_jvp_call3A_161 : f32 to vector<1x128xf32>
    %sub3A_165 = arith.subf %get3A_114, %sub3A_164 : vector<1x128xf32>
    %ne3A_166 = arith.cmpf one, %sub3A_165, %sub3A_165 : vector<1x128xf32>
    %add3A_167 = vector.broadcast %custom_jvp_call3A_161 : f32 to vector<1x128xf32>
    %add3A_168 = arith.addf %get3A_114, %add3A_167 : vector<1x128xf32>
    %abs3A_169 = math.absf %sub3A_165 : vector<1x128xf32>
    %neg3A_170 = arith.constant 0.000000e+00 : f32
    %neg3A_171 = vector.broadcast %neg3A_170 : f32 to vector<1x128xf32>
    %neg3A_172 = arith.subf %neg3A_171, %abs3A_169 : vector<1x128xf32>
    %exp3A_173 = math.exp %neg3A_172 : vector<1x128xf32>
    %log1p3A_174 = math.log1p %exp3A_173 : vector<1x128xf32>
    %add3A_175 = arith.addf %max3A_163, %log1p3A_174 : vector<1x128xf32>
    %select_n3A_176 = arith.select %ne3A_166, %add3A_168, %add3A_175 : vector<1x128xi1>, vector<1x128xf32>
    %mul3A_177 = arith.mulf %select_n3A_176, %get3A_120 : vector<1x128xf32>
    %mul3A_178 = vector.broadcast %add3A_160 : vector<1x128xf32> to vector<1000x128xf32>
    %mul3A_179 = arith.mulf %mul3A_178, %add3A_140 : vector<1000x128xf32>
    %add3A_180 = vector.broadcast %mul3A_177 : vector<1x128xf32> to vector<1000x128xf32>
    %add3A_181 = arith.addf %mul3A_179, %add3A_180 : vector<1000x128xf32>
    %logistic3A_182 = arith.negf %add3A_181 : vector<1000x128xf32>
    %logistic3A_183 = math.exp %logistic3A_182 : vector<1000x128xf32>
    %logistic3A_184 = arith.constant 1.000000e+00 : f32
    %logistic3A_185 = vector.broadcast %logistic3A_184 : f32 to vector<1000x128xf32>
    %logistic3A_186 = arith.addf %logistic3A_185, %logistic3A_183 : vector<1000x128xf32>
    %logistic3A_187 = arith.divf %logistic3A_185, %logistic3A_186 : vector<1000x128xf32>
    %mul3A_188 = arith.mulf %add3A_181, %logistic3A_187 : vector<1000x128xf32>
    %get3A_189 = arith.constant 0 : index
    %get3A_190 = arith.constant 0 : index
    %get3A_191 = arith.constant 0 : index
    %get3A_192 = vector.load %arg5[%get3A_189, %get3A_190, %get3A_191] : memref<1x1x1000xi32, #tpu.memory_space<vmem>>, vector<1x1x1000xi32>
    %reshape3A = vector.shape_cast %get3A_192 : vector<1x1x1000xi32> to vector<1x1000xi32>
    %iota3A = tpu.iota {dimensions = array<i32: 0>} : vector<256x1000xi32>
    %eq3A = vector.broadcast %reshape3A : vector<1x1000xi32> to vector<256x1000xi32>
    %eq3A_193 = arith.cmpi eq, %iota3A, %eq3A : vector<256x1000xi32>
    %convert_element_type3A_194 = arith.extui %eq3A_193 : vector<256x1000xi1> to vector<256x1000xi32>
    %convert_element_type3A_195 = arith.sitofp %convert_element_type3A_194 : vector<256x1000xi32> to vector<256x1000xf32>
    %convert_element_type3A_196 = arith.truncf %convert_element_type3A_195 : vector<256x1000xf32> to vector<256x1000xbf16>
    %convert_element_type3A_197 = arith.truncf %mul3A_86 : vector<1000x128xf32> to vector<1000x128xbf16>
    %dot_general3A_198 = arith.constant dense<0.000000e+00> : vector<256x128xf32>
    %dot_general3A_199 = tpu.matmul %convert_element_type3A_196, %convert_element_type3A_197, %dot_general3A_198 {dimension_numbers = #tpu.dot_dimension_numbers<[1], [0], [0], [1], [0, 0, 1, 1], [], []>, transpose_lhs_hint = false} : vector<256x1000xbf16>, vector<1000x128xbf16>, vector<256x128xf32> -> vector<256x128xf32>
    %convert_element_type3A_200 = arith.truncf %mul3A_188 : vector<1000x128xf32> to vector<1000x128xbf16>
    %dot_general3A_201 = arith.constant dense<0.000000e+00> : vector<256x128xf32>
    %dot_general3A_202 = tpu.matmul %convert_element_type3A_196, %convert_element_type3A_200, %dot_general3A_201 {dimension_numbers = #tpu.dot_dimension_numbers<[1], [0], [0], [1], [0, 0, 1, 1], [], []>, transpose_lhs_hint = false} : vector<256x1000xbf16>, vector<1000x128xbf16>, vector<256x128xf32> -> vector<256x128xf32>
    %broadcast_in_dim3A = arith.constant 1.000000e+00 : bf16
    %broadcast_in_dim3A_203 = vector.broadcast %broadcast_in_dim3A : bf16 to vector<1000x128xbf16>
    %dot_general3A_204 = arith.constant dense<0.000000e+00> : vector<256x128xf32>
    %dot_general3A_205 = tpu.matmul %convert_element_type3A_196, %broadcast_in_dim3A_203, %dot_general3A_204 {dimension_numbers = #tpu.dot_dimension_numbers<[1], [0], [0], [1], [0, 0, 1, 1], [], []>, transpose_lhs_hint = false} : vector<256x1000xbf16>, vector<1000x128xbf16>, vector<256x128xf32> -> vector<256x128xf32>
    %eq3A_206 = arith.constant 0 : i32
    %eq3A_207 = arith.cmpi eq, %arg0, %eq3A_206 : i32
    %convert_element_type3A_208 = arith.extui %eq3A_207 : i1 to i32
    %cond3A = arith.constant 0 : i32
    %cond3A_209 = arith.cmpi ne, %convert_element_type3A_208, %cond3A : i32
    scf.if %cond3A_209 {
      %swap3A = arith.constant 0 : index
      %swap3A_219 = arith.constant 0 : index
      %swap3A_220 = vector.load %arg34[%swap3A, %swap3A_219] : memref<256x128xf32, #tpu.memory_space<vmem>>, vector<256x128xf32>
      tpu.vector_store %arg34[%swap3A, %swap3A_219], %dot_general3A_199 {strides = array<i32>} : memref<256x128xf32, #tpu.memory_space<vmem>>, vector<256x128xf32>,
      %swap3A_221 = arith.constant 0 : index
      %swap3A_222 = arith.constant 0 : index
      %swap3A_223 = vector.load %arg35[%swap3A_221, %swap3A_222] : memref<256x128xf32, #tpu.memory_space<vmem>>, vector<256x128xf32>
      tpu.vector_store %arg35[%swap3A_221, %swap3A_222], %dot_general3A_202 {strides = array<i32>} : memref<256x128xf32, #tpu.memory_space<vmem>>, vector<256x128xf32>,
      %swap3A_224 = arith.constant 0 : index
      %swap3A_225 = arith.constant 0 : index
      %swap3A_226 = vector.load %arg36[%swap3A_224, %swap3A_225] : memref<256x128xf32, #tpu.memory_space<vmem>>, vector<256x128xf32>
      tpu.vector_store %arg36[%swap3A_224, %swap3A_225], %dot_general3A_205 {strides = array<i32>} : memref<256x128xf32, #tpu.memory_space<vmem>>, vector<256x128xf32>,
    } else {
    }
    %gt3A = arith.constant 0 : i32
    %gt3A_210 = arith.cmpi sgt, %arg0, %gt3A : i32
    %convert_element_type3A_211 = arith.extui %gt3A_210 : i1 to i32
    %cond3A_212 = arith.constant 0 : i32
    %cond3A_213 = arith.cmpi ne, %convert_element_type3A_211, %cond3A_212 : i32
    scf.if %cond3A_213 {
      %get3A_219 = arith.constant 0 : index
      %get3A_220 = arith.constant 0 : index
      %get3A_221 = vector.load %arg34[%get3A_219, %get3A_220] : memref<256x128xf32, #tpu.memory_space<vmem>>, vector<256x128xf32>
      %add3A_222 = arith.addf %get3A_221, %dot_general3A_199 : vector<256x128xf32>
      %swap3A = arith.constant 0 : index
      %swap3A_223 = arith.constant 0 : index
      %swap3A_224 = vector.load %arg34[%swap3A, %swap3A_223] : memref<256x128xf32, #tpu.memory_space<vmem>>, vector<256x128xf32>
      tpu.vector_store %arg34[%swap3A, %swap3A_223], %add3A_222 {strides = array<i32>} : memref<256x128xf32, #tpu.memory_space<vmem>>, vector<256x128xf32>,
      %get3A_225 = arith.constant 0 : index
      %get3A_226 = arith.constant 0 : index
      %get3A_227 = vector.load %arg35[%get3A_225, %get3A_226] : memref<256x128xf32, #tpu.memory_space<vmem>>, vector<256x128xf32>
      %add3A_228 = arith.addf %get3A_227, %dot_general3A_202 : vector<256x128xf32>
      %swap3A_229 = arith.constant 0 : index
      %swap3A_230 = arith.constant 0 : index
      %swap3A_231 = vector.load %arg35[%swap3A_229, %swap3A_230] : memref<256x128xf32, #tpu.memory_space<vmem>>, vector<256x128xf32>
      tpu.vector_store %arg35[%swap3A_229, %swap3A_230], %add3A_228 {strides = array<i32>} : memref<256x128xf32, #tpu.memory_space<vmem>>, vector<256x128xf32>,
      %get3A_232 = arith.constant 0 : index
      %get3A_233 = arith.constant 0 : index
      %get3A_234 = vector.load %arg36[%get3A_232, %get3A_233] : memref<256x128xf32, #tpu.memory_space<vmem>>, vector<256x128xf32>
      %add3A_235 = arith.addf %get3A_234, %dot_general3A_205 : vector<256x128xf32>
      %swap3A_236 = arith.constant 0 : index
      %swap3A_237 = arith.constant 0 : index
      %swap3A_238 = vector.load %arg36[%swap3A_236, %swap3A_237] : memref<256x128xf32, #tpu.memory_space<vmem>>, vector<256x128xf32>
      tpu.vector_store %arg36[%swap3A_236, %swap3A_237], %add3A_235 {strides = array<i32>} : memref<256x128xf32, #tpu.memory_space<vmem>>, vector<256x128xf32>,
    } else {
    }
    %eq3A_214 = arith.constant 9 : i32
    %eq3A_215 = arith.cmpi eq, %arg0, %eq3A_214 : i32
    %convert_element_type3A_216 = arith.extui %eq3A_215 : i1 to i32
    %cond3A_217 = arith.constant 0 : i32
    %cond3A_218 = arith.cmpi ne, %convert_element_type3A_216, %cond3A_217 : i32
    scf.if %cond3A_218 {
      %get3A_219 = arith.constant 0 : index
      %get3A_220 = arith.constant 0 : index
      %get3A_221 = vector.load %arg36[%get3A_219, %get3A_220] : memref<256x128xf32, #tpu.memory_space<vmem>>, vector<256x128xf32>
      %max3A_222 = arith.constant 1.000000e+00 : f32
      %max3A_223 = vector.broadcast %max3A_222 : f32 to vector<256x128xf32>
      %max3A_224 = arith.maximumf %get3A_221, %max3A_223 : vector<256x128xf32>
      %get3A_225 = arith.constant 0 : index
      %get3A_226 = arith.constant 0 : index
      %get3A_227 = vector.load %arg34[%get3A_225, %get3A_226] : memref<256x128xf32, #tpu.memory_space<vmem>>, vector<256x128xf32>
      %div3A = arith.divf %get3A_227, %max3A_224 : vector<256x128xf32>
      %get3A_228 = arith.constant 0 : index
      %get3A_229 = arith.constant 0 : index
      %get3A_230 = vector.load %arg35[%get3A_228, %get3A_229] : memref<256x128xf32, #tpu.memory_space<vmem>>, vector<256x128xf32>
      %div3A_231 = arith.divf %get3A_230, %max3A_224 : vector<256x128xf32>
      %get3A_232 = arith.constant 0 : index
      %get3A_233 = arith.constant 0 : index
      %get3A_234 = vector.load %arg6[%get3A_232, %get3A_233] : memref<256x128xi32, #tpu.memory_space<vmem>>, vector<256x128xi32>
      %get3A_235 = arith.constant 0 : index
      %get3A_236 = arith.constant 0 : index
      %get3A_237 = vector.load %arg25[%get3A_235, %get3A_236] : memref<128x128xf32, #tpu.memory_space<vmem>>, vector<128x128xf32>
      %dot_general3A_238 = arith.constant dense<0.000000e+00> : vector<256x128xf32>
      %dot_general3A_239 = tpu.matmul %get3A_234, %get3A_237, %dot_general3A_238 {dimension_numbers = #tpu.dot_dimension_numbers<[1], [1], [0], [0], [0, 0, 1, 0], [], []>, precision = #tpu.contract_precision<fp32>, transpose_lhs_hint = false} : vector<256x128xi32>, vector<128x128xf32>, vector<256x128xf32> -> vector<256x128xf32>
      %get3A_240 = arith.constant 0 : index
      %get3A_241 = arith.constant 0 : index
      %get3A_242 = vector.load %arg26[%get3A_240, %get3A_241] : memref<1x128xf32, #tpu.memory_space<vmem>>, vector<1x128xf32>
      %add3A_243 = vector.broadcast %get3A_242 : vector<1x128xf32> to vector<256x128xf32>
      %add3A_244 = arith.addf %dot_general3A_239, %add3A_243 : vector<256x128xf32>
      %get3A_245 = arith.constant 0 : index
      %get3A_246 = arith.constant 0 : index
      %get3A_247 = vector.load %arg27[%get3A_245, %get3A_246] : memref<128x128xf32, #tpu.memory_space<vmem>>, vector<128x128xf32>
      %dot_general3A_248 = arith.constant dense<0.000000e+00> : vector<256x128xf32>
      %dot_general3A_249 = tpu.matmul %div3A, %get3A_247, %dot_general3A_248 {dimension_numbers = #tpu.dot_dimension_numbers<[1], [1], [0], [0], [0, 0, 1, 0], [], []>, precision = #tpu.contract_precision<fp32>, transpose_lhs_hint = false} : vector<256x128xf32>, vector<128x128xf32>, vector<256x128xf32> -> vector<256x128xf32>
      %get3A_250 = arith.constant 0 : index
      %get3A_251 = arith.constant 0 : index
      %get3A_252 = vector.load %arg28[%get3A_250, %get3A_251] : memref<128x128xf32, #tpu.memory_space<vmem>>, vector<128x128xf32>
      %dot_general3A_253 = arith.constant dense<0.000000e+00> : vector<256x128xf32>
      %dot_general3A_254 = tpu.matmul %div3A_231, %get3A_252, %dot_general3A_253 {dimension_numbers = #tpu.dot_dimension_numbers<[1], [1], [0], [0], [0, 0, 1, 0], [], []>, precision = #tpu.contract_precision<fp32>, transpose_lhs_hint = false} : vector<256x128xf32>, vector<128x128xf32>, vector<256x128xf32> -> vector<256x128xf32>
      %add3A_255 = arith.addf %dot_general3A_249, %dot_general3A_254 : vector<256x128xf32>
      %get3A_256 = arith.constant 0 : index
      %get3A_257 = arith.constant 0 : index
      %get3A_258 = vector.load %arg29[%get3A_256, %get3A_257] : memref<128x128xf32, #tpu.memory_space<vmem>>, vector<128x128xf32>
      %dot_general3A_259 = arith.constant dense<0.000000e+00> : vector<256x128xf32>
      %dot_general3A_260 = tpu.matmul %add3A_244, %get3A_258, %dot_general3A_259 {dimension_numbers = #tpu.dot_dimension_numbers<[1], [1], [0], [0], [0, 0, 1, 0], [], []>, precision = #tpu.contract_precision<fp32>, transpose_lhs_hint = false} : vector<256x128xf32>, vector<128x128xf32>, vector<256x128xf32> -> vector<256x128xf32>
      %add3A_261 = arith.addf %add3A_255, %dot_general3A_260 : vector<256x128xf32>
      %get3A_262 = arith.constant 0 : index
      %get3A_263 = arith.constant 0 : index
      %get3A_264 = vector.load %arg30[%get3A_262, %get3A_263] : memref<1x128xf32, #tpu.memory_space<vmem>>, vector<1x128xf32>
      %add3A_265 = vector.broadcast %get3A_264 : vector<1x128xf32> to vector<256x128xf32>
      %add3A_266 = arith.addf %add3A_261, %add3A_265 : vector<256x128xf32>
      %max3A_267 = arith.constant 0.000000e+00 : f32
      %max3A_268 = vector.broadcast %max3A_267 : f32 to vector<256x128xf32>
      %max3A_269 = arith.maximumf %add3A_266, %max3A_268 : vector<256x128xf32>
      %get3A_270 = arith.constant 0 : index
      %get3A_271 = arith.constant 0 : index
      %get3A_272 = vector.load %arg31[%get3A_270, %get3A_271] : memref<8x128xf32, #tpu.memory_space<vmem>>, vector<1x128xf32>
      %mul3A_273 = vector.broadcast %get3A_272 : vector<1x128xf32> to vector<256x128xf32>
      %mul3A_274 = arith.mulf %max3A_269, %mul3A_273 : vector<256x128xf32>
      %reduce_sum3A = arith.constant dense<0.000000e+00> : vector<256xf32>
      %reduce_sum3A_275 = vector.multi_reduction <add>, %mul3A_274, %reduce_sum3A [1] : vector<256x128xf32> to vector<256xf32>
      %broadcast_in_dim3A_276 = vector.shape_cast %reduce_sum3A_275 : vector<256xf32> to vector<256x1xf32>
      %get3A_277 = arith.constant 0 : index
      %get3A_278 = arith.constant 0 : index
      %get3A_279 = vector.load %arg32[%get3A_277, %get3A_278] : memref<1x128xf32, #tpu.memory_space<vmem>>, vector<1x1xf32>
      %get3A_280 = vector.extract %get3A_279[0, 0] : f32 from vector<1x1xf32>
      %add3A_281 = vector.broadcast %get3A_280 : f32 to vector<256x1xf32>
      %add3A_282 = arith.addf %broadcast_in_dim3A_276, %add3A_281 : vector<256x1xf32>
      %get3A_283 = arith.constant 1 : index
      %get3A_284 = arith.constant 0 : index
      %get3A_285 = vector.load %arg31[%get3A_283, %get3A_284] : memref<8x128xf32, #tpu.memory_space<vmem>>, vector<1x128xf32>
      %mul3A_286 = vector.broadcast %get3A_285 : vector<1x128xf32> to vector<256x128xf32>
      %mul3A_287 = arith.mulf %max3A_269, %mul3A_286 : vector<256x128xf32>
      %reduce_sum3A_288 = arith.constant dense<0.000000e+00> : vector<256xf32>
      %reduce_sum3A_289 = vector.multi_reduction <add>, %mul3A_287, %reduce_sum3A_288 [1] : vector<256x128xf32> to vector<256xf32>
      %broadcast_in_dim3A_290 = vector.shape_cast %reduce_sum3A_289 : vector<256xf32> to vector<256x1xf32>
      %get3A_291 = arith.constant 0 : index
      %get3A_292 = arith.constant 1 : index
      %get3A_293 = vector.load %arg32[%get3A_291, %get3A_292] : memref<1x128xf32, #tpu.memory_space<vmem>>, vector<1x1xf32>
      %get3A_294 = vector.extract %get3A_293[0, 0] : f32 from vector<1x1xf32>
      %add3A_295 = vector.broadcast %get3A_294 : f32 to vector<256x1xf32>
      %add3A_296 = arith.addf %broadcast_in_dim3A_290, %add3A_295 : vector<256x1xf32>
      %get3A_297 = arith.constant 2 : index
      %get3A_298 = arith.constant 0 : index
      %get3A_299 = vector.load %arg31[%get3A_297, %get3A_298] : memref<8x128xf32, #tpu.memory_space<vmem>>, vector<1x128xf32>
      %mul3A_300 = vector.broadcast %get3A_299 : vector<1x128xf32> to vector<256x128xf32>
      %mul3A_301 = arith.mulf %max3A_269, %mul3A_300 : vector<256x128xf32>
      %reduce_sum3A_302 = arith.constant dense<0.000000e+00> : vector<256xf32>
      %reduce_sum3A_303 = vector.multi_reduction <add>, %mul3A_301, %reduce_sum3A_302 [1] : vector<256x128xf32> to vector<256xf32>
      %broadcast_in_dim3A_304 = vector.shape_cast %reduce_sum3A_303 : vector<256xf32> to vector<256x1xf32>
      %get3A_305 = arith.constant 0 : index
      %get3A_306 = arith.constant 2 : index
      %get3A_307 = vector.load %arg32[%get3A_305, %get3A_306] : memref<1x128xf32, #tpu.memory_space<vmem>>, vector<1x1xf32>
      %get3A_308 = vector.extract %get3A_307[0, 0] : f32 from vector<1x1xf32>
      %add3A_309 = vector.broadcast %get3A_308 : f32 to vector<256x1xf32>
      %add3A_310 = arith.addf %broadcast_in_dim3A_304, %add3A_309 : vector<256x1xf32>
      %max3A_311 = arith.maximumf %add3A_282, %add3A_296 : vector<256x1xf32>
      %max3A_312 = arith.maximumf %max3A_311, %add3A_310 : vector<256x1xf32>
      %sub3A_313 = arith.subf %add3A_282, %max3A_312 : vector<256x1xf32>
      %exp3A_314 = math.exp %sub3A_313 : vector<256x1xf32>
      %sub3A_315 = arith.subf %add3A_296, %max3A_312 : vector<256x1xf32>
      %exp3A_316 = math.exp %sub3A_315 : vector<256x1xf32>
      %sub3A_317 = arith.subf %add3A_310, %max3A_312 : vector<256x1xf32>
      %exp3A_318 = math.exp %sub3A_317 : vector<256x1xf32>
      %mul3A_319 = vector.broadcast %exp3A_314 : vector<256x1xf32> to vector<256x128xf32>
      %mul3A_320 = arith.mulf %mul3A_319, %div3A : vector<256x128xf32>
      %mul3A_321 = vector.broadcast %exp3A_316 : vector<256x1xf32> to vector<256x128xf32>
      %mul3A_322 = arith.mulf %mul3A_321, %div3A_231 : vector<256x128xf32>
      %add3A_323 = arith.addf %mul3A_320, %mul3A_322 : vector<256x128xf32>
      %mul3A_324 = vector.broadcast %exp3A_318 : vector<256x1xf32> to vector<256x128xf32>
      %mul3A_325 = arith.mulf %mul3A_324, %add3A_244 : vector<256x128xf32>
      %add3A_326 = arith.addf %add3A_323, %mul3A_325 : vector<256x128xf32>
      %add3A_327 = arith.addf %exp3A_314, %exp3A_316 : vector<256x1xf32>
      %add3A_328 = arith.addf %add3A_327, %exp3A_318 : vector<256x1xf32>
      %div3A_329 = vector.broadcast %add3A_328 : vector<256x1xf32> to vector<256x128xf32>
      %div3A_330 = arith.divf %add3A_326, %div3A_329 : vector<256x128xf32>
      %swap3A = arith.constant 0 : index
      %swap3A_331 = arith.constant 0 : index
      %swap3A_332 = vector.load %arg33[%swap3A, %swap3A_331] : memref<256x128xf32, #tpu.memory_space<vmem>>, vector<256x128xf32>
      tpu.vector_store %arg33[%swap3A, %swap3A_331], %div3A_330 {strides = array<i32>} : memref<256x128xf32, #tpu.memory_space<vmem>>, vector<256x128xf32>,
    } else {
    }
    return
  }
  func.func @transform_0(%arg0: i32) -> (i32, i32) {
    %c0_i32 = arith.constant 0 : i32
    %c0_i32_0 = arith.constant 0 : i32
    return %arg0, %c0_i32 : i32, i32
  }
  func.func @transform_1(%arg0: i32) -> (i32, i32) {
    %c0_i32 = arith.constant 0 : i32
    %c0_i32_0 = arith.constant 0 : i32
    return %arg0, %c0_i32 : i32, i32
  }
  func.func @transform_2(%arg0: i32) -> (i32, i32) {
    %c0_i32 = arith.constant 0 : i32
    %c0_i32_0 = arith.constant 0 : i32
    return %arg0, %c0_i32 : i32, i32
  }
  func.func @transform_3(%arg0: i32) -> (i32, i32) {
    %c0_i32 = arith.constant 0 : i32
    %c0_i32_0 = arith.constant 0 : i32
    return %arg0, %c0_i32 : i32, i32
  }
  func.func @transform_4(%arg0: i32) -> (i32, i32, i32) {
    %c0_i32 = arith.constant 0 : i32
    %c0_i32_0 = arith.constant 0 : i32
    %c0_i32_1 = arith.constant 0 : i32
    return %arg0, %c0_i32, %c0_i32_0 : i32, i32, i32
  }
  func.func @transform_5(%arg0: i32) -> (i32, i32) {
    %c0_i32 = arith.constant 0 : i32
    %c0_i32_0 = arith.constant 0 : i32
    %c0_i32_1 = arith.constant 0 : i32
    return %c0_i32, %c0_i32_0 : i32, i32
  }
  func.func @transform_6(%arg0: i32) -> (i32, i32) {
    %c0_i32 = arith.constant 0 : i32
    %c0_i32_0 = arith.constant 0 : i32
    %c0_i32_1 = arith.constant 0 : i32
    return %c0_i32, %c0_i32_0 : i32, i32
  }
  func.func @transform_7(%arg0: i32) -> (i32, i32) {
    %c0_i32 = arith.constant 0 : i32
    %c0_i32_0 = arith.constant 0 : i32
    %c0_i32_1 = arith.constant 0 : i32
    return %c0_i32, %c0_i32_0 : i32, i32
  }
  func.func @transform_8(%arg0: i32) -> (i32, i32) {
    %c0_i32 = arith.constant 0 : i32
    %c0_i32_0 = arith.constant 0 : i32
    %c0_i32_1 = arith.constant 0 : i32
    return %c0_i32, %c0_i32_0 : i32, i32
  }
  func.func @transform_9(%arg0: i32) -> (i32, i32) {
    %c0_i32 = arith.constant 0 : i32
    %c0_i32_0 = arith.constant 0 : i32
    %c0_i32_1 = arith.constant 0 : i32
    return %c0_i32, %c0_i32_0 : i32, i32
  }
  func.func @transform_10(%arg0: i32) -> (i32, i32) {
    %c0_i32 = arith.constant 0 : i32
    %c0_i32_0 = arith.constant 0 : i32
    %c0_i32_1 = arith.constant 0 : i32
    return %c0_i32, %c0_i32_0 : i32, i32
  }
  func.func @transform_11(%arg0: i32) -> (i32, i32) {
    %c0_i32 = arith.constant 0 : i32
    %c0_i32_0 = arith.constant 0 : i32
    %c0_i32_1 = arith.constant 0 : i32
    return %c0_i32, %c0_i32_0 : i32, i32
  }
  func.func @transform_12(%arg0: i32) -> (i32, i32) {
    %c0_i32 = arith.constant 0 : i32
    %c0_i32_0 = arith.constant 0 : i32
    %c0_i32_1 = arith.constant 0 : i32
    return %c0_i32, %c0_i32_0 : i32, i32
  }
  func.func @transform_13(%arg0: i32) -> (i32, i32) {
    %c0_i32 = arith.constant 0 : i32
    %c0_i32_0 = arith.constant 0 : i32
    %c0_i32_1 = arith.constant 0 : i32
    return %c0_i32, %c0_i32_0 : i32, i32
  }
  func.func @transform_14(%arg0: i32) -> (i32, i32) {
    %c0_i32 = arith.constant 0 : i32
    %c0_i32_0 = arith.constant 0 : i32
    %c0_i32_1 = arith.constant 0 : i32
    return %c0_i32, %c0_i32_0 : i32, i32
  }
  func.func @transform_15(%arg0: i32) -> (i32, i32) {
    %c0_i32 = arith.constant 0 : i32
    %c0_i32_0 = arith.constant 0 : i32
    %c0_i32_1 = arith.constant 0 : i32
    return %c0_i32, %c0_i32_0 : i32, i32
  }
  func.func @transform_16(%arg0: i32) -> (i32, i32) {
    %c0_i32 = arith.constant 0 : i32
    %c0_i32_0 = arith.constant 0 : i32
    %c0_i32_1 = arith.constant 0 : i32
    return %c0_i32, %c0_i32_0 : i32, i32
  }
  func.func @transform_17(%arg0: i32) -> (i32, i32) {
    %c0_i32 = arith.constant 0 : i32
    %c0_i32_0 = arith.constant 0 : i32
    %c0_i32_1 = arith.constant 0 : i32
    return %c0_i32, %c0_i32_0 : i32, i32
  }
  func.func @transform_18(%arg0: i32) -> (i32, i32) {
    %c0_i32 = arith.constant 0 : i32
    %c0_i32_0 = arith.constant 0 : i32
    %c0_i32_1 = arith.constant 0 : i32
    return %c0_i32, %c0_i32_0 : i32, i32
  }
  func.func @transform_19(%arg0: i32) -> (i32, i32) {
    %c0_i32 = arith.constant 0 : i32
    %c0_i32_0 = arith.constant 0 : i32
    %c0_i32_1 = arith.constant 0 : i32
    return %c0_i32, %c0_i32_0 : i32, i32
  }
  func.func @transform_20(%arg0: i32) -> (i32, i32) {
    %c0_i32 = arith.constant 0 : i32
    %c0_i32_0 = arith.constant 0 : i32
    %c0_i32_1 = arith.constant 0 : i32
    return %c0_i32, %c0_i32_0 : i32, i32
  }
  func.func @transform_21(%arg0: i32) -> (i32, i32) {
    %c0_i32 = arith.constant 0 : i32
    %c0_i32_0 = arith.constant 0 : i32
    %c0_i32_1 = arith.constant 0 : i32
    return %c0_i32, %c0_i32_0 : i32, i32
  }
  func.func @transform_22(%arg0: i32) -> (i32, i32) {
    %c0_i32 = arith.constant 0 : i32
    %c0_i32_0 = arith.constant 0 : i32
    %c0_i32_1 = arith.constant 0 : i32
    return %c0_i32, %c0_i32_0 : i32, i32
  }
  func.func @transform_23(%arg0: i32) -> (i32, i32) {
    %c0_i32 = arith.constant 0 : i32
    %c0_i32_0 = arith.constant 0 : i32
    %c0_i32_1 = arith.constant 0 : i32
    return %c0_i32, %c0_i32_0 : i32, i32
  }
  func.func @transform_24(%arg0: i32) -> (i32, i32) {
    %c0_i32 = arith.constant 0 : i32
    %c0_i32_0 = arith.constant 0 : i32
    %c0_i32_1 = arith.constant 0 : i32
    return %c0_i32, %c0_i32_0 : i32, i32
  }
  func.func @transform_25(%arg0: i32) -> (i32, i32) {
    %c0_i32 = arith.constant 0 : i32
    %c0_i32_0 = arith.constant 0 : i32
    %c0_i32_1 = arith.constant 0 : i32
    return %c0_i32, %c0_i32_0 : i32, i32
  }
  func.func @transform_26(%arg0: i32) -> (i32, i32) {
    %c0_i32 = arith.constant 0 : i32
    %c0_i32_0 = arith.constant 0 : i32
    %c0_i32_1 = arith.constant 0 : i32
    return %c0_i32, %c0_i32_0 : i32, i32
  }
  func.func @transform_27(%arg0: i32) -> (i32, i32) {
    %c0_i32 = arith.constant 0 : i32
    %c0_i32_0 = arith.constant 0 : i32
    %c0_i32_1 = arith.constant 0 : i32
    return %c0_i32, %c0_i32_0 : i32, i32
  }
  func.func @transform_28(%arg0: i32) -> (i32, i32) {
    %c0_i32 = arith.constant 0 : i32
    %c0_i32_0 = arith.constant 0 : i32
    %c0_i32_1 = arith.constant 0 : i32
    return %c0_i32, %c0_i32_0 : i32, i32
  }
  func.func @transform_29(%arg0: i32) -> (i32, i32) {
    %c0_i32 = arith.constant 0 : i32
    %c0_i32_0 = arith.constant 0 : i32
    %c0_i32_1 = arith.constant 0 : i32
    return %c0_i32, %c0_i32_0 : i32, i32
  }
  func.func @transform_30(%arg0: i32) -> (i32, i32) {
    %c0_i32 = arith.constant 0 : i32
    %c0_i32_0 = arith.constant 0 : i32
    %c0_i32_1 = arith.constant 0 : i32
    return %c0_i32, %c0_i32_0 : i32, i32
  }
  func.func @transform_31(%arg0: i32) -> (i32, i32) {
    %c0_i32 = arith.constant 0 : i32
    %c0_i32_0 = arith.constant 0 : i32
    %c0_i32_1 = arith.constant 0 : i32
    return %c0_i32, %c0_i32_0 : i32, i32
  }
  func.func @transform_32(%arg0: i32) -> (i32, i32) {
    %c0_i32 = arith.constant 0 : i32
    %c0_i32_0 = arith.constant 0 : i32
    %c0_i32_1 = arith.constant 0 : i32
    return %c0_i32, %c0_i32_0 : i32, i32
  }
}

</mosaic_0001>

<sc_bundles>
// kernel: kernel.4.cloned.1.call-start
scs
__scs_entry_jumppad:
0x0: {  	(pc) =	sbr.rel $0x88, $3  }
0x1: {  	(tag) =	ssettag $0x0;
	lr =	simm.s32 $0x1  }
0x2: {  	[smem:$0x3F84] =	sst lr;
	_ =	strace $0xD0000000  }
0x3: {  	_ = 	snop  }
0x4: {  	_ = 	snop  }
0x5: {  	_ = 	snop  }
0x6: {  	_ = 	snop  }
0x7: {  	_ = 	snop  }
__scs_overlays_trampoline_lowered:
0x8: {  	[smem:$0x3F93] =	sst s0  }
0x9: {  	[smem:$0x3F94] =	sst s1  }
0xa: {  	[smem:$0x3F95] =	sst s2  }
0xb: {  	[smem:$0x3F96] =	sst s3  }
0xc: {  	[smem:$0x3F97] =	sst s4  }
0xd: {  	[smem:$0x3F98] =	sst s5  }
0xe: {  	[smem:$0x3F99] =	sst s6  }
0xf: {  	[smem:$0x3F9A] =	sst s7  }
0x10: {  	[smem:$0x3F9B] =	sst s8  }
0x11: {  	[smem:$0x3F9C] =	sst s9;
	s0 =	simm.s32 @!p0 $0x0  }
0x12: {  	s1 =	sld [smem:$0x3F82];
	s0 =	simm.s32 @p0 $0x1  }
0x13: {  	[smem:$0x3F9D] =	sst s0;
	s0 =	simm.s32 @!p1 $0x0  }
0x14: {  	s2 =	sld [smem:$0x3F81];
	s0 =	simm.s32 @p1 $0x1  }
0x15: {  	[smem:$0x3F9E] =	sst s0;
	s0 =	simm.s32 @!p2 $0x0  }
0x16: {  	s3 =	sld [smem:$0x3FDB];
	s0 =	simm.s32 @p2 $0x1  }
0x17: {  	s4 =	simm.s32 $0x1BF5;
	[smem:$0x3FA0] =	sst s0  }
0x18: {  	s0 =	sld [smem:$0x3F83];
	_ =	swait.ge [sflag:s4], $0x0  }
0x19: {  	s7 =	sld [smem:$0x3F84]  }
0x1a: {  	s8 =	sadd.s32 $0xFFFFE003, lr  }
0x1b: {  	s9 =	sadd.s32 $0xFFFFFEF7, lr;
	s5 =	simm.s32 $0xFFFFFFFF;
	p2 =	slt.u32 s8, $0xFFFFF086  }
0x1c: {  	p1 =	slt.u32 s9, $0xF7A;
	s5 =	simm.s32 @!p2 $0x0  }
0x1d: {  	s5 =	simm.s32 @p1 $0x1;
	p0 =	seq.s32 s7, s2  }
0x1e: {  	s7 =	smul.u32 @!p0 $0xF7A, s2;
	p2 =	seq.s32 @!p0 s5, $0x0  }
0x1f: {  	s9 =	smul.u32 $0xF7A, s1;
	s8 =	simm.s32 @!p0 $0x1BF5;
	p2 =	por !p2, p0  }
0x20: {  	[sflag:s8] =	ssyncset.s32 @!p0 $0xFFFFF086;
	s6 =	sadd.s32 @!p0 s3, s7;
	s7 =	simm.s32 @!p0 $0x108  }
0x21: {  	s3 =	sadd.s32 s3, s9;
	s6 =	sadd.s32 @!p0 $0x88, s6;
	s7 =	simm.s32 @p2 $0x1082  }
0x22: {  	[simem:s7], [sflag:s8] =	dma.local @!p0 [hbm:s6], $0xF7A  }
0x23: {  	s9 =	sor.u32 $0xD0000000, s2;
	s6 =	simm.s32 $0x108;
	_ =	swait.ge @!p0 [sflag:s8], $0x0  }
0x24: {  	s3 =	sadd.s32 $0x88, s3;
	s6 =	simm.s32 @!p1 $0x1082;
	[sflag:s4] =	ssyncset.s32 $0xFFFFF086  }
0x25: {  	[simem:s6], [sflag:s4] =	dma.local [hbm:s3], $0xF7A  }
0x26: {  	[smem:$0x3F84] =	sst s1;
	(tag) =	ssettag s2;
	_ =	strace s9  }
0x27: {  	s1 =	sld [smem:$0x3F94]  }
0x28: {  	s2 =	sld [smem:$0x3F95]  }
0x29: {  	s4 =	sld [smem:$0x3F97]  }
0x2a: {  	p0 =	seq.s32 s5, $0x0;
	s5 =	sld [smem:$0x3F98]  }
0x2b: {  	s6 =	sld [smem:$0x3F99]  }
0x2c: {  	s7 =	sld [smem:$0x3F9A]  }
0x2d: {  	s3 =	simm.s32 $0x108;
	s8 =	sld [smem:$0x3F9B]  }
0x2e: {  	s3 =	simm.s32 @!p0 $0x1082;
	s9 =	sld [smem:$0x3F9C]  }
0x2f: {  	lr =	sadd.s32 s0, s3;
	s0 =	sld [smem:$0x3F93]  }
0x30: {  	s3 =	sld [smem:$0x3F96]  }
0x31: {  	[smem:$0x3F9F] =	sst s10  }
0x32: {  	s10 =	sld [smem:$0x3F9D];
	_ =	sdelay $0x3  }
0x33: {  	p0 =	seq.s32 s10, $0x1;
	s10 =	sld [smem:$0x3F9F];
	_ =	sdelay $0x3  }
0x34: {  	[smem:$0x3F9F] =	sst s10  }
0x35: {  	s10 =	sld [smem:$0x3F9E];
	_ =	sdelay $0x3  }
0x36: {  	p1 =	seq.s32 s10, $0x1;
	s10 =	sld [smem:$0x3F9F];
	_ =	sdelay $0x3  }
0x37: {  	[smem:$0x3F9F] =	sst s10  }
0x38: {  	s10 =	sld [smem:$0x3FA0]  }
0x39: {  	_ = 	snop;
	(pc) =	sbr.ind lr, $3  }
0x3a: {  	_ = 	snop  }
0x3b: {  	_ = 	snop  }
0x3c: {  	p2 =	seq.s32 s10, $0x1;
	s10 =	sld [smem:$0x3F9F]  }
0x3d: {  	_ =	shalt  }
0x3e: {  	_ =	shalt  }
0x3f: {  	_ =	shalt  }
0x40: {  	_ =	shalt  }
0x41: {  	_ =	shalt  }
0x42: {  	_ =	shalt  }
0x43: {  	_ =	shalt  }
0x44: {  	_ =	shalt  }
0x45: {  	_ =	shalt  }
0x46: {  	_ =	shalt  }
0x47: {  	_ =	shalt  }
0x48: {  	_ =	shalt  }
0x49: {  	_ =	shalt  }
0x4a: {  	_ =	shalt  }
0x4b: {  	_ =	shalt  }
0x4c: {  	_ =	shalt  }
0x4d: {  	_ =	shalt  }
0x4e: {  	_ =	shalt  }
0x4f: {  	_ =	shalt  }
0x50: {  	_ =	shalt  }
0x51: {  	_ =	shalt  }
0x52: {  	_ =	shalt  }
0x53: {  	_ =	shalt  }
0x54: {  	_ =	shalt  }
0x55: {  	_ =	shalt  }
0x56: {  	_ =	shalt  }
0x57: {  	_ =	shalt  }
0x58: {  	_ =	shalt  }
0x59: {  	_ =	shalt  }
0x5a: {  	_ =	shalt  }
0x5b: {  	_ =	shalt  }
0x5c: {  	_ =	shalt  }
0x5d: {  	_ =	shalt  }
0x5e: {  	_ =	shalt  }
0x5f: {  	_ =	shalt  }
0x60: {  	_ =	shalt  }
0x61: {  	_ =	shalt  }
0x62: {  	_ =	shalt  }
0x63: {  	_ =	shalt  }
0x64: {  	_ =	shalt  }
0x65: {  	_ =	shalt  }
0x66: {  	_ =	shalt  }
0x67: {  	_ =	shalt  }
0x68: {  	_ =	shalt  }
0x69: {  	_ =	shalt  }
0x6a: {  	_ =	shalt  }
0x6b: {  	_ =	shalt  }
0x6c: {  	_ =	shalt  }
0x6d: {  	_ =	shalt  }
0x6e: {  	_ =	shalt  }
0x6f: {  	_ =	shalt  }
0x70: {  	_ =	shalt  }
0x71: {  	_ =	shalt  }
0x72: {  	_ =	shalt  }
0x73: {  	_ =	shalt  }
0x74: {  	_ =	shalt  }
0x75: {  	_ =	shalt  }
0x76: {  	_ =	shalt  }
0x77: {  	_ =	shalt  }
0x78: {  	_ =	shalt  }
0x79: {  	_ =	shalt  }
0x7a: {  	_ =	shalt  }
0x7b: {  	_ =	shalt  }
0x7c: {  	_ =	shalt  }
0x7d: {  	_ =	shalt  }
0x7e: {  	_ =	shalt  }
0x7f: {  	_ =	shalt  }
0x80: {  	_ =	shalt  }
0x81: {  	_ =	shalt  }
0x82: {  	_ =	shalt  }
0x83: {  	_ =	shalt  }
0x84: {  	_ =	shalt  }
0x85: {  	_ =	shalt  }
0x86: {  	_ =	shalt  }
0x87: {  	_ =	shalt  }
.Lfunc_end0:
.L_simem_size_0:
called_computation_lowered:
.L_overlay_start_0:
0x88: {  	s2 =	sld [smem:$0x3FD9]  }
0x89: {  	s3 =	sld [smem:$0x3FFE];
	_ =	sdelay $0x1  }
0x8a: {  	s1 =	srdreg.scid  }
0x8b: {  	s0 =	sand.u32 $0x1, s1  }
0x8c: {  	s17 =	sshll.u32 s0, $0xA;
	s2 =	sadd.s32 s3, s2  }
0x8d: {  	s2 =	sadd.s32 s2, s17  }
0x8e: {  	[smem:$0x3FAB] =	sst s2  }
0x8f: {  	_ = 	snop  }
0x90: {  	s2 =	sld [smem:$0x3FC8]  }
0x91: {  	s18 =	sld [smem:$0x3FC7]  }
0x92: {  	s4 =	sld [smem:$0x3FD0];
	(tm) =	ssettm $0x1  }
0x93: {  	s5 =	sld [smem:$0x3FFB];
	_ =	sdelay $0x3  }
0x94: {  	_ =	strace s5  }
0x95: {  	s5 =	sld [smem:$0x3FFC];
	_ =	sdelay $0x3  }
0x96: {  	_ =	strace s5  }
0x97: {  	s5 =	sld [smem:$0x3FFD];
	_ =	sdelay $0x3  }
0x98: {  	_ =	strace s5  }
0x99: {  	_ =	strace $0x8FFFFFFF  }
0x9a: {  	s19 =	sld [smem:$0x3FDB];
	_ =	sdelay $0x1  }
0x9b: {  	s6 =	simm.s32 $_scs_section_size  }
0x9c: {  	s7 =	simm.s32 $_size__tile_overlayer_lowered;
	s8 =	simm.s32 $_tile_overlayer_lowered  }
0x9d: {  	s22 =	simm.s32 $0x1BFF;
	s21 =	sshll.u32 s8, $0x1;
	s5 =	sadd.s32 s6, s19  }
0x9e: {  	s9 =	simm.s32 $0x0;
	s20 =	sshll.u32 s7, $0x1;
	s7 =	sadd.s32 s21, s5  }
0x9f: {  	[timem:s9], [sflag:s22] =	dma.local [hbm:s7], s20  }
0xa0: {  	_ =	swait.ge [sflag:s22], s20  }
0xa1: {  	s6 =	ssub.s32 $0x0, s20;
	[sflag:s22] =	ssyncset.done $0x0  }
0xa2: {  	[sflag:s22] =	ssyncadd.s32 s6;
	_ =	sdelay $0x1  }
0xa3: {  	s23 =	simm.s32 $0x1B8B  }
0xa4: {  	_ =	swait.ge [sflag:s23], $0x1  }
0xa5: {  	[sflag:s23] =	ssyncset.done $0x0  }
0xa6: {  	s25 =	simm.s32 $0x1B8E;
	s24 =	sld [smem:$0x3FFE];
	[sflag:s23] =	ssyncadd.s32 $0xFFFFFFFF  }
0xa7: {  	s26 =	simm.s32 $execute0_lowered;
	[smem:$0x3FD2] =	sst s25  }
0xa8: {  	s7 =	sshll.u32 s26, $0x1;
	_ =	strace $0x80000046;
	[dreg:$0x1] =	wrdreg $0xFFFFFFFF  }
0xa9: {  	s28 =	simm.s32 $_size_execute0_lowered;
	s5 =	sadd.s32 s5, s7;
	[dreg:$0x0] =	wrdreg $0x0  }
0xaa: {  	s7 =	sshll.u32 s28, $0x1;
	[dreg:$0x2] =	wrdreg s5  }
0xab: {  	[dreg:$0x3] =	wrdreg s7  }
0xac: {  	[dreg:$0x4] =	wrdreg $0xC0  }
0xad: {  	_ =	task [dreg:s9], $0x5FFFF  }
0xae: {  	[dreg:$0x1] =	wrdreg $0xFFFFFFFF  }
0xaf: {  	[dreg:$0x0] =	wrdreg $0x60  }
0xb0: {  	[dreg:$0x2] =	wrdreg s24  }
0xb1: {  	[dreg:$0x3] =	wrdreg s4  }
0xb2: {  	[dreg:$0x4] =	wrdreg s2  }
0xb3: {  	[dreg:$0x5] =	wrdreg s18  }
0xb4: {  	[dreg:$0x6] =	wrdreg $0xA0000  }
0xb5: {  	[dreg:$0x7] =	wrdreg $0x9  }
0xb6: {  	_ =	task.clear_ibuf [dreg:s9], $0x8FFFF;
	_ =	strace $0x90000046  }
0xb7: {  	s29 =	simm.s32 $0x9;
	_ =	strace $0x80000048  }
0xb8: {  	_ =	swait.ge [sflag:s29], $0x1  }
0xb9: {  	[sflag:s29] =	ssyncadd.s32 $0xFFFFFFFF  }
0xba: {  	_ =	strace $0x90000048  }
0xbb: {  	_ =	sfence  }
0xbc: {  	s30 =	sld [smem:$0x0];
	_ =	sdelay $0x2  }
0xbd: {  	s31 =	sshll.u32 s1, $0xD;
	s1 =	sshrl.u32 s1, $0x2  }
0xbe: {  	s3 =	sand.u32 $0x4000, s31;
	s1 =	sadd.s32 s1, s30  }
0xbf: {  	s0 =	sor.u32 s3, s0;
	s1 =	sshll.u32 s1, $0x11  }
0xc0: {  	s0 =	sor.u32 s1, s0  }
0xc1: {  	s0 =	sadd.s32 $0x8F2B, s0  }
0xc2: {  	[sflag:s0] =	ssyncadd.remote.s32 $0x1  }
0xc3: {  	_ =	sfence.sel $0xFFFF  }
0xc4: {  	[dreg:$0x0] =	wrdreg $0xFFFFFFFF;
	(pc) =	sbr.abs _section_cstart, $3  }
0xc5: {  	[dreg:$0x1] =	wrdreg $0xFFFFFFFF  }
0xc6: {  	_ =	task.clear_ibuf [dreg:s9], $0x2FFFF;
	_ =	strace $0x9FFFFFFF  }
0xc7: {  	(tm) =	ssettm $0x7FFFFFFF  }
tec
execute0_lowered:
.L_overlay_start_1:
0x0: {  	(tag) =	ssettag $0x1  }
0x1: {  	s0 =	rddreg [dreg:$0x0]  }
0x2: {  	s1 =	rddreg [dreg:$0x1]  }
0x3: {  	s2 =	rddreg [dreg:$0x2]  }
0x4: {  	s3 =	rddreg [dreg:$0x3]  }
0x5: {  	s4 =	rddreg [dreg:$0x4];
	s11 =	stileid.u32;
	s5 =	simm.s32 $0x0  }
0x6: {  	s7 =	srdreg.scid;
	s14 =	simm.s32 $0x1000;
	s17 =	simm.s32 $0x5  }
0x7: {  	s18 =	simm.s32 $0x800;
	s19 =	simm.s32 $0x1800;
	s29 =	simm.s32 $0x4  }
0x8: {  	s13 =	simm.s32 $0x1D80;
	s15 =	simm.s32 $0xE80;
	s16 =	simm.s32 $0x1E00  }
0x9: {  	s28 =	simm.s32 $0xF00;
	s30 =	simm.s32 $0x1E80;
	s31 =	simm.s32 $0xF80  }
0xa: {  	s6 =	smul.u32 $0xA00, s11;
	[smem:$0x7FF] =	sst s5;
	s7 =	sand.u32 $0x1, s7  }
0xb: {  	s9 =	sadd.s32 $0x5000, s0;
	s10 =	smul.u32 $0x50000, s11;
	s12 =	sadd.s32 $0x7800, s0  }
0xc: {  	s24 =	smul.u32 $0x2800, s11;
	s25 =	sshll.u32 s11, $0x6;
	s11 =	simm.s32 $0x7  }
0xd: {  	_ =	strace $0x80000047;
	[dreg:$0x6] =	wrdreg s9;
	s20 =	ssub.s32 $0x2, s7  }
0xe: {  	[dreg:$0x7] =	wrdreg s12;
	p0 =	seq.s32 s7, $0x1;
	s7 =	sor.u32 $0x1C07, s25  }
0xf: {  	s25 =	simm.s32 $0x6;
	s12 =	simm.s32 $0xE00;
	s8 =	sadd.s32 s6, s0  }
0x10: {  	s0 =	sadd.s32 $0x2F800, s0;
	s21 =	sshrl.u32 s20, $0x1;
	[dreg:$0x9] =	wrdreg s24  }
0x11: {  	s22 =	sshrl.u32 s10, $0x2;
	s10 =	sadd.s32 s1, s6;
	[dreg:$0xb] =	wrdreg s7  }
0x12: {  	s24 =	simm.s32 $0x3;
	s1 =	simm.s32 $0x1F80;
	[dreg:$0x8] =	wrdreg s0  }
.Ltmp0:
0x13: {  	s0 =	ssub.s32 s20, s21;
	s9 =	sadd.s32 $0x4A00, s8;
	(pc) =	sbr.rel .LBB2_1-.Ltmp0, $4  }
0x14: {  	s23 =	sadd.s32 s22, s4;
	s20 =	simm.s32 $0x80;
	s21 =	simm.s32 $0x2000  }
0x15: {  	s22 =	simm.s32 $0x6000;
	s8 =	simm.s32 $0x0;
	s0 =	smax.u32 s0, $0x1  }
0x16: {  	s26 =	sshrl.u32 s23, $0x3;
	s23 =	simm.s32 $0x1;
	[dreg:$0xa] =	wrdreg s0  }
0x17: {  	[dreg:$0xc] =	wrdreg s26;
	s26 =	simm.s32 $0x2;
	s0 =	simm.s32 $0x1F00  }
.LBB2_7:
0x18: {  	s6 =	rddreg [dreg:$0x8]  }
0x19: {  	s11 =	rddreg [dreg:$0xc]  }
0x1a: {  	[sflag:s29] =	ssyncadd.s32 $0xFFFFC000;
	s8 =	rddreg [dreg:$0xd]  }
.LBB2_8:
0x1b: {  	_ =	swait.ge [sflag:s17], $0x800  }
0x1c: {  	[sflag:s17] =	ssyncset.done $0x0  }
0x1d: {  	[sflag:s17] =	ssyncadd.s32 $0xFFFFF800  }
0x1e: {  	_ =	swait.ge [sflag:s17], $0x800  }
0x1f: {  	[sflag:s17] =	ssyncset.done $0x0  }
0x20: {  	[sflag:s17] =	ssyncadd.s32 $0xFFFFF800  }
0x21: {  	s7 =	rddreg [dreg:$0x9];
	[bflag:$0x0] =	sbarrier.arrive $0xFFFF  }
0x22: {  	s6 =	sadd.s32 s6, s7;
	s7 =	rddreg [dreg:$0xb]  }
0x23: {  	[hbm:s6], [sflag:s7] =	dma.local [spmem:s11], $0x2800  }
0x24: {  	s11 =	simm.s32 $0x7  }
0x25: {  	_ =	swait.ge [sflag:s11], $0x2800  }
0x26: {  	s8 =	sadd.s32 $0x1, s8;
	s6 =	rddreg [dreg:$0xa]  }
0x27: {  	p1 =	sne.s32 s8, s6  }
.Ltmp1:
0x28: {  	_ = 	snop;
	(pc) =	sbr.rel @!p1 .LBB2_9-.Ltmp1, $3  }
0x29: {  	_ =	sdelay $0x1  }
0x2a: {  	[sflag:s11] =	ssyncset.done $0x0  }
0x2b: {  	[sflag:s11] =	ssyncadd.s32 $0xFFFFD800  }
.LBB2_1:
0x2c: {  	[dreg:$0xd] =	wrdreg s8  }
0x2d: {  	[tilespmem:s5], [sflag:$0x5] =	stream.linear.gather [hbm4b:s9+s5], $0x800, $0x38;
	[tilespmem:$0x1E000] =	vst v63  }
0x2e: {  	s6 =	rddreg [dreg:$0x6]  }
0x2f: {  	s8 =	rddreg [dreg:$0xc]  }
0x30: {  	[tilespmem:s14], [sflag:$0x5] =	stream.linear.gather [hbm4b:s10+s5], $0x800, $0x38;
	[tilespmem:$0x1E000] =	vst v63  }
0x31: {  	[spmem:s8], [sflag:s7] =	dma.local [hbm:s6], $0x2800  }
.Ltmp2:
0x32: {  	_ =	swait.ge [sflag:s11], $0x2800;
	(pc) =	sbr.rel @!p0 .LBB2_2-.Ltmp2, $3  }
0x33: {  	[sflag:s11] =	ssyncset.done $0x0  }
0x34: {  	[sflag:s11] =	ssyncadd.s32 $0xFFFFD800  }
0x35: {  	[bflag:$0x0] =	sbarrier.arrive $0xFFFF;
	_ =	sdelay $0x1  }
0x36: {  	_ =	swait.ge [sflag:s17], $0x800  }
0x37: {  	[sflag:s17] =	ssyncset.done $0x0  }
0x38: {  	[sflag:s17] =	ssyncadd.s32 $0xFFFFF800  }
0x39: {  	_ =	swait.ge [sflag:s17], $0x800  }
0x3a: {  	s6 =	sadd.s32 $0xFFFFF600, s9;
	[sflag:s17] =	ssyncset.done $0x0  }
0x3b: {  	s7 =	sadd.s32 $0xFFFFF600, s10;
	s8 =	sadd.s32 $0xB00, s6;
	[sflag:s17] =	ssyncadd.s32 $0xFFFFF800  }
0x3c: {  	[tilespmem:s18], [sflag:$0x6] =	stream.linear.gather [hbm4b:s8+s5], $0x800, $0x38;
	[tilespmem:$0x1E000] =	vst v63  }
0x3d: {  	s11 =	sadd.s32 $0xB00, s7  }
0x3e: {  	[tilespmem:s19], [sflag:$0x6] =	stream.linear.gather [hbm4b:s11+s5], $0x800, $0x38;
	[tilespmem:$0x1E000] =	vst v63  }
0x3f: {  	_ = 	snop  }
0x40: {  	[tilespmem:s21], [sflag:$0x1] =	stream.indirect.gather [hbm4b:s3+s20], $0x80, s5, s20, $0xb8;
	[tilespmem:$0x1E000] =	vst v63  }
0x41: {  	_ = 	snop  }
0x42: {  	[tilespmem:s22], [sflag:$0x2] =	stream.indirect.gather [hbm4b:s3+s20], $0x80, s20, s20, $0xb8;
	[tilespmem:$0x1E000] =	vst v63  }
0x43: {  	_ =	swait.ge [sflag:s23], $0x4000  }
0x44: {  	[sflag:s23] =	ssyncset.done $0x0  }
0x45: {  	[sflag:s23] =	ssyncadd.s32 $0xFFFFC000  }
0x46: {  	[spmem:s4] =	stream.indirect.scatter.add.f32 [tilespmem:s21], [sflag:$0x3], $0x80, s14, s20, $0xb8;
	[tilespmem:$0x1E000] =	vst v63  }
0x47: {  	_ =	swait.ge [sflag:s24], $0x4000  }
0x48: {  	[sflag:s24] =	ssyncset.done $0x0  }
0x49: {  	s11 =	simm.s32 $0x100;
	[sflag:s24] =	ssyncadd.s32 $0xFFFFC000  }
0x4a: {  	[tilespmem:s21], [sflag:$0x1] =	stream.indirect.gather [hbm4b:s3+s20], $0x80, s11, s20, $0xb8;
	[tilespmem:$0x1E000] =	vst v63  }
0x4b: {  	_ =	swait.ge [sflag:s26], $0x4000  }
0x4c: {  	[sflag:s26] =	ssyncset.done $0x0  }
0x4d: {  	s11 =	simm.s32 $0x1080;
	[sflag:s26] =	ssyncadd.s32 $0xFFFFC000  }
0x4e: {  	[spmem:s4] =	stream.indirect.scatter.add.f32 [tilespmem:s22], [sflag:$0x4], $0x80, s11, s20, $0xb8;
	[tilespmem:$0x1E000] =	vst v63  }
0x4f: {  	_ =	swait.ge [sflag:s29], $0x4000  }
0x50: {  	[sflag:s29] =	ssyncset.done $0x0  }
0x51: {  	s11 =	simm.s32 $0x180;
	[sflag:s29] =	ssyncadd.s32 $0xFFFFC000  }
0x52: {  	[tilespmem:s22], [sflag:$0x2] =	stream.indirect.gather [hbm4b:s3+s20], $0x80, s11, s20, $0xb8;
	[tilespmem:$0x1E000] =	vst v63  }
0x53: {  	_ =	swait.ge [sflag:s23], $0x4000  }
0x54: {  	[sflag:s23] =	ssyncset.done $0x0  }
0x55: {  	s11 =	simm.s32 $0x1100;
	[sflag:s23] =	ssyncadd.s32 $0xFFFFC000  }
0x56: {  	[spmem:s4] =	stream.indirect.scatter.add.f32 [tilespmem:s21], [sflag:$0x3], $0x80, s11, s20, $0xb8;
	[tilespmem:$0x1E000] =	vst v63  }
0x57: {  	_ =	swait.ge [sflag:s24], $0x4000  }
0x58: {  	[sflag:s24] =	ssyncset.done $0x0  }
0x59: {  	s11 =	simm.s32 $0x200;
	[sflag:s24] =	ssyncadd.s32 $0xFFFFC000  }
0x5a: {  	[tilespmem:s21], [sflag:$0x1] =	stream.indirect.gather [hbm4b:s3+s20], $0x80, s11, s20, $0xb8;
	[tilespmem:$0x1E000] =	vst v63  }
0x5b: {  	_ =	swait.ge [sflag:s26], $0x4000  }
0x5c: {  	[sflag:s26] =	ssyncset.done $0x0  }
0x5d: {  	s11 =	simm.s32 $0x1180;
	[sflag:s26] =	ssyncadd.s32 $0xFFFFC000  }
0x5e: {  	[spmem:s4] =	stream.indirect.scatter.add.f32 [tilespmem:s22], [sflag:$0x4], $0x80, s11, s20, $0xb8;
	[tilespmem:$0x1E000] =	vst v63  }
0x5f: {  	_ =	swait.ge [sflag:s29], $0x4000  }
0x60: {  	[sflag:s29] =	ssyncset.done $0x0  }
0x61: {  	s11 =	simm.s32 $0x280;
	[sflag:s29] =	ssyncadd.s32 $0xFFFFC000  }
0x62: {  	[tilespmem:s22], [sflag:$0x2] =	stream.indirect.gather [hbm4b:s3+s20], $0x80, s11, s20, $0xb8;
	[tilespmem:$0x1E000] =	vst v63  }
0x63: {  	_ =	swait.ge [sflag:s23], $0x4000  }
0x64: {  	[sflag:s23] =	ssyncset.done $0x0  }
0x65: {  	s11 =	simm.s32 $0x1200;
	[sflag:s23] =	ssyncadd.s32 $0xFFFFC000  }
0x66: {  	[spmem:s4] =	stream.indirect.scatter.add.f32 [tilespmem:s21], [sflag:$0x3], $0x80, s11, s20, $0xb8;
	[tilespmem:$0x1E000] =	vst v63  }
0x67: {  	_ =	swait.ge [sflag:s24], $0x4000  }
0x68: {  	[sflag:s24] =	ssyncset.done $0x0  }
0x69: {  	s11 =	simm.s32 $0x300;
	[sflag:s24] =	ssyncadd.s32 $0xFFFFC000  }
0x6a: {  	[tilespmem:s21], [sflag:$0x1] =	stream.indirect.gather [hbm4b:s3+s20], $0x80, s11, s20, $0xb8;
	[tilespmem:$0x1E000] =	vst v63  }
0x6b: {  	_ =	swait.ge [sflag:s26], $0x4000  }
0x6c: {  	[sflag:s26] =	ssyncset.done $0x0  }
0x6d: {  	s11 =	simm.s32 $0x1280;
	[sflag:s26] =	ssyncadd.s32 $0xFFFFC000  }
0x6e: {  	[spmem:s4] =	stream.indirect.scatter.add.f32 [tilespmem:s22], [sflag:$0x4], $0x80, s11, s20, $0xb8;
	[tilespmem:$0x1E000] =	vst v63  }
0x6f: {  	_ =	swait.ge [sflag:s29], $0x4000  }
0x70: {  	[sflag:s29] =	ssyncset.done $0x0  }
0x71: {  	s11 =	simm.s32 $0x380;
	[sflag:s29] =	ssyncadd.s32 $0xFFFFC000  }
0x72: {  	[tilespmem:s22], [sflag:$0x2] =	stream.indirect.gather [hbm4b:s3+s20], $0x80, s11, s20, $0xb8;
	[tilespmem:$0x1E000] =	vst v63  }
0x73: {  	_ =	swait.ge [sflag:s23], $0x4000  }
0x74: {  	[sflag:s23] =	ssyncset.done $0x0  }
0x75: {  	s11 =	simm.s32 $0x1300;
	[sflag:s23] =	ssyncadd.s32 $0xFFFFC000  }
0x76: {  	[spmem:s4] =	stream.indirect.scatter.add.f32 [tilespmem:s21], [sflag:$0x3], $0x80, s11, s20, $0xb8;
	[tilespmem:$0x1E000] =	vst v63  }
0x77: {  	_ =	swait.ge [sflag:s24], $0x4000  }
0x78: {  	[sflag:s24] =	ssyncset.done $0x0  }
0x79: {  	s11 =	simm.s32 $0x400;
	[sflag:s24] =	ssyncadd.s32 $0xFFFFC000  }
0x7a: {  	[tilespmem:s21], [sflag:$0x1] =	stream.indirect.gather [hbm4b:s3+s20], $0x80, s11, s20, $0xb8;
	[tilespmem:$0x1E000] =	vst v63  }
0x7b: {  	_ =	swait.ge [sflag:s26], $0x4000  }
0x7c: {  	[sflag:s26] =	ssyncset.done $0x0  }
0x7d: {  	s11 =	simm.s32 $0x1380;
	[sflag:s26] =	ssyncadd.s32 $0xFFFFC000  }
0x7e: {  	[spmem:s4] =	stream.indirect.scatter.add.f32 [tilespmem:s22], [sflag:$0x4], $0x80, s11, s20, $0xb8;
	[tilespmem:$0x1E000] =	vst v63  }
0x7f: {  	_ =	swait.ge [sflag:s29], $0x4000  }
0x80: {  	[sflag:s29] =	ssyncset.done $0x0  }
0x81: {  	s11 =	simm.s32 $0x480;
	[sflag:s29] =	ssyncadd.s32 $0xFFFFC000  }
0x82: {  	[tilespmem:s22], [sflag:$0x2] =	stream.indirect.gather [hbm4b:s3+s20], $0x80, s11, s20, $0xb8;
	[tilespmem:$0x1E000] =	vst v63  }
0x83: {  	_ =	swait.ge [sflag:s23], $0x4000  }
0x84: {  	[sflag:s23] =	ssyncset.done $0x0  }
0x85: {  	s11 =	simm.s32 $0x1400;
	[sflag:s23] =	ssyncadd.s32 $0xFFFFC000  }
0x86: {  	[spmem:s4] =	stream.indirect.scatter.add.f32 [tilespmem:s21], [sflag:$0x3], $0x80, s11, s20, $0xb8;
	[tilespmem:$0x1E000] =	vst v63  }
0x87: {  	_ =	swait.ge [sflag:s24], $0x4000  }
0x88: {  	[sflag:s24] =	ssyncset.done $0x0  }
0x89: {  	s11 =	simm.s32 $0x500;
	[sflag:s24] =	ssyncadd.s32 $0xFFFFC000  }
0x8a: {  	[tilespmem:s21], [sflag:$0x1] =	stream.indirect.gather [hbm4b:s3+s20], $0x80, s11, s20, $0xb8;
	[tilespmem:$0x1E000] =	vst v63  }
0x8b: {  	_ =	swait.ge [sflag:s26], $0x4000  }
0x8c: {  	[sflag:s26] =	ssyncset.done $0x0  }
0x8d: {  	s11 =	simm.s32 $0x1480;
	[sflag:s26] =	ssyncadd.s32 $0xFFFFC000  }
0x8e: {  	[spmem:s4] =	stream.indirect.scatter.add.f32 [tilespmem:s22], [sflag:$0x4], $0x80, s11, s20, $0xb8;
	[tilespmem:$0x1E000] =	vst v63  }
0x8f: {  	_ =	swait.ge [sflag:s29], $0x4000  }
0x90: {  	[sflag:s29] =	ssyncset.done $0x0  }
0x91: {  	s11 =	simm.s32 $0x580;
	[sflag:s29] =	ssyncadd.s32 $0xFFFFC000  }
0x92: {  	[tilespmem:s22], [sflag:$0x2] =	stream.indirect.gather [hbm4b:s3+s20], $0x80, s11, s20, $0xb8;
	[tilespmem:$0x1E000] =	vst v63  }
0x93: {  	_ =	swait.ge [sflag:s23], $0x4000  }
0x94: {  	[sflag:s23] =	ssyncset.done $0x0  }
0x95: {  	s11 =	simm.s32 $0x1500;
	[sflag:s23] =	ssyncadd.s32 $0xFFFFC000  }
0x96: {  	[spmem:s4] =	stream.indirect.scatter.add.f32 [tilespmem:s21], [sflag:$0x3], $0x80, s11, s20, $0xb8;
	[tilespmem:$0x1E000] =	vst v63  }
0x97: {  	_ =	swait.ge [sflag:s24], $0x4000  }
0x98: {  	[sflag:s24] =	ssyncset.done $0x0  }
0x99: {  	s11 =	simm.s32 $0x600;
	[sflag:s24] =	ssyncadd.s32 $0xFFFFC000  }
0x9a: {  	[tilespmem:s21], [sflag:$0x1] =	stream.indirect.gather [hbm4b:s3+s20], $0x80, s11, s20, $0xb8;
	[tilespmem:$0x1E000] =	vst v63  }
0x9b: {  	_ =	swait.ge [sflag:s26], $0x4000  }
0x9c: {  	[sflag:s26] =	ssyncset.done $0x0  }
0x9d: {  	s11 =	simm.s32 $0x1580;
	[sflag:s26] =	ssyncadd.s32 $0xFFFFC000  }
0x9e: {  	[spmem:s4] =	stream.indirect.scatter.add.f32 [tilespmem:s22], [sflag:$0x4], $0x80, s11, s20, $0xb8;
	[tilespmem:$0x1E000] =	vst v63  }
0x9f: {  	_ =	swait.ge [sflag:s29], $0x4000  }
0xa0: {  	[sflag:s29] =	ssyncset.done $0x0  }
0xa1: {  	s11 =	simm.s32 $0x680;
	[sflag:s29] =	ssyncadd.s32 $0xFFFFC000  }
0xa2: {  	[tilespmem:s22], [sflag:$0x2] =	stream.indirect.gather [hbm4b:s3+s20], $0x80, s11, s20, $0xb8;
	[tilespmem:$0x1E000] =	vst v63  }
0xa3: {  	_ =	swait.ge [sflag:s23], $0x4000  }
0xa4: {  	[sflag:s23] =	ssyncset.done $0x0  }
0xa5: {  	s11 =	simm.s32 $0x1600;
	[sflag:s23] =	ssyncadd.s32 $0xFFFFC000  }
0xa6: {  	[spmem:s4] =	stream.indirect.scatter.add.f32 [tilespmem:s21], [sflag:$0x3], $0x80, s11, s20, $0xb8;
	[tilespmem:$0x1E000] =	vst v63  }
0xa7: {  	_ =	swait.ge [sflag:s24], $0x4000  }
0xa8: {  	[sflag:s24] =	ssyncset.done $0x0  }
0xa9: {  	s11 =	simm.s32 $0x700;
	[sflag:s24] =	ssyncadd.s32 $0xFFFFC000  }
0xaa: {  	[tilespmem:s21], [sflag:$0x1] =	stream.indirect.gather [hbm4b:s3+s20], $0x80, s11, s20, $0xb8;
	[tilespmem:$0x1E000] =	vst v63  }
0xab: {  	_ =	swait.ge [sflag:s26], $0x4000  }
0xac: {  	[sflag:s26] =	ssyncset.done $0x0  }
0xad: {  	s11 =	simm.s32 $0x1680;
	[sflag:s26] =	ssyncadd.s32 $0xFFFFC000  }
0xae: {  	[spmem:s4] =	stream.indirect.scatter.add.f32 [tilespmem:s22], [sflag:$0x4], $0x80, s11, s20, $0xb8;
	[tilespmem:$0x1E000] =	vst v63  }
0xaf: {  	_ =	swait.ge [sflag:s29], $0x4000  }
0xb0: {  	[sflag:s29] =	ssyncset.done $0x0  }
0xb1: {  	s11 =	simm.s32 $0x780;
	[sflag:s29] =	ssyncadd.s32 $0xFFFFC000  }
0xb2: {  	[tilespmem:s22], [sflag:$0x2] =	stream.indirect.gather [hbm4b:s3+s20], $0x80, s11, s20, $0xb8;
	[tilespmem:$0x1E000] =	vst v63  }
0xb3: {  	_ =	swait.ge [sflag:s23], $0x4000  }
0xb4: {  	[sflag:s23] =	ssyncset.done $0x0  }
0xb5: {  	s11 =	simm.s32 $0x1700;
	[sflag:s23] =	ssyncadd.s32 $0xFFFFC000  }
0xb6: {  	[spmem:s4] =	stream.indirect.scatter.add.f32 [tilespmem:s21], [sflag:$0x3], $0x80, s11, s20, $0xb8;
	[tilespmem:$0x1E000] =	vst v63  }
0xb7: {  	_ =	swait.ge [sflag:s25], $0x800  }
0xb8: {  	[sflag:s25] =	ssyncset.done $0x0  }
0xb9: {  	[sflag:s25] =	ssyncadd.s32 $0xFFFFF800  }
0xba: {  	_ =	swait.ge [sflag:s25], $0x800  }
0xbb: {  	[sflag:s25] =	ssyncset.done $0x0  }
0xbc: {  	[sflag:s25] =	ssyncadd.s32 $0xFFFFF800  }
0xbd: {  	_ =	swait.ge [sflag:s24], $0x4000  }
0xbe: {  	[sflag:s24] =	ssyncset.done $0x0  }
0xbf: {  	[sflag:s24] =	ssyncadd.s32 $0xFFFFC000  }
0xc0: {  	[tilespmem:s21], [sflag:$0x1] =	stream.indirect.gather [hbm4b:s3+s20], $0x80, s18, s20, $0xb8;
	[tilespmem:$0x1E000] =	vst v63  }
0xc1: {  	_ =	swait.ge [sflag:s26], $0x4000  }
0xc2: {  	[sflag:s26] =	ssyncset.done $0x0  }
0xc3: {  	s11 =	simm.s32 $0x1780;
	[sflag:s26] =	ssyncadd.s32 $0xFFFFC000  }
0xc4: {  	[spmem:s4] =	stream.indirect.scatter.add.f32 [tilespmem:s22], [sflag:$0x4], $0x80, s11, s20, $0xb8;
	[tilespmem:$0x1E000] =	vst v63  }
0xc5: {  	_ =	swait.ge [sflag:s29], $0x4000  }
0xc6: {  	[sflag:s29] =	ssyncset.done $0x0  }
0xc7: {  	s11 =	simm.s32 $0x880;
	[sflag:s29] =	ssyncadd.s32 $0xFFFFC000  }
0xc8: {  	[tilespmem:s22], [sflag:$0x2] =	stream.indirect.gather [hbm4b:s3+s20], $0x80, s11, s20, $0xb8;
	[tilespmem:$0x1E000] =	vst v63  }
0xc9: {  	_ =	swait.ge [sflag:s23], $0x4000  }
0xca: {  	[sflag:s23] =	ssyncset.done $0x0  }
0xcb: {  	[sflag:s23] =	ssyncadd.s32 $0xFFFFC000  }
0xcc: {  	[spmem:s4] =	stream.indirect.scatter.add.f32 [tilespmem:s21], [sflag:$0x3], $0x80, s19, s20, $0xb8;
	[tilespmem:$0x1E000] =	vst v63  }
0xcd: {  	_ =	swait.ge [sflag:s24], $0x4000  }
0xce: {  	[sflag:s24] =	ssyncset.done $0x0  }
0xcf: {  	s11 =	simm.s32 $0x900;
	[sflag:s24] =	ssyncadd.s32 $0xFFFFC000  }
0xd0: {  	[tilespmem:s21], [sflag:$0x1] =	stream.indirect.gather [hbm4b:s3+s20], $0x80, s11, s20, $0xb8;
	[tilespmem:$0x1E000] =	vst v63  }
0xd1: {  	_ =	swait.ge [sflag:s26], $0x4000  }
0xd2: {  	[sflag:s26] =	ssyncset.done $0x0  }
0xd3: {  	s11 =	simm.s32 $0x1880;
	[sflag:s26] =	ssyncadd.s32 $0xFFFFC000  }
0xd4: {  	[spmem:s4] =	stream.indirect.scatter.add.f32 [tilespmem:s22], [sflag:$0x4], $0x80, s11, s20, $0xb8;
	[tilespmem:$0x1E000] =	vst v63  }
0xd5: {  	s6 =	sadd.s32 $0xC00, s6  }
0xd6: {  	[tilespmem:s5], [sflag:$0x5] =	stream.linear.gather [hbm4b:s6+s5], $0x800, $0x38;
	[tilespmem:$0x1E000] =	vst v63  }
0xd7: {  	s11 =	sadd.s32 $0xC00, s7  }
0xd8: {  	[tilespmem:s14], [sflag:$0x5] =	stream.linear.gather [hbm4b:s11+s5], $0x800, $0x38;
	[tilespmem:$0x1E000] =	vst v63  }
0xd9: {  	_ =	swait.ge [sflag:s29], $0x4000  }
0xda: {  	[sflag:s29] =	ssyncset.done $0x0  }
0xdb: {  	s7 =	simm.s32 $0x980;
	[sflag:s29] =	ssyncadd.s32 $0xFFFFC000  }
0xdc: {  	[tilespmem:s22], [sflag:$0x2] =	stream.indirect.gather [hbm4b:s3+s20], $0x80, s7, s20, $0xb8;
	[tilespmem:$0x1E000] =	vst v63  }
0xdd: {  	_ =	swait.ge [sflag:s23], $0x4000  }
0xde: {  	[sflag:s23] =	ssyncset.done $0x0  }
0xdf: {  	s8 =	simm.s32 $0x1900;
	[sflag:s23] =	ssyncadd.s32 $0xFFFFC000  }
0xe0: {  	[spmem:s4] =	stream.indirect.scatter.add.f32 [tilespmem:s21], [sflag:$0x3], $0x80, s8, s20, $0xb8;
	[tilespmem:$0x1E000] =	vst v63  }
0xe1: {  	_ =	swait.ge [sflag:s24], $0x4000  }
0xe2: {  	[sflag:s24] =	ssyncset.done $0x0  }
0xe3: {  	s11 =	simm.s32 $0xA00;
	[sflag:s24] =	ssyncadd.s32 $0xFFFFC000  }
0xe4: {  	[tilespmem:s21], [sflag:$0x1] =	stream.indirect.gather [hbm4b:s3+s20], $0x80, s11, s20, $0xb8;
	[tilespmem:$0x1E000] =	vst v63  }
0xe5: {  	_ =	swait.ge [sflag:s26], $0x4000  }
0xe6: {  	[sflag:s26] =	ssyncset.done $0x0  }
0xe7: {  	s7 =	simm.s32 $0x1980;
	[sflag:s26] =	ssyncadd.s32 $0xFFFFC000  }
0xe8: {  	[spmem:s4] =	stream.indirect.scatter.add.f32 [tilespmem:s22], [sflag:$0x4], $0x80, s7, s20, $0xb8;
	[tilespmem:$0x1E000] =	vst v63  }
0xe9: {  	_ =	swait.ge [sflag:s29], $0x4000  }
0xea: {  	[sflag:s29] =	ssyncset.done $0x0  }
0xeb: {  	s8 =	simm.s32 $0xA80;
	[sflag:s29] =	ssyncadd.s32 $0xFFFFC000  }
0xec: {  	[tilespmem:s22], [sflag:$0x2] =	stream.indirect.gather [hbm4b:s3+s20], $0x80, s8, s20, $0xb8;
	[tilespmem:$0x1E000] =	vst v63  }
0xed: {  	_ =	swait.ge [sflag:s23], $0x4000  }
0xee: {  	[sflag:s23] =	ssyncset.done $0x0  }
0xef: {  	s11 =	simm.s32 $0x1A00;
	[sflag:s23] =	ssyncadd.s32 $0xFFFFC000  }
0xf0: {  	[spmem:s4] =	stream.indirect.scatter.add.f32 [tilespmem:s21], [sflag:$0x3], $0x80, s11, s20, $0xb8;
	[tilespmem:$0x1E000] =	vst v63  }
0xf1: {  	_ =	swait.ge [sflag:s24], $0x4000  }
0xf2: {  	[sflag:s24] =	ssyncset.done $0x0  }
0xf3: {  	s7 =	simm.s32 $0xB00;
	[sflag:s24] =	ssyncadd.s32 $0xFFFFC000  }
0xf4: {  	[tilespmem:s21], [sflag:$0x1] =	stream.indirect.gather [hbm4b:s3+s20], $0x80, s7, s20, $0xb8;
	[tilespmem:$0x1E000] =	vst v63  }
0xf5: {  	_ =	swait.ge [sflag:s26], $0x4000  }
0xf6: {  	[sflag:s26] =	ssyncset.done $0x0  }
0xf7: {  	s8 =	simm.s32 $0x1A80;
	[sflag:s26] =	ssyncadd.s32 $0xFFFFC000  }
0xf8: {  	[spmem:s4] =	stream.indirect.scatter.add.f32 [tilespmem:s22], [sflag:$0x4], $0x80, s8, s20, $0xb8;
	[tilespmem:$0x1E000] =	vst v63  }
0xf9: {  	_ =	swait.ge [sflag:s29], $0x4000  }
0xfa: {  	[sflag:s29] =	ssyncset.done $0x0  }
0xfb: {  	s11 =	simm.s32 $0xB80;
	[sflag:s29] =	ssyncadd.s32 $0xFFFFC000  }
0xfc: {  	[tilespmem:s22], [sflag:$0x2] =	stream.indirect.gather [hbm4b:s3+s20], $0x80, s11, s20, $0xb8;
	[tilespmem:$0x1E000] =	vst v63  }
0xfd: {  	_ =	swait.ge [sflag:s23], $0x4000  }
0xfe: {  	[sflag:s23] =	ssyncset.done $0x0  }
0xff: {  	s7 =	simm.s32 $0x1B00;
	[sflag:s23] =	ssyncadd.s32 $0xFFFFC000  }
0x100: {  	[spmem:s4] =	stream.indirect.scatter.add.f32 [tilespmem:s21], [sflag:$0x3], $0x80, s7, s20, $0xb8;
	[tilespmem:$0x1E000] =	vst v63  }
0x101: {  	_ =	swait.ge [sflag:s24], $0x4000  }
0x102: {  	[sflag:s24] =	ssyncset.done $0x0  }
0x103: {  	s8 =	simm.s32 $0xC00;
	[sflag:s24] =	ssyncadd.s32 $0xFFFFC000  }
0x104: {  	[tilespmem:s21], [sflag:$0x1] =	stream.indirect.gather [hbm4b:s3+s20], $0x80, s8, s20, $0xb8;
	[tilespmem:$0x1E000] =	vst v63  }
0x105: {  	_ =	swait.ge [sflag:s26], $0x4000  }
0x106: {  	[sflag:s26] =	ssyncset.done $0x0  }
0x107: {  	s11 =	simm.s32 $0x1B80;
	[sflag:s26] =	ssyncadd.s32 $0xFFFFC000  }
0x108: {  	[spmem:s4] =	stream.indirect.scatter.add.f32 [tilespmem:s22], [sflag:$0x4], $0x80, s11, s20, $0xb8;
	[tilespmem:$0x1E000] =	vst v63  }
0x109: {  	_ =	swait.ge [sflag:s29], $0x4000  }
0x10a: {  	[sflag:s29] =	ssyncset.done $0x0  }
0x10b: {  	s7 =	simm.s32 $0xC80;
	[sflag:s29] =	ssyncadd.s32 $0xFFFFC000  }
0x10c: {  	[tilespmem:s22], [sflag:$0x2] =	stream.indirect.gather [hbm4b:s3+s20], $0x80, s7, s20, $0xb8;
	[tilespmem:$0x1E000] =	vst v63  }
0x10d: {  	_ =	swait.ge [sflag:s23], $0x4000  }
0x10e: {  	[sflag:s23] =	ssyncset.done $0x0  }
0x10f: {  	s8 =	simm.s32 $0x1C00;
	[sflag:s23] =	ssyncadd.s32 $0xFFFFC000  }
0x110: {  	[spmem:s4] =	stream.indirect.scatter.add.f32 [tilespmem:s21], [sflag:$0x3], $0x80, s8, s20, $0xb8;
	[tilespmem:$0x1E000] =	vst v63  }
0x111: {  	_ =	swait.ge [sflag:s24], $0x4000  }
0x112: {  	[sflag:s24] =	ssyncset.done $0x0  }
0x113: {  	s11 =	simm.s32 $0xD00;
	[sflag:s24] =	ssyncadd.s32 $0xFFFFC000  }
0x114: {  	[tilespmem:s21], [sflag:$0x1] =	stream.indirect.gather [hbm4b:s3+s20], $0x80, s11, s20, $0xb8;
	[tilespmem:$0x1E000] =	vst v63  }
0x115: {  	_ =	swait.ge [sflag:s26], $0x4000  }
0x116: {  	[sflag:s26] =	ssyncset.done $0x0  }
0x117: {  	s7 =	simm.s32 $0x1C80;
	[sflag:s26] =	ssyncadd.s32 $0xFFFFC000  }
0x118: {  	[spmem:s4] =	stream.indirect.scatter.add.f32 [tilespmem:s22], [sflag:$0x4], $0x80, s7, s20, $0xb8;
	[tilespmem:$0x1E000] =	vst v63  }
0x119: {  	_ =	swait.ge [sflag:s29], $0x4000  }
0x11a: {  	[sflag:s29] =	ssyncset.done $0x0  }
0x11b: {  	s8 =	simm.s32 $0xD80;
	[sflag:s29] =	ssyncadd.s32 $0xFFFFC000  }
0x11c: {  	[tilespmem:s22], [sflag:$0x2] =	stream.indirect.gather [hbm4b:s3+s20], $0x80, s8, s20, $0xb8;
	[tilespmem:$0x1E000] =	vst v63  }
0x11d: {  	_ =	swait.ge [sflag:s23], $0x4000  }
0x11e: {  	[sflag:s23] =	ssyncset.done $0x0  }
0x11f: {  	s11 =	simm.s32 $0x1D00;
	[sflag:s23] =	ssyncadd.s32 $0xFFFFC000  }
0x120: {  	[spmem:s4] =	stream.indirect.scatter.add.f32 [tilespmem:s21], [sflag:$0x3], $0x80, s11, s20, $0xb8;
	[tilespmem:$0x1E000] =	vst v63  }
0x121: {  	_ =	swait.ge [sflag:s24], $0x4000  }
0x122: {  	[sflag:s24] =	ssyncset.done $0x0  }
0x123: {  	[sflag:s24] =	ssyncadd.s32 $0xFFFFC000  }
0x124: {  	[tilespmem:s21], [sflag:$0x1] =	stream.indirect.gather [hbm4b:s3+s20], $0x80, s12, s20, $0xb8;
	[tilespmem:$0x1E000] =	vst v63  }
0x125: {  	_ =	swait.ge [sflag:s26], $0x4000  }
0x126: {  	[sflag:s26] =	ssyncset.done $0x0  }
0x127: {  	[sflag:s26] =	ssyncadd.s32 $0xFFFFC000  }
0x128: {  	[spmem:s4] =	stream.indirect.scatter.add.f32 [tilespmem:s22], [sflag:$0x4], $0x80, s13, s20, $0xb8;
	[tilespmem:$0x1E000] =	vst v63  }
0x129: {  	_ =	swait.ge [sflag:s29], $0x4000  }
0x12a: {  	[sflag:s29] =	ssyncset.done $0x0  }
0x12b: {  	[sflag:s29] =	ssyncadd.s32 $0xFFFFC000  }
0x12c: {  	[tilespmem:s22], [sflag:$0x2] =	stream.indirect.gather [hbm4b:s3+s20], $0x80, s15, s20, $0xb8;
	[tilespmem:$0x1E000] =	vst v63  }
0x12d: {  	_ =	swait.ge [sflag:s23], $0x4000  }
0x12e: {  	[sflag:s23] =	ssyncset.done $0x0  }
0x12f: {  	[sflag:s23] =	ssyncadd.s32 $0xFFFFC000  }
0x130: {  	[spmem:s4] =	stream.indirect.scatter.add.f32 [tilespmem:s21], [sflag:$0x3], $0x80, s16, s20, $0xb8;
	[tilespmem:$0x1E000] =	vst v63  }
0x131: {  	_ =	swait.ge [sflag:s24], $0x4000  }
0x132: {  	[sflag:s24] =	ssyncset.done $0x0  }
0x133: {  	[sflag:s24] =	ssyncadd.s32 $0xFFFFC000  }
0x134: {  	[tilespmem:s21], [sflag:$0x1] =	stream.indirect.gather [hbm4b:s3+s20], $0x80, s28, s20, $0xb8;
	[tilespmem:$0x1E000] =	vst v63  }
0x135: {  	_ =	swait.ge [sflag:s26], $0x4000  }
0x136: {  	[sflag:s26] =	ssyncset.done $0x0  }
0x137: {  	[sflag:s26] =	ssyncadd.s32 $0xFFFFC000  }
0x138: {  	[spmem:s4] =	stream.indirect.scatter.add.f32 [tilespmem:s22], [sflag:$0x4], $0x80, s30, s20, $0xb8;
	[tilespmem:$0x1E000] =	vst v63  }
0x139: {  	_ =	swait.ge [sflag:s29], $0x4000  }
0x13a: {  	[sflag:s29] =	ssyncset.done $0x0  }
0x13b: {  	[sflag:s29] =	ssyncadd.s32 $0xFFFFC000  }
0x13c: {  	[tilespmem:s22], [sflag:$0x2] =	stream.indirect.gather [hbm4b:s3+s20], $0x80, s31, s20, $0xb8;
	[tilespmem:$0x1E000] =	vst v63  }
0x13d: {  	_ =	swait.ge [sflag:s23], $0x4000  }
0x13e: {  	[sflag:s23] =	ssyncset.done $0x0  }
0x13f: {  	[sflag:s23] =	ssyncadd.s32 $0xFFFFC000  }
0x140: {  	[spmem:s4] =	stream.indirect.scatter.add.f32 [tilespmem:s21], [sflag:$0x3], $0x80, s0, s20, $0xb8;
	[tilespmem:$0x1E000] =	vst v63  }
0x141: {  	_ =	swait.ge [sflag:s26], $0x4000  }
0x142: {  	[sflag:s26] =	ssyncset.done $0x0  }
0x143: {  	[sflag:s26] =	ssyncadd.s32 $0xFFFFC000  }
0x144: {  	[spmem:s4] =	stream.indirect.scatter.add.f32 [tilespmem:s22], [sflag:$0x4], $0x80, s1, s20, $0xb8;
	[tilespmem:$0x1E000] =	vst v63  }
0x145: {  	_ =	swait.ge [sflag:s24], $0x4000  }
0x146: {  	[sflag:s24] =	ssyncset.done $0x0  }
0x147: {  	[sflag:s24] =	ssyncadd.s32 $0xFFFFC000  }
0x148: {  	_ =	swait.ge [sflag:s29], $0x4000  }
0x149: {  	s7 =	simm.s32 $0xFFFFF800;
	[sflag:s29] =	ssyncset.done $0x0  }
.LBB2_6:
0x14a: {  	p1 =	sne.s32 s7, $0xFFFFFE00  }
0x14b: {  	[sflag:s29] =	ssyncadd.s32 $0xFFFFC000;
	s8 =	smov.u32 s7;
	s7 =	sadd.s32 $0x200, s7  }
0x14c: {  	_ =	swait.ge [sflag:s17], $0x800  }
0x14d: {  	[sflag:s17] =	ssyncset.done $0x0  }
0x14e: {  	[sflag:s17] =	ssyncadd.s32 $0xFFFFF800  }
0x14f: {  	_ =	swait.ge [sflag:s17], $0x800  }
0x150: {  	s6 =	sadd.s32 s8, s9;
	[sflag:s17] =	ssyncset.done $0x0  }
0x151: {  	s8 =	sadd.s32 s8, s10;
	s11 =	sadd.s32 $0xB00, s6;
	[sflag:s17] =	ssyncadd.s32 $0xFFFFF800  }
0x152: {  	[tilespmem:s18], [sflag:$0x6] =	stream.linear.gather [hbm4b:s11+s5], $0x800, $0x38;
	[tilespmem:$0x1E000] =	vst v63  }
0x153: {  	s11 =	sadd.s32 $0xB00, s8  }
0x154: {  	[tilespmem:s19], [sflag:$0x6] =	stream.linear.gather [hbm4b:s11+s5], $0x800, $0x38;
	[tilespmem:$0x1E000] =	vst v63  }
0x155: {  	s11 =	simm.s32 $0x100;
	_ =	sdelay $0x1  }
0x156: {  	[tilespmem:s21], [sflag:$0x1] =	stream.indirect.gather [hbm4b:s3+s20], $0x80, s5, s20, $0xb8;
	[tilespmem:$0x1E000] =	vst v63  }
0x157: {  	_ = 	snop  }
0x158: {  	[tilespmem:s22], [sflag:$0x2] =	stream.indirect.gather [hbm4b:s3+s20], $0x80, s20, s20, $0xb8;
	[tilespmem:$0x1E000] =	vst v63  }
0x159: {  	_ =	swait.ge [sflag:s23], $0x4000  }
0x15a: {  	[sflag:s23] =	ssyncset.done $0x0  }
0x15b: {  	[sflag:s23] =	ssyncadd.s32 $0xFFFFC000  }
0x15c: {  	[spmem:s4] =	stream.indirect.scatter.add.f32 [tilespmem:s21], [sflag:$0x3], $0x80, s14, s20, $0xb8;
	[tilespmem:$0x1E000] =	vst v63  }
0x15d: {  	_ =	swait.ge [sflag:s24], $0x4000  }
0x15e: {  	[sflag:s24] =	ssyncset.done $0x0  }
0x15f: {  	[sflag:s24] =	ssyncadd.s32 $0xFFFFC000  }
0x160: {  	[tilespmem:s21], [sflag:$0x1] =	stream.indirect.gather [hbm4b:s3+s20], $0x80, s11, s20, $0xb8;
	[tilespmem:$0x1E000] =	vst v63  }
0x161: {  	s11 =	simm.s32 $0x1080  }
0x162: {  	_ =	swait.ge [sflag:s26], $0x4000  }
0x163: {  	[sflag:s26] =	ssyncset.done $0x0  }
0x164: {  	[sflag:s26] =	ssyncadd.s32 $0xFFFFC000  }
0x165: {  	[spmem:s4] =	stream.indirect.scatter.add.f32 [tilespmem:s22], [sflag:$0x4], $0x80, s11, s20, $0xb8;
	[tilespmem:$0x1E000] =	vst v63  }
0x166: {  	s11 =	simm.s32 $0x180  }
0x167: {  	_ =	swait.ge [sflag:s29], $0x4000  }
0x168: {  	[sflag:s29] =	ssyncset.done $0x0  }
0x169: {  	[sflag:s29] =	ssyncadd.s32 $0xFFFFC000  }
0x16a: {  	[tilespmem:s22], [sflag:$0x2] =	stream.indirect.gather [hbm4b:s3+s20], $0x80, s11, s20, $0xb8;
	[tilespmem:$0x1E000] =	vst v63  }
0x16b: {  	s11 =	simm.s32 $0x1100  }
0x16c: {  	_ =	swait.ge [sflag:s23], $0x4000  }
0x16d: {  	[sflag:s23] =	ssyncset.done $0x0  }
0x16e: {  	[sflag:s23] =	ssyncadd.s32 $0xFFFFC000  }
0x16f: {  	[spmem:s4] =	stream.indirect.scatter.add.f32 [tilespmem:s21], [sflag:$0x3], $0x80, s11, s20, $0xb8;
	[tilespmem:$0x1E000] =	vst v63  }
0x170: {  	s11 =	simm.s32 $0x200  }
0x171: {  	_ =	swait.ge [sflag:s24], $0x4000  }
0x172: {  	[sflag:s24] =	ssyncset.done $0x0  }
0x173: {  	[sflag:s24] =	ssyncadd.s32 $0xFFFFC000  }
0x174: {  	[tilespmem:s21], [sflag:$0x1] =	stream.indirect.gather [hbm4b:s3+s20], $0x80, s11, s20, $0xb8;
	[tilespmem:$0x1E000] =	vst v63  }
0x175: {  	s11 =	simm.s32 $0x1180  }
0x176: {  	_ =	swait.ge [sflag:s26], $0x4000  }
0x177: {  	[sflag:s26] =	ssyncset.done $0x0  }
0x178: {  	[sflag:s26] =	ssyncadd.s32 $0xFFFFC000  }
0x179: {  	[spmem:s4] =	stream.indirect.scatter.add.f32 [tilespmem:s22], [sflag:$0x4], $0x80, s11, s20, $0xb8;
	[tilespmem:$0x1E000] =	vst v63  }
0x17a: {  	s11 =	simm.s32 $0x280  }
0x17b: {  	_ =	swait.ge [sflag:s29], $0x4000  }
0x17c: {  	[sflag:s29] =	ssyncset.done $0x0  }
0x17d: {  	[sflag:s29] =	ssyncadd.s32 $0xFFFFC000  }
0x17e: {  	[tilespmem:s22], [sflag:$0x2] =	stream.indirect.gather [hbm4b:s3+s20], $0x80, s11, s20, $0xb8;
	[tilespmem:$0x1E000] =	vst v63  }
0x17f: {  	s11 =	simm.s32 $0x1200  }
0x180: {  	_ =	swait.ge [sflag:s23], $0x4000  }
0x181: {  	[sflag:s23] =	ssyncset.done $0x0  }
0x182: {  	[sflag:s23] =	ssyncadd.s32 $0xFFFFC000  }
0x183: {  	[spmem:s4] =	stream.indirect.scatter.add.f32 [tilespmem:s21], [sflag:$0x3], $0x80, s11, s20, $0xb8;
	[tilespmem:$0x1E000] =	vst v63  }
0x184: {  	s11 =	simm.s32 $0x300  }
0x185: {  	_ =	swait.ge [sflag:s24], $0x4000  }
0x186: {  	[sflag:s24] =	ssyncset.done $0x0  }
0x187: {  	[sflag:s24] =	ssyncadd.s32 $0xFFFFC000  }
0x188: {  	[tilespmem:s21], [sflag:$0x1] =	stream.indirect.gather [hbm4b:s3+s20], $0x80, s11, s20, $0xb8;
	[tilespmem:$0x1E000] =	vst v63  }
0x189: {  	s11 =	simm.s32 $0x1280  }
0x18a: {  	_ =	swait.ge [sflag:s26], $0x4000  }
0x18b: {  	[sflag:s26] =	ssyncset.done $0x0  }
0x18c: {  	[sflag:s26] =	ssyncadd.s32 $0xFFFFC000  }
0x18d: {  	[spmem:s4] =	stream.indirect.scatter.add.f32 [tilespmem:s22], [sflag:$0x4], $0x80, s11, s20, $0xb8;
	[tilespmem:$0x1E000] =	vst v63  }
0x18e: {  	s11 =	simm.s32 $0x380  }
0x18f: {  	_ =	swait.ge [sflag:s29], $0x4000  }
0x190: {  	[sflag:s29] =	ssyncset.done $0x0  }
0x191: {  	[sflag:s29] =	ssyncadd.s32 $0xFFFFC000  }
0x192: {  	[tilespmem:s22], [sflag:$0x2] =	stream.indirect.gather [hbm4b:s3+s20], $0x80, s11, s20, $0xb8;
	[tilespmem:$0x1E000] =	vst v63  }
0x193: {  	s11 =	simm.s32 $0x1300  }
0x194: {  	_ =	swait.ge [sflag:s23], $0x4000  }
0x195: {  	[sflag:s23] =	ssyncset.done $0x0  }
0x196: {  	[sflag:s23] =	ssyncadd.s32 $0xFFFFC000  }
0x197: {  	[spmem:s4] =	stream.indirect.scatter.add.f32 [tilespmem:s21], [sflag:$0x3], $0x80, s11, s20, $0xb8;
	[tilespmem:$0x1E000] =	vst v63  }
0x198: {  	s11 =	simm.s32 $0x400  }
0x199: {  	_ =	swait.ge [sflag:s24], $0x4000  }
0x19a: {  	[sflag:s24] =	ssyncset.done $0x0  }
0x19b: {  	[sflag:s24] =	ssyncadd.s32 $0xFFFFC000  }
0x19c: {  	[tilespmem:s21], [sflag:$0x1] =	stream.indirect.gather [hbm4b:s3+s20], $0x80, s11, s20, $0xb8;
	[tilespmem:$0x1E000] =	vst v63  }
0x19d: {  	s11 =	simm.s32 $0x1380  }
0x19e: {  	_ =	swait.ge [sflag:s26], $0x4000  }
0x19f: {  	[sflag:s26] =	ssyncset.done $0x0  }
0x1a0: {  	[sflag:s26] =	ssyncadd.s32 $0xFFFFC000  }
0x1a1: {  	[spmem:s4] =	stream.indirect.scatter.add.f32 [tilespmem:s22], [sflag:$0x4], $0x80, s11, s20, $0xb8;
	[tilespmem:$0x1E000] =	vst v63  }
0x1a2: {  	s11 =	simm.s32 $0x480  }
0x1a3: {  	_ =	swait.ge [sflag:s29], $0x4000  }
0x1a4: {  	[sflag:s29] =	ssyncset.done $0x0  }
0x1a5: {  	[sflag:s29] =	ssyncadd.s32 $0xFFFFC000  }
0x1a6: {  	[tilespmem:s22], [sflag:$0x2] =	stream.indirect.gather [hbm4b:s3+s20], $0x80, s11, s20, $0xb8;
	[tilespmem:$0x1E000] =	vst v63  }
0x1a7: {  	s11 =	simm.s32 $0x1400  }
0x1a8: {  	_ =	swait.ge [sflag:s23], $0x4000  }
0x1a9: {  	[sflag:s23] =	ssyncset.done $0x0  }
0x1aa: {  	[sflag:s23] =	ssyncadd.s32 $0xFFFFC000  }
0x1ab: {  	[spmem:s4] =	stream.indirect.scatter.add.f32 [tilespmem:s21], [sflag:$0x3], $0x80, s11, s20, $0xb8;
	[tilespmem:$0x1E000] =	vst v63  }
0x1ac: {  	s11 =	simm.s32 $0x500  }
0x1ad: {  	_ =	swait.ge [sflag:s24], $0x4000  }
0x1ae: {  	[sflag:s24] =	ssyncset.done $0x0  }
0x1af: {  	[sflag:s24] =	ssyncadd.s32 $0xFFFFC000  }
0x1b0: {  	[tilespmem:s21], [sflag:$0x1] =	stream.indirect.gather [hbm4b:s3+s20], $0x80, s11, s20, $0xb8;
	[tilespmem:$0x1E000] =	vst v63  }
0x1b1: {  	s11 =	simm.s32 $0x1480  }
0x1b2: {  	_ =	swait.ge [sflag:s26], $0x4000  }
0x1b3: {  	[sflag:s26] =	ssyncset.done $0x0  }
0x1b4: {  	[sflag:s26] =	ssyncadd.s32 $0xFFFFC000  }
0x1b5: {  	[spmem:s4] =	stream.indirect.scatter.add.f32 [tilespmem:s22], [sflag:$0x4], $0x80, s11, s20, $0xb8;
	[tilespmem:$0x1E000] =	vst v63  }
0x1b6: {  	s11 =	simm.s32 $0x580  }
0x1b7: {  	_ =	swait.ge [sflag:s29], $0x4000  }
0x1b8: {  	[sflag:s29] =	ssyncset.done $0x0  }
0x1b9: {  	[sflag:s29] =	ssyncadd.s32 $0xFFFFC000  }
0x1ba: {  	[tilespmem:s22], [sflag:$0x2] =	stream.indirect.gather [hbm4b:s3+s20], $0x80, s11, s20, $0xb8;
	[tilespmem:$0x1E000] =	vst v63  }
0x1bb: {  	s11 =	simm.s32 $0x1500  }
0x1bc: {  	_ =	swait.ge [sflag:s23], $0x4000  }
0x1bd: {  	[sflag:s23] =	ssyncset.done $0x0  }
0x1be: {  	[sflag:s23] =	ssyncadd.s32 $0xFFFFC000  }
0x1bf: {  	[spmem:s4] =	stream.indirect.scatter.add.f32 [tilespmem:s21], [sflag:$0x3], $0x80, s11, s20, $0xb8;
	[tilespmem:$0x1E000] =	vst v63  }
0x1c0: {  	s11 =	simm.s32 $0x600  }
0x1c1: {  	_ =	swait.ge [sflag:s24], $0x4000  }
0x1c2: {  	[sflag:s24] =	ssyncset.done $0x0  }
0x1c3: {  	[sflag:s24] =	ssyncadd.s32 $0xFFFFC000  }
0x1c4: {  	[tilespmem:s21], [sflag:$0x1] =	stream.indirect.gather [hbm4b:s3+s20], $0x80, s11, s20, $0xb8;
	[tilespmem:$0x1E000] =	vst v63  }
0x1c5: {  	s11 =	simm.s32 $0x1580  }
0x1c6: {  	_ =	swait.ge [sflag:s26], $0x4000  }
0x1c7: {  	[sflag:s26] =	ssyncset.done $0x0  }
0x1c8: {  	[sflag:s26] =	ssyncadd.s32 $0xFFFFC000  }
0x1c9: {  	[spmem:s4] =	stream.indirect.scatter.add.f32 [tilespmem:s22], [sflag:$0x4], $0x80, s11, s20, $0xb8;
	[tilespmem:$0x1E000] =	vst v63  }
0x1ca: {  	s11 =	simm.s32 $0x680  }
0x1cb: {  	_ =	swait.ge [sflag:s29], $0x4000  }
0x1cc: {  	[sflag:s29] =	ssyncset.done $0x0  }
0x1cd: {  	[sflag:s29] =	ssyncadd.s32 $0xFFFFC000  }
0x1ce: {  	[tilespmem:s22], [sflag:$0x2] =	stream.indirect.gather [hbm4b:s3+s20], $0x80, s11, s20, $0xb8;
	[tilespmem:$0x1E000] =	vst v63  }
0x1cf: {  	s11 =	simm.s32 $0x1600  }
0x1d0: {  	_ =	swait.ge [sflag:s23], $0x4000  }
0x1d1: {  	[sflag:s23] =	ssyncset.done $0x0  }
0x1d2: {  	[sflag:s23] =	ssyncadd.s32 $0xFFFFC000  }
0x1d3: {  	[spmem:s4] =	stream.indirect.scatter.add.f32 [tilespmem:s21], [sflag:$0x3], $0x80, s11, s20, $0xb8;
	[tilespmem:$0x1E000] =	vst v63  }
0x1d4: {  	s11 =	simm.s32 $0x700  }
0x1d5: {  	_ =	swait.ge [sflag:s24], $0x4000  }
0x1d6: {  	[sflag:s24] =	ssyncset.done $0x0  }
0x1d7: {  	[sflag:s24] =	ssyncadd.s32 $0xFFFFC000  }
0x1d8: {  	[tilespmem:s21], [sflag:$0x1] =	stream.indirect.gather [hbm4b:s3+s20], $0x80, s11, s20, $0xb8;
	[tilespmem:$0x1E000] =	vst v63  }
0x1d9: {  	s11 =	simm.s32 $0x1680  }
0x1da: {  	_ =	swait.ge [sflag:s26], $0x4000  }
0x1db: {  	[sflag:s26] =	ssyncset.done $0x0  }
0x1dc: {  	[sflag:s26] =	ssyncadd.s32 $0xFFFFC000  }
0x1dd: {  	[spmem:s4] =	stream.indirect.scatter.add.f32 [tilespmem:s22], [sflag:$0x4], $0x80, s11, s20, $0xb8;
	[tilespmem:$0x1E000] =	vst v63  }
0x1de: {  	s11 =	simm.s32 $0x780  }
0x1df: {  	_ =	swait.ge [sflag:s29], $0x4000  }
0x1e0: {  	[sflag:s29] =	ssyncset.done $0x0  }
0x1e1: {  	[sflag:s29] =	ssyncadd.s32 $0xFFFFC000  }
0x1e2: {  	[tilespmem:s22], [sflag:$0x2] =	stream.indirect.gather [hbm4b:s3+s20], $0x80, s11, s20, $0xb8;
	[tilespmem:$0x1E000] =	vst v63  }
0x1e3: {  	s11 =	simm.s32 $0x1700  }
0x1e4: {  	_ =	swait.ge [sflag:s23], $0x4000  }
0x1e5: {  	[sflag:s23] =	ssyncset.done $0x0  }
0x1e6: {  	[sflag:s23] =	ssyncadd.s32 $0xFFFFC000  }
0x1e7: {  	[spmem:s4] =	stream.indirect.scatter.add.f32 [tilespmem:s21], [sflag:$0x3], $0x80, s11, s20, $0xb8;
	[tilespmem:$0x1E000] =	vst v63  }
0x1e8: {  	s11 =	simm.s32 $0x1780  }
0x1e9: {  	_ =	swait.ge [sflag:s25], $0x800  }
0x1ea: {  	[sflag:s25] =	ssyncset.done $0x0  }
0x1eb: {  	[sflag:s25] =	ssyncadd.s32 $0xFFFFF800  }
0x1ec: {  	_ =	swait.ge [sflag:s25], $0x800  }
0x1ed: {  	[sflag:s25] =	ssyncset.done $0x0  }
0x1ee: {  	[sflag:s25] =	ssyncadd.s32 $0xFFFFF800  }
0x1ef: {  	_ =	swait.ge [sflag:s24], $0x4000  }
0x1f0: {  	[sflag:s24] =	ssyncset.done $0x0  }
0x1f1: {  	[sflag:s24] =	ssyncadd.s32 $0xFFFFC000  }
0x1f2: {  	[tilespmem:s21], [sflag:$0x1] =	stream.indirect.gather [hbm4b:s3+s20], $0x80, s18, s20, $0xb8;
	[tilespmem:$0x1E000] =	vst v63  }
0x1f3: {  	_ =	swait.ge [sflag:s26], $0x4000  }
0x1f4: {  	[sflag:s26] =	ssyncset.done $0x0  }
0x1f5: {  	[sflag:s26] =	ssyncadd.s32 $0xFFFFC000  }
0x1f6: {  	[spmem:s4] =	stream.indirect.scatter.add.f32 [tilespmem:s22], [sflag:$0x4], $0x80, s11, s20, $0xb8;
	[tilespmem:$0x1E000] =	vst v63  }
0x1f7: {  	s11 =	simm.s32 $0x880  }
0x1f8: {  	_ =	swait.ge [sflag:s29], $0x4000  }
0x1f9: {  	[sflag:s29] =	ssyncset.done $0x0  }
0x1fa: {  	[sflag:s29] =	ssyncadd.s32 $0xFFFFC000  }
0x1fb: {  	[tilespmem:s22], [sflag:$0x2] =	stream.indirect.gather [hbm4b:s3+s20], $0x80, s11, s20, $0xb8;
	[tilespmem:$0x1E000] =	vst v63  }
0x1fc: {  	s11 =	simm.s32 $0x900  }
0x1fd: {  	_ =	swait.ge [sflag:s23], $0x4000  }
0x1fe: {  	[sflag:s23] =	ssyncset.done $0x0  }
0x1ff: {  	[sflag:s23] =	ssyncadd.s32 $0xFFFFC000  }
0x200: {  	[spmem:s4] =	stream.indirect.scatter.add.f32 [tilespmem:s21], [sflag:$0x3], $0x80, s19, s20, $0xb8;
	[tilespmem:$0x1E000] =	vst v63  }
0x201: {  	_ =	swait.ge [sflag:s24], $0x4000  }
0x202: {  	[sflag:s24] =	ssyncset.done $0x0  }
0x203: {  	[sflag:s24] =	ssyncadd.s32 $0xFFFFC000  }
0x204: {  	[tilespmem:s21], [sflag:$0x1] =	stream.indirect.gather [hbm4b:s3+s20], $0x80, s11, s20, $0xb8;
	[tilespmem:$0x1E000] =	vst v63  }
0x205: {  	s11 =	simm.s32 $0x1880  }
0x206: {  	_ =	swait.ge [sflag:s26], $0x4000  }
0x207: {  	[sflag:s26] =	ssyncset.done $0x0  }
0x208: {  	[sflag:s26] =	ssyncadd.s32 $0xFFFFC000  }
0x209: {  	[spmem:s4] =	stream.indirect.scatter.add.f32 [tilespmem:s22], [sflag:$0x4], $0x80, s11, s20, $0xb8;
	[tilespmem:$0x1E000] =	vst v63  }
0x20a: {  	s11 =	simm.s32 $0x980  }
0x20b: {  	s6 =	sadd.s32 $0xC00, s6  }
0x20c: {  	[tilespmem:s5], [sflag:$0x5] =	stream.linear.gather [hbm4b:s6+s5], $0x800, $0x38;
	[tilespmem:$0x1E000] =	vst v63  }
0x20d: {  	s6 =	sadd.s32 $0xC00, s8  }
0x20e: {  	[tilespmem:s14], [sflag:$0x5] =	stream.linear.gather [hbm4b:s6+s5], $0x800, $0x38;
	[tilespmem:$0x1E000] =	vst v63  }
0x20f: {  	_ =	swait.ge [sflag:s29], $0x4000  }
0x210: {  	[sflag:s29] =	ssyncset.done $0x0  }
0x211: {  	[sflag:s29] =	ssyncadd.s32 $0xFFFFC000  }
0x212: {  	[tilespmem:s22], [sflag:$0x2] =	stream.indirect.gather [hbm4b:s3+s20], $0x80, s11, s20, $0xb8;
	[tilespmem:$0x1E000] =	vst v63  }
0x213: {  	s8 =	simm.s32 $0xA00;
	s6 =	simm.s32 $0x1900;
	s11 =	simm.s32 $0x1980  }
0x214: {  	_ =	swait.ge [sflag:s23], $0x4000  }
0x215: {  	[sflag:s23] =	ssyncset.done $0x0  }
0x216: {  	[sflag:s23] =	ssyncadd.s32 $0xFFFFC000  }
0x217: {  	[spmem:s4] =	stream.indirect.scatter.add.f32 [tilespmem:s21], [sflag:$0x3], $0x80, s6, s20, $0xb8;
	[tilespmem:$0x1E000] =	vst v63  }
0x218: {  	_ =	swait.ge [sflag:s24], $0x4000  }
0x219: {  	[sflag:s24] =	ssyncset.done $0x0  }
0x21a: {  	[sflag:s24] =	ssyncadd.s32 $0xFFFFC000  }
0x21b: {  	[tilespmem:s21], [sflag:$0x1] =	stream.indirect.gather [hbm4b:s3+s20], $0x80, s8, s20, $0xb8;
	[tilespmem:$0x1E000] =	vst v63  }
0x21c: {  	_ =	swait.ge [sflag:s26], $0x4000  }
0x21d: {  	[sflag:s26] =	ssyncset.done $0x0  }
0x21e: {  	[sflag:s26] =	ssyncadd.s32 $0xFFFFC000  }
0x21f: {  	[spmem:s4] =	stream.indirect.scatter.add.f32 [tilespmem:s22], [sflag:$0x4], $0x80, s11, s20, $0xb8;
	[tilespmem:$0x1E000] =	vst v63  }
0x220: {  	s6 =	simm.s32 $0xA80;
	s8 =	simm.s32 $0x1A00;
	s11 =	simm.s32 $0xB00  }
0x221: {  	_ =	swait.ge [sflag:s29], $0x4000  }
0x222: {  	[sflag:s29] =	ssyncset.done $0x0  }
0x223: {  	[sflag:s29] =	ssyncadd.s32 $0xFFFFC000  }
0x224: {  	[tilespmem:s22], [sflag:$0x2] =	stream.indirect.gather [hbm4b:s3+s20], $0x80, s6, s20, $0xb8;
	[tilespmem:$0x1E000] =	vst v63  }
0x225: {  	_ =	swait.ge [sflag:s23], $0x4000  }
0x226: {  	[sflag:s23] =	ssyncset.done $0x0  }
0x227: {  	[sflag:s23] =	ssyncadd.s32 $0xFFFFC000  }
0x228: {  	[spmem:s4] =	stream.indirect.scatter.add.f32 [tilespmem:s21], [sflag:$0x3], $0x80, s8, s20, $0xb8;
	[tilespmem:$0x1E000] =	vst v63  }
0x229: {  	_ =	swait.ge [sflag:s24], $0x4000  }
0x22a: {  	[sflag:s24] =	ssyncset.done $0x0  }
0x22b: {  	[sflag:s24] =	ssyncadd.s32 $0xFFFFC000  }
0x22c: {  	[tilespmem:s21], [sflag:$0x1] =	stream.indirect.gather [hbm4b:s3+s20], $0x80, s11, s20, $0xb8;
	[tilespmem:$0x1E000] =	vst v63  }
0x22d: {  	s6 =	simm.s32 $0x1A80;
	s8 =	simm.s32 $0xB80;
	s11 =	simm.s32 $0x1B00  }
0x22e: {  	_ =	swait.ge [sflag:s26], $0x4000  }
0x22f: {  	[sflag:s26] =	ssyncset.done $0x0  }
0x230: {  	[sflag:s26] =	ssyncadd.s32 $0xFFFFC000  }
0x231: {  	[spmem:s4] =	stream.indirect.scatter.add.f32 [tilespmem:s22], [sflag:$0x4], $0x80, s6, s20, $0xb8;
	[tilespmem:$0x1E000] =	vst v63  }
0x232: {  	_ =	swait.ge [sflag:s29], $0x4000  }
0x233: {  	[sflag:s29] =	ssyncset.done $0x0  }
0x234: {  	[sflag:s29] =	ssyncadd.s32 $0xFFFFC000  }
0x235: {  	[tilespmem:s22], [sflag:$0x2] =	stream.indirect.gather [hbm4b:s3+s20], $0x80, s8, s20, $0xb8;
	[tilespmem:$0x1E000] =	vst v63  }
0x236: {  	_ =	swait.ge [sflag:s23], $0x4000  }
0x237: {  	[sflag:s23] =	ssyncset.done $0x0  }
0x238: {  	[sflag:s23] =	ssyncadd.s32 $0xFFFFC000  }
0x239: {  	[spmem:s4] =	stream.indirect.scatter.add.f32 [tilespmem:s21], [sflag:$0x3], $0x80, s11, s20, $0xb8;
	[tilespmem:$0x1E000] =	vst v63  }
0x23a: {  	s6 =	simm.s32 $0xC00;
	s8 =	simm.s32 $0x1B80;
	s11 =	simm.s32 $0xC80  }
0x23b: {  	_ =	swait.ge [sflag:s24], $0x4000  }
0x23c: {  	[sflag:s24] =	ssyncset.done $0x0  }
0x23d: {  	[sflag:s24] =	ssyncadd.s32 $0xFFFFC000  }
0x23e: {  	[tilespmem:s21], [sflag:$0x1] =	stream.indirect.gather [hbm4b:s3+s20], $0x80, s6, s20, $0xb8;
	[tilespmem:$0x1E000] =	vst v63  }
0x23f: {  	_ =	swait.ge [sflag:s26], $0x4000  }
0x240: {  	[sflag:s26] =	ssyncset.done $0x0  }
0x241: {  	[sflag:s26] =	ssyncadd.s32 $0xFFFFC000  }
0x242: {  	[spmem:s4] =	stream.indirect.scatter.add.f32 [tilespmem:s22], [sflag:$0x4], $0x80, s8, s20, $0xb8;
	[tilespmem:$0x1E000] =	vst v63  }
0x243: {  	_ =	swait.ge [sflag:s29], $0x4000  }
0x244: {  	[sflag:s29] =	ssyncset.done $0x0  }
0x245: {  	[sflag:s29] =	ssyncadd.s32 $0xFFFFC000  }
0x246: {  	[tilespmem:s22], [sflag:$0x2] =	stream.indirect.gather [hbm4b:s3+s20], $0x80, s11, s20, $0xb8;
	[tilespmem:$0x1E000] =	vst v63  }
0x247: {  	s6 =	simm.s32 $0x1C00;
	s8 =	simm.s32 $0xD00;
	s11 =	simm.s32 $0x1C80  }
0x248: {  	_ =	swait.ge [sflag:s23], $0x4000  }
0x249: {  	[sflag:s23] =	ssyncset.done $0x0  }
0x24a: {  	[sflag:s23] =	ssyncadd.s32 $0xFFFFC000  }
0x24b: {  	[spmem:s4] =	stream.indirect.scatter.add.f32 [tilespmem:s21], [sflag:$0x3], $0x80, s6, s20, $0xb8;
	[tilespmem:$0x1E000] =	vst v63  }
0x24c: {  	_ =	swait.ge [sflag:s24], $0x4000  }
0x24d: {  	[sflag:s24] =	ssyncset.done $0x0  }
0x24e: {  	[sflag:s24] =	ssyncadd.s32 $0xFFFFC000  }
0x24f: {  	[tilespmem:s21], [sflag:$0x1] =	stream.indirect.gather [hbm4b:s3+s20], $0x80, s8, s20, $0xb8;
	[tilespmem:$0x1E000] =	vst v63  }
0x250: {  	_ =	swait.ge [sflag:s26], $0x4000  }
0x251: {  	[sflag:s26] =	ssyncset.done $0x0  }
0x252: {  	s6 =	simm.s32 $0xD80;
	s8 =	simm.s32 $0x1D00;
	[sflag:s26] =	ssyncadd.s32 $0xFFFFC000  }
0x253: {  	[spmem:s4] =	stream.indirect.scatter.add.f32 [tilespmem:s22], [sflag:$0x4], $0x80, s11, s20, $0xb8;
	[tilespmem:$0x1E000] =	vst v63  }
0x254: {  	_ =	swait.ge [sflag:s29], $0x4000  }
0x255: {  	[sflag:s29] =	ssyncset.done $0x0  }
0x256: {  	[sflag:s29] =	ssyncadd.s32 $0xFFFFC000  }
0x257: {  	[tilespmem:s22], [sflag:$0x2] =	stream.indirect.gather [hbm4b:s3+s20], $0x80, s6, s20, $0xb8;
	[tilespmem:$0x1E000] =	vst v63  }
0x258: {  	_ =	swait.ge [sflag:s23], $0x4000  }
0x259: {  	[sflag:s23] =	ssyncset.done $0x0  }
0x25a: {  	[sflag:s23] =	ssyncadd.s32 $0xFFFFC000  }
0x25b: {  	[spmem:s4] =	stream.indirect.scatter.add.f32 [tilespmem:s21], [sflag:$0x3], $0x80, s8, s20, $0xb8;
	[tilespmem:$0x1E000] =	vst v63  }
0x25c: {  	_ =	swait.ge [sflag:s24], $0x4000  }
0x25d: {  	[sflag:s24] =	ssyncset.done $0x0  }
0x25e: {  	[sflag:s24] =	ssyncadd.s32 $0xFFFFC000  }
0x25f: {  	[tilespmem:s21], [sflag:$0x1] =	stream.indirect.gather [hbm4b:s3+s20], $0x80, s12, s20, $0xb8;
	[tilespmem:$0x1E000] =	vst v63  }
0x260: {  	_ =	swait.ge [sflag:s26], $0x4000  }
0x261: {  	[sflag:s26] =	ssyncset.done $0x0  }
0x262: {  	[sflag:s26] =	ssyncadd.s32 $0xFFFFC000  }
0x263: {  	[spmem:s4] =	stream.indirect.scatter.add.f32 [tilespmem:s22], [sflag:$0x4], $0x80, s13, s20, $0xb8;
	[tilespmem:$0x1E000] =	vst v63  }
0x264: {  	_ =	swait.ge [sflag:s29], $0x4000  }
0x265: {  	[sflag:s29] =	ssyncset.done $0x0  }
0x266: {  	[sflag:s29] =	ssyncadd.s32 $0xFFFFC000  }
0x267: {  	[tilespmem:s22], [sflag:$0x2] =	stream.indirect.gather [hbm4b:s3+s20], $0x80, s15, s20, $0xb8;
	[tilespmem:$0x1E000] =	vst v63  }
0x268: {  	_ =	swait.ge [sflag:s23], $0x4000  }
0x269: {  	[sflag:s23] =	ssyncset.done $0x0  }
0x26a: {  	[sflag:s23] =	ssyncadd.s32 $0xFFFFC000  }
0x26b: {  	[spmem:s4] =	stream.indirect.scatter.add.f32 [tilespmem:s21], [sflag:$0x3], $0x80, s16, s20, $0xb8;
	[tilespmem:$0x1E000] =	vst v63  }
0x26c: {  	_ =	swait.ge [sflag:s24], $0x4000  }
0x26d: {  	[sflag:s24] =	ssyncset.done $0x0  }
0x26e: {  	[sflag:s24] =	ssyncadd.s32 $0xFFFFC000  }
0x26f: {  	[tilespmem:s21], [sflag:$0x1] =	stream.indirect.gather [hbm4b:s3+s20], $0x80, s28, s20, $0xb8;
	[tilespmem:$0x1E000] =	vst v63  }
0x270: {  	_ =	swait.ge [sflag:s26], $0x4000  }
0x271: {  	[sflag:s26] =	ssyncset.done $0x0  }
0x272: {  	[sflag:s26] =	ssyncadd.s32 $0xFFFFC000  }
0x273: {  	[spmem:s4] =	stream.indirect.scatter.add.f32 [tilespmem:s22], [sflag:$0x4], $0x80, s30, s20, $0xb8;
	[tilespmem:$0x1E000] =	vst v63  }
0x274: {  	_ =	swait.ge [sflag:s29], $0x4000  }
0x275: {  	[sflag:s29] =	ssyncset.done $0x0  }
0x276: {  	[sflag:s29] =	ssyncadd.s32 $0xFFFFC000  }
0x277: {  	[tilespmem:s22], [sflag:$0x2] =	stream.indirect.gather [hbm4b:s3+s20], $0x80, s31, s20, $0xb8;
	[tilespmem:$0x1E000] =	vst v63  }
0x278: {  	_ =	swait.ge [sflag:s23], $0x4000  }
0x279: {  	[sflag:s23] =	ssyncset.done $0x0  }
0x27a: {  	[sflag:s23] =	ssyncadd.s32 $0xFFFFC000  }
0x27b: {  	[spmem:s4] =	stream.indirect.scatter.add.f32 [tilespmem:s21], [sflag:$0x3], $0x80, s0, s20, $0xb8;
	[tilespmem:$0x1E000] =	vst v63  }
0x27c: {  	_ =	swait.ge [sflag:s26], $0x4000  }
0x27d: {  	[sflag:s26] =	ssyncset.done $0x0  }
0x27e: {  	[sflag:s26] =	ssyncadd.s32 $0xFFFFC000  }
0x27f: {  	[spmem:s4] =	stream.indirect.scatter.add.f32 [tilespmem:s22], [sflag:$0x4], $0x80, s1, s20, $0xb8;
	[tilespmem:$0x1E000] =	vst v63  }
.Ltmp3:
0x280: {  	_ =	swait.ge [sflag:s24], $0x4000;
	(pc) =	sbr.rel @p1 .LBB2_6-.Ltmp3, $4  }
0x281: {  	[sflag:s24] =	ssyncset.done $0x0  }
0x282: {  	[sflag:s24] =	ssyncadd.s32 $0xFFFFC000  }
0x283: {  	_ =	swait.ge [sflag:s29], $0x4000  }
0x284: {  	[sflag:s29] =	ssyncset.done $0x0  }
.Ltmp4:
0x285: {  	_ = 	snop;
	(pc) =	sbr.rel .LBB2_7-.Ltmp4, $1  }
0x286: {  	_ =	sdelay $0x3  }
.LBB2_2:
0x287: {  	_ =	swait.ge [sflag:s17], $0x800  }
0x288: {  	[sflag:s17] =	ssyncset.done $0x0  }
0x289: {  	[sflag:s17] =	ssyncadd.s32 $0xFFFFF800  }
0x28a: {  	_ =	swait.ge [sflag:s17], $0x800  }
0x28b: {  	s6 =	sadd.s32 $0xFFFFF600, s9;
	[sflag:s17] =	ssyncset.done $0x0  }
0x28c: {  	s7 =	sadd.s32 $0xFFFFF600, s10;
	s8 =	sadd.s32 $0xB00, s6;
	[sflag:s17] =	ssyncadd.s32 $0xFFFFF800  }
0x28d: {  	[tilespmem:s18], [sflag:$0x6] =	stream.linear.gather [hbm4b:s8+s5], $0x800, $0x38;
	[tilespmem:$0x1E000] =	vst v63  }
0x28e: {  	s11 =	sadd.s32 $0xB00, s7  }
0x28f: {  	[tilespmem:s19], [sflag:$0x6] =	stream.linear.gather [hbm4b:s11+s5], $0x800, $0x38;
	[tilespmem:$0x1E000] =	vst v63  }
0x290: {  	_ = 	snop  }
0x291: {  	[tilespmem:s21], [sflag:$0x1] =	stream.indirect.gather [hbm4b:s2+s20], $0x80, s5, s20, $0xb8;
	[tilespmem:$0x1E000] =	vst v63  }
0x292: {  	_ = 	snop  }
0x293: {  	[tilespmem:s22], [sflag:$0x2] =	stream.indirect.gather [hbm4b:s2+s20], $0x80, s20, s20, $0xb8;
	[tilespmem:$0x1E000] =	vst v63  }
0x294: {  	_ =	swait.ge [sflag:s23], $0x4000  }
0x295: {  	[sflag:s23] =	ssyncset.done $0x0  }
0x296: {  	[sflag:s23] =	ssyncadd.s32 $0xFFFFC000  }
0x297: {  	[spmem:s4] =	stream.indirect.scatter.add.f32 [tilespmem:s21], [sflag:$0x3], $0x80, s14, s20, $0xb8;
	[tilespmem:$0x1E000] =	vst v63  }
0x298: {  	_ =	swait.ge [sflag:s24], $0x4000  }
0x299: {  	[sflag:s24] =	ssyncset.done $0x0  }
0x29a: {  	s11 =	simm.s32 $0x100;
	[sflag:s24] =	ssyncadd.s32 $0xFFFFC000  }
0x29b: {  	[tilespmem:s21], [sflag:$0x1] =	stream.indirect.gather [hbm4b:s2+s20], $0x80, s11, s20, $0xb8;
	[tilespmem:$0x1E000] =	vst v63  }
0x29c: {  	_ =	swait.ge [sflag:s26], $0x4000  }
0x29d: {  	[sflag:s26] =	ssyncset.done $0x0  }
0x29e: {  	s11 =	simm.s32 $0x1080;
	[sflag:s26] =	ssyncadd.s32 $0xFFFFC000  }
0x29f: {  	[spmem:s4] =	stream.indirect.scatter.add.f32 [tilespmem:s22], [sflag:$0x4], $0x80, s11, s20, $0xb8;
	[tilespmem:$0x1E000] =	vst v63  }
0x2a0: {  	_ =	swait.ge [sflag:s29], $0x4000  }
0x2a1: {  	[sflag:s29] =	ssyncset.done $0x0  }
0x2a2: {  	s11 =	simm.s32 $0x180;
	[sflag:s29] =	ssyncadd.s32 $0xFFFFC000  }
0x2a3: {  	[tilespmem:s22], [sflag:$0x2] =	stream.indirect.gather [hbm4b:s2+s20], $0x80, s11, s20, $0xb8;
	[tilespmem:$0x1E000] =	vst v63  }
0x2a4: {  	_ =	swait.ge [sflag:s23], $0x4000  }
0x2a5: {  	[sflag:s23] =	ssyncset.done $0x0  }
0x2a6: {  	s11 =	simm.s32 $0x1100;
	[sflag:s23] =	ssyncadd.s32 $0xFFFFC000  }
0x2a7: {  	[spmem:s4] =	stream.indirect.scatter.add.f32 [tilespmem:s21], [sflag:$0x3], $0x80, s11, s20, $0xb8;
	[tilespmem:$0x1E000] =	vst v63  }
0x2a8: {  	_ =	swait.ge [sflag:s24], $0x4000  }
0x2a9: {  	[sflag:s24] =	ssyncset.done $0x0  }
0x2aa: {  	s11 =	simm.s32 $0x200;
	[sflag:s24] =	ssyncadd.s32 $0xFFFFC000  }
0x2ab: {  	[tilespmem:s21], [sflag:$0x1] =	stream.indirect.gather [hbm4b:s2+s20], $0x80, s11, s20, $0xb8;
	[tilespmem:$0x1E000] =	vst v63  }
0x2ac: {  	_ =	swait.ge [sflag:s26], $0x4000  }
0x2ad: {  	[sflag:s26] =	ssyncset.done $0x0  }
0x2ae: {  	s11 =	simm.s32 $0x1180;
	[sflag:s26] =	ssyncadd.s32 $0xFFFFC000  }
0x2af: {  	[spmem:s4] =	stream.indirect.scatter.add.f32 [tilespmem:s22], [sflag:$0x4], $0x80, s11, s20, $0xb8;
	[tilespmem:$0x1E000] =	vst v63  }
0x2b0: {  	_ =	swait.ge [sflag:s29], $0x4000  }
0x2b1: {  	[sflag:s29] =	ssyncset.done $0x0  }
0x2b2: {  	s11 =	simm.s32 $0x280;
	[sflag:s29] =	ssyncadd.s32 $0xFFFFC000  }
0x2b3: {  	[tilespmem:s22], [sflag:$0x2] =	stream.indirect.gather [hbm4b:s2+s20], $0x80, s11, s20, $0xb8;
	[tilespmem:$0x1E000] =	vst v63  }
0x2b4: {  	_ =	swait.ge [sflag:s23], $0x4000  }
0x2b5: {  	[sflag:s23] =	ssyncset.done $0x0  }
0x2b6: {  	s11 =	simm.s32 $0x1200;
	[sflag:s23] =	ssyncadd.s32 $0xFFFFC000  }
0x2b7: {  	[spmem:s4] =	stream.indirect.scatter.add.f32 [tilespmem:s21], [sflag:$0x3], $0x80, s11, s20, $0xb8;
	[tilespmem:$0x1E000] =	vst v63  }
0x2b8: {  	_ =	swait.ge [sflag:s24], $0x4000  }
0x2b9: {  	[sflag:s24] =	ssyncset.done $0x0  }
0x2ba: {  	s11 =	simm.s32 $0x300;
	[sflag:s24] =	ssyncadd.s32 $0xFFFFC000  }
0x2bb: {  	[tilespmem:s21], [sflag:$0x1] =	stream.indirect.gather [hbm4b:s2+s20], $0x80, s11, s20, $0xb8;
	[tilespmem:$0x1E000] =	vst v63  }
0x2bc: {  	_ =	swait.ge [sflag:s26], $0x4000  }
0x2bd: {  	[sflag:s26] =	ssyncset.done $0x0  }
0x2be: {  	s11 =	simm.s32 $0x1280;
	[sflag:s26] =	ssyncadd.s32 $0xFFFFC000  }
0x2bf: {  	[spmem:s4] =	stream.indirect.scatter.add.f32 [tilespmem:s22], [sflag:$0x4], $0x80, s11, s20, $0xb8;
	[tilespmem:$0x1E000] =	vst v63  }
0x2c0: {  	_ =	swait.ge [sflag:s29], $0x4000  }
0x2c1: {  	[sflag:s29] =	ssyncset.done $0x0  }
0x2c2: {  	s11 =	simm.s32 $0x380;
	[sflag:s29] =	ssyncadd.s32 $0xFFFFC000  }
0x2c3: {  	[tilespmem:s22], [sflag:$0x2] =	stream.indirect.gather [hbm4b:s2+s20], $0x80, s11, s20, $0xb8;
	[tilespmem:$0x1E000] =	vst v63  }
0x2c4: {  	_ =	swait.ge [sflag:s23], $0x4000  }
0x2c5: {  	[sflag:s23] =	ssyncset.done $0x0  }
0x2c6: {  	s11 =	simm.s32 $0x1300;
	[sflag:s23] =	ssyncadd.s32 $0xFFFFC000  }
0x2c7: {  	[spmem:s4] =	stream.indirect.scatter.add.f32 [tilespmem:s21], [sflag:$0x3], $0x80, s11, s20, $0xb8;
	[tilespmem:$0x1E000] =	vst v63  }
0x2c8: {  	_ =	swait.ge [sflag:s24], $0x4000  }
0x2c9: {  	[sflag:s24] =	ssyncset.done $0x0  }
0x2ca: {  	s11 =	simm.s32 $0x400;
	[sflag:s24] =	ssyncadd.s32 $0xFFFFC000  }
0x2cb: {  	[tilespmem:s21], [sflag:$0x1] =	stream.indirect.gather [hbm4b:s2+s20], $0x80, s11, s20, $0xb8;
	[tilespmem:$0x1E000] =	vst v63  }
0x2cc: {  	_ =	swait.ge [sflag:s26], $0x4000  }
0x2cd: {  	[sflag:s26] =	ssyncset.done $0x0  }
0x2ce: {  	s11 =	simm.s32 $0x1380;
	[sflag:s26] =	ssyncadd.s32 $0xFFFFC000  }
0x2cf: {  	[spmem:s4] =	stream.indirect.scatter.add.f32 [tilespmem:s22], [sflag:$0x4], $0x80, s11, s20, $0xb8;
	[tilespmem:$0x1E000] =	vst v63  }
0x2d0: {  	_ =	swait.ge [sflag:s29], $0x4000  }
0x2d1: {  	[sflag:s29] =	ssyncset.done $0x0  }
0x2d2: {  	s11 =	simm.s32 $0x480;
	[sflag:s29] =	ssyncadd.s32 $0xFFFFC000  }
0x2d3: {  	[tilespmem:s22], [sflag:$0x2] =	stream.indirect.gather [hbm4b:s2+s20], $0x80, s11, s20, $0xb8;
	[tilespmem:$0x1E000] =	vst v63  }
0x2d4: {  	_ =	swait.ge [sflag:s23], $0x4000  }
0x2d5: {  	[sflag:s23] =	ssyncset.done $0x0  }
0x2d6: {  	s11 =	simm.s32 $0x1400;
	[sflag:s23] =	ssyncadd.s32 $0xFFFFC000  }
0x2d7: {  	[spmem:s4] =	stream.indirect.scatter.add.f32 [tilespmem:s21], [sflag:$0x3], $0x80, s11, s20, $0xb8;
	[tilespmem:$0x1E000] =	vst v63  }
0x2d8: {  	_ =	swait.ge [sflag:s24], $0x4000  }
0x2d9: {  	[sflag:s24] =	ssyncset.done $0x0  }
0x2da: {  	s11 =	simm.s32 $0x500;
	[sflag:s24] =	ssyncadd.s32 $0xFFFFC000  }
0x2db: {  	[tilespmem:s21], [sflag:$0x1] =	stream.indirect.gather [hbm4b:s2+s20], $0x80, s11, s20, $0xb8;
	[tilespmem:$0x1E000] =	vst v63  }
0x2dc: {  	_ =	swait.ge [sflag:s26], $0x4000  }
0x2dd: {  	[sflag:s26] =	ssyncset.done $0x0  }
0x2de: {  	s11 =	simm.s32 $0x1480;
	[sflag:s26] =	ssyncadd.s32 $0xFFFFC000  }
0x2df: {  	[spmem:s4] =	stream.indirect.scatter.add.f32 [tilespmem:s22], [sflag:$0x4], $0x80, s11, s20, $0xb8;
	[tilespmem:$0x1E000] =	vst v63  }
0x2e0: {  	_ =	swait.ge [sflag:s29], $0x4000  }
0x2e1: {  	[sflag:s29] =	ssyncset.done $0x0  }
0x2e2: {  	s11 =	simm.s32 $0x580;
	[sflag:s29] =	ssyncadd.s32 $0xFFFFC000  }
0x2e3: {  	[tilespmem:s22], [sflag:$0x2] =	stream.indirect.gather [hbm4b:s2+s20], $0x80, s11, s20, $0xb8;
	[tilespmem:$0x1E000] =	vst v63  }
0x2e4: {  	_ =	swait.ge [sflag:s23], $0x4000  }
0x2e5: {  	[sflag:s23] =	ssyncset.done $0x0  }
0x2e6: {  	s11 =	simm.s32 $0x1500;
	[sflag:s23] =	ssyncadd.s32 $0xFFFFC000  }
0x2e7: {  	[spmem:s4] =	stream.indirect.scatter.add.f32 [tilespmem:s21], [sflag:$0x3], $0x80, s11, s20, $0xb8;
	[tilespmem:$0x1E000] =	vst v63  }
0x2e8: {  	_ =	swait.ge [sflag:s24], $0x4000  }
0x2e9: {  	[sflag:s24] =	ssyncset.done $0x0  }
0x2ea: {  	s11 =	simm.s32 $0x600;
	[sflag:s24] =	ssyncadd.s32 $0xFFFFC000  }
0x2eb: {  	[tilespmem:s21], [sflag:$0x1] =	stream.indirect.gather [hbm4b:s2+s20], $0x80, s11, s20, $0xb8;
	[tilespmem:$0x1E000] =	vst v63  }
0x2ec: {  	_ =	swait.ge [sflag:s26], $0x4000  }
0x2ed: {  	[sflag:s26] =	ssyncset.done $0x0  }
0x2ee: {  	s11 =	simm.s32 $0x1580;
	[sflag:s26] =	ssyncadd.s32 $0xFFFFC000  }
0x2ef: {  	[spmem:s4] =	stream.indirect.scatter.add.f32 [tilespmem:s22], [sflag:$0x4], $0x80, s11, s20, $0xb8;
	[tilespmem:$0x1E000] =	vst v63  }
0x2f0: {  	_ =	swait.ge [sflag:s29], $0x4000  }
0x2f1: {  	[sflag:s29] =	ssyncset.done $0x0  }
0x2f2: {  	s11 =	simm.s32 $0x680;
	[sflag:s29] =	ssyncadd.s32 $0xFFFFC000  }
0x2f3: {  	[tilespmem:s22], [sflag:$0x2] =	stream.indirect.gather [hbm4b:s2+s20], $0x80, s11, s20, $0xb8;
	[tilespmem:$0x1E000] =	vst v63  }
0x2f4: {  	_ =	swait.ge [sflag:s23], $0x4000  }
0x2f5: {  	[sflag:s23] =	ssyncset.done $0x0  }
0x2f6: {  	s11 =	simm.s32 $0x1600;
	[sflag:s23] =	ssyncadd.s32 $0xFFFFC000  }
0x2f7: {  	[spmem:s4] =	stream.indirect.scatter.add.f32 [tilespmem:s21], [sflag:$0x3], $0x80, s11, s20, $0xb8;
	[tilespmem:$0x1E000] =	vst v63  }
0x2f8: {  	_ =	swait.ge [sflag:s24], $0x4000  }
0x2f9: {  	[sflag:s24] =	ssyncset.done $0x0  }
0x2fa: {  	s11 =	simm.s32 $0x700;
	[sflag:s24] =	ssyncadd.s32 $0xFFFFC000  }
0x2fb: {  	[tilespmem:s21], [sflag:$0x1] =	stream.indirect.gather [hbm4b:s2+s20], $0x80, s11, s20, $0xb8;
	[tilespmem:$0x1E000] =	vst v63  }
0x2fc: {  	_ =	swait.ge [sflag:s26], $0x4000  }
0x2fd: {  	[sflag:s26] =	ssyncset.done $0x0  }
0x2fe: {  	s11 =	simm.s32 $0x1680;
	[sflag:s26] =	ssyncadd.s32 $0xFFFFC000  }
0x2ff: {  	[spmem:s4] =	stream.indirect.scatter.add.f32 [tilespmem:s22], [sflag:$0x4], $0x80, s11, s20, $0xb8;
	[tilespmem:$0x1E000] =	vst v63  }
0x300: {  	_ =	swait.ge [sflag:s29], $0x4000  }
0x301: {  	[sflag:s29] =	ssyncset.done $0x0  }
0x302: {  	s11 =	simm.s32 $0x780;
	[sflag:s29] =	ssyncadd.s32 $0xFFFFC000  }
0x303: {  	[tilespmem:s22], [sflag:$0x2] =	stream.indirect.gather [hbm4b:s2+s20], $0x80, s11, s20, $0xb8;
	[tilespmem:$0x1E000] =	vst v63  }
0x304: {  	_ =	swait.ge [sflag:s23], $0x4000  }
0x305: {  	[sflag:s23] =	ssyncset.done $0x0  }
0x306: {  	s11 =	simm.s32 $0x1700;
	[sflag:s23] =	ssyncadd.s32 $0xFFFFC000  }
0x307: {  	[spmem:s4] =	stream.indirect.scatter.add.f32 [tilespmem:s21], [sflag:$0x3], $0x80, s11, s20, $0xb8;
	[tilespmem:$0x1E000] =	vst v63  }
0x308: {  	_ =	swait.ge [sflag:s25], $0x800  }
0x309: {  	[sflag:s25] =	ssyncset.done $0x0  }
0x30a: {  	[sflag:s25] =	ssyncadd.s32 $0xFFFFF800  }
0x30b: {  	_ =	swait.ge [sflag:s25], $0x800  }
0x30c: {  	[sflag:s25] =	ssyncset.done $0x0  }
0x30d: {  	[sflag:s25] =	ssyncadd.s32 $0xFFFFF800  }
0x30e: {  	_ =	swait.ge [sflag:s24], $0x4000  }
0x30f: {  	[sflag:s24] =	ssyncset.done $0x0  }
0x310: {  	[sflag:s24] =	ssyncadd.s32 $0xFFFFC000  }
0x311: {  	[tilespmem:s21], [sflag:$0x1] =	stream.indirect.gather [hbm4b:s2+s20], $0x80, s18, s20, $0xb8;
	[tilespmem:$0x1E000] =	vst v63  }
0x312: {  	_ =	swait.ge [sflag:s26], $0x4000  }
0x313: {  	[sflag:s26] =	ssyncset.done $0x0  }
0x314: {  	s11 =	simm.s32 $0x1780;
	[sflag:s26] =	ssyncadd.s32 $0xFFFFC000  }
0x315: {  	[spmem:s4] =	stream.indirect.scatter.add.f32 [tilespmem:s22], [sflag:$0x4], $0x80, s11, s20, $0xb8;
	[tilespmem:$0x1E000] =	vst v63  }
0x316: {  	_ =	swait.ge [sflag:s29], $0x4000  }
0x317: {  	[sflag:s29] =	ssyncset.done $0x0  }
0x318: {  	s11 =	simm.s32 $0x880;
	[sflag:s29] =	ssyncadd.s32 $0xFFFFC000  }
0x319: {  	[tilespmem:s22], [sflag:$0x2] =	stream.indirect.gather [hbm4b:s2+s20], $0x80, s11, s20, $0xb8;
	[tilespmem:$0x1E000] =	vst v63  }
0x31a: {  	_ =	swait.ge [sflag:s23], $0x4000  }
0x31b: {  	[sflag:s23] =	ssyncset.done $0x0  }
0x31c: {  	[sflag:s23] =	ssyncadd.s32 $0xFFFFC000  }
0x31d: {  	[spmem:s4] =	stream.indirect.scatter.add.f32 [tilespmem:s21], [sflag:$0x3], $0x80, s19, s20, $0xb8;
	[tilespmem:$0x1E000] =	vst v63  }
0x31e: {  	_ =	swait.ge [sflag:s24], $0x4000  }
0x31f: {  	[sflag:s24] =	ssyncset.done $0x0  }
0x320: {  	s11 =	simm.s32 $0x900;
	[sflag:s24] =	ssyncadd.s32 $0xFFFFC000  }
0x321: {  	[tilespmem:s21], [sflag:$0x1] =	stream.indirect.gather [hbm4b:s2+s20], $0x80, s11, s20, $0xb8;
	[tilespmem:$0x1E000] =	vst v63  }
0x322: {  	_ =	swait.ge [sflag:s26], $0x4000  }
0x323: {  	[sflag:s26] =	ssyncset.done $0x0  }
0x324: {  	s11 =	simm.s32 $0x1880;
	[sflag:s26] =	ssyncadd.s32 $0xFFFFC000  }
0x325: {  	[spmem:s4] =	stream.indirect.scatter.add.f32 [tilespmem:s22], [sflag:$0x4], $0x80, s11, s20, $0xb8;
	[tilespmem:$0x1E000] =	vst v63  }
0x326: {  	s6 =	sadd.s32 $0xC00, s6  }
0x327: {  	[tilespmem:s5], [sflag:$0x5] =	stream.linear.gather [hbm4b:s6+s5], $0x800, $0x38;
	[tilespmem:$0x1E000] =	vst v63  }
0x328: {  	s11 =	sadd.s32 $0xC00, s7  }
0x329: {  	[tilespmem:s14], [sflag:$0x5] =	stream.linear.gather [hbm4b:s11+s5], $0x800, $0x38;
	[tilespmem:$0x1E000] =	vst v63  }
0x32a: {  	_ =	swait.ge [sflag:s29], $0x4000  }
0x32b: {  	[sflag:s29] =	ssyncset.done $0x0  }
0x32c: {  	s7 =	simm.s32 $0x980;
	[sflag:s29] =	ssyncadd.s32 $0xFFFFC000  }
0x32d: {  	[tilespmem:s22], [sflag:$0x2] =	stream.indirect.gather [hbm4b:s2+s20], $0x80, s7, s20, $0xb8;
	[tilespmem:$0x1E000] =	vst v63  }
0x32e: {  	_ =	swait.ge [sflag:s23], $0x4000  }
0x32f: {  	[sflag:s23] =	ssyncset.done $0x0  }
0x330: {  	s8 =	simm.s32 $0x1900;
	[sflag:s23] =	ssyncadd.s32 $0xFFFFC000  }
0x331: {  	[spmem:s4] =	stream.indirect.scatter.add.f32 [tilespmem:s21], [sflag:$0x3], $0x80, s8, s20, $0xb8;
	[tilespmem:$0x1E000] =	vst v63  }
0x332: {  	_ =	swait.ge [sflag:s24], $0x4000  }
0x333: {  	[sflag:s24] =	ssyncset.done $0x0  }
0x334: {  	s11 =	simm.s32 $0xA00;
	[sflag:s24] =	ssyncadd.s32 $0xFFFFC000  }
0x335: {  	[tilespmem:s21], [sflag:$0x1] =	stream.indirect.gather [hbm4b:s2+s20], $0x80, s11, s20, $0xb8;
	[tilespmem:$0x1E000] =	vst v63  }
0x336: {  	_ =	swait.ge [sflag:s26], $0x4000  }
0x337: {  	[sflag:s26] =	ssyncset.done $0x0  }
0x338: {  	s7 =	simm.s32 $0x1980;
	[sflag:s26] =	ssyncadd.s32 $0xFFFFC000  }
0x339: {  	[spmem:s4] =	stream.indirect.scatter.add.f32 [tilespmem:s22], [sflag:$0x4], $0x80, s7, s20, $0xb8;
	[tilespmem:$0x1E000] =	vst v63  }
0x33a: {  	_ =	swait.ge [sflag:s29], $0x4000  }
0x33b: {  	[sflag:s29] =	ssyncset.done $0x0  }
0x33c: {  	s8 =	simm.s32 $0xA80;
	[sflag:s29] =	ssyncadd.s32 $0xFFFFC000  }
0x33d: {  	[tilespmem:s22], [sflag:$0x2] =	stream.indirect.gather [hbm4b:s2+s20], $0x80, s8, s20, $0xb8;
	[tilespmem:$0x1E000] =	vst v63  }
0x33e: {  	_ =	swait.ge [sflag:s23], $0x4000  }
0x33f: {  	[sflag:s23] =	ssyncset.done $0x0  }
0x340: {  	s11 =	simm.s32 $0x1A00;
	[sflag:s23] =	ssyncadd.s32 $0xFFFFC000  }
0x341: {  	[spmem:s4] =	stream.indirect.scatter.add.f32 [tilespmem:s21], [sflag:$0x3], $0x80, s11, s20, $0xb8;
	[tilespmem:$0x1E000] =	vst v63  }
0x342: {  	_ =	swait.ge [sflag:s24], $0x4000  }
0x343: {  	[sflag:s24] =	ssyncset.done $0x0  }
0x344: {  	s7 =	simm.s32 $0xB00;
	[sflag:s24] =	ssyncadd.s32 $0xFFFFC000  }
0x345: {  	[tilespmem:s21], [sflag:$0x1] =	stream.indirect.gather [hbm4b:s2+s20], $0x80, s7, s20, $0xb8;
	[tilespmem:$0x1E000] =	vst v63  }
0x346: {  	_ =	swait.ge [sflag:s26], $0x4000  }
0x347: {  	[sflag:s26] =	ssyncset.done $0x0  }
0x348: {  	s8 =	simm.s32 $0x1A80;
	[sflag:s26] =	ssyncadd.s32 $0xFFFFC000  }
0x349: {  	[spmem:s4] =	stream.indirect.scatter.add.f32 [tilespmem:s22], [sflag:$0x4], $0x80, s8, s20, $0xb8;
	[tilespmem:$0x1E000] =	vst v63  }
0x34a: {  	_ =	swait.ge [sflag:s29], $0x4000  }
0x34b: {  	[sflag:s29] =	ssyncset.done $0x0  }
0x34c: {  	s11 =	simm.s32 $0xB80;
	[sflag:s29] =	ssyncadd.s32 $0xFFFFC000  }
0x34d: {  	[tilespmem:s22], [sflag:$0x2] =	stream.indirect.gather [hbm4b:s2+s20], $0x80, s11, s20, $0xb8;
	[tilespmem:$0x1E000] =	vst v63  }
0x34e: {  	_ =	swait.ge [sflag:s23], $0x4000  }
0x34f: {  	[sflag:s23] =	ssyncset.done $0x0  }
0x350: {  	s7 =	simm.s32 $0x1B00;
	[sflag:s23] =	ssyncadd.s32 $0xFFFFC000  }
0x351: {  	[spmem:s4] =	stream.indirect.scatter.add.f32 [tilespmem:s21], [sflag:$0x3], $0x80, s7, s20, $0xb8;
	[tilespmem:$0x1E000] =	vst v63  }
0x352: {  	_ =	swait.ge [sflag:s24], $0x4000  }
0x353: {  	[sflag:s24] =	ssyncset.done $0x0  }
0x354: {  	s8 =	simm.s32 $0xC00;
	[sflag:s24] =	ssyncadd.s32 $0xFFFFC000  }
0x355: {  	[tilespmem:s21], [sflag:$0x1] =	stream.indirect.gather [hbm4b:s2+s20], $0x80, s8, s20, $0xb8;
	[tilespmem:$0x1E000] =	vst v63  }
0x356: {  	_ =	swait.ge [sflag:s26], $0x4000  }
0x357: {  	[sflag:s26] =	ssyncset.done $0x0  }
0x358: {  	s11 =	simm.s32 $0x1B80;
	[sflag:s26] =	ssyncadd.s32 $0xFFFFC000  }
0x359: {  	[spmem:s4] =	stream.indirect.scatter.add.f32 [tilespmem:s22], [sflag:$0x4], $0x80, s11, s20, $0xb8;
	[tilespmem:$0x1E000] =	vst v63  }
0x35a: {  	_ =	swait.ge [sflag:s29], $0x4000  }
0x35b: {  	[sflag:s29] =	ssyncset.done $0x0  }
0x35c: {  	s7 =	simm.s32 $0xC80;
	[sflag:s29] =	ssyncadd.s32 $0xFFFFC000  }
0x35d: {  	[tilespmem:s22], [sflag:$0x2] =	stream.indirect.gather [hbm4b:s2+s20], $0x80, s7, s20, $0xb8;
	[tilespmem:$0x1E000] =	vst v63  }
0x35e: {  	_ =	swait.ge [sflag:s23], $0x4000  }
0x35f: {  	[sflag:s23] =	ssyncset.done $0x0  }
0x360: {  	s8 =	simm.s32 $0x1C00;
	[sflag:s23] =	ssyncadd.s32 $0xFFFFC000  }
0x361: {  	[spmem:s4] =	stream.indirect.scatter.add.f32 [tilespmem:s21], [sflag:$0x3], $0x80, s8, s20, $0xb8;
	[tilespmem:$0x1E000] =	vst v63  }
0x362: {  	_ =	swait.ge [sflag:s24], $0x4000  }
0x363: {  	[sflag:s24] =	ssyncset.done $0x0  }
0x364: {  	s11 =	simm.s32 $0xD00;
	[sflag:s24] =	ssyncadd.s32 $0xFFFFC000  }
0x365: {  	[tilespmem:s21], [sflag:$0x1] =	stream.indirect.gather [hbm4b:s2+s20], $0x80, s11, s20, $0xb8;
	[tilespmem:$0x1E000] =	vst v63  }
0x366: {  	_ =	swait.ge [sflag:s26], $0x4000  }
0x367: {  	[sflag:s26] =	ssyncset.done $0x0  }
0x368: {  	s7 =	simm.s32 $0x1C80;
	[sflag:s26] =	ssyncadd.s32 $0xFFFFC000  }
0x369: {  	[spmem:s4] =	stream.indirect.scatter.add.f32 [tilespmem:s22], [sflag:$0x4], $0x80, s7, s20, $0xb8;
	[tilespmem:$0x1E000] =	vst v63  }
0x36a: {  	_ =	swait.ge [sflag:s29], $0x4000  }
0x36b: {  	[sflag:s29] =	ssyncset.done $0x0  }
0x36c: {  	s8 =	simm.s32 $0xD80;
	[sflag:s29] =	ssyncadd.s32 $0xFFFFC000  }
0x36d: {  	[tilespmem:s22], [sflag:$0x2] =	stream.indirect.gather [hbm4b:s2+s20], $0x80, s8, s20, $0xb8;
	[tilespmem:$0x1E000] =	vst v63  }
0x36e: {  	_ =	swait.ge [sflag:s23], $0x4000  }
0x36f: {  	[sflag:s23] =	ssyncset.done $0x0  }
0x370: {  	s11 =	simm.s32 $0x1D00;
	[sflag:s23] =	ssyncadd.s32 $0xFFFFC000  }
0x371: {  	[spmem:s4] =	stream.indirect.scatter.add.f32 [tilespmem:s21], [sflag:$0x3], $0x80, s11, s20, $0xb8;
	[tilespmem:$0x1E000] =	vst v63  }
0x372: {  	_ =	swait.ge [sflag:s24], $0x4000  }
0x373: {  	[sflag:s24] =	ssyncset.done $0x0  }
0x374: {  	[sflag:s24] =	ssyncadd.s32 $0xFFFFC000  }
0x375: {  	[tilespmem:s21], [sflag:$0x1] =	stream.indirect.gather [hbm4b:s2+s20], $0x80, s12, s20, $0xb8;
	[tilespmem:$0x1E000] =	vst v63  }
0x376: {  	_ =	swait.ge [sflag:s26], $0x4000  }
0x377: {  	[sflag:s26] =	ssyncset.done $0x0  }
0x378: {  	[sflag:s26] =	ssyncadd.s32 $0xFFFFC000  }
0x379: {  	[spmem:s4] =	stream.indirect.scatter.add.f32 [tilespmem:s22], [sflag:$0x4], $0x80, s13, s20, $0xb8;
	[tilespmem:$0x1E000] =	vst v63  }
0x37a: {  	_ =	swait.ge [sflag:s29], $0x4000  }
0x37b: {  	[sflag:s29] =	ssyncset.done $0x0  }
0x37c: {  	[sflag:s29] =	ssyncadd.s32 $0xFFFFC000  }
0x37d: {  	[tilespmem:s22], [sflag:$0x2] =	stream.indirect.gather [hbm4b:s2+s20], $0x80, s15, s20, $0xb8;
	[tilespmem:$0x1E000] =	vst v63  }
0x37e: {  	_ =	swait.ge [sflag:s23], $0x4000  }
0x37f: {  	[sflag:s23] =	ssyncset.done $0x0  }
0x380: {  	[sflag:s23] =	ssyncadd.s32 $0xFFFFC000  }
0x381: {  	[spmem:s4] =	stream.indirect.scatter.add.f32 [tilespmem:s21], [sflag:$0x3], $0x80, s16, s20, $0xb8;
	[tilespmem:$0x1E000] =	vst v63  }
0x382: {  	_ =	swait.ge [sflag:s24], $0x4000  }
0x383: {  	[sflag:s24] =	ssyncset.done $0x0  }
0x384: {  	[sflag:s24] =	ssyncadd.s32 $0xFFFFC000  }
0x385: {  	[tilespmem:s21], [sflag:$0x1] =	stream.indirect.gather [hbm4b:s2+s20], $0x80, s28, s20, $0xb8;
	[tilespmem:$0x1E000] =	vst v63  }
0x386: {  	_ =	swait.ge [sflag:s26], $0x4000  }
0x387: {  	[sflag:s26] =	ssyncset.done $0x0  }
0x388: {  	[sflag:s26] =	ssyncadd.s32 $0xFFFFC000  }
0x389: {  	[spmem:s4] =	stream.indirect.scatter.add.f32 [tilespmem:s22], [sflag:$0x4], $0x80, s30, s20, $0xb8;
	[tilespmem:$0x1E000] =	vst v63  }
0x38a: {  	_ =	swait.ge [sflag:s29], $0x4000  }
0x38b: {  	[sflag:s29] =	ssyncset.done $0x0  }
0x38c: {  	[sflag:s29] =	ssyncadd.s32 $0xFFFFC000  }
0x38d: {  	[tilespmem:s22], [sflag:$0x2] =	stream.indirect.gather [hbm4b:s2+s20], $0x80, s31, s20, $0xb8;
	[tilespmem:$0x1E000] =	vst v63  }
0x38e: {  	_ =	swait.ge [sflag:s23], $0x4000  }
0x38f: {  	[sflag:s23] =	ssyncset.done $0x0  }
0x390: {  	[sflag:s23] =	ssyncadd.s32 $0xFFFFC000  }
0x391: {  	[spmem:s4] =	stream.indirect.scatter.add.f32 [tilespmem:s21], [sflag:$0x3], $0x80, s0, s20, $0xb8;
	[tilespmem:$0x1E000] =	vst v63  }
0x392: {  	_ =	swait.ge [sflag:s26], $0x4000  }
0x393: {  	[sflag:s26] =	ssyncset.done $0x0  }
0x394: {  	[sflag:s26] =	ssyncadd.s32 $0xFFFFC000  }
0x395: {  	[spmem:s4] =	stream.indirect.scatter.add.f32 [tilespmem:s22], [sflag:$0x4], $0x80, s1, s20, $0xb8;
	[tilespmem:$0x1E000] =	vst v63  }
0x396: {  	_ =	swait.ge [sflag:s24], $0x4000  }
0x397: {  	[sflag:s24] =	ssyncset.done $0x0  }
0x398: {  	[sflag:s24] =	ssyncadd.s32 $0xFFFFC000  }
0x399: {  	_ =	swait.ge [sflag:s29], $0x4000  }
0x39a: {  	s7 =	simm.s32 $0xFFFFF800;
	[sflag:s29] =	ssyncset.done $0x0  }
.LBB2_3:
0x39b: {  	p1 =	seq.s32 s7, $0xFFFFFE00  }
0x39c: {  	[sflag:s29] =	ssyncadd.s32 $0xFFFFC000;
	s6 =	smov.u32 s7;
	s7 =	sadd.s32 $0x200, s7  }
0x39d: {  	_ =	swait.ge [sflag:s17], $0x800  }
0x39e: {  	[sflag:s17] =	ssyncset.done $0x0  }
0x39f: {  	[sflag:s17] =	ssyncadd.s32 $0xFFFFF800  }
0x3a0: {  	_ =	swait.ge [sflag:s17], $0x800  }
0x3a1: {  	s8 =	sadd.s32 s6, s9;
	[sflag:s17] =	ssyncset.done $0x0  }
0x3a2: {  	s6 =	sadd.s32 s6, s10;
	s11 =	sadd.s32 $0xB00, s8;
	[sflag:s17] =	ssyncadd.s32 $0xFFFFF800  }
0x3a3: {  	[tilespmem:s18], [sflag:$0x6] =	stream.linear.gather [hbm4b:s11+s5], $0x800, $0x38;
	[tilespmem:$0x1E000] =	vst v63  }
0x3a4: {  	s11 =	sadd.s32 $0xB00, s6  }
0x3a5: {  	[tilespmem:s19], [sflag:$0x6] =	stream.linear.gather [hbm4b:s11+s5], $0x800, $0x38;
	[tilespmem:$0x1E000] =	vst v63  }
0x3a6: {  	s11 =	simm.s32 $0x100;
	_ =	sdelay $0x1  }
0x3a7: {  	[tilespmem:s21], [sflag:$0x1] =	stream.indirect.gather [hbm4b:s2+s20], $0x80, s5, s20, $0xb8;
	[tilespmem:$0x1E000] =	vst v63  }
0x3a8: {  	_ = 	snop  }
0x3a9: {  	[tilespmem:s22], [sflag:$0x2] =	stream.indirect.gather [hbm4b:s2+s20], $0x80, s20, s20, $0xb8;
	[tilespmem:$0x1E000] =	vst v63  }
0x3aa: {  	_ =	swait.ge [sflag:s23], $0x4000  }
0x3ab: {  	[sflag:s23] =	ssyncset.done $0x0  }
0x3ac: {  	[sflag:s23] =	ssyncadd.s32 $0xFFFFC000  }
0x3ad: {  	[spmem:s4] =	stream.indirect.scatter.add.f32 [tilespmem:s21], [sflag:$0x3], $0x80, s14, s20, $0xb8;
	[tilespmem:$0x1E000] =	vst v63  }
0x3ae: {  	_ =	swait.ge [sflag:s24], $0x4000  }
0x3af: {  	[sflag:s24] =	ssyncset.done $0x0  }
0x3b0: {  	[sflag:s24] =	ssyncadd.s32 $0xFFFFC000  }
0x3b1: {  	[tilespmem:s21], [sflag:$0x1] =	stream.indirect.gather [hbm4b:s2+s20], $0x80, s11, s20, $0xb8;
	[tilespmem:$0x1E000] =	vst v63  }
0x3b2: {  	s11 =	simm.s32 $0x1080  }
0x3b3: {  	_ =	swait.ge [sflag:s26], $0x4000  }
0x3b4: {  	[sflag:s26] =	ssyncset.done $0x0  }
0x3b5: {  	[sflag:s26] =	ssyncadd.s32 $0xFFFFC000  }
0x3b6: {  	[spmem:s4] =	stream.indirect.scatter.add.f32 [tilespmem:s22], [sflag:$0x4], $0x80, s11, s20, $0xb8;
	[tilespmem:$0x1E000] =	vst v63  }
0x3b7: {  	s11 =	simm.s32 $0x180  }
0x3b8: {  	_ =	swait.ge [sflag:s29], $0x4000  }
0x3b9: {  	[sflag:s29] =	ssyncset.done $0x0  }
0x3ba: {  	[sflag:s29] =	ssyncadd.s32 $0xFFFFC000  }
0x3bb: {  	[tilespmem:s22], [sflag:$0x2] =	stream.indirect.gather [hbm4b:s2+s20], $0x80, s11, s20, $0xb8;
	[tilespmem:$0x1E000] =	vst v63  }
0x3bc: {  	s11 =	simm.s32 $0x1100  }
0x3bd: {  	_ =	swait.ge [sflag:s23], $0x4000  }
0x3be: {  	[sflag:s23] =	ssyncset.done $0x0  }
0x3bf: {  	[sflag:s23] =	ssyncadd.s32 $0xFFFFC000  }
0x3c0: {  	[spmem:s4] =	stream.indirect.scatter.add.f32 [tilespmem:s21], [sflag:$0x3], $0x80, s11, s20, $0xb8;
	[tilespmem:$0x1E000] =	vst v63  }
0x3c1: {  	s11 =	simm.s32 $0x200  }
0x3c2: {  	_ =	swait.ge [sflag:s24], $0x4000  }
0x3c3: {  	[sflag:s24] =	ssyncset.done $0x0  }
0x3c4: {  	[sflag:s24] =	ssyncadd.s32 $0xFFFFC000  }
0x3c5: {  	[tilespmem:s21], [sflag:$0x1] =	stream.indirect.gather [hbm4b:s2+s20], $0x80, s11, s20, $0xb8;
	[tilespmem:$0x1E000] =	vst v63  }
0x3c6: {  	s11 =	simm.s32 $0x1180  }
0x3c7: {  	_ =	swait.ge [sflag:s26], $0x4000  }
0x3c8: {  	[sflag:s26] =	ssyncset.done $0x0  }
0x3c9: {  	[sflag:s26] =	ssyncadd.s32 $0xFFFFC000  }
0x3ca: {  	[spmem:s4] =	stream.indirect.scatter.add.f32 [tilespmem:s22], [sflag:$0x4], $0x80, s11, s20, $0xb8;
	[tilespmem:$0x1E000] =	vst v63  }
0x3cb: {  	s11 =	simm.s32 $0x280  }
0x3cc: {  	_ =	swait.ge [sflag:s29], $0x4000  }
0x3cd: {  	[sflag:s29] =	ssyncset.done $0x0  }
0x3ce: {  	[sflag:s29] =	ssyncadd.s32 $0xFFFFC000  }
0x3cf: {  	[tilespmem:s22], [sflag:$0x2] =	stream.indirect.gather [hbm4b:s2+s20], $0x80, s11, s20, $0xb8;
	[tilespmem:$0x1E000] =	vst v63  }
0x3d0: {  	s11 =	simm.s32 $0x1200  }
0x3d1: {  	_ =	swait.ge [sflag:s23], $0x4000  }
0x3d2: {  	[sflag:s23] =	ssyncset.done $0x0  }
0x3d3: {  	[sflag:s23] =	ssyncadd.s32 $0xFFFFC000  }
0x3d4: {  	[spmem:s4] =	stream.indirect.scatter.add.f32 [tilespmem:s21], [sflag:$0x3], $0x80, s11, s20, $0xb8;
	[tilespmem:$0x1E000] =	vst v63  }
0x3d5: {  	s11 =	simm.s32 $0x300  }
0x3d6: {  	_ =	swait.ge [sflag:s24], $0x4000  }
0x3d7: {  	[sflag:s24] =	ssyncset.done $0x0  }
0x3d8: {  	[sflag:s24] =	ssyncadd.s32 $0xFFFFC000  }
0x3d9: {  	[tilespmem:s21], [sflag:$0x1] =	stream.indirect.gather [hbm4b:s2+s20], $0x80, s11, s20, $0xb8;
	[tilespmem:$0x1E000] =	vst v63  }
0x3da: {  	s11 =	simm.s32 $0x1280  }
0x3db: {  	_ =	swait.ge [sflag:s26], $0x4000  }
0x3dc: {  	[sflag:s26] =	ssyncset.done $0x0  }
0x3dd: {  	[sflag:s26] =	ssyncadd.s32 $0xFFFFC000  }
0x3de: {  	[spmem:s4] =	stream.indirect.scatter.add.f32 [tilespmem:s22], [sflag:$0x4], $0x80, s11, s20, $0xb8;
	[tilespmem:$0x1E000] =	vst v63  }
0x3df: {  	s11 =	simm.s32 $0x380  }
0x3e0: {  	_ =	swait.ge [sflag:s29], $0x4000  }
0x3e1: {  	[sflag:s29] =	ssyncset.done $0x0  }
0x3e2: {  	[sflag:s29] =	ssyncadd.s32 $0xFFFFC000  }
0x3e3: {  	[tilespmem:s22], [sflag:$0x2] =	stream.indirect.gather [hbm4b:s2+s20], $0x80, s11, s20, $0xb8;
	[tilespmem:$0x1E000] =	vst v63  }
0x3e4: {  	s11 =	simm.s32 $0x1300  }
0x3e5: {  	_ =	swait.ge [sflag:s23], $0x4000  }
0x3e6: {  	[sflag:s23] =	ssyncset.done $0x0  }
0x3e7: {  	[sflag:s23] =	ssyncadd.s32 $0xFFFFC000  }
0x3e8: {  	[spmem:s4] =	stream.indirect.scatter.add.f32 [tilespmem:s21], [sflag:$0x3], $0x80, s11, s20, $0xb8;
	[tilespmem:$0x1E000] =	vst v63  }
0x3e9: {  	s11 =	simm.s32 $0x400  }
0x3ea: {  	_ =	swait.ge [sflag:s24], $0x4000  }
0x3eb: {  	[sflag:s24] =	ssyncset.done $0x0  }
0x3ec: {  	[sflag:s24] =	ssyncadd.s32 $0xFFFFC000  }
0x3ed: {  	[tilespmem:s21], [sflag:$0x1] =	stream.indirect.gather [hbm4b:s2+s20], $0x80, s11, s20, $0xb8;
	[tilespmem:$0x1E000] =	vst v63  }
0x3ee: {  	s11 =	simm.s32 $0x1380  }
0x3ef: {  	_ =	swait.ge [sflag:s26], $0x4000  }
0x3f0: {  	[sflag:s26] =	ssyncset.done $0x0  }
0x3f1: {  	[sflag:s26] =	ssyncadd.s32 $0xFFFFC000  }
0x3f2: {  	[spmem:s4] =	stream.indirect.scatter.add.f32 [tilespmem:s22], [sflag:$0x4], $0x80, s11, s20, $0xb8;
	[tilespmem:$0x1E000] =	vst v63  }
0x3f3: {  	s11 =	simm.s32 $0x480  }
0x3f4: {  	_ =	swait.ge [sflag:s29], $0x4000  }
0x3f5: {  	[sflag:s29] =	ssyncset.done $0x0  }
0x3f6: {  	[sflag:s29] =	ssyncadd.s32 $0xFFFFC000  }
0x3f7: {  	[tilespmem:s22], [sflag:$0x2] =	stream.indirect.gather [hbm4b:s2+s20], $0x80, s11, s20, $0xb8;
	[tilespmem:$0x1E000] =	vst v63  }
0x3f8: {  	s11 =	simm.s32 $0x1400  }
0x3f9: {  	_ =	swait.ge [sflag:s23], $0x4000  }
0x3fa: {  	[sflag:s23] =	ssyncset.done $0x0  }
0x3fb: {  	[sflag:s23] =	ssyncadd.s32 $0xFFFFC000  }
0x3fc: {  	[spmem:s4] =	stream.indirect.scatter.add.f32 [tilespmem:s21], [sflag:$0x3], $0x80, s11, s20, $0xb8;
	[tilespmem:$0x1E000] =	vst v63  }
0x3fd: {  	s11 =	simm.s32 $0x500  }
0x3fe: {  	_ =	swait.ge [sflag:s24], $0x4000  }
0x3ff: {  	[sflag:s24] =	ssyncset.done $0x0  }
0x400: {  	[sflag:s24] =	ssyncadd.s32 $0xFFFFC000  }
0x401: {  	[tilespmem:s21], [sflag:$0x1] =	stream.indirect.gather [hbm4b:s2+s20], $0x80, s11, s20, $0xb8;
	[tilespmem:$0x1E000] =	vst v63  }
0x402: {  	s11 =	simm.s32 $0x1480  }
0x403: {  	_ =	swait.ge [sflag:s26], $0x4000  }
0x404: {  	[sflag:s26] =	ssyncset.done $0x0  }
0x405: {  	[sflag:s26] =	ssyncadd.s32 $0xFFFFC000  }
0x406: {  	[spmem:s4] =	stream.indirect.scatter.add.f32 [tilespmem:s22], [sflag:$0x4], $0x80, s11, s20, $0xb8;
	[tilespmem:$0x1E000] =	vst v63  }
0x407: {  	s11 =	simm.s32 $0x580  }
0x408: {  	_ =	swait.ge [sflag:s29], $0x4000  }
0x409: {  	[sflag:s29] =	ssyncset.done $0x0  }
0x40a: {  	[sflag:s29] =	ssyncadd.s32 $0xFFFFC000  }
0x40b: {  	[tilespmem:s22], [sflag:$0x2] =	stream.indirect.gather [hbm4b:s2+s20], $0x80, s11, s20, $0xb8;
	[tilespmem:$0x1E000] =	vst v63  }
0x40c: {  	s11 =	simm.s32 $0x1500  }
0x40d: {  	_ =	swait.ge [sflag:s23], $0x4000  }
0x40e: {  	[sflag:s23] =	ssyncset.done $0x0  }
0x40f: {  	[sflag:s23] =	ssyncadd.s32 $0xFFFFC000  }
0x410: {  	[spmem:s4] =	stream.indirect.scatter.add.f32 [tilespmem:s21], [sflag:$0x3], $0x80, s11, s20, $0xb8;
	[tilespmem:$0x1E000] =	vst v63  }
0x411: {  	s11 =	simm.s32 $0x600  }
0x412: {  	_ =	swait.ge [sflag:s24], $0x4000  }
0x413: {  	[sflag:s24] =	ssyncset.done $0x0  }
0x414: {  	[sflag:s24] =	ssyncadd.s32 $0xFFFFC000  }
0x415: {  	[tilespmem:s21], [sflag:$0x1] =	stream.indirect.gather [hbm4b:s2+s20], $0x80, s11, s20, $0xb8;
	[tilespmem:$0x1E000] =	vst v63  }
0x416: {  	s11 =	simm.s32 $0x1580  }
0x417: {  	_ =	swait.ge [sflag:s26], $0x4000  }
0x418: {  	[sflag:s26] =	ssyncset.done $0x0  }
0x419: {  	[sflag:s26] =	ssyncadd.s32 $0xFFFFC000  }
0x41a: {  	[spmem:s4] =	stream.indirect.scatter.add.f32 [tilespmem:s22], [sflag:$0x4], $0x80, s11, s20, $0xb8;
	[tilespmem:$0x1E000] =	vst v63  }
0x41b: {  	s11 =	simm.s32 $0x680  }
0x41c: {  	_ =	swait.ge [sflag:s29], $0x4000  }
0x41d: {  	[sflag:s29] =	ssyncset.done $0x0  }
0x41e: {  	[sflag:s29] =	ssyncadd.s32 $0xFFFFC000  }
0x41f: {  	[tilespmem:s22], [sflag:$0x2] =	stream.indirect.gather [hbm4b:s2+s20], $0x80, s11, s20, $0xb8;
	[tilespmem:$0x1E000] =	vst v63  }
0x420: {  	s11 =	simm.s32 $0x1600  }
0x421: {  	_ =	swait.ge [sflag:s23], $0x4000  }
0x422: {  	[sflag:s23] =	ssyncset.done $0x0  }
0x423: {  	[sflag:s23] =	ssyncadd.s32 $0xFFFFC000  }
0x424: {  	[spmem:s4] =	stream.indirect.scatter.add.f32 [tilespmem:s21], [sflag:$0x3], $0x80, s11, s20, $0xb8;
	[tilespmem:$0x1E000] =	vst v63  }
0x425: {  	s11 =	simm.s32 $0x700  }
0x426: {  	_ =	swait.ge [sflag:s24], $0x4000  }
0x427: {  	[sflag:s24] =	ssyncset.done $0x0  }
0x428: {  	[sflag:s24] =	ssyncadd.s32 $0xFFFFC000  }
0x429: {  	[tilespmem:s21], [sflag:$0x1] =	stream.indirect.gather [hbm4b:s2+s20], $0x80, s11, s20, $0xb8;
	[tilespmem:$0x1E000] =	vst v63  }
0x42a: {  	s11 =	simm.s32 $0x1680  }
0x42b: {  	_ =	swait.ge [sflag:s26], $0x4000  }
0x42c: {  	[sflag:s26] =	ssyncset.done $0x0  }
0x42d: {  	[sflag:s26] =	ssyncadd.s32 $0xFFFFC000  }
0x42e: {  	[spmem:s4] =	stream.indirect.scatter.add.f32 [tilespmem:s22], [sflag:$0x4], $0x80, s11, s20, $0xb8;
	[tilespmem:$0x1E000] =	vst v63  }
0x42f: {  	s11 =	simm.s32 $0x780  }
0x430: {  	_ =	swait.ge [sflag:s29], $0x4000  }
0x431: {  	[sflag:s29] =	ssyncset.done $0x0  }
0x432: {  	[sflag:s29] =	ssyncadd.s32 $0xFFFFC000  }
0x433: {  	[tilespmem:s22], [sflag:$0x2] =	stream.indirect.gather [hbm4b:s2+s20], $0x80, s11, s20, $0xb8;
	[tilespmem:$0x1E000] =	vst v63  }
0x434: {  	s11 =	simm.s32 $0x1700  }
0x435: {  	_ =	swait.ge [sflag:s23], $0x4000  }
0x436: {  	[sflag:s23] =	ssyncset.done $0x0  }
0x437: {  	[sflag:s23] =	ssyncadd.s32 $0xFFFFC000  }
0x438: {  	[spmem:s4] =	stream.indirect.scatter.add.f32 [tilespmem:s21], [sflag:$0x3], $0x80, s11, s20, $0xb8;
	[tilespmem:$0x1E000] =	vst v63  }
0x439: {  	s11 =	simm.s32 $0x1780  }
0x43a: {  	_ =	swait.ge [sflag:s25], $0x800  }
0x43b: {  	[sflag:s25] =	ssyncset.done $0x0  }
0x43c: {  	[sflag:s25] =	ssyncadd.s32 $0xFFFFF800  }
0x43d: {  	_ =	swait.ge [sflag:s25], $0x800  }
0x43e: {  	[sflag:s25] =	ssyncset.done $0x0  }
0x43f: {  	[sflag:s25] =	ssyncadd.s32 $0xFFFFF800  }
0x440: {  	_ =	swait.ge [sflag:s24], $0x4000  }
0x441: {  	[sflag:s24] =	ssyncset.done $0x0  }
0x442: {  	[sflag:s24] =	ssyncadd.s32 $0xFFFFC000  }
0x443: {  	[tilespmem:s21], [sflag:$0x1] =	stream.indirect.gather [hbm4b:s2+s20], $0x80, s18, s20, $0xb8;
	[tilespmem:$0x1E000] =	vst v63  }
0x444: {  	_ =	swait.ge [sflag:s26], $0x4000  }
0x445: {  	[sflag:s26] =	ssyncset.done $0x0  }
0x446: {  	[sflag:s26] =	ssyncadd.s32 $0xFFFFC000  }
0x447: {  	[spmem:s4] =	stream.indirect.scatter.add.f32 [tilespmem:s22], [sflag:$0x4], $0x80, s11, s20, $0xb8;
	[tilespmem:$0x1E000] =	vst v63  }
0x448: {  	s11 =	simm.s32 $0x880  }
0x449: {  	_ =	swait.ge [sflag:s29], $0x4000  }
0x44a: {  	[sflag:s29] =	ssyncset.done $0x0  }
0x44b: {  	[sflag:s29] =	ssyncadd.s32 $0xFFFFC000  }
0x44c: {  	[tilespmem:s22], [sflag:$0x2] =	stream.indirect.gather [hbm4b:s2+s20], $0x80, s11, s20, $0xb8;
	[tilespmem:$0x1E000] =	vst v63  }
0x44d: {  	s11 =	simm.s32 $0x900  }
0x44e: {  	_ =	swait.ge [sflag:s23], $0x4000  }
0x44f: {  	[sflag:s23] =	ssyncset.done $0x0  }
0x450: {  	[sflag:s23] =	ssyncadd.s32 $0xFFFFC000  }
0x451: {  	[spmem:s4] =	stream.indirect.scatter.add.f32 [tilespmem:s21], [sflag:$0x3], $0x80, s19, s20, $0xb8;
	[tilespmem:$0x1E000] =	vst v63  }
0x452: {  	_ =	swait.ge [sflag:s24], $0x4000  }
0x453: {  	[sflag:s24] =	ssyncset.done $0x0  }
0x454: {  	[sflag:s24] =	ssyncadd.s32 $0xFFFFC000  }
0x455: {  	[tilespmem:s21], [sflag:$0x1] =	stream.indirect.gather [hbm4b:s2+s20], $0x80, s11, s20, $0xb8;
	[tilespmem:$0x1E000] =	vst v63  }
0x456: {  	s11 =	simm.s32 $0x1880  }
0x457: {  	_ =	swait.ge [sflag:s26], $0x4000  }
0x458: {  	[sflag:s26] =	ssyncset.done $0x0  }
0x459: {  	[sflag:s26] =	ssyncadd.s32 $0xFFFFC000  }
0x45a: {  	[spmem:s4] =	stream.indirect.scatter.add.f32 [tilespmem:s22], [sflag:$0x4], $0x80, s11, s20, $0xb8;
	[tilespmem:$0x1E000] =	vst v63  }
0x45b: {  	s11 =	simm.s32 $0x980  }
0x45c: {  	s8 =	sadd.s32 $0xC00, s8  }
0x45d: {  	[tilespmem:s5], [sflag:$0x5] =	stream.linear.gather [hbm4b:s8+s5], $0x800, $0x38;
	[tilespmem:$0x1E000] =	vst v63  }
0x45e: {  	s6 =	sadd.s32 $0xC00, s6  }
0x45f: {  	[tilespmem:s14], [sflag:$0x5] =	stream.linear.gather [hbm4b:s6+s5], $0x800, $0x38;
	[tilespmem:$0x1E000] =	vst v63  }
0x460: {  	_ =	swait.ge [sflag:s29], $0x4000  }
0x461: {  	[sflag:s29] =	ssyncset.done $0x0  }
0x462: {  	[sflag:s29] =	ssyncadd.s32 $0xFFFFC000  }
0x463: {  	[tilespmem:s22], [sflag:$0x2] =	stream.indirect.gather [hbm4b:s2+s20], $0x80, s11, s20, $0xb8;
	[tilespmem:$0x1E000] =	vst v63  }
0x464: {  	s8 =	simm.s32 $0xA00;
	s6 =	simm.s32 $0x1900;
	s11 =	simm.s32 $0x1980  }
0x465: {  	_ =	swait.ge [sflag:s23], $0x4000  }
0x466: {  	[sflag:s23] =	ssyncset.done $0x0  }
0x467: {  	[sflag:s23] =	ssyncadd.s32 $0xFFFFC000  }
0x468: {  	[spmem:s4] =	stream.indirect.scatter.add.f32 [tilespmem:s21], [sflag:$0x3], $0x80, s6, s20, $0xb8;
	[tilespmem:$0x1E000] =	vst v63  }
0x469: {  	_ =	swait.ge [sflag:s24], $0x4000  }
0x46a: {  	[sflag:s24] =	ssyncset.done $0x0  }
0x46b: {  	[sflag:s24] =	ssyncadd.s32 $0xFFFFC000  }
0x46c: {  	[tilespmem:s21], [sflag:$0x1] =	stream.indirect.gather [hbm4b:s2+s20], $0x80, s8, s20, $0xb8;
	[tilespmem:$0x1E000] =	vst v63  }
0x46d: {  	_ =	swait.ge [sflag:s26], $0x4000  }
0x46e: {  	[sflag:s26] =	ssyncset.done $0x0  }
0x46f: {  	[sflag:s26] =	ssyncadd.s32 $0xFFFFC000  }
0x470: {  	[spmem:s4] =	stream.indirect.scatter.add.f32 [tilespmem:s22], [sflag:$0x4], $0x80, s11, s20, $0xb8;
	[tilespmem:$0x1E000] =	vst v63  }
0x471: {  	s6 =	simm.s32 $0xA80;
	s8 =	simm.s32 $0x1A00;
	s11 =	simm.s32 $0xB00  }
0x472: {  	_ =	swait.ge [sflag:s29], $0x4000  }
0x473: {  	[sflag:s29] =	ssyncset.done $0x0  }
0x474: {  	[sflag:s29] =	ssyncadd.s32 $0xFFFFC000  }
0x475: {  	[tilespmem:s22], [sflag:$0x2] =	stream.indirect.gather [hbm4b:s2+s20], $0x80, s6, s20, $0xb8;
	[tilespmem:$0x1E000] =	vst v63  }
0x476: {  	_ =	swait.ge [sflag:s23], $0x4000  }
0x477: {  	[sflag:s23] =	ssyncset.done $0x0  }
0x478: {  	[sflag:s23] =	ssyncadd.s32 $0xFFFFC000  }
0x479: {  	[spmem:s4] =	stream.indirect.scatter.add.f32 [tilespmem:s21], [sflag:$0x3], $0x80, s8, s20, $0xb8;
	[tilespmem:$0x1E000] =	vst v63  }
0x47a: {  	_ =	swait.ge [sflag:s24], $0x4000  }
0x47b: {  	[sflag:s24] =	ssyncset.done $0x0  }
0x47c: {  	[sflag:s24] =	ssyncadd.s32 $0xFFFFC000  }
0x47d: {  	[tilespmem:s21], [sflag:$0x1] =	stream.indirect.gather [hbm4b:s2+s20], $0x80, s11, s20, $0xb8;
	[tilespmem:$0x1E000] =	vst v63  }
0x47e: {  	s6 =	simm.s32 $0x1A80;
	s8 =	simm.s32 $0xB80;
	s11 =	simm.s32 $0x1B00  }
0x47f: {  	_ =	swait.ge [sflag:s26], $0x4000  }
0x480: {  	[sflag:s26] =	ssyncset.done $0x0  }
0x481: {  	[sflag:s26] =	ssyncadd.s32 $0xFFFFC000  }
0x482: {  	[spmem:s4] =	stream.indirect.scatter.add.f32 [tilespmem:s22], [sflag:$0x4], $0x80, s6, s20, $0xb8;
	[tilespmem:$0x1E000] =	vst v63  }
0x483: {  	_ =	swait.ge [sflag:s29], $0x4000  }
0x484: {  	[sflag:s29] =	ssyncset.done $0x0  }
0x485: {  	[sflag:s29] =	ssyncadd.s32 $0xFFFFC000  }
0x486: {  	[tilespmem:s22], [sflag:$0x2] =	stream.indirect.gather [hbm4b:s2+s20], $0x80, s8, s20, $0xb8;
	[tilespmem:$0x1E000] =	vst v63  }
0x487: {  	_ =	swait.ge [sflag:s23], $0x4000  }
0x488: {  	[sflag:s23] =	ssyncset.done $0x0  }
0x489: {  	[sflag:s23] =	ssyncadd.s32 $0xFFFFC000  }
0x48a: {  	[spmem:s4] =	stream.indirect.scatter.add.f32 [tilespmem:s21], [sflag:$0x3], $0x80, s11, s20, $0xb8;
	[tilespmem:$0x1E000] =	vst v63  }
0x48b: {  	s6 =	simm.s32 $0xC00;
	s8 =	simm.s32 $0x1B80;
	s11 =	simm.s32 $0xC80  }
0x48c: {  	_ =	swait.ge [sflag:s24], $0x4000  }
0x48d: {  	[sflag:s24] =	ssyncset.done $0x0  }
0x48e: {  	[sflag:s24] =	ssyncadd.s32 $0xFFFFC000  }
0x48f: {  	[tilespmem:s21], [sflag:$0x1] =	stream.indirect.gather [hbm4b:s2+s20], $0x80, s6, s20, $0xb8;
	[tilespmem:$0x1E000] =	vst v63  }
0x490: {  	_ =	swait.ge [sflag:s26], $0x4000  }
0x491: {  	[sflag:s26] =	ssyncset.done $0x0  }
0x492: {  	[sflag:s26] =	ssyncadd.s32 $0xFFFFC000  }
0x493: {  	[spmem:s4] =	stream.indirect.scatter.add.f32 [tilespmem:s22], [sflag:$0x4], $0x80, s8, s20, $0xb8;
	[tilespmem:$0x1E000] =	vst v63  }
0x494: {  	_ =	swait.ge [sflag:s29], $0x4000  }
0x495: {  	[sflag:s29] =	ssyncset.done $0x0  }
0x496: {  	[sflag:s29] =	ssyncadd.s32 $0xFFFFC000  }
0x497: {  	[tilespmem:s22], [sflag:$0x2] =	stream.indirect.gather [hbm4b:s2+s20], $0x80, s11, s20, $0xb8;
	[tilespmem:$0x1E000] =	vst v63  }
0x498: {  	s6 =	simm.s32 $0x1C00;
	s8 =	simm.s32 $0xD00;
	s11 =	simm.s32 $0x1C80  }
0x499: {  	_ =	swait.ge [sflag:s23], $0x4000  }
0x49a: {  	[sflag:s23] =	ssyncset.done $0x0  }
0x49b: {  	[sflag:s23] =	ssyncadd.s32 $0xFFFFC000  }
0x49c: {  	[spmem:s4] =	stream.indirect.scatter.add.f32 [tilespmem:s21], [sflag:$0x3], $0x80, s6, s20, $0xb8;
	[tilespmem:$0x1E000] =	vst v63  }
0x49d: {  	_ =	swait.ge [sflag:s24], $0x4000  }
0x49e: {  	[sflag:s24] =	ssyncset.done $0x0  }
0x49f: {  	[sflag:s24] =	ssyncadd.s32 $0xFFFFC000  }
0x4a0: {  	[tilespmem:s21], [sflag:$0x1] =	stream.indirect.gather [hbm4b:s2+s20], $0x80, s8, s20, $0xb8;
	[tilespmem:$0x1E000] =	vst v63  }
0x4a1: {  	_ =	swait.ge [sflag:s26], $0x4000  }
0x4a2: {  	[sflag:s26] =	ssyncset.done $0x0  }
0x4a3: {  	s6 =	simm.s32 $0xD80;
	s8 =	simm.s32 $0x1D00;
	[sflag:s26] =	ssyncadd.s32 $0xFFFFC000  }
0x4a4: {  	[spmem:s4] =	stream.indirect.scatter.add.f32 [tilespmem:s22], [sflag:$0x4], $0x80, s11, s20, $0xb8;
	[tilespmem:$0x1E000] =	vst v63  }
0x4a5: {  	_ =	swait.ge [sflag:s29], $0x4000  }
0x4a6: {  	[sflag:s29] =	ssyncset.done $0x0  }
0x4a7: {  	[sflag:s29] =	ssyncadd.s32 $0xFFFFC000  }
0x4a8: {  	[tilespmem:s22], [sflag:$0x2] =	stream.indirect.gather [hbm4b:s2+s20], $0x80, s6, s20, $0xb8;
	[tilespmem:$0x1E000] =	vst v63  }
0x4a9: {  	_ =	swait.ge [sflag:s23], $0x4000  }
0x4aa: {  	[sflag:s23] =	ssyncset.done $0x0  }
0x4ab: {  	[sflag:s23] =	ssyncadd.s32 $0xFFFFC000  }
0x4ac: {  	[spmem:s4] =	stream.indirect.scatter.add.f32 [tilespmem:s21], [sflag:$0x3], $0x80, s8, s20, $0xb8;
	[tilespmem:$0x1E000] =	vst v63  }
0x4ad: {  	_ =	swait.ge [sflag:s24], $0x4000  }
0x4ae: {  	[sflag:s24] =	ssyncset.done $0x0  }
0x4af: {  	[sflag:s24] =	ssyncadd.s32 $0xFFFFC000  }
0x4b0: {  	[tilespmem:s21], [sflag:$0x1] =	stream.indirect.gather [hbm4b:s2+s20], $0x80, s12, s20, $0xb8;
	[tilespmem:$0x1E000] =	vst v63  }
0x4b1: {  	_ =	swait.ge [sflag:s26], $0x4000  }
0x4b2: {  	[sflag:s26] =	ssyncset.done $0x0  }
0x4b3: {  	[sflag:s26] =	ssyncadd.s32 $0xFFFFC000  }
0x4b4: {  	[spmem:s4] =	stream.indirect.scatter.add.f32 [tilespmem:s22], [sflag:$0x4], $0x80, s13, s20, $0xb8;
	[tilespmem:$0x1E000] =	vst v63  }
0x4b5: {  	_ =	swait.ge [sflag:s29], $0x4000  }
0x4b6: {  	[sflag:s29] =	ssyncset.done $0x0  }
0x4b7: {  	[sflag:s29] =	ssyncadd.s32 $0xFFFFC000  }
0x4b8: {  	[tilespmem:s22], [sflag:$0x2] =	stream.indirect.gather [hbm4b:s2+s20], $0x80, s15, s20, $0xb8;
	[tilespmem:$0x1E000] =	vst v63  }
0x4b9: {  	_ =	swait.ge [sflag:s23], $0x4000  }
0x4ba: {  	[sflag:s23] =	ssyncset.done $0x0  }
0x4bb: {  	[sflag:s23] =	ssyncadd.s32 $0xFFFFC000  }
0x4bc: {  	[spmem:s4] =	stream.indirect.scatter.add.f32 [tilespmem:s21], [sflag:$0x3], $0x80, s16, s20, $0xb8;
	[tilespmem:$0x1E000] =	vst v63  }
0x4bd: {  	_ =	swait.ge [sflag:s24], $0x4000  }
0x4be: {  	[sflag:s24] =	ssyncset.done $0x0  }
0x4bf: {  	[sflag:s24] =	ssyncadd.s32 $0xFFFFC000  }
0x4c0: {  	[tilespmem:s21], [sflag:$0x1] =	stream.indirect.gather [hbm4b:s2+s20], $0x80, s28, s20, $0xb8;
	[tilespmem:$0x1E000] =	vst v63  }
0x4c1: {  	_ =	swait.ge [sflag:s26], $0x4000  }
0x4c2: {  	[sflag:s26] =	ssyncset.done $0x0  }
0x4c3: {  	[sflag:s26] =	ssyncadd.s32 $0xFFFFC000  }
0x4c4: {  	[spmem:s4] =	stream.indirect.scatter.add.f32 [tilespmem:s22], [sflag:$0x4], $0x80, s30, s20, $0xb8;
	[tilespmem:$0x1E000] =	vst v63  }
0x4c5: {  	_ =	swait.ge [sflag:s29], $0x4000  }
0x4c6: {  	[sflag:s29] =	ssyncset.done $0x0  }
0x4c7: {  	[sflag:s29] =	ssyncadd.s32 $0xFFFFC000  }
0x4c8: {  	[tilespmem:s22], [sflag:$0x2] =	stream.indirect.gather [hbm4b:s2+s20], $0x80, s31, s20, $0xb8;
	[tilespmem:$0x1E000] =	vst v63  }
0x4c9: {  	_ =	swait.ge [sflag:s23], $0x4000  }
0x4ca: {  	[sflag:s23] =	ssyncset.done $0x0  }
0x4cb: {  	[sflag:s23] =	ssyncadd.s32 $0xFFFFC000  }
0x4cc: {  	[spmem:s4] =	stream.indirect.scatter.add.f32 [tilespmem:s21], [sflag:$0x3], $0x80, s0, s20, $0xb8;
	[tilespmem:$0x1E000] =	vst v63  }
0x4cd: {  	_ =	swait.ge [sflag:s26], $0x4000  }
0x4ce: {  	[sflag:s26] =	ssyncset.done $0x0  }
0x4cf: {  	[sflag:s26] =	ssyncadd.s32 $0xFFFFC000  }
0x4d0: {  	[spmem:s4] =	stream.indirect.scatter.add.f32 [tilespmem:s22], [sflag:$0x4], $0x80, s1, s20, $0xb8;
	[tilespmem:$0x1E000] =	vst v63  }
.Ltmp5:
0x4d1: {  	_ =	swait.ge [sflag:s24], $0x4000;
	(pc) =	sbr.rel @!p1 .LBB2_3-.Ltmp5, $4  }
0x4d2: {  	[sflag:s24] =	ssyncset.done $0x0  }
0x4d3: {  	[sflag:s24] =	ssyncadd.s32 $0xFFFFC000  }
0x4d4: {  	_ =	swait.ge [sflag:s29], $0x4000  }
0x4d5: {  	[sflag:s29] =	ssyncset.done $0x0  }
.Ltmp6:
0x4d6: {  	(pc) =	sbr.rel .LBB2_8-.Ltmp6, $4  }
0x4d7: {  	_ = 	snop  }
0x4d8: {  	s6 =	rddreg [dreg:$0x7]  }
0x4d9: {  	s11 =	rddreg [dreg:$0xc]  }
0x4da: {  	[sflag:s29] =	ssyncadd.s32 $0xFFFFC000;
	s8 =	rddreg [dreg:$0xd]  }
.LBB2_9:
0x4db: {  	_ =	sfence.sel $0x180000  }
0x4dc: {  	[bflag:$0x0] =	sbarrier.arrive $0xFFFF  }
0x4dd: {  	_ =	strace $0x90000047  }
0x4de: {  	s0 =	stileid.u32;
	[bflag:$0x2] =	sbarrier.arrive $0xFFFF  }
0x4df: {  	p0 =	sne.s32 s0, $0x0;
	s0 =	rddreg [dreg:$0x5]  }
0x4e0: {  	s0 =	sadd.s32 @!p0 $0x100000, s0  }
0x4e1: {  	[sflag:s0] =	ssyncadd.tile.s32 @!p0 $0x1;
	_ =	shalt  }
.Lfunc_end2:
_tile_overlayer_lowered:
.L_overlay_start_2:
0x4e2: {  	(tag) =	ssettag $0x2  }
0x4e3: {  	s0 =	rddreg [dreg:$0x0];
	s2 =	stileid.u32  }
0x4e4: {  	s1 =	rddreg [dreg:$0x1];
	p0 =	sne.s32 s2, $0x0  }
0x4e5: {  	s3 =	rddreg [dreg:$0x2];
	[bflag:$0x3] =	sbarrier.arrive $0xFFFF;
	s2 =	simm.s32 @!p0 $0x1C07  }
0x4e6: {  	[timem:s3], [sflag:s2] =	dma.local @!p0 [hbm:s0], s1  }
0x4e7: {  	s0 =	simm.s32 @!p0 $0x7  }
0x4e8: {  	_ =	swait.ge @!p0 [sflag:s0], s1  }
0x4e9: {  	s1 =	ssub.s32 @!p0 $0x0, s1;
	[sflag:s0] =	ssyncset.done @!p0 $0x0  }
0x4ea: {  	[sflag:s0] =	ssyncadd.s32 @!p0 s1  }
0x4eb: {  	[bflag:$0x3] =	sbarrier.arrive $0xFFFF  }
0x4ec: {  	_ =	shalt  }

</sc_bundles>
